<compile_context>
chip_gen: v7x
topology: tpu7x:2x2x1
jax: 0.10.2.dev20260603
libtpu: 0.0.44.dev20260713+nightly
codegen_flags: <defaults>
</compile_context>

<pallas_src>
import functools

import jax
import jax.numpy as jnp
from jax import lax
from jax.experimental import pallas as pl
from jax.experimental.pallas import tpu as pltpu
from jax.experimental.pallas import tpu_sc as plsc

_N, _E, _L, _R, _T, _D, _H = 10000, 320000, 2, 4, 3, 128, 128
_TH = _T * _H
_BN = 1000
_NB = _N // _BN
_NTILES = 32
_SB = 128
_NB_E = 80
_EPT = _NB_E * _SB
_EPAD = _NTILES * _EPT
_EROWS = _EPAD // _SB
_NPAD = 10112
_RPT = _NPAD // 16
_GRP = 8


def _prep_body(w2_ref, bst_ref, b2_ref, c_ref, dvec_ref):
    b = bst_ref[0, 0]
    c_ref[0, 0] = jnp.dot(w2_ref[0, 0], b, preferred_element_type=jnp.float32)
    dvec_ref[0, 0] = jnp.dot(b2_ref[0, 0], b, preferred_element_type=jnp.float32)


def _prep(rel_W2, Bstack, rel_b2r):
    return pl.pallas_call(
        _prep_body,
        grid=(_L, _R),
        in_specs=[
            pl.BlockSpec((1, 1, _H, _H), lambda l, r: (l, r, 0, 0)),
            pl.BlockSpec((1, 1, _D, _TH), lambda l, r: (l, r, 0, 0)),
            pl.BlockSpec((1, 1, 1, _H), lambda l, r: (l, r, 0, 0)),
        ],
        out_specs=[
            pl.BlockSpec((1, 1, _H, _TH), lambda l, r: (l, r, 0, 0)),
            pl.BlockSpec((1, 1, 1, _TH), lambda l, r: (l, r, 0, 0)),
        ],
        out_shape=[
            jax.ShapeDtypeStruct((_L, _R, _H, _TH), jnp.float32),
            jax.ShapeDtypeStruct((_L, _R, 1, _TH), jnp.float32),
        ],
    )(rel_W2, Bstack, rel_b2r)


def _table_body(h_ref, w1_ref, b1_ref, c_ref, dvec_ref, out_ref):
    p = jax.nn.relu(
        jnp.dot(h_ref[...], w1_ref[0], preferred_element_type=jnp.float32)
        + b1_ref[0]
    )
    out_ref[0] = (
        jnp.dot(p, c_ref[0], preferred_element_type=jnp.float32) + dvec_ref[0]
    )


def _table(h, W1l, b1ll, Cl, dvecl):
    return pl.pallas_call(
        _table_body,
        grid=(_R, _NB),
        in_specs=[
            pl.BlockSpec((_BN, _D), lambda r, nb: (nb, 0)),
            pl.BlockSpec((1, _D, _H), lambda r, nb: (r, 0, 0)),
            pl.BlockSpec((1, 1, _H), lambda r, nb: (r, 0, 0)),
            pl.BlockSpec((1, _H, _TH), lambda r, nb: (r, 0, 0)),
            pl.BlockSpec((1, 1, _TH), lambda r, nb: (r, 0, 0)),
        ],
        out_specs=pl.BlockSpec((1, _BN, _TH), lambda r, nb: (r, nb, 0)),
        out_shape=jax.ShapeDtypeStruct((_R, _N, _TH), jnp.float32),
    )(h, W1l, b1ll, Cl, dvecl)


def _update_body(pre_ref, h_ref, nt_ref, a_ref, b1_ref, w2_ref, b2_ref, out_ref):
    s = pre_ref[0] + pre_ref[1]
    y = (
        jnp.dot(h_ref[...], a_ref[...], preferred_element_type=jnp.float32)
        + b1_ref[...]
    )
    nt = nt_ref[...]
    parts = []
    for t in range(_T):
        m = (nt == t).astype(jnp.float32)
        zt = jax.nn.relu(y[:, t * _H:(t + 1) * _H] + s)
        parts.append(zt * m)
    zcat = jnp.concatenate(parts, axis=1)
    out = jnp.dot(zcat, w2_ref[...], preferred_element_type=jnp.float32)
    for t in range(_T):
        m = (nt == t).astype(jnp.float32)
        out = out + m * b2_ref[t][None, :]
    out_ref[...] = out


def _update(pre, h, nt2d, Astackl, b1ll, W2stackl, b2l):
    return pl.pallas_call(
        _update_body,
        grid=(_NB,),
        in_specs=[
            pl.BlockSpec((2, _BN, _H), lambda nb: (0, nb, 0)),
            pl.BlockSpec((_BN, _D), lambda nb: (nb, 0)),
            pl.BlockSpec((_BN, 1), lambda nb: (nb, 0)),
            pl.BlockSpec((_D, _TH), lambda nb: (0, 0)),
            pl.BlockSpec((1, _TH), lambda nb: (0, 0)),
            pl.BlockSpec((_TH, _D), lambda nb: (0, 0)),
            pl.BlockSpec((_T, _H), lambda nb: (0, 0)),
        ],
        out_specs=pl.BlockSpec((_BN, _D), lambda nb: (nb, 0)),
        out_shape=jax.ShapeDtypeStruct((_N, _D), jnp.float32),
    )(pre, h, nt2d, Astackl, b1ll, W2stackl, b2l)


def _sc_edge_agg(trw_flat, src2, dst2, et2, ntp):
    mesh = plsc.VectorSubcoreMesh(core_axis_name="c", subcore_axis_name="s")

    @functools.partial(
        pl.kernel,
        mesh=mesh,
        out_type=jax.ShapeDtypeStruct((2, _NPAD, _H), jnp.float32),
        compiler_params=pltpu.CompilerParams(needs_layout_passes=False),
        scratch_types=[
            pltpu.VMEM((_GRP, _SB), jnp.int32),
            pltpu.VMEM((_GRP, _SB), jnp.int32),
            pltpu.VMEM((_GRP, _SB), jnp.int32),
            pltpu.VMEM((_GRP, _SB), jnp.int32),
            pltpu.VMEM((_NPAD,), jnp.int32),
            pltpu.VMEM((_SB, _H), jnp.float32),
            pltpu.VMEM_SHARED((_NPAD, _H), jnp.float32),
            pltpu.SemaphoreType.DMA,
        ],
    )
    def k(trw_hbm, src_hbm, dst_hbm, et_hbm, nt_hbm, out_hbm,
          src_g, dst_g, et_g, gi_g, nt_v, rows_v, acc, sem):
        c = lax.axis_index("c")
        s = lax.axis_index("s")
        wid = c * 16 + s

        pltpu.sync_copy(nt_hbm, nt_v)

        def _zrow(i, carry):
            for kk in range(8):
                rows_v[i, pl.ds(kk * 16, 16)] = jnp.zeros((16,), jnp.float32)
            return carry

        lax.fori_loop(0, _SB, _zrow, 0)
        for off, cnt in ((0, 128), (128, 128), (256, 128), (384, 128), (512, 120)):
            pltpu.sync_copy(
                rows_v.at[pl.ds(0, cnt)], acc.at[pl.ds(s * _RPT + off, cnt)]
            )
        plsc.subcore_barrier()

        def _group(g, carry):
            row0 = wid * _NB_E + g * _GRP
            pltpu.sync_copy(src_hbm.at[pl.ds(row0, _GRP)], src_g)
            pltpu.sync_copy(dst_hbm.at[pl.ds(row0, _GRP)], dst_g)
            pltpu.sync_copy(et_hbm.at[pl.ds(row0, _GRP)], et_g)
            for j in range(_GRP):
                for kk in range(8):
                    sl = pl.ds(kk * 16, 16)
                    d16 = dst_g[j, sl]
                    nt16 = plsc.load_gather(nt_v, [d16])
                    gi_g[j, sl] = (et_g[j, sl] * _N + src_g[j, sl]) * _T + nt16
            for j in range(_GRP):
                pltpu.async_copy(trw_hbm.at[gi_g.at[j]], rows_v, sem).wait()
                pltpu.sync_copy(rows_v, acc.at[dst_g.at[j]], add=True)
            return carry

        lax.fori_loop(0, _NB_E // _GRP, _group, 0)

        plsc.subcore_barrier()
        pltpu.sync_copy(
            acc.at[pl.ds(s * _RPT, _RPT)], out_hbm.at[c, pl.ds(s * _RPT, _RPT)]
        )

    return k(trw_flat, src2, dst2, et2, ntp)


def kernel(node_feature, edge_index, edge_type, node_type,
           update_node_type_indices, update_edge_type_indices,
           rel_W1, rel_b1, rel_W2, rel_b2,
           node_W1, node_b1, node_W2, node_b2):
    src, dst = edge_index[0], edge_index[1]

    nw = node_W1.reshape(_L, _T, _R + 1, _D, _H)
    Astack = jnp.transpose(nw[:, :, 0], (0, 2, 1, 3)).reshape(_L, _D, _TH)
    Bstack = jnp.transpose(nw[:, :, 1:], (0, 2, 3, 1, 4)).reshape(_L, _R, _D, _TH)
    W2stack = node_W2.reshape(_L, _TH, _D)
    b1l = node_b1.reshape(_L, 1, _TH)
    rel_b1r = rel_b1.reshape(_L, _R, 1, _H)
    rel_b2r = rel_b2.reshape(_L, _R, 1, _H)

    C, dvec = _prep(rel_W2, Bstack, rel_b2r)

    pad = _EPAD - _E
    src2 = jnp.concatenate([src, jnp.zeros((pad,), jnp.int32)]).reshape(_EROWS, _SB)
    dst2 = jnp.concatenate([dst, jnp.full((pad,), _N, jnp.int32)]).reshape(_EROWS, _SB)
    et2 = jnp.concatenate([edge_type, jnp.zeros((pad,), jnp.int32)]).reshape(_EROWS, _SB)
    ntp = jnp.concatenate([node_type, jnp.zeros((_NPAD - _N,), jnp.int32)])
    nt2d = node_type.reshape(_N, 1)

    h = node_feature
    for l in range(_L):
        trw = _table(h, rel_W1[l], rel_b1r[l], C[l], dvec[l])
        trw_flat = trw.reshape(_R * _N * _T, _H)
        pre = _sc_edge_agg(trw_flat, src2, dst2, et2, ntp)
        h = _update(pre[:, :_N], h, nt2d, Astack[l], b1l[l], W2stack[l], node_b2[l])
    return h

# --- scband reference (transcript-rebuilt; emitter-appended) ---
"""Pipeline reference for scband-relational-graph-network-37864431682285 (READ-ONLY COPY).

The authoritative reference and input builder live on the scoring server;
editing this copy changes nothing except your own understanding.
"""

import jax, jax.numpy as jnp
import numpy as np

N = 10000
E = 320000
L = 2
R = 4
T = 3
D = 128
H = 128


def setup_inputs(seed: int = 0):
    key = jax.random.key(seed)
    ks = jax.random.split(key, 10)
    s = 0.05
    return {
        "node_feature": jax.random.normal(ks[0], (N, D), dtype=jnp.float32),
        "edge_index": jax.random.randint(ks[1], (2, E), 0, N, dtype=jnp.int32),
        "edge_type": jax.random.randint(ks[2], (E,), 0, R, dtype=jnp.int32),
        "node_type": jax.random.randint(ks[3], (N,), 0, T, dtype=jnp.int32),
        "update_node_type_indices": jnp.arange(T, dtype=jnp.int32),
        "update_edge_type_indices": jnp.arange(R, dtype=jnp.int32),
        "rel_W1": jax.random.normal(ks[4], (L, R, D, H), dtype=jnp.float32) * s,
        "rel_b1": jnp.zeros((L, R, H), dtype=jnp.float32),
        "rel_W2": jax.random.normal(ks[5], (L, R, H, D), dtype=jnp.float32) * s,
        "rel_b2": jnp.zeros((L, R, D), dtype=jnp.float32),
        "node_W1": jax.random.normal(ks[6], (L, T, D * (R + 1), H), dtype=jnp.float32) * s,
        "node_b1": jnp.zeros((L, T, H), dtype=jnp.float32),
        "node_W2": jax.random.normal(ks[7], (L, T, H, D), dtype=jnp.float32) * s,
        "node_b2": jnp.zeros((L, T, D), dtype=jnp.float32),
    }


def reference(node_feature, edge_index, edge_type, node_type, update_node_type_indices, update_edge_type_indices, rel_W1, rel_b1, rel_W2, rel_b2, node_W1, node_b1, node_W2, node_b2):
    # RelationalGraphNetwork: stack of L RelationalGraphLayer.
    # Each layer: per-relation (edge-type) message MLP applied to source node
    # features, masked segment-sum aggregation to dst nodes, then per-node-type
    # update MLP over concat([h, agg_0, ..., agg_{R-1}]) (use_concat=True).
    n = node_feature.shape[0]
    src = edge_index[0]
    dst = edge_index[1]
    h = node_feature
    for l in range(L):
        aggs = []
        for r in range(R):
            # relation updater MLP (linear before gather == per-edge MLP on src feats)
            tr = jnp.dot(jax.nn.relu(jnp.dot(h, rel_W1[l, r]) + rel_b1[l, r]), rel_W2[l, r]) + rel_b2[l, r]
            msg = tr[src] * (edge_type == r).astype(tr.dtype)[:, None]
            aggs.append(jax.ops.segment_sum(msg, dst, num_segments=n))
        z = jnp.concatenate([h] + aggs, axis=-1)
        new_h = jnp.zeros_like(h)
        for t in range(T):
            u = jnp.dot(jax.nn.relu(jnp.dot(z, node_W1[l, t]) + node_b1[l, t]), node_W2[l, t]) + node_b2[l, t]
            new_h = new_h + u * (node_type == t).astype(u.dtype)[:, None]
        h = new_h
    return h

if __name__ == "__main__":
    import jax
    _d = setup_inputs()
    print(jax.jit(kernel)(*tuple(_d.values())))

</pallas_src>

<mosaic_0001>
#map = affine_map<(d0, d1) -> (0, 0)>
#map1 = affine_map<(d0, d1) -> (0)>
#map2 = affine_map<(d0, d1) -> (0, 0, 0)>
module attributes {stable_mosaic.version = 14 : i64} {
  func.func @k(%arg0: i32, %arg1: i32, %arg2: memref<120000x128xf32, #tpu.memory_space<hbm>>, %arg3: memref<2560x128xi32, #tpu.memory_space<hbm>>, %arg4: memref<2560x128xi32, #tpu.memory_space<hbm>>, %arg5: memref<2560x128xi32, #tpu.memory_space<hbm>>, %arg6: memref<10112xi32, #tpu.memory_space<hbm>>, %arg7: memref<2x10112x128xf32, #tpu.memory_space<hbm>>, %arg8: memref<8x128xi32, #tpu.memory_space<vmem>>, %arg9: memref<8x128xi32, #tpu.memory_space<vmem>>, %arg10: memref<8x128xi32, #tpu.memory_space<vmem>>, %arg11: memref<8x128xi32, #tpu.memory_space<vmem>>, %arg12: memref<10112xi32, #tpu.memory_space<vmem>>, %arg13: memref<128x128xf32, #tpu.memory_space<vmem>>, %arg14: memref<10112x128xf32, #tpu.memory_space<vmem_shared>>, %arg15: memref<!tpu.dma_semaphore, #tpu.memory_space<semaphore_mem>>) attributes {dimension_semantics = [#tpu.dimension_semantics<core_parallel>, #tpu.dimension_semantics<subcore_parallel>], iteration_bounds = array<i64: 2, 16>, scalar_prefetch = 0 : i64, scratch_operands = 8 : i64, tpu.core_type = #tpu.core_type<sc_vector_subcore>, window_params = [{transform_indices = #map}, {transform_indices = #map}, {transform_indices = #map}, {transform_indices = #map}, {transform_indices = #map1}, {transform_indices = #map2}]} {
    %mul3A = arith.constant 16 : i32
    %mul3A_0 = arith.muli %arg0, %mul3A : i32
    %add3A = arith.addi %mul3A_0, %arg1 : i32
    "tpu.region"() ({
      %run_scoped3A = tpu.sem_alloc : memref<!tpu.dma_semaphore, #tpu.memory_space<semaphore_mem>>
      tpu.enqueue_dma source(%arg6 : memref<10112xi32, #tpu.memory_space<hbm>>) target(%arg12 : memref<10112xi32, #tpu.memory_space<vmem>>) target_semaphore(%run_scoped3A : memref<!tpu.dma_semaphore, #tpu.memory_space<semaphore_mem>>)
      tpu.wait_dma2 semaphore(%run_scoped3A : memref<!tpu.dma_semaphore, #tpu.memory_space<semaphore_mem>>) src(%arg6 : memref<10112xi32, #tpu.memory_space<hbm>>) dst(%arg12 : memref<10112xi32, #tpu.memory_space<vmem>>)
      tpu.yield
    }) : () -> ()
    %scan3A = arith.constant 0 : i32
    %scan3A_1 = arith.constant 0 : i32
    %scan3A_2 = arith.constant 128 : i32
    %scan3A_3 = arith.addi %scan3A_1, %scan3A_2 : i32
    %scan3A_4 = arith.constant 1 : i32
    scf.for %scan3A_37 = %scan3A_1 to %scan3A_3 step %scan3A_4  : i32 {
      %broadcast_in_dim3A = arith.constant 0.000000e+00 : f32
      %broadcast_in_dim3A_38 = vector.broadcast %broadcast_in_dim3A : f32 to vector<16xf32>
      %swap3A = arith.index_cast %scan3A_37 : i32 to index
      %swap3A_39 = arith.constant 0 : index
      %swap3A_40 = tpu.vector_load %arg13[%swap3A, %swap3A_39] {strides = array<i32>} : memref<128x128xf32, #tpu.memory_space<vmem>>, vector<16xf32>,
      tpu.vector_store %arg13[%swap3A, %swap3A_39], %broadcast_in_dim3A_38 {strides = array<i32>} : memref<128x128xf32, #tpu.memory_space<vmem>>, vector<16xf32>,
      %broadcast_in_dim3A_41 = arith.constant 0.000000e+00 : f32
      %broadcast_in_dim3A_42 = vector.broadcast %broadcast_in_dim3A_41 : f32 to vector<16xf32>
      %swap3A_43 = arith.index_cast %scan3A_37 : i32 to index
      %swap3A_44 = arith.constant 16 : index
      %swap3A_45 = tpu.vector_load %arg13[%swap3A_43, %swap3A_44] {strides = array<i32>} : memref<128x128xf32, #tpu.memory_space<vmem>>, vector<16xf32>,
      tpu.vector_store %arg13[%swap3A_43, %swap3A_44], %broadcast_in_dim3A_42 {strides = array<i32>} : memref<128x128xf32, #tpu.memory_space<vmem>>, vector<16xf32>,
      %broadcast_in_dim3A_46 = arith.constant 0.000000e+00 : f32
      %broadcast_in_dim3A_47 = vector.broadcast %broadcast_in_dim3A_46 : f32 to vector<16xf32>
      %swap3A_48 = arith.index_cast %scan3A_37 : i32 to index
      %swap3A_49 = arith.constant 32 : index
      %swap3A_50 = tpu.vector_load %arg13[%swap3A_48, %swap3A_49] {strides = array<i32>} : memref<128x128xf32, #tpu.memory_space<vmem>>, vector<16xf32>,
      tpu.vector_store %arg13[%swap3A_48, %swap3A_49], %broadcast_in_dim3A_47 {strides = array<i32>} : memref<128x128xf32, #tpu.memory_space<vmem>>, vector<16xf32>,
      %broadcast_in_dim3A_51 = arith.constant 0.000000e+00 : f32
      %broadcast_in_dim3A_52 = vector.broadcast %broadcast_in_dim3A_51 : f32 to vector<16xf32>
      %swap3A_53 = arith.index_cast %scan3A_37 : i32 to index
      %swap3A_54 = arith.constant 48 : index
      %swap3A_55 = tpu.vector_load %arg13[%swap3A_53, %swap3A_54] {strides = array<i32>} : memref<128x128xf32, #tpu.memory_space<vmem>>, vector<16xf32>,
      tpu.vector_store %arg13[%swap3A_53, %swap3A_54], %broadcast_in_dim3A_52 {strides = array<i32>} : memref<128x128xf32, #tpu.memory_space<vmem>>, vector<16xf32>,
      %broadcast_in_dim3A_56 = arith.constant 0.000000e+00 : f32
      %broadcast_in_dim3A_57 = vector.broadcast %broadcast_in_dim3A_56 : f32 to vector<16xf32>
      %swap3A_58 = arith.index_cast %scan3A_37 : i32 to index
      %swap3A_59 = arith.constant 64 : index
      %swap3A_60 = tpu.vector_load %arg13[%swap3A_58, %swap3A_59] {strides = array<i32>} : memref<128x128xf32, #tpu.memory_space<vmem>>, vector<16xf32>,
      tpu.vector_store %arg13[%swap3A_58, %swap3A_59], %broadcast_in_dim3A_57 {strides = array<i32>} : memref<128x128xf32, #tpu.memory_space<vmem>>, vector<16xf32>,
      %broadcast_in_dim3A_61 = arith.constant 0.000000e+00 : f32
      %broadcast_in_dim3A_62 = vector.broadcast %broadcast_in_dim3A_61 : f32 to vector<16xf32>
      %swap3A_63 = arith.index_cast %scan3A_37 : i32 to index
      %swap3A_64 = arith.constant 80 : index
      %swap3A_65 = tpu.vector_load %arg13[%swap3A_63, %swap3A_64] {strides = array<i32>} : memref<128x128xf32, #tpu.memory_space<vmem>>, vector<16xf32>,
      tpu.vector_store %arg13[%swap3A_63, %swap3A_64], %broadcast_in_dim3A_62 {strides = array<i32>} : memref<128x128xf32, #tpu.memory_space<vmem>>, vector<16xf32>,
      %broadcast_in_dim3A_66 = arith.constant 0.000000e+00 : f32
      %broadcast_in_dim3A_67 = vector.broadcast %broadcast_in_dim3A_66 : f32 to vector<16xf32>
      %swap3A_68 = arith.index_cast %scan3A_37 : i32 to index
      %swap3A_69 = arith.constant 96 : index
      %swap3A_70 = tpu.vector_load %arg13[%swap3A_68, %swap3A_69] {strides = array<i32>} : memref<128x128xf32, #tpu.memory_space<vmem>>, vector<16xf32>,
      tpu.vector_store %arg13[%swap3A_68, %swap3A_69], %broadcast_in_dim3A_67 {strides = array<i32>} : memref<128x128xf32, #tpu.memory_space<vmem>>, vector<16xf32>,
      %broadcast_in_dim3A_71 = arith.constant 0.000000e+00 : f32
      %broadcast_in_dim3A_72 = vector.broadcast %broadcast_in_dim3A_71 : f32 to vector<16xf32>
      %swap3A_73 = arith.index_cast %scan3A_37 : i32 to index
      %swap3A_74 = arith.constant 112 : index
      %swap3A_75 = tpu.vector_load %arg13[%swap3A_73, %swap3A_74] {strides = array<i32>} : memref<128x128xf32, #tpu.memory_space<vmem>>, vector<16xf32>,
      tpu.vector_store %arg13[%swap3A_73, %swap3A_74], %broadcast_in_dim3A_72 {strides = array<i32>} : memref<128x128xf32, #tpu.memory_space<vmem>>, vector<16xf32>,
    }
    %scan3A_5 = arith.constant 128 : i32
    %mul3A_6 = arith.constant 632 : i32
    %mul3A_7 = arith.muli %arg1, %mul3A_6 : i32
    %add3A_8 = arith.constant 0 : i32
    %add3A_9 = arith.addi %mul3A_7, %add3A_8 : i32
    "tpu.region"() ({
      %run_scoped3A = tpu.sem_alloc : memref<!tpu.dma_semaphore, #tpu.memory_space<semaphore_mem>>
      %dma_start3A = arith.constant 0 : i32
      %dma_start3A_37 = arith.constant 0 : i32
      %dma_start3A_38 = tpu.memref_slice %arg13[%dma_start3A, %dma_start3A_37] : memref<128x128xf32, #tpu.memory_space<vmem>> -> memref<128x128xf32, #tpu.memory_space<vmem>>
      %dma_start3A_39 = arith.constant 0 : i32
      %dma_start3A_40 = tpu.memref_slice %arg14[%add3A_9, %dma_start3A_39] : memref<10112x128xf32, #tpu.memory_space<vmem_shared>> -> memref<128x128xf32, #tpu.memory_space<vmem_shared>>
      %dma_start3A_41 = arith.constant 0 : i32
      %dma_start3A_42 = tpu.memref_slice %arg14[%add3A_9, %dma_start3A_41] : memref<10112x128xf32, #tpu.memory_space<vmem_shared>> -> memref<128x128xf32, #tpu.memory_space<vmem_shared>>
      %dma_start3A_43 = arith.constant 0 : i32
      %dma_start3A_44 = arith.constant 0 : i32
      %dma_start3A_45 = tpu.memref_slice %arg13[%dma_start3A_43, %dma_start3A_44] : memref<128x128xf32, #tpu.memory_space<vmem>> -> memref<128x128xf32, #tpu.memory_space<vmem>>
      tpu.enqueue_dma source(%dma_start3A_45 : memref<128x128xf32, #tpu.memory_space<vmem>>) target(%dma_start3A_42 : memref<128x128xf32, #tpu.memory_space<vmem_shared>>) target_semaphore(%run_scoped3A : memref<!tpu.dma_semaphore, #tpu.memory_space<semaphore_mem>>)
      %dma_wait3A = arith.constant 0 : i32
      %dma_wait3A_46 = arith.constant 0 : i32
      %dma_wait3A_47 = tpu.memref_slice %arg13[%dma_wait3A, %dma_wait3A_46] : memref<128x128xf32, #tpu.memory_space<vmem>> -> memref<128x128xf32, #tpu.memory_space<vmem>>
      %dma_wait3A_48 = arith.constant 0 : i32
      %dma_wait3A_49 = tpu.memref_slice %arg14[%add3A_9, %dma_wait3A_48] : memref<10112x128xf32, #tpu.memory_space<vmem_shared>> -> memref<128x128xf32, #tpu.memory_space<vmem_shared>>
      %dma_wait3A_50 = arith.constant 0 : i32
      %dma_wait3A_51 = tpu.memref_slice %arg14[%add3A_9, %dma_wait3A_50] : memref<10112x128xf32, #tpu.memory_space<vmem_shared>> -> memref<128x128xf32, #tpu.memory_space<vmem_shared>>
      %dma_wait3A_52 = arith.constant 0 : i32
      %dma_wait3A_53 = arith.constant 0 : i32
      %dma_wait3A_54 = tpu.memref_slice %arg13[%dma_wait3A_52, %dma_wait3A_53] : memref<128x128xf32, #tpu.memory_space<vmem>> -> memref<128x128xf32, #tpu.memory_space<vmem>>
      tpu.wait_dma2 semaphore(%run_scoped3A : memref<!tpu.dma_semaphore, #tpu.memory_space<semaphore_mem>>) src(%dma_wait3A_54 : memref<128x128xf32, #tpu.memory_space<vmem>>) dst(%dma_wait3A_51 : memref<128x128xf32, #tpu.memory_space<vmem_shared>>)
      tpu.yield
    }) : () -> ()
    %mul3A_10 = arith.constant 632 : i32
    %mul3A_11 = arith.muli %arg1, %mul3A_10 : i32
    %add3A_12 = arith.constant 128 : i32
    %add3A_13 = arith.addi %mul3A_11, %add3A_12 : i32
    "tpu.region"() ({
      %run_scoped3A = tpu.sem_alloc : memref<!tpu.dma_semaphore, #tpu.memory_space<semaphore_mem>>
      %dma_start3A = arith.constant 0 : i32
      %dma_start3A_37 = arith.constant 0 : i32
      %dma_start3A_38 = tpu.memref_slice %arg13[%dma_start3A, %dma_start3A_37] : memref<128x128xf32, #tpu.memory_space<vmem>> -> memref<128x128xf32, #tpu.memory_space<vmem>>
      %dma_start3A_39 = arith.constant 0 : i32
      %dma_start3A_40 = tpu.memref_slice %arg14[%add3A_13, %dma_start3A_39] : memref<10112x128xf32, #tpu.memory_space<vmem_shared>> -> memref<128x128xf32, #tpu.memory_space<vmem_shared>>
      %dma_start3A_41 = arith.constant 0 : i32
      %dma_start3A_42 = tpu.memref_slice %arg14[%add3A_13, %dma_start3A_41] : memref<10112x128xf32, #tpu.memory_space<vmem_shared>> -> memref<128x128xf32, #tpu.memory_space<vmem_shared>>
      %dma_start3A_43 = arith.constant 0 : i32
      %dma_start3A_44 = arith.constant 0 : i32
      %dma_start3A_45 = tpu.memref_slice %arg13[%dma_start3A_43, %dma_start3A_44] : memref<128x128xf32, #tpu.memory_space<vmem>> -> memref<128x128xf32, #tpu.memory_space<vmem>>
      tpu.enqueue_dma source(%dma_start3A_45 : memref<128x128xf32, #tpu.memory_space<vmem>>) target(%dma_start3A_42 : memref<128x128xf32, #tpu.memory_space<vmem_shared>>) target_semaphore(%run_scoped3A : memref<!tpu.dma_semaphore, #tpu.memory_space<semaphore_mem>>)
      %dma_wait3A = arith.constant 0 : i32
      %dma_wait3A_46 = arith.constant 0 : i32
      %dma_wait3A_47 = tpu.memref_slice %arg13[%dma_wait3A, %dma_wait3A_46] : memref<128x128xf32, #tpu.memory_space<vmem>> -> memref<128x128xf32, #tpu.memory_space<vmem>>
      %dma_wait3A_48 = arith.constant 0 : i32
      %dma_wait3A_49 = tpu.memref_slice %arg14[%add3A_13, %dma_wait3A_48] : memref<10112x128xf32, #tpu.memory_space<vmem_shared>> -> memref<128x128xf32, #tpu.memory_space<vmem_shared>>
      %dma_wait3A_50 = arith.constant 0 : i32
      %dma_wait3A_51 = tpu.memref_slice %arg14[%add3A_13, %dma_wait3A_50] : memref<10112x128xf32, #tpu.memory_space<vmem_shared>> -> memref<128x128xf32, #tpu.memory_space<vmem_shared>>
      %dma_wait3A_52 = arith.constant 0 : i32
      %dma_wait3A_53 = arith.constant 0 : i32
      %dma_wait3A_54 = tpu.memref_slice %arg13[%dma_wait3A_52, %dma_wait3A_53] : memref<128x128xf32, #tpu.memory_space<vmem>> -> memref<128x128xf32, #tpu.memory_space<vmem>>
      tpu.wait_dma2 semaphore(%run_scoped3A : memref<!tpu.dma_semaphore, #tpu.memory_space<semaphore_mem>>) src(%dma_wait3A_54 : memref<128x128xf32, #tpu.memory_space<vmem>>) dst(%dma_wait3A_51 : memref<128x128xf32, #tpu.memory_space<vmem_shared>>)
      tpu.yield
    }) : () -> ()
    %mul3A_14 = arith.constant 632 : i32
    %mul3A_15 = arith.muli %arg1, %mul3A_14 : i32
    %add3A_16 = arith.constant 256 : i32
    %add3A_17 = arith.addi %mul3A_15, %add3A_16 : i32
    "tpu.region"() ({
      %run_scoped3A = tpu.sem_alloc : memref<!tpu.dma_semaphore, #tpu.memory_space<semaphore_mem>>
      %dma_start3A = arith.constant 0 : i32
      %dma_start3A_37 = arith.constant 0 : i32
      %dma_start3A_38 = tpu.memref_slice %arg13[%dma_start3A, %dma_start3A_37] : memref<128x128xf32, #tpu.memory_space<vmem>> -> memref<128x128xf32, #tpu.memory_space<vmem>>
      %dma_start3A_39 = arith.constant 0 : i32
      %dma_start3A_40 = tpu.memref_slice %arg14[%add3A_17, %dma_start3A_39] : memref<10112x128xf32, #tpu.memory_space<vmem_shared>> -> memref<128x128xf32, #tpu.memory_space<vmem_shared>>
      %dma_start3A_41 = arith.constant 0 : i32
      %dma_start3A_42 = tpu.memref_slice %arg14[%add3A_17, %dma_start3A_41] : memref<10112x128xf32, #tpu.memory_space<vmem_shared>> -> memref<128x128xf32, #tpu.memory_space<vmem_shared>>
      %dma_start3A_43 = arith.constant 0 : i32
      %dma_start3A_44 = arith.constant 0 : i32
      %dma_start3A_45 = tpu.memref_slice %arg13[%dma_start3A_43, %dma_start3A_44] : memref<128x128xf32, #tpu.memory_space<vmem>> -> memref<128x128xf32, #tpu.memory_space<vmem>>
      tpu.enqueue_dma source(%dma_start3A_45 : memref<128x128xf32, #tpu.memory_space<vmem>>) target(%dma_start3A_42 : memref<128x128xf32, #tpu.memory_space<vmem_shared>>) target_semaphore(%run_scoped3A : memref<!tpu.dma_semaphore, #tpu.memory_space<semaphore_mem>>)
      %dma_wait3A = arith.constant 0 : i32
      %dma_wait3A_46 = arith.constant 0 : i32
      %dma_wait3A_47 = tpu.memref_slice %arg13[%dma_wait3A, %dma_wait3A_46] : memref<128x128xf32, #tpu.memory_space<vmem>> -> memref<128x128xf32, #tpu.memory_space<vmem>>
      %dma_wait3A_48 = arith.constant 0 : i32
      %dma_wait3A_49 = tpu.memref_slice %arg14[%add3A_17, %dma_wait3A_48] : memref<10112x128xf32, #tpu.memory_space<vmem_shared>> -> memref<128x128xf32, #tpu.memory_space<vmem_shared>>
      %dma_wait3A_50 = arith.constant 0 : i32
      %dma_wait3A_51 = tpu.memref_slice %arg14[%add3A_17, %dma_wait3A_50] : memref<10112x128xf32, #tpu.memory_space<vmem_shared>> -> memref<128x128xf32, #tpu.memory_space<vmem_shared>>
      %dma_wait3A_52 = arith.constant 0 : i32
      %dma_wait3A_53 = arith.constant 0 : i32
      %dma_wait3A_54 = tpu.memref_slice %arg13[%dma_wait3A_52, %dma_wait3A_53] : memref<128x128xf32, #tpu.memory_space<vmem>> -> memref<128x128xf32, #tpu.memory_space<vmem>>
      tpu.wait_dma2 semaphore(%run_scoped3A : memref<!tpu.dma_semaphore, #tpu.memory_space<semaphore_mem>>) src(%dma_wait3A_54 : memref<128x128xf32, #tpu.memory_space<vmem>>) dst(%dma_wait3A_51 : memref<128x128xf32, #tpu.memory_space<vmem_shared>>)
      tpu.yield
    }) : () -> ()
    %mul3A_18 = arith.constant 632 : i32
    %mul3A_19 = arith.muli %arg1, %mul3A_18 : i32
    %add3A_20 = arith.constant 384 : i32
    %add3A_21 = arith.addi %mul3A_19, %add3A_20 : i32
    "tpu.region"() ({
      %run_scoped3A = tpu.sem_alloc : memref<!tpu.dma_semaphore, #tpu.memory_space<semaphore_mem>>
      %dma_start3A = arith.constant 0 : i32
      %dma_start3A_37 = arith.constant 0 : i32
      %dma_start3A_38 = tpu.memref_slice %arg13[%dma_start3A, %dma_start3A_37] : memref<128x128xf32, #tpu.memory_space<vmem>> -> memref<128x128xf32, #tpu.memory_space<vmem>>
      %dma_start3A_39 = arith.constant 0 : i32
      %dma_start3A_40 = tpu.memref_slice %arg14[%add3A_21, %dma_start3A_39] : memref<10112x128xf32, #tpu.memory_space<vmem_shared>> -> memref<128x128xf32, #tpu.memory_space<vmem_shared>>
      %dma_start3A_41 = arith.constant 0 : i32
      %dma_start3A_42 = tpu.memref_slice %arg14[%add3A_21, %dma_start3A_41] : memref<10112x128xf32, #tpu.memory_space<vmem_shared>> -> memref<128x128xf32, #tpu.memory_space<vmem_shared>>
      %dma_start3A_43 = arith.constant 0 : i32
      %dma_start3A_44 = arith.constant 0 : i32
      %dma_start3A_45 = tpu.memref_slice %arg13[%dma_start3A_43, %dma_start3A_44] : memref<128x128xf32, #tpu.memory_space<vmem>> -> memref<128x128xf32, #tpu.memory_space<vmem>>
      tpu.enqueue_dma source(%dma_start3A_45 : memref<128x128xf32, #tpu.memory_space<vmem>>) target(%dma_start3A_42 : memref<128x128xf32, #tpu.memory_space<vmem_shared>>) target_semaphore(%run_scoped3A : memref<!tpu.dma_semaphore, #tpu.memory_space<semaphore_mem>>)
      %dma_wait3A = arith.constant 0 : i32
      %dma_wait3A_46 = arith.constant 0 : i32
      %dma_wait3A_47 = tpu.memref_slice %arg13[%dma_wait3A, %dma_wait3A_46] : memref<128x128xf32, #tpu.memory_space<vmem>> -> memref<128x128xf32, #tpu.memory_space<vmem>>
      %dma_wait3A_48 = arith.constant 0 : i32
      %dma_wait3A_49 = tpu.memref_slice %arg14[%add3A_21, %dma_wait3A_48] : memref<10112x128xf32, #tpu.memory_space<vmem_shared>> -> memref<128x128xf32, #tpu.memory_space<vmem_shared>>
      %dma_wait3A_50 = arith.constant 0 : i32
      %dma_wait3A_51 = tpu.memref_slice %arg14[%add3A_21, %dma_wait3A_50] : memref<10112x128xf32, #tpu.memory_space<vmem_shared>> -> memref<128x128xf32, #tpu.memory_space<vmem_shared>>
      %dma_wait3A_52 = arith.constant 0 : i32
      %dma_wait3A_53 = arith.constant 0 : i32
      %dma_wait3A_54 = tpu.memref_slice %arg13[%dma_wait3A_52, %dma_wait3A_53] : memref<128x128xf32, #tpu.memory_space<vmem>> -> memref<128x128xf32, #tpu.memory_space<vmem>>
      tpu.wait_dma2 semaphore(%run_scoped3A : memref<!tpu.dma_semaphore, #tpu.memory_space<semaphore_mem>>) src(%dma_wait3A_54 : memref<128x128xf32, #tpu.memory_space<vmem>>) dst(%dma_wait3A_51 : memref<128x128xf32, #tpu.memory_space<vmem_shared>>)
      tpu.yield
    }) : () -> ()
    %mul3A_22 = arith.constant 632 : i32
    %mul3A_23 = arith.muli %arg1, %mul3A_22 : i32
    %add3A_24 = arith.constant 512 : i32
    %add3A_25 = arith.addi %mul3A_23, %add3A_24 : i32
    "tpu.region"() ({
      %run_scoped3A = tpu.sem_alloc : memref<!tpu.dma_semaphore, #tpu.memory_space<semaphore_mem>>
      %dma_start3A = arith.constant 0 : i32
      %dma_start3A_37 = arith.constant 0 : i32
      %dma_start3A_38 = tpu.memref_slice %arg13[%dma_start3A, %dma_start3A_37] : memref<128x128xf32, #tpu.memory_space<vmem>> -> memref<120x128xf32, #tpu.memory_space<vmem>>
      %dma_start3A_39 = arith.constant 0 : i32
      %dma_start3A_40 = tpu.memref_slice %arg14[%add3A_25, %dma_start3A_39] : memref<10112x128xf32, #tpu.memory_space<vmem_shared>> -> memref<120x128xf32, #tpu.memory_space<vmem_shared>>
      %dma_start3A_41 = arith.constant 0 : i32
      %dma_start3A_42 = tpu.memref_slice %arg14[%add3A_25, %dma_start3A_41] : memref<10112x128xf32, #tpu.memory_space<vmem_shared>> -> memref<120x128xf32, #tpu.memory_space<vmem_shared>>
      %dma_start3A_43 = arith.constant 0 : i32
      %dma_start3A_44 = arith.constant 0 : i32
      %dma_start3A_45 = tpu.memref_slice %arg13[%dma_start3A_43, %dma_start3A_44] : memref<128x128xf32, #tpu.memory_space<vmem>> -> memref<120x128xf32, #tpu.memory_space<vmem>>
      tpu.enqueue_dma source(%dma_start3A_45 : memref<120x128xf32, #tpu.memory_space<vmem>>) target(%dma_start3A_42 : memref<120x128xf32, #tpu.memory_space<vmem_shared>>) target_semaphore(%run_scoped3A : memref<!tpu.dma_semaphore, #tpu.memory_space<semaphore_mem>>)
      %dma_wait3A = arith.constant 0 : i32
      %dma_wait3A_46 = arith.constant 0 : i32
      %dma_wait3A_47 = tpu.memref_slice %arg13[%dma_wait3A, %dma_wait3A_46] : memref<128x128xf32, #tpu.memory_space<vmem>> -> memref<120x128xf32, #tpu.memory_space<vmem>>
      %dma_wait3A_48 = arith.constant 0 : i32
      %dma_wait3A_49 = tpu.memref_slice %arg14[%add3A_25, %dma_wait3A_48] : memref<10112x128xf32, #tpu.memory_space<vmem_shared>> -> memref<120x128xf32, #tpu.memory_space<vmem_shared>>
      %dma_wait3A_50 = arith.constant 0 : i32
      %dma_wait3A_51 = tpu.memref_slice %arg14[%add3A_25, %dma_wait3A_50] : memref<10112x128xf32, #tpu.memory_space<vmem_shared>> -> memref<120x128xf32, #tpu.memory_space<vmem_shared>>
      %dma_wait3A_52 = arith.constant 0 : i32
      %dma_wait3A_53 = arith.constant 0 : i32
      %dma_wait3A_54 = tpu.memref_slice %arg13[%dma_wait3A_52, %dma_wait3A_53] : memref<128x128xf32, #tpu.memory_space<vmem>> -> memref<120x128xf32, #tpu.memory_space<vmem>>
      tpu.wait_dma2 semaphore(%run_scoped3A : memref<!tpu.dma_semaphore, #tpu.memory_space<semaphore_mem>>) src(%dma_wait3A_54 : memref<120x128xf32, #tpu.memory_space<vmem>>) dst(%dma_wait3A_51 : memref<120x128xf32, #tpu.memory_space<vmem_shared>>)
      tpu.yield
    }) : () -> ()
    %barrier3A = arith.constant 0 : index
    tpu.barrier barrier_id(%barrier3A)
    %scan3A_26 = arith.constant 0 : i32
    %scan3A_27 = arith.constant 0 : i32
    %scan3A_28 = arith.constant 10 : i32
    %scan3A_29 = arith.addi %scan3A_27, %scan3A_28 : i32
    %scan3A_30 = arith.constant 1 : i32
    scf.for %scan3A_37 = %scan3A_27 to %scan3A_29 step %scan3A_30  : i32 {
      %mul3A_38 = arith.constant 80 : i32
      %mul3A_39 = arith.muli %add3A, %mul3A_38 : i32
      %mul3A_40 = arith.constant 8 : i32
      %mul3A_41 = arith.muli %scan3A_37, %mul3A_40 : i32
      %add3A_42 = arith.addi %mul3A_39, %mul3A_41 : i32
      "tpu.region"() ({
        %run_scoped3A_1757 = tpu.sem_alloc : memref<!tpu.dma_semaphore, #tpu.memory_space<semaphore_mem>>
        %dma_start3A_1758 = arith.constant 0 : i32
        %dma_start3A_1759 = tpu.memref_slice %arg3[%add3A_42, %dma_start3A_1758] : memref<2560x128xi32, #tpu.memory_space<hbm>> -> memref<8x128xi32, #tpu.memory_space<hbm>>
        %dma_start3A_1760 = arith.constant 0 : i32
        %dma_start3A_1761 = tpu.memref_slice %arg3[%add3A_42, %dma_start3A_1760] : memref<2560x128xi32, #tpu.memory_space<hbm>> -> memref<8x128xi32, #tpu.memory_space<hbm>>
        tpu.enqueue_dma source(%dma_start3A_1761 : memref<8x128xi32, #tpu.memory_space<hbm>>) target(%arg8 : memref<8x128xi32, #tpu.memory_space<vmem>>) target_semaphore(%run_scoped3A_1757 : memref<!tpu.dma_semaphore, #tpu.memory_space<semaphore_mem>>)
        %dma_wait3A_1762 = arith.constant 0 : i32
        %dma_wait3A_1763 = tpu.memref_slice %arg3[%add3A_42, %dma_wait3A_1762] : memref<2560x128xi32, #tpu.memory_space<hbm>> -> memref<8x128xi32, #tpu.memory_space<hbm>>
        %dma_wait3A_1764 = arith.constant 0 : i32
        %dma_wait3A_1765 = tpu.memref_slice %arg3[%add3A_42, %dma_wait3A_1764] : memref<2560x128xi32, #tpu.memory_space<hbm>> -> memref<8x128xi32, #tpu.memory_space<hbm>>
        tpu.wait_dma2 semaphore(%run_scoped3A_1757 : memref<!tpu.dma_semaphore, #tpu.memory_space<semaphore_mem>>) src(%dma_wait3A_1765 : memref<8x128xi32, #tpu.memory_space<hbm>>) dst(%arg8 : memref<8x128xi32, #tpu.memory_space<vmem>>)
        tpu.yield
      }) : () -> ()
      "tpu.region"() ({
        %run_scoped3A_1757 = tpu.sem_alloc : memref<!tpu.dma_semaphore, #tpu.memory_space<semaphore_mem>>
        %dma_start3A_1758 = arith.constant 0 : i32
        %dma_start3A_1759 = tpu.memref_slice %arg4[%add3A_42, %dma_start3A_1758] : memref<2560x128xi32, #tpu.memory_space<hbm>> -> memref<8x128xi32, #tpu.memory_space<hbm>>
        %dma_start3A_1760 = arith.constant 0 : i32
        %dma_start3A_1761 = tpu.memref_slice %arg4[%add3A_42, %dma_start3A_1760] : memref<2560x128xi32, #tpu.memory_space<hbm>> -> memref<8x128xi32, #tpu.memory_space<hbm>>
        tpu.enqueue_dma source(%dma_start3A_1761 : memref<8x128xi32, #tpu.memory_space<hbm>>) target(%arg9 : memref<8x128xi32, #tpu.memory_space<vmem>>) target_semaphore(%run_scoped3A_1757 : memref<!tpu.dma_semaphore, #tpu.memory_space<semaphore_mem>>)
        %dma_wait3A_1762 = arith.constant 0 : i32
        %dma_wait3A_1763 = tpu.memref_slice %arg4[%add3A_42, %dma_wait3A_1762] : memref<2560x128xi32, #tpu.memory_space<hbm>> -> memref<8x128xi32, #tpu.memory_space<hbm>>
        %dma_wait3A_1764 = arith.constant 0 : i32
        %dma_wait3A_1765 = tpu.memref_slice %arg4[%add3A_42, %dma_wait3A_1764] : memref<2560x128xi32, #tpu.memory_space<hbm>> -> memref<8x128xi32, #tpu.memory_space<hbm>>
        tpu.wait_dma2 semaphore(%run_scoped3A_1757 : memref<!tpu.dma_semaphore, #tpu.memory_space<semaphore_mem>>) src(%dma_wait3A_1765 : memref<8x128xi32, #tpu.memory_space<hbm>>) dst(%arg9 : memref<8x128xi32, #tpu.memory_space<vmem>>)
        tpu.yield
      }) : () -> ()
      "tpu.region"() ({
        %run_scoped3A_1757 = tpu.sem_alloc : memref<!tpu.dma_semaphore, #tpu.memory_space<semaphore_mem>>
        %dma_start3A_1758 = arith.constant 0 : i32
        %dma_start3A_1759 = tpu.memref_slice %arg5[%add3A_42, %dma_start3A_1758] : memref<2560x128xi32, #tpu.memory_space<hbm>> -> memref<8x128xi32, #tpu.memory_space<hbm>>
        %dma_start3A_1760 = arith.constant 0 : i32
        %dma_start3A_1761 = tpu.memref_slice %arg5[%add3A_42, %dma_start3A_1760] : memref<2560x128xi32, #tpu.memory_space<hbm>> -> memref<8x128xi32, #tpu.memory_space<hbm>>
        tpu.enqueue_dma source(%dma_start3A_1761 : memref<8x128xi32, #tpu.memory_space<hbm>>) target(%arg10 : memref<8x128xi32, #tpu.memory_space<vmem>>) target_semaphore(%run_scoped3A_1757 : memref<!tpu.dma_semaphore, #tpu.memory_space<semaphore_mem>>)
        %dma_wait3A_1762 = arith.constant 0 : i32
        %dma_wait3A_1763 = tpu.memref_slice %arg5[%add3A_42, %dma_wait3A_1762] : memref<2560x128xi32, #tpu.memory_space<hbm>> -> memref<8x128xi32, #tpu.memory_space<hbm>>
        %dma_wait3A_1764 = arith.constant 0 : i32
        %dma_wait3A_1765 = tpu.memref_slice %arg5[%add3A_42, %dma_wait3A_1764] : memref<2560x128xi32, #tpu.memory_space<hbm>> -> memref<8x128xi32, #tpu.memory_space<hbm>>
        tpu.wait_dma2 semaphore(%run_scoped3A_1757 : memref<!tpu.dma_semaphore, #tpu.memory_space<semaphore_mem>>) src(%dma_wait3A_1765 : memref<8x128xi32, #tpu.memory_space<hbm>>) dst(%arg10 : memref<8x128xi32, #tpu.memory_space<vmem>>)
        tpu.yield
      }) : () -> ()
      %get3A = arith.constant 0 : i32
      %get3A_43 = arith.index_cast %get3A : i32 to index
      %get3A_44 = arith.constant 0 : index
      %get3A_45 = tpu.vector_load %arg9[%get3A_43, %get3A_44] {strides = array<i32>} : memref<8x128xi32, #tpu.memory_space<vmem>>, vector<16xi32>,
      %gather3A = tpu.vector_load_idx %arg12[%get3A_45] : memref<10112xi32, #tpu.memory_space<vmem>>[vector<16xi32>], vector<16xi32>,
      %get3A_46 = arith.constant 0 : i32
      %get3A_47 = arith.index_cast %get3A_46 : i32 to index
      %get3A_48 = arith.constant 0 : index
      %get3A_49 = tpu.vector_load %arg10[%get3A_47, %get3A_48] {strides = array<i32>} : memref<8x128xi32, #tpu.memory_space<vmem>>, vector<16xi32>,
      %mul3A_50 = arith.constant 10000 : i32
      %mul3A_51 = vector.broadcast %mul3A_50 : i32 to vector<16xi32>
      %mul3A_52 = arith.muli %get3A_49, %mul3A_51 : vector<16xi32>
      %get3A_53 = arith.constant 0 : i32
      %get3A_54 = arith.index_cast %get3A_53 : i32 to index
      %get3A_55 = arith.constant 0 : index
      %get3A_56 = tpu.vector_load %arg8[%get3A_54, %get3A_55] {strides = array<i32>} : memref<8x128xi32, #tpu.memory_space<vmem>>, vector<16xi32>,
      %add3A_57 = arith.addi %mul3A_52, %get3A_56 : vector<16xi32>
      %mul3A_58 = arith.constant 3 : i32
      %mul3A_59 = vector.broadcast %mul3A_58 : i32 to vector<16xi32>
      %mul3A_60 = arith.muli %add3A_57, %mul3A_59 : vector<16xi32>
      %add3A_61 = arith.addi %mul3A_60, %gather3A : vector<16xi32>
      %swap3A = arith.constant 0 : i32
      %swap3A_62 = arith.index_cast %swap3A : i32 to index
      %swap3A_63 = arith.constant 0 : index
      %swap3A_64 = tpu.vector_load %arg11[%swap3A_62, %swap3A_63] {strides = array<i32>} : memref<8x128xi32, #tpu.memory_space<vmem>>, vector<16xi32>,
      tpu.vector_store %arg11[%swap3A_62, %swap3A_63], %add3A_61 {strides = array<i32>} : memref<8x128xi32, #tpu.memory_space<vmem>>, vector<16xi32>,
      %get3A_65 = arith.constant 0 : i32
      %get3A_66 = arith.index_cast %get3A_65 : i32 to index
      %get3A_67 = arith.constant 16 : index
      %get3A_68 = tpu.vector_load %arg9[%get3A_66, %get3A_67] {strides = array<i32>} : memref<8x128xi32, #tpu.memory_space<vmem>>, vector<16xi32>,
      %gather3A_69 = tpu.vector_load_idx %arg12[%get3A_68] : memref<10112xi32, #tpu.memory_space<vmem>>[vector<16xi32>], vector<16xi32>,
      %get3A_70 = arith.constant 0 : i32
      %get3A_71 = arith.index_cast %get3A_70 : i32 to index
      %get3A_72 = arith.constant 16 : index
      %get3A_73 = tpu.vector_load %arg10[%get3A_71, %get3A_72] {strides = array<i32>} : memref<8x128xi32, #tpu.memory_space<vmem>>, vector<16xi32>,
      %mul3A_74 = arith.constant 10000 : i32
      %mul3A_75 = vector.broadcast %mul3A_74 : i32 to vector<16xi32>
      %mul3A_76 = arith.muli %get3A_73, %mul3A_75 : vector<16xi32>
      %get3A_77 = arith.constant 0 : i32
      %get3A_78 = arith.index_cast %get3A_77 : i32 to index
      %get3A_79 = arith.constant 16 : index
      %get3A_80 = tpu.vector_load %arg8[%get3A_78, %get3A_79] {strides = array<i32>} : memref<8x128xi32, #tpu.memory_space<vmem>>, vector<16xi32>,
      %add3A_81 = arith.addi %mul3A_76, %get3A_80 : vector<16xi32>
      %mul3A_82 = arith.constant 3 : i32
      %mul3A_83 = vector.broadcast %mul3A_82 : i32 to vector<16xi32>
      %mul3A_84 = arith.muli %add3A_81, %mul3A_83 : vector<16xi32>
      %add3A_85 = arith.addi %mul3A_84, %gather3A_69 : vector<16xi32>
      %swap3A_86 = arith.constant 0 : i32
      %swap3A_87 = arith.index_cast %swap3A_86 : i32 to index
      %swap3A_88 = arith.constant 16 : index
      %swap3A_89 = tpu.vector_load %arg11[%swap3A_87, %swap3A_88] {strides = array<i32>} : memref<8x128xi32, #tpu.memory_space<vmem>>, vector<16xi32>,
      tpu.vector_store %arg11[%swap3A_87, %swap3A_88], %add3A_85 {strides = array<i32>} : memref<8x128xi32, #tpu.memory_space<vmem>>, vector<16xi32>,
      %get3A_90 = arith.constant 0 : i32
      %get3A_91 = arith.index_cast %get3A_90 : i32 to index
      %get3A_92 = arith.constant 32 : index
      %get3A_93 = tpu.vector_load %arg9[%get3A_91, %get3A_92] {strides = array<i32>} : memref<8x128xi32, #tpu.memory_space<vmem>>, vector<16xi32>,
      %gather3A_94 = tpu.vector_load_idx %arg12[%get3A_93] : memref<10112xi32, #tpu.memory_space<vmem>>[vector<16xi32>], vector<16xi32>,
      %get3A_95 = arith.constant 0 : i32
      %get3A_96 = arith.index_cast %get3A_95 : i32 to index
      %get3A_97 = arith.constant 32 : index
      %get3A_98 = tpu.vector_load %arg10[%get3A_96, %get3A_97] {strides = array<i32>} : memref<8x128xi32, #tpu.memory_space<vmem>>, vector<16xi32>,
      %mul3A_99 = arith.constant 10000 : i32
      %mul3A_100 = vector.broadcast %mul3A_99 : i32 to vector<16xi32>
      %mul3A_101 = arith.muli %get3A_98, %mul3A_100 : vector<16xi32>
      %get3A_102 = arith.constant 0 : i32
      %get3A_103 = arith.index_cast %get3A_102 : i32 to index
      %get3A_104 = arith.constant 32 : index
      %get3A_105 = tpu.vector_load %arg8[%get3A_103, %get3A_104] {strides = array<i32>} : memref<8x128xi32, #tpu.memory_space<vmem>>, vector<16xi32>,
      %add3A_106 = arith.addi %mul3A_101, %get3A_105 : vector<16xi32>
      %mul3A_107 = arith.constant 3 : i32
      %mul3A_108 = vector.broadcast %mul3A_107 : i32 to vector<16xi32>
      %mul3A_109 = arith.muli %add3A_106, %mul3A_108 : vector<16xi32>
      %add3A_110 = arith.addi %mul3A_109, %gather3A_94 : vector<16xi32>
      %swap3A_111 = arith.constant 0 : i32
      %swap3A_112 = arith.index_cast %swap3A_111 : i32 to index
      %swap3A_113 = arith.constant 32 : index
      %swap3A_114 = tpu.vector_load %arg11[%swap3A_112, %swap3A_113] {strides = array<i32>} : memref<8x128xi32, #tpu.memory_space<vmem>>, vector<16xi32>,
      tpu.vector_store %arg11[%swap3A_112, %swap3A_113], %add3A_110 {strides = array<i32>} : memref<8x128xi32, #tpu.memory_space<vmem>>, vector<16xi32>,
      %get3A_115 = arith.constant 0 : i32
      %get3A_116 = arith.index_cast %get3A_115 : i32 to index
      %get3A_117 = arith.constant 48 : index
      %get3A_118 = tpu.vector_load %arg9[%get3A_116, %get3A_117] {strides = array<i32>} : memref<8x128xi32, #tpu.memory_space<vmem>>, vector<16xi32>,
      %gather3A_119 = tpu.vector_load_idx %arg12[%get3A_118] : memref<10112xi32, #tpu.memory_space<vmem>>[vector<16xi32>], vector<16xi32>,
      %get3A_120 = arith.constant 0 : i32
      %get3A_121 = arith.index_cast %get3A_120 : i32 to index
      %get3A_122 = arith.constant 48 : index
      %get3A_123 = tpu.vector_load %arg10[%get3A_121, %get3A_122] {strides = array<i32>} : memref<8x128xi32, #tpu.memory_space<vmem>>, vector<16xi32>,
      %mul3A_124 = arith.constant 10000 : i32
      %mul3A_125 = vector.broadcast %mul3A_124 : i32 to vector<16xi32>
      %mul3A_126 = arith.muli %get3A_123, %mul3A_125 : vector<16xi32>
      %get3A_127 = arith.constant 0 : i32
      %get3A_128 = arith.index_cast %get3A_127 : i32 to index
      %get3A_129 = arith.constant 48 : index
      %get3A_130 = tpu.vector_load %arg8[%get3A_128, %get3A_129] {strides = array<i32>} : memref<8x128xi32, #tpu.memory_space<vmem>>, vector<16xi32>,
      %add3A_131 = arith.addi %mul3A_126, %get3A_130 : vector<16xi32>
      %mul3A_132 = arith.constant 3 : i32
      %mul3A_133 = vector.broadcast %mul3A_132 : i32 to vector<16xi32>
      %mul3A_134 = arith.muli %add3A_131, %mul3A_133 : vector<16xi32>
      %add3A_135 = arith.addi %mul3A_134, %gather3A_119 : vector<16xi32>
      %swap3A_136 = arith.constant 0 : i32
      %swap3A_137 = arith.index_cast %swap3A_136 : i32 to index
      %swap3A_138 = arith.constant 48 : index
      %swap3A_139 = tpu.vector_load %arg11[%swap3A_137, %swap3A_138] {strides = array<i32>} : memref<8x128xi32, #tpu.memory_space<vmem>>, vector<16xi32>,
      tpu.vector_store %arg11[%swap3A_137, %swap3A_138], %add3A_135 {strides = array<i32>} : memref<8x128xi32, #tpu.memory_space<vmem>>, vector<16xi32>,
      %get3A_140 = arith.constant 0 : i32
      %get3A_141 = arith.index_cast %get3A_140 : i32 to index
      %get3A_142 = arith.constant 64 : index
      %get3A_143 = tpu.vector_load %arg9[%get3A_141, %get3A_142] {strides = array<i32>} : memref<8x128xi32, #tpu.memory_space<vmem>>, vector<16xi32>,
      %gather3A_144 = tpu.vector_load_idx %arg12[%get3A_143] : memref<10112xi32, #tpu.memory_space<vmem>>[vector<16xi32>], vector<16xi32>,
      %get3A_145 = arith.constant 0 : i32
      %get3A_146 = arith.index_cast %get3A_145 : i32 to index
      %get3A_147 = arith.constant 64 : index
      %get3A_148 = tpu.vector_load %arg10[%get3A_146, %get3A_147] {strides = array<i32>} : memref<8x128xi32, #tpu.memory_space<vmem>>, vector<16xi32>,
      %mul3A_149 = arith.constant 10000 : i32
      %mul3A_150 = vector.broadcast %mul3A_149 : i32 to vector<16xi32>
      %mul3A_151 = arith.muli %get3A_148, %mul3A_150 : vector<16xi32>
      %get3A_152 = arith.constant 0 : i32
      %get3A_153 = arith.index_cast %get3A_152 : i32 to index
      %get3A_154 = arith.constant 64 : index
      %get3A_155 = tpu.vector_load %arg8[%get3A_153, %get3A_154] {strides = array<i32>} : memref<8x128xi32, #tpu.memory_space<vmem>>, vector<16xi32>,
      %add3A_156 = arith.addi %mul3A_151, %get3A_155 : vector<16xi32>
      %mul3A_157 = arith.constant 3 : i32
      %mul3A_158 = vector.broadcast %mul3A_157 : i32 to vector<16xi32>
      %mul3A_159 = arith.muli %add3A_156, %mul3A_158 : vector<16xi32>
      %add3A_160 = arith.addi %mul3A_159, %gather3A_144 : vector<16xi32>
      %swap3A_161 = arith.constant 0 : i32
      %swap3A_162 = arith.index_cast %swap3A_161 : i32 to index
      %swap3A_163 = arith.constant 64 : index
      %swap3A_164 = tpu.vector_load %arg11[%swap3A_162, %swap3A_163] {strides = array<i32>} : memref<8x128xi32, #tpu.memory_space<vmem>>, vector<16xi32>,
      tpu.vector_store %arg11[%swap3A_162, %swap3A_163], %add3A_160 {strides = array<i32>} : memref<8x128xi32, #tpu.memory_space<vmem>>, vector<16xi32>,
      %get3A_165 = arith.constant 0 : i32
      %get3A_166 = arith.index_cast %get3A_165 : i32 to index
      %get3A_167 = arith.constant 80 : index
      %get3A_168 = tpu.vector_load %arg9[%get3A_166, %get3A_167] {strides = array<i32>} : memref<8x128xi32, #tpu.memory_space<vmem>>, vector<16xi32>,
      %gather3A_169 = tpu.vector_load_idx %arg12[%get3A_168] : memref<10112xi32, #tpu.memory_space<vmem>>[vector<16xi32>], vector<16xi32>,
      %get3A_170 = arith.constant 0 : i32
      %get3A_171 = arith.index_cast %get3A_170 : i32 to index
      %get3A_172 = arith.constant 80 : index
      %get3A_173 = tpu.vector_load %arg10[%get3A_171, %get3A_172] {strides = array<i32>} : memref<8x128xi32, #tpu.memory_space<vmem>>, vector<16xi32>,
      %mul3A_174 = arith.constant 10000 : i32
      %mul3A_175 = vector.broadcast %mul3A_174 : i32 to vector<16xi32>
      %mul3A_176 = arith.muli %get3A_173, %mul3A_175 : vector<16xi32>
      %get3A_177 = arith.constant 0 : i32
      %get3A_178 = arith.index_cast %get3A_177 : i32 to index
      %get3A_179 = arith.constant 80 : index
      %get3A_180 = tpu.vector_load %arg8[%get3A_178, %get3A_179] {strides = array<i32>} : memref<8x128xi32, #tpu.memory_space<vmem>>, vector<16xi32>,
      %add3A_181 = arith.addi %mul3A_176, %get3A_180 : vector<16xi32>
      %mul3A_182 = arith.constant 3 : i32
      %mul3A_183 = vector.broadcast %mul3A_182 : i32 to vector<16xi32>
      %mul3A_184 = arith.muli %add3A_181, %mul3A_183 : vector<16xi32>
      %add3A_185 = arith.addi %mul3A_184, %gather3A_169 : vector<16xi32>
      %swap3A_186 = arith.constant 0 : i32
      %swap3A_187 = arith.index_cast %swap3A_186 : i32 to index
      %swap3A_188 = arith.constant 80 : index
      %swap3A_189 = tpu.vector_load %arg11[%swap3A_187, %swap3A_188] {strides = array<i32>} : memref<8x128xi32, #tpu.memory_space<vmem>>, vector<16xi32>,
      tpu.vector_store %arg11[%swap3A_187, %swap3A_188], %add3A_185 {strides = array<i32>} : memref<8x128xi32, #tpu.memory_space<vmem>>, vector<16xi32>,
      %get3A_190 = arith.constant 0 : i32
      %get3A_191 = arith.index_cast %get3A_190 : i32 to index
      %get3A_192 = arith.constant 96 : index
      %get3A_193 = tpu.vector_load %arg9[%get3A_191, %get3A_192] {strides = array<i32>} : memref<8x128xi32, #tpu.memory_space<vmem>>, vector<16xi32>,
      %gather3A_194 = tpu.vector_load_idx %arg12[%get3A_193] : memref<10112xi32, #tpu.memory_space<vmem>>[vector<16xi32>], vector<16xi32>,
      %get3A_195 = arith.constant 0 : i32
      %get3A_196 = arith.index_cast %get3A_195 : i32 to index
      %get3A_197 = arith.constant 96 : index
      %get3A_198 = tpu.vector_load %arg10[%get3A_196, %get3A_197] {strides = array<i32>} : memref<8x128xi32, #tpu.memory_space<vmem>>, vector<16xi32>,
      %mul3A_199 = arith.constant 10000 : i32
      %mul3A_200 = vector.broadcast %mul3A_199 : i32 to vector<16xi32>
      %mul3A_201 = arith.muli %get3A_198, %mul3A_200 : vector<16xi32>
      %get3A_202 = arith.constant 0 : i32
      %get3A_203 = arith.index_cast %get3A_202 : i32 to index
      %get3A_204 = arith.constant 96 : index
      %get3A_205 = tpu.vector_load %arg8[%get3A_203, %get3A_204] {strides = array<i32>} : memref<8x128xi32, #tpu.memory_space<vmem>>, vector<16xi32>,
      %add3A_206 = arith.addi %mul3A_201, %get3A_205 : vector<16xi32>
      %mul3A_207 = arith.constant 3 : i32
      %mul3A_208 = vector.broadcast %mul3A_207 : i32 to vector<16xi32>
      %mul3A_209 = arith.muli %add3A_206, %mul3A_208 : vector<16xi32>
      %add3A_210 = arith.addi %mul3A_209, %gather3A_194 : vector<16xi32>
      %swap3A_211 = arith.constant 0 : i32
      %swap3A_212 = arith.index_cast %swap3A_211 : i32 to index
      %swap3A_213 = arith.constant 96 : index
      %swap3A_214 = tpu.vector_load %arg11[%swap3A_212, %swap3A_213] {strides = array<i32>} : memref<8x128xi32, #tpu.memory_space<vmem>>, vector<16xi32>,
      tpu.vector_store %arg11[%swap3A_212, %swap3A_213], %add3A_210 {strides = array<i32>} : memref<8x128xi32, #tpu.memory_space<vmem>>, vector<16xi32>,
      %get3A_215 = arith.constant 0 : i32
      %get3A_216 = arith.index_cast %get3A_215 : i32 to index
      %get3A_217 = arith.constant 112 : index
      %get3A_218 = tpu.vector_load %arg9[%get3A_216, %get3A_217] {strides = array<i32>} : memref<8x128xi32, #tpu.memory_space<vmem>>, vector<16xi32>,
      %gather3A_219 = tpu.vector_load_idx %arg12[%get3A_218] : memref<10112xi32, #tpu.memory_space<vmem>>[vector<16xi32>], vector<16xi32>,
      %get3A_220 = arith.constant 0 : i32
      %get3A_221 = arith.index_cast %get3A_220 : i32 to index
      %get3A_222 = arith.constant 112 : index
      %get3A_223 = tpu.vector_load %arg10[%get3A_221, %get3A_222] {strides = array<i32>} : memref<8x128xi32, #tpu.memory_space<vmem>>, vector<16xi32>,
      %mul3A_224 = arith.constant 10000 : i32
      %mul3A_225 = vector.broadcast %mul3A_224 : i32 to vector<16xi32>
      %mul3A_226 = arith.muli %get3A_223, %mul3A_225 : vector<16xi32>
      %get3A_227 = arith.constant 0 : i32
      %get3A_228 = arith.index_cast %get3A_227 : i32 to index
      %get3A_229 = arith.constant 112 : index
      %get3A_230 = tpu.vector_load %arg8[%get3A_228, %get3A_229] {strides = array<i32>} : memref<8x128xi32, #tpu.memory_space<vmem>>, vector<16xi32>,
      %add3A_231 = arith.addi %mul3A_226, %get3A_230 : vector<16xi32>
      %mul3A_232 = arith.constant 3 : i32
      %mul3A_233 = vector.broadcast %mul3A_232 : i32 to vector<16xi32>
      %mul3A_234 = arith.muli %add3A_231, %mul3A_233 : vector<16xi32>
      %add3A_235 = arith.addi %mul3A_234, %gather3A_219 : vector<16xi32>
      %swap3A_236 = arith.constant 0 : i32
      %swap3A_237 = arith.index_cast %swap3A_236 : i32 to index
      %swap3A_238 = arith.constant 112 : index
      %swap3A_239 = tpu.vector_load %arg11[%swap3A_237, %swap3A_238] {strides = array<i32>} : memref<8x128xi32, #tpu.memory_space<vmem>>, vector<16xi32>,
      tpu.vector_store %arg11[%swap3A_237, %swap3A_238], %add3A_235 {strides = array<i32>} : memref<8x128xi32, #tpu.memory_space<vmem>>, vector<16xi32>,
      %get3A_240 = arith.constant 1 : i32
      %get3A_241 = arith.index_cast %get3A_240 : i32 to index
      %get3A_242 = arith.constant 0 : index
      %get3A_243 = tpu.vector_load %arg9[%get3A_241, %get3A_242] {strides = array<i32>} : memref<8x128xi32, #tpu.memory_space<vmem>>, vector<16xi32>,
      %gather3A_244 = tpu.vector_load_idx %arg12[%get3A_243] : memref<10112xi32, #tpu.memory_space<vmem>>[vector<16xi32>], vector<16xi32>,
      %get3A_245 = arith.constant 1 : i32
      %get3A_246 = arith.index_cast %get3A_245 : i32 to index
      %get3A_247 = arith.constant 0 : index
      %get3A_248 = tpu.vector_load %arg10[%get3A_246, %get3A_247] {strides = array<i32>} : memref<8x128xi32, #tpu.memory_space<vmem>>, vector<16xi32>,
      %mul3A_249 = arith.constant 10000 : i32
      %mul3A_250 = vector.broadcast %mul3A_249 : i32 to vector<16xi32>
      %mul3A_251 = arith.muli %get3A_248, %mul3A_250 : vector<16xi32>
      %get3A_252 = arith.constant 1 : i32
      %get3A_253 = arith.index_cast %get3A_252 : i32 to index
      %get3A_254 = arith.constant 0 : index
      %get3A_255 = tpu.vector_load %arg8[%get3A_253, %get3A_254] {strides = array<i32>} : memref<8x128xi32, #tpu.memory_space<vmem>>, vector<16xi32>,
      %add3A_256 = arith.addi %mul3A_251, %get3A_255 : vector<16xi32>
      %mul3A_257 = arith.constant 3 : i32
      %mul3A_258 = vector.broadcast %mul3A_257 : i32 to vector<16xi32>
      %mul3A_259 = arith.muli %add3A_256, %mul3A_258 : vector<16xi32>
      %add3A_260 = arith.addi %mul3A_259, %gather3A_244 : vector<16xi32>
      %swap3A_261 = arith.constant 1 : i32
      %swap3A_262 = arith.index_cast %swap3A_261 : i32 to index
      %swap3A_263 = arith.constant 0 : index
      %swap3A_264 = tpu.vector_load %arg11[%swap3A_262, %swap3A_263] {strides = array<i32>} : memref<8x128xi32, #tpu.memory_space<vmem>>, vector<16xi32>,
      tpu.vector_store %arg11[%swap3A_262, %swap3A_263], %add3A_260 {strides = array<i32>} : memref<8x128xi32, #tpu.memory_space<vmem>>, vector<16xi32>,
      %get3A_265 = arith.constant 1 : i32
      %get3A_266 = arith.index_cast %get3A_265 : i32 to index
      %get3A_267 = arith.constant 16 : index
      %get3A_268 = tpu.vector_load %arg9[%get3A_266, %get3A_267] {strides = array<i32>} : memref<8x128xi32, #tpu.memory_space<vmem>>, vector<16xi32>,
      %gather3A_269 = tpu.vector_load_idx %arg12[%get3A_268] : memref<10112xi32, #tpu.memory_space<vmem>>[vector<16xi32>], vector<16xi32>,
      %get3A_270 = arith.constant 1 : i32
      %get3A_271 = arith.index_cast %get3A_270 : i32 to index
      %get3A_272 = arith.constant 16 : index
      %get3A_273 = tpu.vector_load %arg10[%get3A_271, %get3A_272] {strides = array<i32>} : memref<8x128xi32, #tpu.memory_space<vmem>>, vector<16xi32>,
      %mul3A_274 = arith.constant 10000 : i32
      %mul3A_275 = vector.broadcast %mul3A_274 : i32 to vector<16xi32>
      %mul3A_276 = arith.muli %get3A_273, %mul3A_275 : vector<16xi32>
      %get3A_277 = arith.constant 1 : i32
      %get3A_278 = arith.index_cast %get3A_277 : i32 to index
      %get3A_279 = arith.constant 16 : index
      %get3A_280 = tpu.vector_load %arg8[%get3A_278, %get3A_279] {strides = array<i32>} : memref<8x128xi32, #tpu.memory_space<vmem>>, vector<16xi32>,
      %add3A_281 = arith.addi %mul3A_276, %get3A_280 : vector<16xi32>
      %mul3A_282 = arith.constant 3 : i32
      %mul3A_283 = vector.broadcast %mul3A_282 : i32 to vector<16xi32>
      %mul3A_284 = arith.muli %add3A_281, %mul3A_283 : vector<16xi32>
      %add3A_285 = arith.addi %mul3A_284, %gather3A_269 : vector<16xi32>
      %swap3A_286 = arith.constant 1 : i32
      %swap3A_287 = arith.index_cast %swap3A_286 : i32 to index
      %swap3A_288 = arith.constant 16 : index
      %swap3A_289 = tpu.vector_load %arg11[%swap3A_287, %swap3A_288] {strides = array<i32>} : memref<8x128xi32, #tpu.memory_space<vmem>>, vector<16xi32>,
      tpu.vector_store %arg11[%swap3A_287, %swap3A_288], %add3A_285 {strides = array<i32>} : memref<8x128xi32, #tpu.memory_space<vmem>>, vector<16xi32>,
      %get3A_290 = arith.constant 1 : i32
      %get3A_291 = arith.index_cast %get3A_290 : i32 to index
      %get3A_292 = arith.constant 32 : index
      %get3A_293 = tpu.vector_load %arg9[%get3A_291, %get3A_292] {strides = array<i32>} : memref<8x128xi32, #tpu.memory_space<vmem>>, vector<16xi32>,
      %gather3A_294 = tpu.vector_load_idx %arg12[%get3A_293] : memref<10112xi32, #tpu.memory_space<vmem>>[vector<16xi32>], vector<16xi32>,
      %get3A_295 = arith.constant 1 : i32
      %get3A_296 = arith.index_cast %get3A_295 : i32 to index
      %get3A_297 = arith.constant 32 : index
      %get3A_298 = tpu.vector_load %arg10[%get3A_296, %get3A_297] {strides = array<i32>} : memref<8x128xi32, #tpu.memory_space<vmem>>, vector<16xi32>,
      %mul3A_299 = arith.constant 10000 : i32
      %mul3A_300 = vector.broadcast %mul3A_299 : i32 to vector<16xi32>
      %mul3A_301 = arith.muli %get3A_298, %mul3A_300 : vector<16xi32>
      %get3A_302 = arith.constant 1 : i32
      %get3A_303 = arith.index_cast %get3A_302 : i32 to index
      %get3A_304 = arith.constant 32 : index
      %get3A_305 = tpu.vector_load %arg8[%get3A_303, %get3A_304] {strides = array<i32>} : memref<8x128xi32, #tpu.memory_space<vmem>>, vector<16xi32>,
      %add3A_306 = arith.addi %mul3A_301, %get3A_305 : vector<16xi32>
      %mul3A_307 = arith.constant 3 : i32
      %mul3A_308 = vector.broadcast %mul3A_307 : i32 to vector<16xi32>
      %mul3A_309 = arith.muli %add3A_306, %mul3A_308 : vector<16xi32>
      %add3A_310 = arith.addi %mul3A_309, %gather3A_294 : vector<16xi32>
      %swap3A_311 = arith.constant 1 : i32
      %swap3A_312 = arith.index_cast %swap3A_311 : i32 to index
      %swap3A_313 = arith.constant 32 : index
      %swap3A_314 = tpu.vector_load %arg11[%swap3A_312, %swap3A_313] {strides = array<i32>} : memref<8x128xi32, #tpu.memory_space<vmem>>, vector<16xi32>,
      tpu.vector_store %arg11[%swap3A_312, %swap3A_313], %add3A_310 {strides = array<i32>} : memref<8x128xi32, #tpu.memory_space<vmem>>, vector<16xi32>,
      %get3A_315 = arith.constant 1 : i32
      %get3A_316 = arith.index_cast %get3A_315 : i32 to index
      %get3A_317 = arith.constant 48 : index
      %get3A_318 = tpu.vector_load %arg9[%get3A_316, %get3A_317] {strides = array<i32>} : memref<8x128xi32, #tpu.memory_space<vmem>>, vector<16xi32>,
      %gather3A_319 = tpu.vector_load_idx %arg12[%get3A_318] : memref<10112xi32, #tpu.memory_space<vmem>>[vector<16xi32>], vector<16xi32>,
      %get3A_320 = arith.constant 1 : i32
      %get3A_321 = arith.index_cast %get3A_320 : i32 to index
      %get3A_322 = arith.constant 48 : index
      %get3A_323 = tpu.vector_load %arg10[%get3A_321, %get3A_322] {strides = array<i32>} : memref<8x128xi32, #tpu.memory_space<vmem>>, vector<16xi32>,
      %mul3A_324 = arith.constant 10000 : i32
      %mul3A_325 = vector.broadcast %mul3A_324 : i32 to vector<16xi32>
      %mul3A_326 = arith.muli %get3A_323, %mul3A_325 : vector<16xi32>
      %get3A_327 = arith.constant 1 : i32
      %get3A_328 = arith.index_cast %get3A_327 : i32 to index
      %get3A_329 = arith.constant 48 : index
      %get3A_330 = tpu.vector_load %arg8[%get3A_328, %get3A_329] {strides = array<i32>} : memref<8x128xi32, #tpu.memory_space<vmem>>, vector<16xi32>,
      %add3A_331 = arith.addi %mul3A_326, %get3A_330 : vector<16xi32>
      %mul3A_332 = arith.constant 3 : i32
      %mul3A_333 = vector.broadcast %mul3A_332 : i32 to vector<16xi32>
      %mul3A_334 = arith.muli %add3A_331, %mul3A_333 : vector<16xi32>
      %add3A_335 = arith.addi %mul3A_334, %gather3A_319 : vector<16xi32>
      %swap3A_336 = arith.constant 1 : i32
      %swap3A_337 = arith.index_cast %swap3A_336 : i32 to index
      %swap3A_338 = arith.constant 48 : index
      %swap3A_339 = tpu.vector_load %arg11[%swap3A_337, %swap3A_338] {strides = array<i32>} : memref<8x128xi32, #tpu.memory_space<vmem>>, vector<16xi32>,
      tpu.vector_store %arg11[%swap3A_337, %swap3A_338], %add3A_335 {strides = array<i32>} : memref<8x128xi32, #tpu.memory_space<vmem>>, vector<16xi32>,
      %get3A_340 = arith.constant 1 : i32
      %get3A_341 = arith.index_cast %get3A_340 : i32 to index
      %get3A_342 = arith.constant 64 : index
      %get3A_343 = tpu.vector_load %arg9[%get3A_341, %get3A_342] {strides = array<i32>} : memref<8x128xi32, #tpu.memory_space<vmem>>, vector<16xi32>,
      %gather3A_344 = tpu.vector_load_idx %arg12[%get3A_343] : memref<10112xi32, #tpu.memory_space<vmem>>[vector<16xi32>], vector<16xi32>,
      %get3A_345 = arith.constant 1 : i32
      %get3A_346 = arith.index_cast %get3A_345 : i32 to index
      %get3A_347 = arith.constant 64 : index
      %get3A_348 = tpu.vector_load %arg10[%get3A_346, %get3A_347] {strides = array<i32>} : memref<8x128xi32, #tpu.memory_space<vmem>>, vector<16xi32>,
      %mul3A_349 = arith.constant 10000 : i32
      %mul3A_350 = vector.broadcast %mul3A_349 : i32 to vector<16xi32>
      %mul3A_351 = arith.muli %get3A_348, %mul3A_350 : vector<16xi32>
      %get3A_352 = arith.constant 1 : i32
      %get3A_353 = arith.index_cast %get3A_352 : i32 to index
      %get3A_354 = arith.constant 64 : index
      %get3A_355 = tpu.vector_load %arg8[%get3A_353, %get3A_354] {strides = array<i32>} : memref<8x128xi32, #tpu.memory_space<vmem>>, vector<16xi32>,
      %add3A_356 = arith.addi %mul3A_351, %get3A_355 : vector<16xi32>
      %mul3A_357 = arith.constant 3 : i32
      %mul3A_358 = vector.broadcast %mul3A_357 : i32 to vector<16xi32>
      %mul3A_359 = arith.muli %add3A_356, %mul3A_358 : vector<16xi32>
      %add3A_360 = arith.addi %mul3A_359, %gather3A_344 : vector<16xi32>
      %swap3A_361 = arith.constant 1 : i32
      %swap3A_362 = arith.index_cast %swap3A_361 : i32 to index
      %swap3A_363 = arith.constant 64 : index
      %swap3A_364 = tpu.vector_load %arg11[%swap3A_362, %swap3A_363] {strides = array<i32>} : memref<8x128xi32, #tpu.memory_space<vmem>>, vector<16xi32>,
      tpu.vector_store %arg11[%swap3A_362, %swap3A_363], %add3A_360 {strides = array<i32>} : memref<8x128xi32, #tpu.memory_space<vmem>>, vector<16xi32>,
      %get3A_365 = arith.constant 1 : i32
      %get3A_366 = arith.index_cast %get3A_365 : i32 to index
      %get3A_367 = arith.constant 80 : index
      %get3A_368 = tpu.vector_load %arg9[%get3A_366, %get3A_367] {strides = array<i32>} : memref<8x128xi32, #tpu.memory_space<vmem>>, vector<16xi32>,
      %gather3A_369 = tpu.vector_load_idx %arg12[%get3A_368] : memref<10112xi32, #tpu.memory_space<vmem>>[vector<16xi32>], vector<16xi32>,
      %get3A_370 = arith.constant 1 : i32
      %get3A_371 = arith.index_cast %get3A_370 : i32 to index
      %get3A_372 = arith.constant 80 : index
      %get3A_373 = tpu.vector_load %arg10[%get3A_371, %get3A_372] {strides = array<i32>} : memref<8x128xi32, #tpu.memory_space<vmem>>, vector<16xi32>,
      %mul3A_374 = arith.constant 10000 : i32
      %mul3A_375 = vector.broadcast %mul3A_374 : i32 to vector<16xi32>
      %mul3A_376 = arith.muli %get3A_373, %mul3A_375 : vector<16xi32>
      %get3A_377 = arith.constant 1 : i32
      %get3A_378 = arith.index_cast %get3A_377 : i32 to index
      %get3A_379 = arith.constant 80 : index
      %get3A_380 = tpu.vector_load %arg8[%get3A_378, %get3A_379] {strides = array<i32>} : memref<8x128xi32, #tpu.memory_space<vmem>>, vector<16xi32>,
      %add3A_381 = arith.addi %mul3A_376, %get3A_380 : vector<16xi32>
      %mul3A_382 = arith.constant 3 : i32
      %mul3A_383 = vector.broadcast %mul3A_382 : i32 to vector<16xi32>
      %mul3A_384 = arith.muli %add3A_381, %mul3A_383 : vector<16xi32>
      %add3A_385 = arith.addi %mul3A_384, %gather3A_369 : vector<16xi32>
      %swap3A_386 = arith.constant 1 : i32
      %swap3A_387 = arith.index_cast %swap3A_386 : i32 to index
      %swap3A_388 = arith.constant 80 : index
      %swap3A_389 = tpu.vector_load %arg11[%swap3A_387, %swap3A_388] {strides = array<i32>} : memref<8x128xi32, #tpu.memory_space<vmem>>, vector<16xi32>,
      tpu.vector_store %arg11[%swap3A_387, %swap3A_388], %add3A_385 {strides = array<i32>} : memref<8x128xi32, #tpu.memory_space<vmem>>, vector<16xi32>,
      %get3A_390 = arith.constant 1 : i32
      %get3A_391 = arith.index_cast %get3A_390 : i32 to index
      %get3A_392 = arith.constant 96 : index
      %get3A_393 = tpu.vector_load %arg9[%get3A_391, %get3A_392] {strides = array<i32>} : memref<8x128xi32, #tpu.memory_space<vmem>>, vector<16xi32>,
      %gather3A_394 = tpu.vector_load_idx %arg12[%get3A_393] : memref<10112xi32, #tpu.memory_space<vmem>>[vector<16xi32>], vector<16xi32>,
      %get3A_395 = arith.constant 1 : i32
      %get3A_396 = arith.index_cast %get3A_395 : i32 to index
      %get3A_397 = arith.constant 96 : index
      %get3A_398 = tpu.vector_load %arg10[%get3A_396, %get3A_397] {strides = array<i32>} : memref<8x128xi32, #tpu.memory_space<vmem>>, vector<16xi32>,
      %mul3A_399 = arith.constant 10000 : i32
      %mul3A_400 = vector.broadcast %mul3A_399 : i32 to vector<16xi32>
      %mul3A_401 = arith.muli %get3A_398, %mul3A_400 : vector<16xi32>
      %get3A_402 = arith.constant 1 : i32
      %get3A_403 = arith.index_cast %get3A_402 : i32 to index
      %get3A_404 = arith.constant 96 : index
      %get3A_405 = tpu.vector_load %arg8[%get3A_403, %get3A_404] {strides = array<i32>} : memref<8x128xi32, #tpu.memory_space<vmem>>, vector<16xi32>,
      %add3A_406 = arith.addi %mul3A_401, %get3A_405 : vector<16xi32>
      %mul3A_407 = arith.constant 3 : i32
      %mul3A_408 = vector.broadcast %mul3A_407 : i32 to vector<16xi32>
      %mul3A_409 = arith.muli %add3A_406, %mul3A_408 : vector<16xi32>
      %add3A_410 = arith.addi %mul3A_409, %gather3A_394 : vector<16xi32>
      %swap3A_411 = arith.constant 1 : i32
      %swap3A_412 = arith.index_cast %swap3A_411 : i32 to index
      %swap3A_413 = arith.constant 96 : index
      %swap3A_414 = tpu.vector_load %arg11[%swap3A_412, %swap3A_413] {strides = array<i32>} : memref<8x128xi32, #tpu.memory_space<vmem>>, vector<16xi32>,
      tpu.vector_store %arg11[%swap3A_412, %swap3A_413], %add3A_410 {strides = array<i32>} : memref<8x128xi32, #tpu.memory_space<vmem>>, vector<16xi32>,
      %get3A_415 = arith.constant 1 : i32
      %get3A_416 = arith.index_cast %get3A_415 : i32 to index
      %get3A_417 = arith.constant 112 : index
      %get3A_418 = tpu.vector_load %arg9[%get3A_416, %get3A_417] {strides = array<i32>} : memref<8x128xi32, #tpu.memory_space<vmem>>, vector<16xi32>,
      %gather3A_419 = tpu.vector_load_idx %arg12[%get3A_418] : memref<10112xi32, #tpu.memory_space<vmem>>[vector<16xi32>], vector<16xi32>,
      %get3A_420 = arith.constant 1 : i32
      %get3A_421 = arith.index_cast %get3A_420 : i32 to index
      %get3A_422 = arith.constant 112 : index
      %get3A_423 = tpu.vector_load %arg10[%get3A_421, %get3A_422] {strides = array<i32>} : memref<8x128xi32, #tpu.memory_space<vmem>>, vector<16xi32>,
      %mul3A_424 = arith.constant 10000 : i32
      %mul3A_425 = vector.broadcast %mul3A_424 : i32 to vector<16xi32>
      %mul3A_426 = arith.muli %get3A_423, %mul3A_425 : vector<16xi32>
      %get3A_427 = arith.constant 1 : i32
      %get3A_428 = arith.index_cast %get3A_427 : i32 to index
      %get3A_429 = arith.constant 112 : index
      %get3A_430 = tpu.vector_load %arg8[%get3A_428, %get3A_429] {strides = array<i32>} : memref<8x128xi32, #tpu.memory_space<vmem>>, vector<16xi32>,
      %add3A_431 = arith.addi %mul3A_426, %get3A_430 : vector<16xi32>
      %mul3A_432 = arith.constant 3 : i32
      %mul3A_433 = vector.broadcast %mul3A_432 : i32 to vector<16xi32>
      %mul3A_434 = arith.muli %add3A_431, %mul3A_433 : vector<16xi32>
      %add3A_435 = arith.addi %mul3A_434, %gather3A_419 : vector<16xi32>
      %swap3A_436 = arith.constant 1 : i32
      %swap3A_437 = arith.index_cast %swap3A_436 : i32 to index
      %swap3A_438 = arith.constant 112 : index
      %swap3A_439 = tpu.vector_load %arg11[%swap3A_437, %swap3A_438] {strides = array<i32>} : memref<8x128xi32, #tpu.memory_space<vmem>>, vector<16xi32>,
      tpu.vector_store %arg11[%swap3A_437, %swap3A_438], %add3A_435 {strides = array<i32>} : memref<8x128xi32, #tpu.memory_space<vmem>>, vector<16xi32>,
      %get3A_440 = arith.constant 2 : i32
      %get3A_441 = arith.index_cast %get3A_440 : i32 to index
      %get3A_442 = arith.constant 0 : index
      %get3A_443 = tpu.vector_load %arg9[%get3A_441, %get3A_442] {strides = array<i32>} : memref<8x128xi32, #tpu.memory_space<vmem>>, vector<16xi32>,
      %gather3A_444 = tpu.vector_load_idx %arg12[%get3A_443] : memref<10112xi32, #tpu.memory_space<vmem>>[vector<16xi32>], vector<16xi32>,
      %get3A_445 = arith.constant 2 : i32
      %get3A_446 = arith.index_cast %get3A_445 : i32 to index
      %get3A_447 = arith.constant 0 : index
      %get3A_448 = tpu.vector_load %arg10[%get3A_446, %get3A_447] {strides = array<i32>} : memref<8x128xi32, #tpu.memory_space<vmem>>, vector<16xi32>,
      %mul3A_449 = arith.constant 10000 : i32
      %mul3A_450 = vector.broadcast %mul3A_449 : i32 to vector<16xi32>
      %mul3A_451 = arith.muli %get3A_448, %mul3A_450 : vector<16xi32>
      %get3A_452 = arith.constant 2 : i32
      %get3A_453 = arith.index_cast %get3A_452 : i32 to index
      %get3A_454 = arith.constant 0 : index
      %get3A_455 = tpu.vector_load %arg8[%get3A_453, %get3A_454] {strides = array<i32>} : memref<8x128xi32, #tpu.memory_space<vmem>>, vector<16xi32>,
      %add3A_456 = arith.addi %mul3A_451, %get3A_455 : vector<16xi32>
      %mul3A_457 = arith.constant 3 : i32
      %mul3A_458 = vector.broadcast %mul3A_457 : i32 to vector<16xi32>
      %mul3A_459 = arith.muli %add3A_456, %mul3A_458 : vector<16xi32>
      %add3A_460 = arith.addi %mul3A_459, %gather3A_444 : vector<16xi32>
      %swap3A_461 = arith.constant 2 : i32
      %swap3A_462 = arith.index_cast %swap3A_461 : i32 to index
      %swap3A_463 = arith.constant 0 : index
      %swap3A_464 = tpu.vector_load %arg11[%swap3A_462, %swap3A_463] {strides = array<i32>} : memref<8x128xi32, #tpu.memory_space<vmem>>, vector<16xi32>,
      tpu.vector_store %arg11[%swap3A_462, %swap3A_463], %add3A_460 {strides = array<i32>} : memref<8x128xi32, #tpu.memory_space<vmem>>, vector<16xi32>,
      %get3A_465 = arith.constant 2 : i32
      %get3A_466 = arith.index_cast %get3A_465 : i32 to index
      %get3A_467 = arith.constant 16 : index
      %get3A_468 = tpu.vector_load %arg9[%get3A_466, %get3A_467] {strides = array<i32>} : memref<8x128xi32, #tpu.memory_space<vmem>>, vector<16xi32>,
      %gather3A_469 = tpu.vector_load_idx %arg12[%get3A_468] : memref<10112xi32, #tpu.memory_space<vmem>>[vector<16xi32>], vector<16xi32>,
      %get3A_470 = arith.constant 2 : i32
      %get3A_471 = arith.index_cast %get3A_470 : i32 to index
      %get3A_472 = arith.constant 16 : index
      %get3A_473 = tpu.vector_load %arg10[%get3A_471, %get3A_472] {strides = array<i32>} : memref<8x128xi32, #tpu.memory_space<vmem>>, vector<16xi32>,
      %mul3A_474 = arith.constant 10000 : i32
      %mul3A_475 = vector.broadcast %mul3A_474 : i32 to vector<16xi32>
      %mul3A_476 = arith.muli %get3A_473, %mul3A_475 : vector<16xi32>
      %get3A_477 = arith.constant 2 : i32
      %get3A_478 = arith.index_cast %get3A_477 : i32 to index
      %get3A_479 = arith.constant 16 : index
      %get3A_480 = tpu.vector_load %arg8[%get3A_478, %get3A_479] {strides = array<i32>} : memref<8x128xi32, #tpu.memory_space<vmem>>, vector<16xi32>,
      %add3A_481 = arith.addi %mul3A_476, %get3A_480 : vector<16xi32>
      %mul3A_482 = arith.constant 3 : i32
      %mul3A_483 = vector.broadcast %mul3A_482 : i32 to vector<16xi32>
      %mul3A_484 = arith.muli %add3A_481, %mul3A_483 : vector<16xi32>
      %add3A_485 = arith.addi %mul3A_484, %gather3A_469 : vector<16xi32>
      %swap3A_486 = arith.constant 2 : i32
      %swap3A_487 = arith.index_cast %swap3A_486 : i32 to index
      %swap3A_488 = arith.constant 16 : index
      %swap3A_489 = tpu.vector_load %arg11[%swap3A_487, %swap3A_488] {strides = array<i32>} : memref<8x128xi32, #tpu.memory_space<vmem>>, vector<16xi32>,
      tpu.vector_store %arg11[%swap3A_487, %swap3A_488], %add3A_485 {strides = array<i32>} : memref<8x128xi32, #tpu.memory_space<vmem>>, vector<16xi32>,
      %get3A_490 = arith.constant 2 : i32
      %get3A_491 = arith.index_cast %get3A_490 : i32 to index
      %get3A_492 = arith.constant 32 : index
      %get3A_493 = tpu.vector_load %arg9[%get3A_491, %get3A_492] {strides = array<i32>} : memref<8x128xi32, #tpu.memory_space<vmem>>, vector<16xi32>,
      %gather3A_494 = tpu.vector_load_idx %arg12[%get3A_493] : memref<10112xi32, #tpu.memory_space<vmem>>[vector<16xi32>], vector<16xi32>,
      %get3A_495 = arith.constant 2 : i32
      %get3A_496 = arith.index_cast %get3A_495 : i32 to index
      %get3A_497 = arith.constant 32 : index
      %get3A_498 = tpu.vector_load %arg10[%get3A_496, %get3A_497] {strides = array<i32>} : memref<8x128xi32, #tpu.memory_space<vmem>>, vector<16xi32>,
      %mul3A_499 = arith.constant 10000 : i32
      %mul3A_500 = vector.broadcast %mul3A_499 : i32 to vector<16xi32>
      %mul3A_501 = arith.muli %get3A_498, %mul3A_500 : vector<16xi32>
      %get3A_502 = arith.constant 2 : i32
      %get3A_503 = arith.index_cast %get3A_502 : i32 to index
      %get3A_504 = arith.constant 32 : index
      %get3A_505 = tpu.vector_load %arg8[%get3A_503, %get3A_504] {strides = array<i32>} : memref<8x128xi32, #tpu.memory_space<vmem>>, vector<16xi32>,
      %add3A_506 = arith.addi %mul3A_501, %get3A_505 : vector<16xi32>
      %mul3A_507 = arith.constant 3 : i32
      %mul3A_508 = vector.broadcast %mul3A_507 : i32 to vector<16xi32>
      %mul3A_509 = arith.muli %add3A_506, %mul3A_508 : vector<16xi32>
      %add3A_510 = arith.addi %mul3A_509, %gather3A_494 : vector<16xi32>
      %swap3A_511 = arith.constant 2 : i32
      %swap3A_512 = arith.index_cast %swap3A_511 : i32 to index
      %swap3A_513 = arith.constant 32 : index
      %swap3A_514 = tpu.vector_load %arg11[%swap3A_512, %swap3A_513] {strides = array<i32>} : memref<8x128xi32, #tpu.memory_space<vmem>>, vector<16xi32>,
      tpu.vector_store %arg11[%swap3A_512, %swap3A_513], %add3A_510 {strides = array<i32>} : memref<8x128xi32, #tpu.memory_space<vmem>>, vector<16xi32>,
      %get3A_515 = arith.constant 2 : i32
      %get3A_516 = arith.index_cast %get3A_515 : i32 to index
      %get3A_517 = arith.constant 48 : index
      %get3A_518 = tpu.vector_load %arg9[%get3A_516, %get3A_517] {strides = array<i32>} : memref<8x128xi32, #tpu.memory_space<vmem>>, vector<16xi32>,
      %gather3A_519 = tpu.vector_load_idx %arg12[%get3A_518] : memref<10112xi32, #tpu.memory_space<vmem>>[vector<16xi32>], vector<16xi32>,
      %get3A_520 = arith.constant 2 : i32
      %get3A_521 = arith.index_cast %get3A_520 : i32 to index
      %get3A_522 = arith.constant 48 : index
      %get3A_523 = tpu.vector_load %arg10[%get3A_521, %get3A_522] {strides = array<i32>} : memref<8x128xi32, #tpu.memory_space<vmem>>, vector<16xi32>,
      %mul3A_524 = arith.constant 10000 : i32
      %mul3A_525 = vector.broadcast %mul3A_524 : i32 to vector<16xi32>
      %mul3A_526 = arith.muli %get3A_523, %mul3A_525 : vector<16xi32>
      %get3A_527 = arith.constant 2 : i32
      %get3A_528 = arith.index_cast %get3A_527 : i32 to index
      %get3A_529 = arith.constant 48 : index
      %get3A_530 = tpu.vector_load %arg8[%get3A_528, %get3A_529] {strides = array<i32>} : memref<8x128xi32, #tpu.memory_space<vmem>>, vector<16xi32>,
      %add3A_531 = arith.addi %mul3A_526, %get3A_530 : vector<16xi32>
      %mul3A_532 = arith.constant 3 : i32
      %mul3A_533 = vector.broadcast %mul3A_532 : i32 to vector<16xi32>
      %mul3A_534 = arith.muli %add3A_531, %mul3A_533 : vector<16xi32>
      %add3A_535 = arith.addi %mul3A_534, %gather3A_519 : vector<16xi32>
      %swap3A_536 = arith.constant 2 : i32
      %swap3A_537 = arith.index_cast %swap3A_536 : i32 to index
      %swap3A_538 = arith.constant 48 : index
      %swap3A_539 = tpu.vector_load %arg11[%swap3A_537, %swap3A_538] {strides = array<i32>} : memref<8x128xi32, #tpu.memory_space<vmem>>, vector<16xi32>,
      tpu.vector_store %arg11[%swap3A_537, %swap3A_538], %add3A_535 {strides = array<i32>} : memref<8x128xi32, #tpu.memory_space<vmem>>, vector<16xi32>,
      %get3A_540 = arith.constant 2 : i32
      %get3A_541 = arith.index_cast %get3A_540 : i32 to index
      %get3A_542 = arith.constant 64 : index
      %get3A_543 = tpu.vector_load %arg9[%get3A_541, %get3A_542] {strides = array<i32>} : memref<8x128xi32, #tpu.memory_space<vmem>>, vector<16xi32>,
      %gather3A_544 = tpu.vector_load_idx %arg12[%get3A_543] : memref<10112xi32, #tpu.memory_space<vmem>>[vector<16xi32>], vector<16xi32>,
      %get3A_545 = arith.constant 2 : i32
      %get3A_546 = arith.index_cast %get3A_545 : i32 to index
      %get3A_547 = arith.constant 64 : index
      %get3A_548 = tpu.vector_load %arg10[%get3A_546, %get3A_547] {strides = array<i32>} : memref<8x128xi32, #tpu.memory_space<vmem>>, vector<16xi32>,
      %mul3A_549 = arith.constant 10000 : i32
      %mul3A_550 = vector.broadcast %mul3A_549 : i32 to vector<16xi32>
      %mul3A_551 = arith.muli %get3A_548, %mul3A_550 : vector<16xi32>
      %get3A_552 = arith.constant 2 : i32
      %get3A_553 = arith.index_cast %get3A_552 : i32 to index
      %get3A_554 = arith.constant 64 : index
      %get3A_555 = tpu.vector_load %arg8[%get3A_553, %get3A_554] {strides = array<i32>} : memref<8x128xi32, #tpu.memory_space<vmem>>, vector<16xi32>,
      %add3A_556 = arith.addi %mul3A_551, %get3A_555 : vector<16xi32>
      %mul3A_557 = arith.constant 3 : i32
      %mul3A_558 = vector.broadcast %mul3A_557 : i32 to vector<16xi32>
      %mul3A_559 = arith.muli %add3A_556, %mul3A_558 : vector<16xi32>
      %add3A_560 = arith.addi %mul3A_559, %gather3A_544 : vector<16xi32>
      %swap3A_561 = arith.constant 2 : i32
      %swap3A_562 = arith.index_cast %swap3A_561 : i32 to index
      %swap3A_563 = arith.constant 64 : index
      %swap3A_564 = tpu.vector_load %arg11[%swap3A_562, %swap3A_563] {strides = array<i32>} : memref<8x128xi32, #tpu.memory_space<vmem>>, vector<16xi32>,
      tpu.vector_store %arg11[%swap3A_562, %swap3A_563], %add3A_560 {strides = array<i32>} : memref<8x128xi32, #tpu.memory_space<vmem>>, vector<16xi32>,
      %get3A_565 = arith.constant 2 : i32
      %get3A_566 = arith.index_cast %get3A_565 : i32 to index
      %get3A_567 = arith.constant 80 : index
      %get3A_568 = tpu.vector_load %arg9[%get3A_566, %get3A_567] {strides = array<i32>} : memref<8x128xi32, #tpu.memory_space<vmem>>, vector<16xi32>,
      %gather3A_569 = tpu.vector_load_idx %arg12[%get3A_568] : memref<10112xi32, #tpu.memory_space<vmem>>[vector<16xi32>], vector<16xi32>,
      %get3A_570 = arith.constant 2 : i32
      %get3A_571 = arith.index_cast %get3A_570 : i32 to index
      %get3A_572 = arith.constant 80 : index
      %get3A_573 = tpu.vector_load %arg10[%get3A_571, %get3A_572] {strides = array<i32>} : memref<8x128xi32, #tpu.memory_space<vmem>>, vector<16xi32>,
      %mul3A_574 = arith.constant 10000 : i32
      %mul3A_575 = vector.broadcast %mul3A_574 : i32 to vector<16xi32>
      %mul3A_576 = arith.muli %get3A_573, %mul3A_575 : vector<16xi32>
      %get3A_577 = arith.constant 2 : i32
      %get3A_578 = arith.index_cast %get3A_577 : i32 to index
      %get3A_579 = arith.constant 80 : index
      %get3A_580 = tpu.vector_load %arg8[%get3A_578, %get3A_579] {strides = array<i32>} : memref<8x128xi32, #tpu.memory_space<vmem>>, vector<16xi32>,
      %add3A_581 = arith.addi %mul3A_576, %get3A_580 : vector<16xi32>
      %mul3A_582 = arith.constant 3 : i32
      %mul3A_583 = vector.broadcast %mul3A_582 : i32 to vector<16xi32>
      %mul3A_584 = arith.muli %add3A_581, %mul3A_583 : vector<16xi32>
      %add3A_585 = arith.addi %mul3A_584, %gather3A_569 : vector<16xi32>
      %swap3A_586 = arith.constant 2 : i32
      %swap3A_587 = arith.index_cast %swap3A_586 : i32 to index
      %swap3A_588 = arith.constant 80 : index
      %swap3A_589 = tpu.vector_load %arg11[%swap3A_587, %swap3A_588] {strides = array<i32>} : memref<8x128xi32, #tpu.memory_space<vmem>>, vector<16xi32>,
      tpu.vector_store %arg11[%swap3A_587, %swap3A_588], %add3A_585 {strides = array<i32>} : memref<8x128xi32, #tpu.memory_space<vmem>>, vector<16xi32>,
      %get3A_590 = arith.constant 2 : i32
      %get3A_591 = arith.index_cast %get3A_590 : i32 to index
      %get3A_592 = arith.constant 96 : index
      %get3A_593 = tpu.vector_load %arg9[%get3A_591, %get3A_592] {strides = array<i32>} : memref<8x128xi32, #tpu.memory_space<vmem>>, vector<16xi32>,
      %gather3A_594 = tpu.vector_load_idx %arg12[%get3A_593] : memref<10112xi32, #tpu.memory_space<vmem>>[vector<16xi32>], vector<16xi32>,
      %get3A_595 = arith.constant 2 : i32
      %get3A_596 = arith.index_cast %get3A_595 : i32 to index
      %get3A_597 = arith.constant 96 : index
      %get3A_598 = tpu.vector_load %arg10[%get3A_596, %get3A_597] {strides = array<i32>} : memref<8x128xi32, #tpu.memory_space<vmem>>, vector<16xi32>,
      %mul3A_599 = arith.constant 10000 : i32
      %mul3A_600 = vector.broadcast %mul3A_599 : i32 to vector<16xi32>
      %mul3A_601 = arith.muli %get3A_598, %mul3A_600 : vector<16xi32>
      %get3A_602 = arith.constant 2 : i32
      %get3A_603 = arith.index_cast %get3A_602 : i32 to index
      %get3A_604 = arith.constant 96 : index
      %get3A_605 = tpu.vector_load %arg8[%get3A_603, %get3A_604] {strides = array<i32>} : memref<8x128xi32, #tpu.memory_space<vmem>>, vector<16xi32>,
      %add3A_606 = arith.addi %mul3A_601, %get3A_605 : vector<16xi32>
      %mul3A_607 = arith.constant 3 : i32
      %mul3A_608 = vector.broadcast %mul3A_607 : i32 to vector<16xi32>
      %mul3A_609 = arith.muli %add3A_606, %mul3A_608 : vector<16xi32>
      %add3A_610 = arith.addi %mul3A_609, %gather3A_594 : vector<16xi32>
      %swap3A_611 = arith.constant 2 : i32
      %swap3A_612 = arith.index_cast %swap3A_611 : i32 to index
      %swap3A_613 = arith.constant 96 : index
      %swap3A_614 = tpu.vector_load %arg11[%swap3A_612, %swap3A_613] {strides = array<i32>} : memref<8x128xi32, #tpu.memory_space<vmem>>, vector<16xi32>,
      tpu.vector_store %arg11[%swap3A_612, %swap3A_613], %add3A_610 {strides = array<i32>} : memref<8x128xi32, #tpu.memory_space<vmem>>, vector<16xi32>,
      %get3A_615 = arith.constant 2 : i32
      %get3A_616 = arith.index_cast %get3A_615 : i32 to index
      %get3A_617 = arith.constant 112 : index
      %get3A_618 = tpu.vector_load %arg9[%get3A_616, %get3A_617] {strides = array<i32>} : memref<8x128xi32, #tpu.memory_space<vmem>>, vector<16xi32>,
      %gather3A_619 = tpu.vector_load_idx %arg12[%get3A_618] : memref<10112xi32, #tpu.memory_space<vmem>>[vector<16xi32>], vector<16xi32>,
      %get3A_620 = arith.constant 2 : i32
      %get3A_621 = arith.index_cast %get3A_620 : i32 to index
      %get3A_622 = arith.constant 112 : index
      %get3A_623 = tpu.vector_load %arg10[%get3A_621, %get3A_622] {strides = array<i32>} : memref<8x128xi32, #tpu.memory_space<vmem>>, vector<16xi32>,
      %mul3A_624 = arith.constant 10000 : i32
      %mul3A_625 = vector.broadcast %mul3A_624 : i32 to vector<16xi32>
      %mul3A_626 = arith.muli %get3A_623, %mul3A_625 : vector<16xi32>
      %get3A_627 = arith.constant 2 : i32
      %get3A_628 = arith.index_cast %get3A_627 : i32 to index
      %get3A_629 = arith.constant 112 : index
      %get3A_630 = tpu.vector_load %arg8[%get3A_628, %get3A_629] {strides = array<i32>} : memref<8x128xi32, #tpu.memory_space<vmem>>, vector<16xi32>,
      %add3A_631 = arith.addi %mul3A_626, %get3A_630 : vector<16xi32>
      %mul3A_632 = arith.constant 3 : i32
      %mul3A_633 = vector.broadcast %mul3A_632 : i32 to vector<16xi32>
      %mul3A_634 = arith.muli %add3A_631, %mul3A_633 : vector<16xi32>
      %add3A_635 = arith.addi %mul3A_634, %gather3A_619 : vector<16xi32>
      %swap3A_636 = arith.constant 2 : i32
      %swap3A_637 = arith.index_cast %swap3A_636 : i32 to index
      %swap3A_638 = arith.constant 112 : index
      %swap3A_639 = tpu.vector_load %arg11[%swap3A_637, %swap3A_638] {strides = array<i32>} : memref<8x128xi32, #tpu.memory_space<vmem>>, vector<16xi32>,
      tpu.vector_store %arg11[%swap3A_637, %swap3A_638], %add3A_635 {strides = array<i32>} : memref<8x128xi32, #tpu.memory_space<vmem>>, vector<16xi32>,
      %get3A_640 = arith.constant 3 : i32
      %get3A_641 = arith.index_cast %get3A_640 : i32 to index
      %get3A_642 = arith.constant 0 : index
      %get3A_643 = tpu.vector_load %arg9[%get3A_641, %get3A_642] {strides = array<i32>} : memref<8x128xi32, #tpu.memory_space<vmem>>, vector<16xi32>,
      %gather3A_644 = tpu.vector_load_idx %arg12[%get3A_643] : memref<10112xi32, #tpu.memory_space<vmem>>[vector<16xi32>], vector<16xi32>,
      %get3A_645 = arith.constant 3 : i32
      %get3A_646 = arith.index_cast %get3A_645 : i32 to index
      %get3A_647 = arith.constant 0 : index
      %get3A_648 = tpu.vector_load %arg10[%get3A_646, %get3A_647] {strides = array<i32>} : memref<8x128xi32, #tpu.memory_space<vmem>>, vector<16xi32>,
      %mul3A_649 = arith.constant 10000 : i32
      %mul3A_650 = vector.broadcast %mul3A_649 : i32 to vector<16xi32>
      %mul3A_651 = arith.muli %get3A_648, %mul3A_650 : vector<16xi32>
      %get3A_652 = arith.constant 3 : i32
      %get3A_653 = arith.index_cast %get3A_652 : i32 to index
      %get3A_654 = arith.constant 0 : index
      %get3A_655 = tpu.vector_load %arg8[%get3A_653, %get3A_654] {strides = array<i32>} : memref<8x128xi32, #tpu.memory_space<vmem>>, vector<16xi32>,
      %add3A_656 = arith.addi %mul3A_651, %get3A_655 : vector<16xi32>
      %mul3A_657 = arith.constant 3 : i32
      %mul3A_658 = vector.broadcast %mul3A_657 : i32 to vector<16xi32>
      %mul3A_659 = arith.muli %add3A_656, %mul3A_658 : vector<16xi32>
      %add3A_660 = arith.addi %mul3A_659, %gather3A_644 : vector<16xi32>
      %swap3A_661 = arith.constant 3 : i32
      %swap3A_662 = arith.index_cast %swap3A_661 : i32 to index
      %swap3A_663 = arith.constant 0 : index
      %swap3A_664 = tpu.vector_load %arg11[%swap3A_662, %swap3A_663] {strides = array<i32>} : memref<8x128xi32, #tpu.memory_space<vmem>>, vector<16xi32>,
      tpu.vector_store %arg11[%swap3A_662, %swap3A_663], %add3A_660 {strides = array<i32>} : memref<8x128xi32, #tpu.memory_space<vmem>>, vector<16xi32>,
      %get3A_665 = arith.constant 3 : i32
      %get3A_666 = arith.index_cast %get3A_665 : i32 to index
      %get3A_667 = arith.constant 16 : index
      %get3A_668 = tpu.vector_load %arg9[%get3A_666, %get3A_667] {strides = array<i32>} : memref<8x128xi32, #tpu.memory_space<vmem>>, vector<16xi32>,
      %gather3A_669 = tpu.vector_load_idx %arg12[%get3A_668] : memref<10112xi32, #tpu.memory_space<vmem>>[vector<16xi32>], vector<16xi32>,
      %get3A_670 = arith.constant 3 : i32
      %get3A_671 = arith.index_cast %get3A_670 : i32 to index
      %get3A_672 = arith.constant 16 : index
      %get3A_673 = tpu.vector_load %arg10[%get3A_671, %get3A_672] {strides = array<i32>} : memref<8x128xi32, #tpu.memory_space<vmem>>, vector<16xi32>,
      %mul3A_674 = arith.constant 10000 : i32
      %mul3A_675 = vector.broadcast %mul3A_674 : i32 to vector<16xi32>
      %mul3A_676 = arith.muli %get3A_673, %mul3A_675 : vector<16xi32>
      %get3A_677 = arith.constant 3 : i32
      %get3A_678 = arith.index_cast %get3A_677 : i32 to index
      %get3A_679 = arith.constant 16 : index
      %get3A_680 = tpu.vector_load %arg8[%get3A_678, %get3A_679] {strides = array<i32>} : memref<8x128xi32, #tpu.memory_space<vmem>>, vector<16xi32>,
      %add3A_681 = arith.addi %mul3A_676, %get3A_680 : vector<16xi32>
      %mul3A_682 = arith.constant 3 : i32
      %mul3A_683 = vector.broadcast %mul3A_682 : i32 to vector<16xi32>
      %mul3A_684 = arith.muli %add3A_681, %mul3A_683 : vector<16xi32>
      %add3A_685 = arith.addi %mul3A_684, %gather3A_669 : vector<16xi32>
      %swap3A_686 = arith.constant 3 : i32
      %swap3A_687 = arith.index_cast %swap3A_686 : i32 to index
      %swap3A_688 = arith.constant 16 : index
      %swap3A_689 = tpu.vector_load %arg11[%swap3A_687, %swap3A_688] {strides = array<i32>} : memref<8x128xi32, #tpu.memory_space<vmem>>, vector<16xi32>,
      tpu.vector_store %arg11[%swap3A_687, %swap3A_688], %add3A_685 {strides = array<i32>} : memref<8x128xi32, #tpu.memory_space<vmem>>, vector<16xi32>,
      %get3A_690 = arith.constant 3 : i32
      %get3A_691 = arith.index_cast %get3A_690 : i32 to index
      %get3A_692 = arith.constant 32 : index
      %get3A_693 = tpu.vector_load %arg9[%get3A_691, %get3A_692] {strides = array<i32>} : memref<8x128xi32, #tpu.memory_space<vmem>>, vector<16xi32>,
      %gather3A_694 = tpu.vector_load_idx %arg12[%get3A_693] : memref<10112xi32, #tpu.memory_space<vmem>>[vector<16xi32>], vector<16xi32>,
      %get3A_695 = arith.constant 3 : i32
      %get3A_696 = arith.index_cast %get3A_695 : i32 to index
      %get3A_697 = arith.constant 32 : index
      %get3A_698 = tpu.vector_load %arg10[%get3A_696, %get3A_697] {strides = array<i32>} : memref<8x128xi32, #tpu.memory_space<vmem>>, vector<16xi32>,
      %mul3A_699 = arith.constant 10000 : i32
      %mul3A_700 = vector.broadcast %mul3A_699 : i32 to vector<16xi32>
      %mul3A_701 = arith.muli %get3A_698, %mul3A_700 : vector<16xi32>
      %get3A_702 = arith.constant 3 : i32
      %get3A_703 = arith.index_cast %get3A_702 : i32 to index
      %get3A_704 = arith.constant 32 : index
      %get3A_705 = tpu.vector_load %arg8[%get3A_703, %get3A_704] {strides = array<i32>} : memref<8x128xi32, #tpu.memory_space<vmem>>, vector<16xi32>,
      %add3A_706 = arith.addi %mul3A_701, %get3A_705 : vector<16xi32>
      %mul3A_707 = arith.constant 3 : i32
      %mul3A_708 = vector.broadcast %mul3A_707 : i32 to vector<16xi32>
      %mul3A_709 = arith.muli %add3A_706, %mul3A_708 : vector<16xi32>
      %add3A_710 = arith.addi %mul3A_709, %gather3A_694 : vector<16xi32>
      %swap3A_711 = arith.constant 3 : i32
      %swap3A_712 = arith.index_cast %swap3A_711 : i32 to index
      %swap3A_713 = arith.constant 32 : index
      %swap3A_714 = tpu.vector_load %arg11[%swap3A_712, %swap3A_713] {strides = array<i32>} : memref<8x128xi32, #tpu.memory_space<vmem>>, vector<16xi32>,
      tpu.vector_store %arg11[%swap3A_712, %swap3A_713], %add3A_710 {strides = array<i32>} : memref<8x128xi32, #tpu.memory_space<vmem>>, vector<16xi32>,
      %get3A_715 = arith.constant 3 : i32
      %get3A_716 = arith.index_cast %get3A_715 : i32 to index
      %get3A_717 = arith.constant 48 : index
      %get3A_718 = tpu.vector_load %arg9[%get3A_716, %get3A_717] {strides = array<i32>} : memref<8x128xi32, #tpu.memory_space<vmem>>, vector<16xi32>,
      %gather3A_719 = tpu.vector_load_idx %arg12[%get3A_718] : memref<10112xi32, #tpu.memory_space<vmem>>[vector<16xi32>], vector<16xi32>,
      %get3A_720 = arith.constant 3 : i32
      %get3A_721 = arith.index_cast %get3A_720 : i32 to index
      %get3A_722 = arith.constant 48 : index
      %get3A_723 = tpu.vector_load %arg10[%get3A_721, %get3A_722] {strides = array<i32>} : memref<8x128xi32, #tpu.memory_space<vmem>>, vector<16xi32>,
      %mul3A_724 = arith.constant 10000 : i32
      %mul3A_725 = vector.broadcast %mul3A_724 : i32 to vector<16xi32>
      %mul3A_726 = arith.muli %get3A_723, %mul3A_725 : vector<16xi32>
      %get3A_727 = arith.constant 3 : i32
      %get3A_728 = arith.index_cast %get3A_727 : i32 to index
      %get3A_729 = arith.constant 48 : index
      %get3A_730 = tpu.vector_load %arg8[%get3A_728, %get3A_729] {strides = array<i32>} : memref<8x128xi32, #tpu.memory_space<vmem>>, vector<16xi32>,
      %add3A_731 = arith.addi %mul3A_726, %get3A_730 : vector<16xi32>
      %mul3A_732 = arith.constant 3 : i32
      %mul3A_733 = vector.broadcast %mul3A_732 : i32 to vector<16xi32>
      %mul3A_734 = arith.muli %add3A_731, %mul3A_733 : vector<16xi32>
      %add3A_735 = arith.addi %mul3A_734, %gather3A_719 : vector<16xi32>
      %swap3A_736 = arith.constant 3 : i32
      %swap3A_737 = arith.index_cast %swap3A_736 : i32 to index
      %swap3A_738 = arith.constant 48 : index
      %swap3A_739 = tpu.vector_load %arg11[%swap3A_737, %swap3A_738] {strides = array<i32>} : memref<8x128xi32, #tpu.memory_space<vmem>>, vector<16xi32>,
      tpu.vector_store %arg11[%swap3A_737, %swap3A_738], %add3A_735 {strides = array<i32>} : memref<8x128xi32, #tpu.memory_space<vmem>>, vector<16xi32>,
      %get3A_740 = arith.constant 3 : i32
      %get3A_741 = arith.index_cast %get3A_740 : i32 to index
      %get3A_742 = arith.constant 64 : index
      %get3A_743 = tpu.vector_load %arg9[%get3A_741, %get3A_742] {strides = array<i32>} : memref<8x128xi32, #tpu.memory_space<vmem>>, vector<16xi32>,
      %gather3A_744 = tpu.vector_load_idx %arg12[%get3A_743] : memref<10112xi32, #tpu.memory_space<vmem>>[vector<16xi32>], vector<16xi32>,
      %get3A_745 = arith.constant 3 : i32
      %get3A_746 = arith.index_cast %get3A_745 : i32 to index
      %get3A_747 = arith.constant 64 : index
      %get3A_748 = tpu.vector_load %arg10[%get3A_746, %get3A_747] {strides = array<i32>} : memref<8x128xi32, #tpu.memory_space<vmem>>, vector<16xi32>,
      %mul3A_749 = arith.constant 10000 : i32
      %mul3A_750 = vector.broadcast %mul3A_749 : i32 to vector<16xi32>
      %mul3A_751 = arith.muli %get3A_748, %mul3A_750 : vector<16xi32>
      %get3A_752 = arith.constant 3 : i32
      %get3A_753 = arith.index_cast %get3A_752 : i32 to index
      %get3A_754 = arith.constant 64 : index
      %get3A_755 = tpu.vector_load %arg8[%get3A_753, %get3A_754] {strides = array<i32>} : memref<8x128xi32, #tpu.memory_space<vmem>>, vector<16xi32>,
      %add3A_756 = arith.addi %mul3A_751, %get3A_755 : vector<16xi32>
      %mul3A_757 = arith.constant 3 : i32
      %mul3A_758 = vector.broadcast %mul3A_757 : i32 to vector<16xi32>
      %mul3A_759 = arith.muli %add3A_756, %mul3A_758 : vector<16xi32>
      %add3A_760 = arith.addi %mul3A_759, %gather3A_744 : vector<16xi32>
      %swap3A_761 = arith.constant 3 : i32
      %swap3A_762 = arith.index_cast %swap3A_761 : i32 to index
      %swap3A_763 = arith.constant 64 : index
      %swap3A_764 = tpu.vector_load %arg11[%swap3A_762, %swap3A_763] {strides = array<i32>} : memref<8x128xi32, #tpu.memory_space<vmem>>, vector<16xi32>,
      tpu.vector_store %arg11[%swap3A_762, %swap3A_763], %add3A_760 {strides = array<i32>} : memref<8x128xi32, #tpu.memory_space<vmem>>, vector<16xi32>,
      %get3A_765 = arith.constant 3 : i32
      %get3A_766 = arith.index_cast %get3A_765 : i32 to index
      %get3A_767 = arith.constant 80 : index
      %get3A_768 = tpu.vector_load %arg9[%get3A_766, %get3A_767] {strides = array<i32>} : memref<8x128xi32, #tpu.memory_space<vmem>>, vector<16xi32>,
      %gather3A_769 = tpu.vector_load_idx %arg12[%get3A_768] : memref<10112xi32, #tpu.memory_space<vmem>>[vector<16xi32>], vector<16xi32>,
      %get3A_770 = arith.constant 3 : i32
      %get3A_771 = arith.index_cast %get3A_770 : i32 to index
      %get3A_772 = arith.constant 80 : index
      %get3A_773 = tpu.vector_load %arg10[%get3A_771, %get3A_772] {strides = array<i32>} : memref<8x128xi32, #tpu.memory_space<vmem>>, vector<16xi32>,
      %mul3A_774 = arith.constant 10000 : i32
      %mul3A_775 = vector.broadcast %mul3A_774 : i32 to vector<16xi32>
      %mul3A_776 = arith.muli %get3A_773, %mul3A_775 : vector<16xi32>
      %get3A_777 = arith.constant 3 : i32
      %get3A_778 = arith.index_cast %get3A_777 : i32 to index
      %get3A_779 = arith.constant 80 : index
      %get3A_780 = tpu.vector_load %arg8[%get3A_778, %get3A_779] {strides = array<i32>} : memref<8x128xi32, #tpu.memory_space<vmem>>, vector<16xi32>,
      %add3A_781 = arith.addi %mul3A_776, %get3A_780 : vector<16xi32>
      %mul3A_782 = arith.constant 3 : i32
      %mul3A_783 = vector.broadcast %mul3A_782 : i32 to vector<16xi32>
      %mul3A_784 = arith.muli %add3A_781, %mul3A_783 : vector<16xi32>
      %add3A_785 = arith.addi %mul3A_784, %gather3A_769 : vector<16xi32>
      %swap3A_786 = arith.constant 3 : i32
      %swap3A_787 = arith.index_cast %swap3A_786 : i32 to index
      %swap3A_788 = arith.constant 80 : index
      %swap3A_789 = tpu.vector_load %arg11[%swap3A_787, %swap3A_788] {strides = array<i32>} : memref<8x128xi32, #tpu.memory_space<vmem>>, vector<16xi32>,
      tpu.vector_store %arg11[%swap3A_787, %swap3A_788], %add3A_785 {strides = array<i32>} : memref<8x128xi32, #tpu.memory_space<vmem>>, vector<16xi32>,
      %get3A_790 = arith.constant 3 : i32
      %get3A_791 = arith.index_cast %get3A_790 : i32 to index
      %get3A_792 = arith.constant 96 : index
      %get3A_793 = tpu.vector_load %arg9[%get3A_791, %get3A_792] {strides = array<i32>} : memref<8x128xi32, #tpu.memory_space<vmem>>, vector<16xi32>,
      %gather3A_794 = tpu.vector_load_idx %arg12[%get3A_793] : memref<10112xi32, #tpu.memory_space<vmem>>[vector<16xi32>], vector<16xi32>,
      %get3A_795 = arith.constant 3 : i32
      %get3A_796 = arith.index_cast %get3A_795 : i32 to index
      %get3A_797 = arith.constant 96 : index
      %get3A_798 = tpu.vector_load %arg10[%get3A_796, %get3A_797] {strides = array<i32>} : memref<8x128xi32, #tpu.memory_space<vmem>>, vector<16xi32>,
      %mul3A_799 = arith.constant 10000 : i32
      %mul3A_800 = vector.broadcast %mul3A_799 : i32 to vector<16xi32>
      %mul3A_801 = arith.muli %get3A_798, %mul3A_800 : vector<16xi32>
      %get3A_802 = arith.constant 3 : i32
      %get3A_803 = arith.index_cast %get3A_802 : i32 to index
      %get3A_804 = arith.constant 96 : index
      %get3A_805 = tpu.vector_load %arg8[%get3A_803, %get3A_804] {strides = array<i32>} : memref<8x128xi32, #tpu.memory_space<vmem>>, vector<16xi32>,
      %add3A_806 = arith.addi %mul3A_801, %get3A_805 : vector<16xi32>
      %mul3A_807 = arith.constant 3 : i32
      %mul3A_808 = vector.broadcast %mul3A_807 : i32 to vector<16xi32>
      %mul3A_809 = arith.muli %add3A_806, %mul3A_808 : vector<16xi32>
      %add3A_810 = arith.addi %mul3A_809, %gather3A_794 : vector<16xi32>
      %swap3A_811 = arith.constant 3 : i32
      %swap3A_812 = arith.index_cast %swap3A_811 : i32 to index
      %swap3A_813 = arith.constant 96 : index
      %swap3A_814 = tpu.vector_load %arg11[%swap3A_812, %swap3A_813] {strides = array<i32>} : memref<8x128xi32, #tpu.memory_space<vmem>>, vector<16xi32>,
      tpu.vector_store %arg11[%swap3A_812, %swap3A_813], %add3A_810 {strides = array<i32>} : memref<8x128xi32, #tpu.memory_space<vmem>>, vector<16xi32>,
      %get3A_815 = arith.constant 3 : i32
      %get3A_816 = arith.index_cast %get3A_815 : i32 to index
      %get3A_817 = arith.constant 112 : index
      %get3A_818 = tpu.vector_load %arg9[%get3A_816, %get3A_817] {strides = array<i32>} : memref<8x128xi32, #tpu.memory_space<vmem>>, vector<16xi32>,
      %gather3A_819 = tpu.vector_load_idx %arg12[%get3A_818] : memref<10112xi32, #tpu.memory_space<vmem>>[vector<16xi32>], vector<16xi32>,
      %get3A_820 = arith.constant 3 : i32
      %get3A_821 = arith.index_cast %get3A_820 : i32 to index
      %get3A_822 = arith.constant 112 : index
      %get3A_823 = tpu.vector_load %arg10[%get3A_821, %get3A_822] {strides = array<i32>} : memref<8x128xi32, #tpu.memory_space<vmem>>, vector<16xi32>,
      %mul3A_824 = arith.constant 10000 : i32
      %mul3A_825 = vector.broadcast %mul3A_824 : i32 to vector<16xi32>
      %mul3A_826 = arith.muli %get3A_823, %mul3A_825 : vector<16xi32>
      %get3A_827 = arith.constant 3 : i32
      %get3A_828 = arith.index_cast %get3A_827 : i32 to index
      %get3A_829 = arith.constant 112 : index
      %get3A_830 = tpu.vector_load %arg8[%get3A_828, %get3A_829] {strides = array<i32>} : memref<8x128xi32, #tpu.memory_space<vmem>>, vector<16xi32>,
      %add3A_831 = arith.addi %mul3A_826, %get3A_830 : vector<16xi32>
      %mul3A_832 = arith.constant 3 : i32
      %mul3A_833 = vector.broadcast %mul3A_832 : i32 to vector<16xi32>
      %mul3A_834 = arith.muli %add3A_831, %mul3A_833 : vector<16xi32>
      %add3A_835 = arith.addi %mul3A_834, %gather3A_819 : vector<16xi32>
      %swap3A_836 = arith.constant 3 : i32
      %swap3A_837 = arith.index_cast %swap3A_836 : i32 to index
      %swap3A_838 = arith.constant 112 : index
      %swap3A_839 = tpu.vector_load %arg11[%swap3A_837, %swap3A_838] {strides = array<i32>} : memref<8x128xi32, #tpu.memory_space<vmem>>, vector<16xi32>,
      tpu.vector_store %arg11[%swap3A_837, %swap3A_838], %add3A_835 {strides = array<i32>} : memref<8x128xi32, #tpu.memory_space<vmem>>, vector<16xi32>,
      %get3A_840 = arith.constant 4 : i32
      %get3A_841 = arith.index_cast %get3A_840 : i32 to index
      %get3A_842 = arith.constant 0 : index
      %get3A_843 = tpu.vector_load %arg9[%get3A_841, %get3A_842] {strides = array<i32>} : memref<8x128xi32, #tpu.memory_space<vmem>>, vector<16xi32>,
      %gather3A_844 = tpu.vector_load_idx %arg12[%get3A_843] : memref<10112xi32, #tpu.memory_space<vmem>>[vector<16xi32>], vector<16xi32>,
      %get3A_845 = arith.constant 4 : i32
      %get3A_846 = arith.index_cast %get3A_845 : i32 to index
      %get3A_847 = arith.constant 0 : index
      %get3A_848 = tpu.vector_load %arg10[%get3A_846, %get3A_847] {strides = array<i32>} : memref<8x128xi32, #tpu.memory_space<vmem>>, vector<16xi32>,
      %mul3A_849 = arith.constant 10000 : i32
      %mul3A_850 = vector.broadcast %mul3A_849 : i32 to vector<16xi32>
      %mul3A_851 = arith.muli %get3A_848, %mul3A_850 : vector<16xi32>
      %get3A_852 = arith.constant 4 : i32
      %get3A_853 = arith.index_cast %get3A_852 : i32 to index
      %get3A_854 = arith.constant 0 : index
      %get3A_855 = tpu.vector_load %arg8[%get3A_853, %get3A_854] {strides = array<i32>} : memref<8x128xi32, #tpu.memory_space<vmem>>, vector<16xi32>,
      %add3A_856 = arith.addi %mul3A_851, %get3A_855 : vector<16xi32>
      %mul3A_857 = arith.constant 3 : i32
      %mul3A_858 = vector.broadcast %mul3A_857 : i32 to vector<16xi32>
      %mul3A_859 = arith.muli %add3A_856, %mul3A_858 : vector<16xi32>
      %add3A_860 = arith.addi %mul3A_859, %gather3A_844 : vector<16xi32>
      %swap3A_861 = arith.constant 4 : i32
      %swap3A_862 = arith.index_cast %swap3A_861 : i32 to index
      %swap3A_863 = arith.constant 0 : index
      %swap3A_864 = tpu.vector_load %arg11[%swap3A_862, %swap3A_863] {strides = array<i32>} : memref<8x128xi32, #tpu.memory_space<vmem>>, vector<16xi32>,
      tpu.vector_store %arg11[%swap3A_862, %swap3A_863], %add3A_860 {strides = array<i32>} : memref<8x128xi32, #tpu.memory_space<vmem>>, vector<16xi32>,
      %get3A_865 = arith.constant 4 : i32
      %get3A_866 = arith.index_cast %get3A_865 : i32 to index
      %get3A_867 = arith.constant 16 : index
      %get3A_868 = tpu.vector_load %arg9[%get3A_866, %get3A_867] {strides = array<i32>} : memref<8x128xi32, #tpu.memory_space<vmem>>, vector<16xi32>,
      %gather3A_869 = tpu.vector_load_idx %arg12[%get3A_868] : memref<10112xi32, #tpu.memory_space<vmem>>[vector<16xi32>], vector<16xi32>,
      %get3A_870 = arith.constant 4 : i32
      %get3A_871 = arith.index_cast %get3A_870 : i32 to index
      %get3A_872 = arith.constant 16 : index
      %get3A_873 = tpu.vector_load %arg10[%get3A_871, %get3A_872] {strides = array<i32>} : memref<8x128xi32, #tpu.memory_space<vmem>>, vector<16xi32>,
      %mul3A_874 = arith.constant 10000 : i32
      %mul3A_875 = vector.broadcast %mul3A_874 : i32 to vector<16xi32>
      %mul3A_876 = arith.muli %get3A_873, %mul3A_875 : vector<16xi32>
      %get3A_877 = arith.constant 4 : i32
      %get3A_878 = arith.index_cast %get3A_877 : i32 to index
      %get3A_879 = arith.constant 16 : index
      %get3A_880 = tpu.vector_load %arg8[%get3A_878, %get3A_879] {strides = array<i32>} : memref<8x128xi32, #tpu.memory_space<vmem>>, vector<16xi32>,
      %add3A_881 = arith.addi %mul3A_876, %get3A_880 : vector<16xi32>
      %mul3A_882 = arith.constant 3 : i32
      %mul3A_883 = vector.broadcast %mul3A_882 : i32 to vector<16xi32>
      %mul3A_884 = arith.muli %add3A_881, %mul3A_883 : vector<16xi32>
      %add3A_885 = arith.addi %mul3A_884, %gather3A_869 : vector<16xi32>
      %swap3A_886 = arith.constant 4 : i32
      %swap3A_887 = arith.index_cast %swap3A_886 : i32 to index
      %swap3A_888 = arith.constant 16 : index
      %swap3A_889 = tpu.vector_load %arg11[%swap3A_887, %swap3A_888] {strides = array<i32>} : memref<8x128xi32, #tpu.memory_space<vmem>>, vector<16xi32>,
      tpu.vector_store %arg11[%swap3A_887, %swap3A_888], %add3A_885 {strides = array<i32>} : memref<8x128xi32, #tpu.memory_space<vmem>>, vector<16xi32>,
      %get3A_890 = arith.constant 4 : i32
      %get3A_891 = arith.index_cast %get3A_890 : i32 to index
      %get3A_892 = arith.constant 32 : index
      %get3A_893 = tpu.vector_load %arg9[%get3A_891, %get3A_892] {strides = array<i32>} : memref<8x128xi32, #tpu.memory_space<vmem>>, vector<16xi32>,
      %gather3A_894 = tpu.vector_load_idx %arg12[%get3A_893] : memref<10112xi32, #tpu.memory_space<vmem>>[vector<16xi32>], vector<16xi32>,
      %get3A_895 = arith.constant 4 : i32
      %get3A_896 = arith.index_cast %get3A_895 : i32 to index
      %get3A_897 = arith.constant 32 : index
      %get3A_898 = tpu.vector_load %arg10[%get3A_896, %get3A_897] {strides = array<i32>} : memref<8x128xi32, #tpu.memory_space<vmem>>, vector<16xi32>,
      %mul3A_899 = arith.constant 10000 : i32
      %mul3A_900 = vector.broadcast %mul3A_899 : i32 to vector<16xi32>
      %mul3A_901 = arith.muli %get3A_898, %mul3A_900 : vector<16xi32>
      %get3A_902 = arith.constant 4 : i32
      %get3A_903 = arith.index_cast %get3A_902 : i32 to index
      %get3A_904 = arith.constant 32 : index
      %get3A_905 = tpu.vector_load %arg8[%get3A_903, %get3A_904] {strides = array<i32>} : memref<8x128xi32, #tpu.memory_space<vmem>>, vector<16xi32>,
      %add3A_906 = arith.addi %mul3A_901, %get3A_905 : vector<16xi32>
      %mul3A_907 = arith.constant 3 : i32
      %mul3A_908 = vector.broadcast %mul3A_907 : i32 to vector<16xi32>
      %mul3A_909 = arith.muli %add3A_906, %mul3A_908 : vector<16xi32>
      %add3A_910 = arith.addi %mul3A_909, %gather3A_894 : vector<16xi32>
      %swap3A_911 = arith.constant 4 : i32
      %swap3A_912 = arith.index_cast %swap3A_911 : i32 to index
      %swap3A_913 = arith.constant 32 : index
      %swap3A_914 = tpu.vector_load %arg11[%swap3A_912, %swap3A_913] {strides = array<i32>} : memref<8x128xi32, #tpu.memory_space<vmem>>, vector<16xi32>,
      tpu.vector_store %arg11[%swap3A_912, %swap3A_913], %add3A_910 {strides = array<i32>} : memref<8x128xi32, #tpu.memory_space<vmem>>, vector<16xi32>,
      %get3A_915 = arith.constant 4 : i32
      %get3A_916 = arith.index_cast %get3A_915 : i32 to index
      %get3A_917 = arith.constant 48 : index
      %get3A_918 = tpu.vector_load %arg9[%get3A_916, %get3A_917] {strides = array<i32>} : memref<8x128xi32, #tpu.memory_space<vmem>>, vector<16xi32>,
      %gather3A_919 = tpu.vector_load_idx %arg12[%get3A_918] : memref<10112xi32, #tpu.memory_space<vmem>>[vector<16xi32>], vector<16xi32>,
      %get3A_920 = arith.constant 4 : i32
      %get3A_921 = arith.index_cast %get3A_920 : i32 to index
      %get3A_922 = arith.constant 48 : index
      %get3A_923 = tpu.vector_load %arg10[%get3A_921, %get3A_922] {strides = array<i32>} : memref<8x128xi32, #tpu.memory_space<vmem>>, vector<16xi32>,
      %mul3A_924 = arith.constant 10000 : i32
      %mul3A_925 = vector.broadcast %mul3A_924 : i32 to vector<16xi32>
      %mul3A_926 = arith.muli %get3A_923, %mul3A_925 : vector<16xi32>
      %get3A_927 = arith.constant 4 : i32
      %get3A_928 = arith.index_cast %get3A_927 : i32 to index
      %get3A_929 = arith.constant 48 : index
      %get3A_930 = tpu.vector_load %arg8[%get3A_928, %get3A_929] {strides = array<i32>} : memref<8x128xi32, #tpu.memory_space<vmem>>, vector<16xi32>,
      %add3A_931 = arith.addi %mul3A_926, %get3A_930 : vector<16xi32>
      %mul3A_932 = arith.constant 3 : i32
      %mul3A_933 = vector.broadcast %mul3A_932 : i32 to vector<16xi32>
      %mul3A_934 = arith.muli %add3A_931, %mul3A_933 : vector<16xi32>
      %add3A_935 = arith.addi %mul3A_934, %gather3A_919 : vector<16xi32>
      %swap3A_936 = arith.constant 4 : i32
      %swap3A_937 = arith.index_cast %swap3A_936 : i32 to index
      %swap3A_938 = arith.constant 48 : index
      %swap3A_939 = tpu.vector_load %arg11[%swap3A_937, %swap3A_938] {strides = array<i32>} : memref<8x128xi32, #tpu.memory_space<vmem>>, vector<16xi32>,
      tpu.vector_store %arg11[%swap3A_937, %swap3A_938], %add3A_935 {strides = array<i32>} : memref<8x128xi32, #tpu.memory_space<vmem>>, vector<16xi32>,
      %get3A_940 = arith.constant 4 : i32
      %get3A_941 = arith.index_cast %get3A_940 : i32 to index
      %get3A_942 = arith.constant 64 : index
      %get3A_943 = tpu.vector_load %arg9[%get3A_941, %get3A_942] {strides = array<i32>} : memref<8x128xi32, #tpu.memory_space<vmem>>, vector<16xi32>,
      %gather3A_944 = tpu.vector_load_idx %arg12[%get3A_943] : memref<10112xi32, #tpu.memory_space<vmem>>[vector<16xi32>], vector<16xi32>,
      %get3A_945 = arith.constant 4 : i32
      %get3A_946 = arith.index_cast %get3A_945 : i32 to index
      %get3A_947 = arith.constant 64 : index
      %get3A_948 = tpu.vector_load %arg10[%get3A_946, %get3A_947] {strides = array<i32>} : memref<8x128xi32, #tpu.memory_space<vmem>>, vector<16xi32>,
      %mul3A_949 = arith.constant 10000 : i32
      %mul3A_950 = vector.broadcast %mul3A_949 : i32 to vector<16xi32>
      %mul3A_951 = arith.muli %get3A_948, %mul3A_950 : vector<16xi32>
      %get3A_952 = arith.constant 4 : i32
      %get3A_953 = arith.index_cast %get3A_952 : i32 to index
      %get3A_954 = arith.constant 64 : index
      %get3A_955 = tpu.vector_load %arg8[%get3A_953, %get3A_954] {strides = array<i32>} : memref<8x128xi32, #tpu.memory_space<vmem>>, vector<16xi32>,
      %add3A_956 = arith.addi %mul3A_951, %get3A_955 : vector<16xi32>
      %mul3A_957 = arith.constant 3 : i32
      %mul3A_958 = vector.broadcast %mul3A_957 : i32 to vector<16xi32>
      %mul3A_959 = arith.muli %add3A_956, %mul3A_958 : vector<16xi32>
      %add3A_960 = arith.addi %mul3A_959, %gather3A_944 : vector<16xi32>
      %swap3A_961 = arith.constant 4 : i32
      %swap3A_962 = arith.index_cast %swap3A_961 : i32 to index
      %swap3A_963 = arith.constant 64 : index
      %swap3A_964 = tpu.vector_load %arg11[%swap3A_962, %swap3A_963] {strides = array<i32>} : memref<8x128xi32, #tpu.memory_space<vmem>>, vector<16xi32>,
      tpu.vector_store %arg11[%swap3A_962, %swap3A_963], %add3A_960 {strides = array<i32>} : memref<8x128xi32, #tpu.memory_space<vmem>>, vector<16xi32>,
      %get3A_965 = arith.constant 4 : i32
      %get3A_966 = arith.index_cast %get3A_965 : i32 to index
      %get3A_967 = arith.constant 80 : index
      %get3A_968 = tpu.vector_load %arg9[%get3A_966, %get3A_967] {strides = array<i32>} : memref<8x128xi32, #tpu.memory_space<vmem>>, vector<16xi32>,
      %gather3A_969 = tpu.vector_load_idx %arg12[%get3A_968] : memref<10112xi32, #tpu.memory_space<vmem>>[vector<16xi32>], vector<16xi32>,
      %get3A_970 = arith.constant 4 : i32
      %get3A_971 = arith.index_cast %get3A_970 : i32 to index
      %get3A_972 = arith.constant 80 : index
      %get3A_973 = tpu.vector_load %arg10[%get3A_971, %get3A_972] {strides = array<i32>} : memref<8x128xi32, #tpu.memory_space<vmem>>, vector<16xi32>,
      %mul3A_974 = arith.constant 10000 : i32
      %mul3A_975 = vector.broadcast %mul3A_974 : i32 to vector<16xi32>
      %mul3A_976 = arith.muli %get3A_973, %mul3A_975 : vector<16xi32>
      %get3A_977 = arith.constant 4 : i32
      %get3A_978 = arith.index_cast %get3A_977 : i32 to index
      %get3A_979 = arith.constant 80 : index
      %get3A_980 = tpu.vector_load %arg8[%get3A_978, %get3A_979] {strides = array<i32>} : memref<8x128xi32, #tpu.memory_space<vmem>>, vector<16xi32>,
      %add3A_981 = arith.addi %mul3A_976, %get3A_980 : vector<16xi32>
      %mul3A_982 = arith.constant 3 : i32
      %mul3A_983 = vector.broadcast %mul3A_982 : i32 to vector<16xi32>
      %mul3A_984 = arith.muli %add3A_981, %mul3A_983 : vector<16xi32>
      %add3A_985 = arith.addi %mul3A_984, %gather3A_969 : vector<16xi32>
      %swap3A_986 = arith.constant 4 : i32
      %swap3A_987 = arith.index_cast %swap3A_986 : i32 to index
      %swap3A_988 = arith.constant 80 : index
      %swap3A_989 = tpu.vector_load %arg11[%swap3A_987, %swap3A_988] {strides = array<i32>} : memref<8x128xi32, #tpu.memory_space<vmem>>, vector<16xi32>,
      tpu.vector_store %arg11[%swap3A_987, %swap3A_988], %add3A_985 {strides = array<i32>} : memref<8x128xi32, #tpu.memory_space<vmem>>, vector<16xi32>,
      %get3A_990 = arith.constant 4 : i32
      %get3A_991 = arith.index_cast %get3A_990 : i32 to index
      %get3A_992 = arith.constant 96 : index
      %get3A_993 = tpu.vector_load %arg9[%get3A_991, %get3A_992] {strides = array<i32>} : memref<8x128xi32, #tpu.memory_space<vmem>>, vector<16xi32>,
      %gather3A_994 = tpu.vector_load_idx %arg12[%get3A_993] : memref<10112xi32, #tpu.memory_space<vmem>>[vector<16xi32>], vector<16xi32>,
      %get3A_995 = arith.constant 4 : i32
      %get3A_996 = arith.index_cast %get3A_995 : i32 to index
      %get3A_997 = arith.constant 96 : index
      %get3A_998 = tpu.vector_load %arg10[%get3A_996, %get3A_997] {strides = array<i32>} : memref<8x128xi32, #tpu.memory_space<vmem>>, vector<16xi32>,
      %mul3A_999 = arith.constant 10000 : i32
      %mul3A_1000 = vector.broadcast %mul3A_999 : i32 to vector<16xi32>
      %mul3A_1001 = arith.muli %get3A_998, %mul3A_1000 : vector<16xi32>
      %get3A_1002 = arith.constant 4 : i32
      %get3A_1003 = arith.index_cast %get3A_1002 : i32 to index
      %get3A_1004 = arith.constant 96 : index
      %get3A_1005 = tpu.vector_load %arg8[%get3A_1003, %get3A_1004] {strides = array<i32>} : memref<8x128xi32, #tpu.memory_space<vmem>>, vector<16xi32>,
      %add3A_1006 = arith.addi %mul3A_1001, %get3A_1005 : vector<16xi32>
      %mul3A_1007 = arith.constant 3 : i32
      %mul3A_1008 = vector.broadcast %mul3A_1007 : i32 to vector<16xi32>
      %mul3A_1009 = arith.muli %add3A_1006, %mul3A_1008 : vector<16xi32>
      %add3A_1010 = arith.addi %mul3A_1009, %gather3A_994 : vector<16xi32>
      %swap3A_1011 = arith.constant 4 : i32
      %swap3A_1012 = arith.index_cast %swap3A_1011 : i32 to index
      %swap3A_1013 = arith.constant 96 : index
      %swap3A_1014 = tpu.vector_load %arg11[%swap3A_1012, %swap3A_1013] {strides = array<i32>} : memref<8x128xi32, #tpu.memory_space<vmem>>, vector<16xi32>,
      tpu.vector_store %arg11[%swap3A_1012, %swap3A_1013], %add3A_1010 {strides = array<i32>} : memref<8x128xi32, #tpu.memory_space<vmem>>, vector<16xi32>,
      %get3A_1015 = arith.constant 4 : i32
      %get3A_1016 = arith.index_cast %get3A_1015 : i32 to index
      %get3A_1017 = arith.constant 112 : index
      %get3A_1018 = tpu.vector_load %arg9[%get3A_1016, %get3A_1017] {strides = array<i32>} : memref<8x128xi32, #tpu.memory_space<vmem>>, vector<16xi32>,
      %gather3A_1019 = tpu.vector_load_idx %arg12[%get3A_1018] : memref<10112xi32, #tpu.memory_space<vmem>>[vector<16xi32>], vector<16xi32>,
      %get3A_1020 = arith.constant 4 : i32
      %get3A_1021 = arith.index_cast %get3A_1020 : i32 to index
      %get3A_1022 = arith.constant 112 : index
      %get3A_1023 = tpu.vector_load %arg10[%get3A_1021, %get3A_1022] {strides = array<i32>} : memref<8x128xi32, #tpu.memory_space<vmem>>, vector<16xi32>,
      %mul3A_1024 = arith.constant 10000 : i32
      %mul3A_1025 = vector.broadcast %mul3A_1024 : i32 to vector<16xi32>
      %mul3A_1026 = arith.muli %get3A_1023, %mul3A_1025 : vector<16xi32>
      %get3A_1027 = arith.constant 4 : i32
      %get3A_1028 = arith.index_cast %get3A_1027 : i32 to index
      %get3A_1029 = arith.constant 112 : index
      %get3A_1030 = tpu.vector_load %arg8[%get3A_1028, %get3A_1029] {strides = array<i32>} : memref<8x128xi32, #tpu.memory_space<vmem>>, vector<16xi32>,
      %add3A_1031 = arith.addi %mul3A_1026, %get3A_1030 : vector<16xi32>
      %mul3A_1032 = arith.constant 3 : i32
      %mul3A_1033 = vector.broadcast %mul3A_1032 : i32 to vector<16xi32>
      %mul3A_1034 = arith.muli %add3A_1031, %mul3A_1033 : vector<16xi32>
      %add3A_1035 = arith.addi %mul3A_1034, %gather3A_1019 : vector<16xi32>
      %swap3A_1036 = arith.constant 4 : i32
      %swap3A_1037 = arith.index_cast %swap3A_1036 : i32 to index
      %swap3A_1038 = arith.constant 112 : index
      %swap3A_1039 = tpu.vector_load %arg11[%swap3A_1037, %swap3A_1038] {strides = array<i32>} : memref<8x128xi32, #tpu.memory_space<vmem>>, vector<16xi32>,
      tpu.vector_store %arg11[%swap3A_1037, %swap3A_1038], %add3A_1035 {strides = array<i32>} : memref<8x128xi32, #tpu.memory_space<vmem>>, vector<16xi32>,
      %get3A_1040 = arith.constant 5 : i32
      %get3A_1041 = arith.index_cast %get3A_1040 : i32 to index
      %get3A_1042 = arith.constant 0 : index
      %get3A_1043 = tpu.vector_load %arg9[%get3A_1041, %get3A_1042] {strides = array<i32>} : memref<8x128xi32, #tpu.memory_space<vmem>>, vector<16xi32>,
      %gather3A_1044 = tpu.vector_load_idx %arg12[%get3A_1043] : memref<10112xi32, #tpu.memory_space<vmem>>[vector<16xi32>], vector<16xi32>,
      %get3A_1045 = arith.constant 5 : i32
      %get3A_1046 = arith.index_cast %get3A_1045 : i32 to index
      %get3A_1047 = arith.constant 0 : index
      %get3A_1048 = tpu.vector_load %arg10[%get3A_1046, %get3A_1047] {strides = array<i32>} : memref<8x128xi32, #tpu.memory_space<vmem>>, vector<16xi32>,
      %mul3A_1049 = arith.constant 10000 : i32
      %mul3A_1050 = vector.broadcast %mul3A_1049 : i32 to vector<16xi32>
      %mul3A_1051 = arith.muli %get3A_1048, %mul3A_1050 : vector<16xi32>
      %get3A_1052 = arith.constant 5 : i32
      %get3A_1053 = arith.index_cast %get3A_1052 : i32 to index
      %get3A_1054 = arith.constant 0 : index
      %get3A_1055 = tpu.vector_load %arg8[%get3A_1053, %get3A_1054] {strides = array<i32>} : memref<8x128xi32, #tpu.memory_space<vmem>>, vector<16xi32>,
      %add3A_1056 = arith.addi %mul3A_1051, %get3A_1055 : vector<16xi32>
      %mul3A_1057 = arith.constant 3 : i32
      %mul3A_1058 = vector.broadcast %mul3A_1057 : i32 to vector<16xi32>
      %mul3A_1059 = arith.muli %add3A_1056, %mul3A_1058 : vector<16xi32>
      %add3A_1060 = arith.addi %mul3A_1059, %gather3A_1044 : vector<16xi32>
      %swap3A_1061 = arith.constant 5 : i32
      %swap3A_1062 = arith.index_cast %swap3A_1061 : i32 to index
      %swap3A_1063 = arith.constant 0 : index
      %swap3A_1064 = tpu.vector_load %arg11[%swap3A_1062, %swap3A_1063] {strides = array<i32>} : memref<8x128xi32, #tpu.memory_space<vmem>>, vector<16xi32>,
      tpu.vector_store %arg11[%swap3A_1062, %swap3A_1063], %add3A_1060 {strides = array<i32>} : memref<8x128xi32, #tpu.memory_space<vmem>>, vector<16xi32>,
      %get3A_1065 = arith.constant 5 : i32
      %get3A_1066 = arith.index_cast %get3A_1065 : i32 to index
      %get3A_1067 = arith.constant 16 : index
      %get3A_1068 = tpu.vector_load %arg9[%get3A_1066, %get3A_1067] {strides = array<i32>} : memref<8x128xi32, #tpu.memory_space<vmem>>, vector<16xi32>,
      %gather3A_1069 = tpu.vector_load_idx %arg12[%get3A_1068] : memref<10112xi32, #tpu.memory_space<vmem>>[vector<16xi32>], vector<16xi32>,
      %get3A_1070 = arith.constant 5 : i32
      %get3A_1071 = arith.index_cast %get3A_1070 : i32 to index
      %get3A_1072 = arith.constant 16 : index
      %get3A_1073 = tpu.vector_load %arg10[%get3A_1071, %get3A_1072] {strides = array<i32>} : memref<8x128xi32, #tpu.memory_space<vmem>>, vector<16xi32>,
      %mul3A_1074 = arith.constant 10000 : i32
      %mul3A_1075 = vector.broadcast %mul3A_1074 : i32 to vector<16xi32>
      %mul3A_1076 = arith.muli %get3A_1073, %mul3A_1075 : vector<16xi32>
      %get3A_1077 = arith.constant 5 : i32
      %get3A_1078 = arith.index_cast %get3A_1077 : i32 to index
      %get3A_1079 = arith.constant 16 : index
      %get3A_1080 = tpu.vector_load %arg8[%get3A_1078, %get3A_1079] {strides = array<i32>} : memref<8x128xi32, #tpu.memory_space<vmem>>, vector<16xi32>,
      %add3A_1081 = arith.addi %mul3A_1076, %get3A_1080 : vector<16xi32>
      %mul3A_1082 = arith.constant 3 : i32
      %mul3A_1083 = vector.broadcast %mul3A_1082 : i32 to vector<16xi32>
      %mul3A_1084 = arith.muli %add3A_1081, %mul3A_1083 : vector<16xi32>
      %add3A_1085 = arith.addi %mul3A_1084, %gather3A_1069 : vector<16xi32>
      %swap3A_1086 = arith.constant 5 : i32
      %swap3A_1087 = arith.index_cast %swap3A_1086 : i32 to index
      %swap3A_1088 = arith.constant 16 : index
      %swap3A_1089 = tpu.vector_load %arg11[%swap3A_1087, %swap3A_1088] {strides = array<i32>} : memref<8x128xi32, #tpu.memory_space<vmem>>, vector<16xi32>,
      tpu.vector_store %arg11[%swap3A_1087, %swap3A_1088], %add3A_1085 {strides = array<i32>} : memref<8x128xi32, #tpu.memory_space<vmem>>, vector<16xi32>,
      %get3A_1090 = arith.constant 5 : i32
      %get3A_1091 = arith.index_cast %get3A_1090 : i32 to index
      %get3A_1092 = arith.constant 32 : index
      %get3A_1093 = tpu.vector_load %arg9[%get3A_1091, %get3A_1092] {strides = array<i32>} : memref<8x128xi32, #tpu.memory_space<vmem>>, vector<16xi32>,
      %gather3A_1094 = tpu.vector_load_idx %arg12[%get3A_1093] : memref<10112xi32, #tpu.memory_space<vmem>>[vector<16xi32>], vector<16xi32>,
      %get3A_1095 = arith.constant 5 : i32
      %get3A_1096 = arith.index_cast %get3A_1095 : i32 to index
      %get3A_1097 = arith.constant 32 : index
      %get3A_1098 = tpu.vector_load %arg10[%get3A_1096, %get3A_1097] {strides = array<i32>} : memref<8x128xi32, #tpu.memory_space<vmem>>, vector<16xi32>,
      %mul3A_1099 = arith.constant 10000 : i32
      %mul3A_1100 = vector.broadcast %mul3A_1099 : i32 to vector<16xi32>
      %mul3A_1101 = arith.muli %get3A_1098, %mul3A_1100 : vector<16xi32>
      %get3A_1102 = arith.constant 5 : i32
      %get3A_1103 = arith.index_cast %get3A_1102 : i32 to index
      %get3A_1104 = arith.constant 32 : index
      %get3A_1105 = tpu.vector_load %arg8[%get3A_1103, %get3A_1104] {strides = array<i32>} : memref<8x128xi32, #tpu.memory_space<vmem>>, vector<16xi32>,
      %add3A_1106 = arith.addi %mul3A_1101, %get3A_1105 : vector<16xi32>
      %mul3A_1107 = arith.constant 3 : i32
      %mul3A_1108 = vector.broadcast %mul3A_1107 : i32 to vector<16xi32>
      %mul3A_1109 = arith.muli %add3A_1106, %mul3A_1108 : vector<16xi32>
      %add3A_1110 = arith.addi %mul3A_1109, %gather3A_1094 : vector<16xi32>
      %swap3A_1111 = arith.constant 5 : i32
      %swap3A_1112 = arith.index_cast %swap3A_1111 : i32 to index
      %swap3A_1113 = arith.constant 32 : index
      %swap3A_1114 = tpu.vector_load %arg11[%swap3A_1112, %swap3A_1113] {strides = array<i32>} : memref<8x128xi32, #tpu.memory_space<vmem>>, vector<16xi32>,
      tpu.vector_store %arg11[%swap3A_1112, %swap3A_1113], %add3A_1110 {strides = array<i32>} : memref<8x128xi32, #tpu.memory_space<vmem>>, vector<16xi32>,
      %get3A_1115 = arith.constant 5 : i32
      %get3A_1116 = arith.index_cast %get3A_1115 : i32 to index
      %get3A_1117 = arith.constant 48 : index
      %get3A_1118 = tpu.vector_load %arg9[%get3A_1116, %get3A_1117] {strides = array<i32>} : memref<8x128xi32, #tpu.memory_space<vmem>>, vector<16xi32>,
      %gather3A_1119 = tpu.vector_load_idx %arg12[%get3A_1118] : memref<10112xi32, #tpu.memory_space<vmem>>[vector<16xi32>], vector<16xi32>,
      %get3A_1120 = arith.constant 5 : i32
      %get3A_1121 = arith.index_cast %get3A_1120 : i32 to index
      %get3A_1122 = arith.constant 48 : index
      %get3A_1123 = tpu.vector_load %arg10[%get3A_1121, %get3A_1122] {strides = array<i32>} : memref<8x128xi32, #tpu.memory_space<vmem>>, vector<16xi32>,
      %mul3A_1124 = arith.constant 10000 : i32
      %mul3A_1125 = vector.broadcast %mul3A_1124 : i32 to vector<16xi32>
      %mul3A_1126 = arith.muli %get3A_1123, %mul3A_1125 : vector<16xi32>
      %get3A_1127 = arith.constant 5 : i32
      %get3A_1128 = arith.index_cast %get3A_1127 : i32 to index
      %get3A_1129 = arith.constant 48 : index
      %get3A_1130 = tpu.vector_load %arg8[%get3A_1128, %get3A_1129] {strides = array<i32>} : memref<8x128xi32, #tpu.memory_space<vmem>>, vector<16xi32>,
      %add3A_1131 = arith.addi %mul3A_1126, %get3A_1130 : vector<16xi32>
      %mul3A_1132 = arith.constant 3 : i32
      %mul3A_1133 = vector.broadcast %mul3A_1132 : i32 to vector<16xi32>
      %mul3A_1134 = arith.muli %add3A_1131, %mul3A_1133 : vector<16xi32>
      %add3A_1135 = arith.addi %mul3A_1134, %gather3A_1119 : vector<16xi32>
      %swap3A_1136 = arith.constant 5 : i32
      %swap3A_1137 = arith.index_cast %swap3A_1136 : i32 to index
      %swap3A_1138 = arith.constant 48 : index
      %swap3A_1139 = tpu.vector_load %arg11[%swap3A_1137, %swap3A_1138] {strides = array<i32>} : memref<8x128xi32, #tpu.memory_space<vmem>>, vector<16xi32>,
      tpu.vector_store %arg11[%swap3A_1137, %swap3A_1138], %add3A_1135 {strides = array<i32>} : memref<8x128xi32, #tpu.memory_space<vmem>>, vector<16xi32>,
      %get3A_1140 = arith.constant 5 : i32
      %get3A_1141 = arith.index_cast %get3A_1140 : i32 to index
      %get3A_1142 = arith.constant 64 : index
      %get3A_1143 = tpu.vector_load %arg9[%get3A_1141, %get3A_1142] {strides = array<i32>} : memref<8x128xi32, #tpu.memory_space<vmem>>, vector<16xi32>,
      %gather3A_1144 = tpu.vector_load_idx %arg12[%get3A_1143] : memref<10112xi32, #tpu.memory_space<vmem>>[vector<16xi32>], vector<16xi32>,
      %get3A_1145 = arith.constant 5 : i32
      %get3A_1146 = arith.index_cast %get3A_1145 : i32 to index
      %get3A_1147 = arith.constant 64 : index
      %get3A_1148 = tpu.vector_load %arg10[%get3A_1146, %get3A_1147] {strides = array<i32>} : memref<8x128xi32, #tpu.memory_space<vmem>>, vector<16xi32>,
      %mul3A_1149 = arith.constant 10000 : i32
      %mul3A_1150 = vector.broadcast %mul3A_1149 : i32 to vector<16xi32>
      %mul3A_1151 = arith.muli %get3A_1148, %mul3A_1150 : vector<16xi32>
      %get3A_1152 = arith.constant 5 : i32
      %get3A_1153 = arith.index_cast %get3A_1152 : i32 to index
      %get3A_1154 = arith.constant 64 : index
      %get3A_1155 = tpu.vector_load %arg8[%get3A_1153, %get3A_1154] {strides = array<i32>} : memref<8x128xi32, #tpu.memory_space<vmem>>, vector<16xi32>,
      %add3A_1156 = arith.addi %mul3A_1151, %get3A_1155 : vector<16xi32>
      %mul3A_1157 = arith.constant 3 : i32
      %mul3A_1158 = vector.broadcast %mul3A_1157 : i32 to vector<16xi32>
      %mul3A_1159 = arith.muli %add3A_1156, %mul3A_1158 : vector<16xi32>
      %add3A_1160 = arith.addi %mul3A_1159, %gather3A_1144 : vector<16xi32>
      %swap3A_1161 = arith.constant 5 : i32
      %swap3A_1162 = arith.index_cast %swap3A_1161 : i32 to index
      %swap3A_1163 = arith.constant 64 : index
      %swap3A_1164 = tpu.vector_load %arg11[%swap3A_1162, %swap3A_1163] {strides = array<i32>} : memref<8x128xi32, #tpu.memory_space<vmem>>, vector<16xi32>,
      tpu.vector_store %arg11[%swap3A_1162, %swap3A_1163], %add3A_1160 {strides = array<i32>} : memref<8x128xi32, #tpu.memory_space<vmem>>, vector<16xi32>,
      %get3A_1165 = arith.constant 5 : i32
      %get3A_1166 = arith.index_cast %get3A_1165 : i32 to index
      %get3A_1167 = arith.constant 80 : index
      %get3A_1168 = tpu.vector_load %arg9[%get3A_1166, %get3A_1167] {strides = array<i32>} : memref<8x128xi32, #tpu.memory_space<vmem>>, vector<16xi32>,
      %gather3A_1169 = tpu.vector_load_idx %arg12[%get3A_1168] : memref<10112xi32, #tpu.memory_space<vmem>>[vector<16xi32>], vector<16xi32>,
      %get3A_1170 = arith.constant 5 : i32
      %get3A_1171 = arith.index_cast %get3A_1170 : i32 to index
      %get3A_1172 = arith.constant 80 : index
      %get3A_1173 = tpu.vector_load %arg10[%get3A_1171, %get3A_1172] {strides = array<i32>} : memref<8x128xi32, #tpu.memory_space<vmem>>, vector<16xi32>,
      %mul3A_1174 = arith.constant 10000 : i32
      %mul3A_1175 = vector.broadcast %mul3A_1174 : i32 to vector<16xi32>
      %mul3A_1176 = arith.muli %get3A_1173, %mul3A_1175 : vector<16xi32>
      %get3A_1177 = arith.constant 5 : i32
      %get3A_1178 = arith.index_cast %get3A_1177 : i32 to index
      %get3A_1179 = arith.constant 80 : index
      %get3A_1180 = tpu.vector_load %arg8[%get3A_1178, %get3A_1179] {strides = array<i32>} : memref<8x128xi32, #tpu.memory_space<vmem>>, vector<16xi32>,
      %add3A_1181 = arith.addi %mul3A_1176, %get3A_1180 : vector<16xi32>
      %mul3A_1182 = arith.constant 3 : i32
      %mul3A_1183 = vector.broadcast %mul3A_1182 : i32 to vector<16xi32>
      %mul3A_1184 = arith.muli %add3A_1181, %mul3A_1183 : vector<16xi32>
      %add3A_1185 = arith.addi %mul3A_1184, %gather3A_1169 : vector<16xi32>
      %swap3A_1186 = arith.constant 5 : i32
      %swap3A_1187 = arith.index_cast %swap3A_1186 : i32 to index
      %swap3A_1188 = arith.constant 80 : index
      %swap3A_1189 = tpu.vector_load %arg11[%swap3A_1187, %swap3A_1188] {strides = array<i32>} : memref<8x128xi32, #tpu.memory_space<vmem>>, vector<16xi32>,
      tpu.vector_store %arg11[%swap3A_1187, %swap3A_1188], %add3A_1185 {strides = array<i32>} : memref<8x128xi32, #tpu.memory_space<vmem>>, vector<16xi32>,
      %get3A_1190 = arith.constant 5 : i32
      %get3A_1191 = arith.index_cast %get3A_1190 : i32 to index
      %get3A_1192 = arith.constant 96 : index
      %get3A_1193 = tpu.vector_load %arg9[%get3A_1191, %get3A_1192] {strides = array<i32>} : memref<8x128xi32, #tpu.memory_space<vmem>>, vector<16xi32>,
      %gather3A_1194 = tpu.vector_load_idx %arg12[%get3A_1193] : memref<10112xi32, #tpu.memory_space<vmem>>[vector<16xi32>], vector<16xi32>,
      %get3A_1195 = arith.constant 5 : i32
      %get3A_1196 = arith.index_cast %get3A_1195 : i32 to index
      %get3A_1197 = arith.constant 96 : index
      %get3A_1198 = tpu.vector_load %arg10[%get3A_1196, %get3A_1197] {strides = array<i32>} : memref<8x128xi32, #tpu.memory_space<vmem>>, vector<16xi32>,
      %mul3A_1199 = arith.constant 10000 : i32
      %mul3A_1200 = vector.broadcast %mul3A_1199 : i32 to vector<16xi32>
      %mul3A_1201 = arith.muli %get3A_1198, %mul3A_1200 : vector<16xi32>
      %get3A_1202 = arith.constant 5 : i32
      %get3A_1203 = arith.index_cast %get3A_1202 : i32 to index
      %get3A_1204 = arith.constant 96 : index
      %get3A_1205 = tpu.vector_load %arg8[%get3A_1203, %get3A_1204] {strides = array<i32>} : memref<8x128xi32, #tpu.memory_space<vmem>>, vector<16xi32>,
      %add3A_1206 = arith.addi %mul3A_1201, %get3A_1205 : vector<16xi32>
      %mul3A_1207 = arith.constant 3 : i32
      %mul3A_1208 = vector.broadcast %mul3A_1207 : i32 to vector<16xi32>
      %mul3A_1209 = arith.muli %add3A_1206, %mul3A_1208 : vector<16xi32>
      %add3A_1210 = arith.addi %mul3A_1209, %gather3A_1194 : vector<16xi32>
      %swap3A_1211 = arith.constant 5 : i32
      %swap3A_1212 = arith.index_cast %swap3A_1211 : i32 to index
      %swap3A_1213 = arith.constant 96 : index
      %swap3A_1214 = tpu.vector_load %arg11[%swap3A_1212, %swap3A_1213] {strides = array<i32>} : memref<8x128xi32, #tpu.memory_space<vmem>>, vector<16xi32>,
      tpu.vector_store %arg11[%swap3A_1212, %swap3A_1213], %add3A_1210 {strides = array<i32>} : memref<8x128xi32, #tpu.memory_space<vmem>>, vector<16xi32>,
      %get3A_1215 = arith.constant 5 : i32
      %get3A_1216 = arith.index_cast %get3A_1215 : i32 to index
      %get3A_1217 = arith.constant 112 : index
      %get3A_1218 = tpu.vector_load %arg9[%get3A_1216, %get3A_1217] {strides = array<i32>} : memref<8x128xi32, #tpu.memory_space<vmem>>, vector<16xi32>,
      %gather3A_1219 = tpu.vector_load_idx %arg12[%get3A_1218] : memref<10112xi32, #tpu.memory_space<vmem>>[vector<16xi32>], vector<16xi32>,
      %get3A_1220 = arith.constant 5 : i32
      %get3A_1221 = arith.index_cast %get3A_1220 : i32 to index
      %get3A_1222 = arith.constant 112 : index
      %get3A_1223 = tpu.vector_load %arg10[%get3A_1221, %get3A_1222] {strides = array<i32>} : memref<8x128xi32, #tpu.memory_space<vmem>>, vector<16xi32>,
      %mul3A_1224 = arith.constant 10000 : i32
      %mul3A_1225 = vector.broadcast %mul3A_1224 : i32 to vector<16xi32>
      %mul3A_1226 = arith.muli %get3A_1223, %mul3A_1225 : vector<16xi32>
      %get3A_1227 = arith.constant 5 : i32
      %get3A_1228 = arith.index_cast %get3A_1227 : i32 to index
      %get3A_1229 = arith.constant 112 : index
      %get3A_1230 = tpu.vector_load %arg8[%get3A_1228, %get3A_1229] {strides = array<i32>} : memref<8x128xi32, #tpu.memory_space<vmem>>, vector<16xi32>,
      %add3A_1231 = arith.addi %mul3A_1226, %get3A_1230 : vector<16xi32>
      %mul3A_1232 = arith.constant 3 : i32
      %mul3A_1233 = vector.broadcast %mul3A_1232 : i32 to vector<16xi32>
      %mul3A_1234 = arith.muli %add3A_1231, %mul3A_1233 : vector<16xi32>
      %add3A_1235 = arith.addi %mul3A_1234, %gather3A_1219 : vector<16xi32>
      %swap3A_1236 = arith.constant 5 : i32
      %swap3A_1237 = arith.index_cast %swap3A_1236 : i32 to index
      %swap3A_1238 = arith.constant 112 : index
      %swap3A_1239 = tpu.vector_load %arg11[%swap3A_1237, %swap3A_1238] {strides = array<i32>} : memref<8x128xi32, #tpu.memory_space<vmem>>, vector<16xi32>,
      tpu.vector_store %arg11[%swap3A_1237, %swap3A_1238], %add3A_1235 {strides = array<i32>} : memref<8x128xi32, #tpu.memory_space<vmem>>, vector<16xi32>,
      %get3A_1240 = arith.constant 6 : i32
      %get3A_1241 = arith.index_cast %get3A_1240 : i32 to index
      %get3A_1242 = arith.constant 0 : index
      %get3A_1243 = tpu.vector_load %arg9[%get3A_1241, %get3A_1242] {strides = array<i32>} : memref<8x128xi32, #tpu.memory_space<vmem>>, vector<16xi32>,
      %gather3A_1244 = tpu.vector_load_idx %arg12[%get3A_1243] : memref<10112xi32, #tpu.memory_space<vmem>>[vector<16xi32>], vector<16xi32>,
      %get3A_1245 = arith.constant 6 : i32
      %get3A_1246 = arith.index_cast %get3A_1245 : i32 to index
      %get3A_1247 = arith.constant 0 : index
      %get3A_1248 = tpu.vector_load %arg10[%get3A_1246, %get3A_1247] {strides = array<i32>} : memref<8x128xi32, #tpu.memory_space<vmem>>, vector<16xi32>,
      %mul3A_1249 = arith.constant 10000 : i32
      %mul3A_1250 = vector.broadcast %mul3A_1249 : i32 to vector<16xi32>
      %mul3A_1251 = arith.muli %get3A_1248, %mul3A_1250 : vector<16xi32>
      %get3A_1252 = arith.constant 6 : i32
      %get3A_1253 = arith.index_cast %get3A_1252 : i32 to index
      %get3A_1254 = arith.constant 0 : index
      %get3A_1255 = tpu.vector_load %arg8[%get3A_1253, %get3A_1254] {strides = array<i32>} : memref<8x128xi32, #tpu.memory_space<vmem>>, vector<16xi32>,
      %add3A_1256 = arith.addi %mul3A_1251, %get3A_1255 : vector<16xi32>
      %mul3A_1257 = arith.constant 3 : i32
      %mul3A_1258 = vector.broadcast %mul3A_1257 : i32 to vector<16xi32>
      %mul3A_1259 = arith.muli %add3A_1256, %mul3A_1258 : vector<16xi32>
      %add3A_1260 = arith.addi %mul3A_1259, %gather3A_1244 : vector<16xi32>
      %swap3A_1261 = arith.constant 6 : i32
      %swap3A_1262 = arith.index_cast %swap3A_1261 : i32 to index
      %swap3A_1263 = arith.constant 0 : index
      %swap3A_1264 = tpu.vector_load %arg11[%swap3A_1262, %swap3A_1263] {strides = array<i32>} : memref<8x128xi32, #tpu.memory_space<vmem>>, vector<16xi32>,
      tpu.vector_store %arg11[%swap3A_1262, %swap3A_1263], %add3A_1260 {strides = array<i32>} : memref<8x128xi32, #tpu.memory_space<vmem>>, vector<16xi32>,
      %get3A_1265 = arith.constant 6 : i32
      %get3A_1266 = arith.index_cast %get3A_1265 : i32 to index
      %get3A_1267 = arith.constant 16 : index
      %get3A_1268 = tpu.vector_load %arg9[%get3A_1266, %get3A_1267] {strides = array<i32>} : memref<8x128xi32, #tpu.memory_space<vmem>>, vector<16xi32>,
      %gather3A_1269 = tpu.vector_load_idx %arg12[%get3A_1268] : memref<10112xi32, #tpu.memory_space<vmem>>[vector<16xi32>], vector<16xi32>,
      %get3A_1270 = arith.constant 6 : i32
      %get3A_1271 = arith.index_cast %get3A_1270 : i32 to index
      %get3A_1272 = arith.constant 16 : index
      %get3A_1273 = tpu.vector_load %arg10[%get3A_1271, %get3A_1272] {strides = array<i32>} : memref<8x128xi32, #tpu.memory_space<vmem>>, vector<16xi32>,
      %mul3A_1274 = arith.constant 10000 : i32
      %mul3A_1275 = vector.broadcast %mul3A_1274 : i32 to vector<16xi32>
      %mul3A_1276 = arith.muli %get3A_1273, %mul3A_1275 : vector<16xi32>
      %get3A_1277 = arith.constant 6 : i32
      %get3A_1278 = arith.index_cast %get3A_1277 : i32 to index
      %get3A_1279 = arith.constant 16 : index
      %get3A_1280 = tpu.vector_load %arg8[%get3A_1278, %get3A_1279] {strides = array<i32>} : memref<8x128xi32, #tpu.memory_space<vmem>>, vector<16xi32>,
      %add3A_1281 = arith.addi %mul3A_1276, %get3A_1280 : vector<16xi32>
      %mul3A_1282 = arith.constant 3 : i32
      %mul3A_1283 = vector.broadcast %mul3A_1282 : i32 to vector<16xi32>
      %mul3A_1284 = arith.muli %add3A_1281, %mul3A_1283 : vector<16xi32>
      %add3A_1285 = arith.addi %mul3A_1284, %gather3A_1269 : vector<16xi32>
      %swap3A_1286 = arith.constant 6 : i32
      %swap3A_1287 = arith.index_cast %swap3A_1286 : i32 to index
      %swap3A_1288 = arith.constant 16 : index
      %swap3A_1289 = tpu.vector_load %arg11[%swap3A_1287, %swap3A_1288] {strides = array<i32>} : memref<8x128xi32, #tpu.memory_space<vmem>>, vector<16xi32>,
      tpu.vector_store %arg11[%swap3A_1287, %swap3A_1288], %add3A_1285 {strides = array<i32>} : memref<8x128xi32, #tpu.memory_space<vmem>>, vector<16xi32>,
      %get3A_1290 = arith.constant 6 : i32
      %get3A_1291 = arith.index_cast %get3A_1290 : i32 to index
      %get3A_1292 = arith.constant 32 : index
      %get3A_1293 = tpu.vector_load %arg9[%get3A_1291, %get3A_1292] {strides = array<i32>} : memref<8x128xi32, #tpu.memory_space<vmem>>, vector<16xi32>,
      %gather3A_1294 = tpu.vector_load_idx %arg12[%get3A_1293] : memref<10112xi32, #tpu.memory_space<vmem>>[vector<16xi32>], vector<16xi32>,
      %get3A_1295 = arith.constant 6 : i32
      %get3A_1296 = arith.index_cast %get3A_1295 : i32 to index
      %get3A_1297 = arith.constant 32 : index
      %get3A_1298 = tpu.vector_load %arg10[%get3A_1296, %get3A_1297] {strides = array<i32>} : memref<8x128xi32, #tpu.memory_space<vmem>>, vector<16xi32>,
      %mul3A_1299 = arith.constant 10000 : i32
      %mul3A_1300 = vector.broadcast %mul3A_1299 : i32 to vector<16xi32>
      %mul3A_1301 = arith.muli %get3A_1298, %mul3A_1300 : vector<16xi32>
      %get3A_1302 = arith.constant 6 : i32
      %get3A_1303 = arith.index_cast %get3A_1302 : i32 to index
      %get3A_1304 = arith.constant 32 : index
      %get3A_1305 = tpu.vector_load %arg8[%get3A_1303, %get3A_1304] {strides = array<i32>} : memref<8x128xi32, #tpu.memory_space<vmem>>, vector<16xi32>,
      %add3A_1306 = arith.addi %mul3A_1301, %get3A_1305 : vector<16xi32>
      %mul3A_1307 = arith.constant 3 : i32
      %mul3A_1308 = vector.broadcast %mul3A_1307 : i32 to vector<16xi32>
      %mul3A_1309 = arith.muli %add3A_1306, %mul3A_1308 : vector<16xi32>
      %add3A_1310 = arith.addi %mul3A_1309, %gather3A_1294 : vector<16xi32>
      %swap3A_1311 = arith.constant 6 : i32
      %swap3A_1312 = arith.index_cast %swap3A_1311 : i32 to index
      %swap3A_1313 = arith.constant 32 : index
      %swap3A_1314 = tpu.vector_load %arg11[%swap3A_1312, %swap3A_1313] {strides = array<i32>} : memref<8x128xi32, #tpu.memory_space<vmem>>, vector<16xi32>,
      tpu.vector_store %arg11[%swap3A_1312, %swap3A_1313], %add3A_1310 {strides = array<i32>} : memref<8x128xi32, #tpu.memory_space<vmem>>, vector<16xi32>,
      %get3A_1315 = arith.constant 6 : i32
      %get3A_1316 = arith.index_cast %get3A_1315 : i32 to index
      %get3A_1317 = arith.constant 48 : index
      %get3A_1318 = tpu.vector_load %arg9[%get3A_1316, %get3A_1317] {strides = array<i32>} : memref<8x128xi32, #tpu.memory_space<vmem>>, vector<16xi32>,
      %gather3A_1319 = tpu.vector_load_idx %arg12[%get3A_1318] : memref<10112xi32, #tpu.memory_space<vmem>>[vector<16xi32>], vector<16xi32>,
      %get3A_1320 = arith.constant 6 : i32
      %get3A_1321 = arith.index_cast %get3A_1320 : i32 to index
      %get3A_1322 = arith.constant 48 : index
      %get3A_1323 = tpu.vector_load %arg10[%get3A_1321, %get3A_1322] {strides = array<i32>} : memref<8x128xi32, #tpu.memory_space<vmem>>, vector<16xi32>,
      %mul3A_1324 = arith.constant 10000 : i32
      %mul3A_1325 = vector.broadcast %mul3A_1324 : i32 to vector<16xi32>
      %mul3A_1326 = arith.muli %get3A_1323, %mul3A_1325 : vector<16xi32>
      %get3A_1327 = arith.constant 6 : i32
      %get3A_1328 = arith.index_cast %get3A_1327 : i32 to index
      %get3A_1329 = arith.constant 48 : index
      %get3A_1330 = tpu.vector_load %arg8[%get3A_1328, %get3A_1329] {strides = array<i32>} : memref<8x128xi32, #tpu.memory_space<vmem>>, vector<16xi32>,
      %add3A_1331 = arith.addi %mul3A_1326, %get3A_1330 : vector<16xi32>
      %mul3A_1332 = arith.constant 3 : i32
      %mul3A_1333 = vector.broadcast %mul3A_1332 : i32 to vector<16xi32>
      %mul3A_1334 = arith.muli %add3A_1331, %mul3A_1333 : vector<16xi32>
      %add3A_1335 = arith.addi %mul3A_1334, %gather3A_1319 : vector<16xi32>
      %swap3A_1336 = arith.constant 6 : i32
      %swap3A_1337 = arith.index_cast %swap3A_1336 : i32 to index
      %swap3A_1338 = arith.constant 48 : index
      %swap3A_1339 = tpu.vector_load %arg11[%swap3A_1337, %swap3A_1338] {strides = array<i32>} : memref<8x128xi32, #tpu.memory_space<vmem>>, vector<16xi32>,
      tpu.vector_store %arg11[%swap3A_1337, %swap3A_1338], %add3A_1335 {strides = array<i32>} : memref<8x128xi32, #tpu.memory_space<vmem>>, vector<16xi32>,
      %get3A_1340 = arith.constant 6 : i32
      %get3A_1341 = arith.index_cast %get3A_1340 : i32 to index
      %get3A_1342 = arith.constant 64 : index
      %get3A_1343 = tpu.vector_load %arg9[%get3A_1341, %get3A_1342] {strides = array<i32>} : memref<8x128xi32, #tpu.memory_space<vmem>>, vector<16xi32>,
      %gather3A_1344 = tpu.vector_load_idx %arg12[%get3A_1343] : memref<10112xi32, #tpu.memory_space<vmem>>[vector<16xi32>], vector<16xi32>,
      %get3A_1345 = arith.constant 6 : i32
      %get3A_1346 = arith.index_cast %get3A_1345 : i32 to index
      %get3A_1347 = arith.constant 64 : index
      %get3A_1348 = tpu.vector_load %arg10[%get3A_1346, %get3A_1347] {strides = array<i32>} : memref<8x128xi32, #tpu.memory_space<vmem>>, vector<16xi32>,
      %mul3A_1349 = arith.constant 10000 : i32
      %mul3A_1350 = vector.broadcast %mul3A_1349 : i32 to vector<16xi32>
      %mul3A_1351 = arith.muli %get3A_1348, %mul3A_1350 : vector<16xi32>
      %get3A_1352 = arith.constant 6 : i32
      %get3A_1353 = arith.index_cast %get3A_1352 : i32 to index
      %get3A_1354 = arith.constant 64 : index
      %get3A_1355 = tpu.vector_load %arg8[%get3A_1353, %get3A_1354] {strides = array<i32>} : memref<8x128xi32, #tpu.memory_space<vmem>>, vector<16xi32>,
      %add3A_1356 = arith.addi %mul3A_1351, %get3A_1355 : vector<16xi32>
      %mul3A_1357 = arith.constant 3 : i32
      %mul3A_1358 = vector.broadcast %mul3A_1357 : i32 to vector<16xi32>
      %mul3A_1359 = arith.muli %add3A_1356, %mul3A_1358 : vector<16xi32>
      %add3A_1360 = arith.addi %mul3A_1359, %gather3A_1344 : vector<16xi32>
      %swap3A_1361 = arith.constant 6 : i32
      %swap3A_1362 = arith.index_cast %swap3A_1361 : i32 to index
      %swap3A_1363 = arith.constant 64 : index
      %swap3A_1364 = tpu.vector_load %arg11[%swap3A_1362, %swap3A_1363] {strides = array<i32>} : memref<8x128xi32, #tpu.memory_space<vmem>>, vector<16xi32>,
      tpu.vector_store %arg11[%swap3A_1362, %swap3A_1363], %add3A_1360 {strides = array<i32>} : memref<8x128xi32, #tpu.memory_space<vmem>>, vector<16xi32>,
      %get3A_1365 = arith.constant 6 : i32
      %get3A_1366 = arith.index_cast %get3A_1365 : i32 to index
      %get3A_1367 = arith.constant 80 : index
      %get3A_1368 = tpu.vector_load %arg9[%get3A_1366, %get3A_1367] {strides = array<i32>} : memref<8x128xi32, #tpu.memory_space<vmem>>, vector<16xi32>,
      %gather3A_1369 = tpu.vector_load_idx %arg12[%get3A_1368] : memref<10112xi32, #tpu.memory_space<vmem>>[vector<16xi32>], vector<16xi32>,
      %get3A_1370 = arith.constant 6 : i32
      %get3A_1371 = arith.index_cast %get3A_1370 : i32 to index
      %get3A_1372 = arith.constant 80 : index
      %get3A_1373 = tpu.vector_load %arg10[%get3A_1371, %get3A_1372] {strides = array<i32>} : memref<8x128xi32, #tpu.memory_space<vmem>>, vector<16xi32>,
      %mul3A_1374 = arith.constant 10000 : i32
      %mul3A_1375 = vector.broadcast %mul3A_1374 : i32 to vector<16xi32>
      %mul3A_1376 = arith.muli %get3A_1373, %mul3A_1375 : vector<16xi32>
      %get3A_1377 = arith.constant 6 : i32
      %get3A_1378 = arith.index_cast %get3A_1377 : i32 to index
      %get3A_1379 = arith.constant 80 : index
      %get3A_1380 = tpu.vector_load %arg8[%get3A_1378, %get3A_1379] {strides = array<i32>} : memref<8x128xi32, #tpu.memory_space<vmem>>, vector<16xi32>,
      %add3A_1381 = arith.addi %mul3A_1376, %get3A_1380 : vector<16xi32>
      %mul3A_1382 = arith.constant 3 : i32
      %mul3A_1383 = vector.broadcast %mul3A_1382 : i32 to vector<16xi32>
      %mul3A_1384 = arith.muli %add3A_1381, %mul3A_1383 : vector<16xi32>
      %add3A_1385 = arith.addi %mul3A_1384, %gather3A_1369 : vector<16xi32>
      %swap3A_1386 = arith.constant 6 : i32
      %swap3A_1387 = arith.index_cast %swap3A_1386 : i32 to index
      %swap3A_1388 = arith.constant 80 : index
      %swap3A_1389 = tpu.vector_load %arg11[%swap3A_1387, %swap3A_1388] {strides = array<i32>} : memref<8x128xi32, #tpu.memory_space<vmem>>, vector<16xi32>,
      tpu.vector_store %arg11[%swap3A_1387, %swap3A_1388], %add3A_1385 {strides = array<i32>} : memref<8x128xi32, #tpu.memory_space<vmem>>, vector<16xi32>,
      %get3A_1390 = arith.constant 6 : i32
      %get3A_1391 = arith.index_cast %get3A_1390 : i32 to index
      %get3A_1392 = arith.constant 96 : index
      %get3A_1393 = tpu.vector_load %arg9[%get3A_1391, %get3A_1392] {strides = array<i32>} : memref<8x128xi32, #tpu.memory_space<vmem>>, vector<16xi32>,
      %gather3A_1394 = tpu.vector_load_idx %arg12[%get3A_1393] : memref<10112xi32, #tpu.memory_space<vmem>>[vector<16xi32>], vector<16xi32>,
      %get3A_1395 = arith.constant 6 : i32
      %get3A_1396 = arith.index_cast %get3A_1395 : i32 to index
      %get3A_1397 = arith.constant 96 : index
      %get3A_1398 = tpu.vector_load %arg10[%get3A_1396, %get3A_1397] {strides = array<i32>} : memref<8x128xi32, #tpu.memory_space<vmem>>, vector<16xi32>,
      %mul3A_1399 = arith.constant 10000 : i32
      %mul3A_1400 = vector.broadcast %mul3A_1399 : i32 to vector<16xi32>
      %mul3A_1401 = arith.muli %get3A_1398, %mul3A_1400 : vector<16xi32>
      %get3A_1402 = arith.constant 6 : i32
      %get3A_1403 = arith.index_cast %get3A_1402 : i32 to index
      %get3A_1404 = arith.constant 96 : index
      %get3A_1405 = tpu.vector_load %arg8[%get3A_1403, %get3A_1404] {strides = array<i32>} : memref<8x128xi32, #tpu.memory_space<vmem>>, vector<16xi32>,
      %add3A_1406 = arith.addi %mul3A_1401, %get3A_1405 : vector<16xi32>
      %mul3A_1407 = arith.constant 3 : i32
      %mul3A_1408 = vector.broadcast %mul3A_1407 : i32 to vector<16xi32>
      %mul3A_1409 = arith.muli %add3A_1406, %mul3A_1408 : vector<16xi32>
      %add3A_1410 = arith.addi %mul3A_1409, %gather3A_1394 : vector<16xi32>
      %swap3A_1411 = arith.constant 6 : i32
      %swap3A_1412 = arith.index_cast %swap3A_1411 : i32 to index
      %swap3A_1413 = arith.constant 96 : index
      %swap3A_1414 = tpu.vector_load %arg11[%swap3A_1412, %swap3A_1413] {strides = array<i32>} : memref<8x128xi32, #tpu.memory_space<vmem>>, vector<16xi32>,
      tpu.vector_store %arg11[%swap3A_1412, %swap3A_1413], %add3A_1410 {strides = array<i32>} : memref<8x128xi32, #tpu.memory_space<vmem>>, vector<16xi32>,
      %get3A_1415 = arith.constant 6 : i32
      %get3A_1416 = arith.index_cast %get3A_1415 : i32 to index
      %get3A_1417 = arith.constant 112 : index
      %get3A_1418 = tpu.vector_load %arg9[%get3A_1416, %get3A_1417] {strides = array<i32>} : memref<8x128xi32, #tpu.memory_space<vmem>>, vector<16xi32>,
      %gather3A_1419 = tpu.vector_load_idx %arg12[%get3A_1418] : memref<10112xi32, #tpu.memory_space<vmem>>[vector<16xi32>], vector<16xi32>,
      %get3A_1420 = arith.constant 6 : i32
      %get3A_1421 = arith.index_cast %get3A_1420 : i32 to index
      %get3A_1422 = arith.constant 112 : index
      %get3A_1423 = tpu.vector_load %arg10[%get3A_1421, %get3A_1422] {strides = array<i32>} : memref<8x128xi32, #tpu.memory_space<vmem>>, vector<16xi32>,
      %mul3A_1424 = arith.constant 10000 : i32
      %mul3A_1425 = vector.broadcast %mul3A_1424 : i32 to vector<16xi32>
      %mul3A_1426 = arith.muli %get3A_1423, %mul3A_1425 : vector<16xi32>
      %get3A_1427 = arith.constant 6 : i32
      %get3A_1428 = arith.index_cast %get3A_1427 : i32 to index
      %get3A_1429 = arith.constant 112 : index
      %get3A_1430 = tpu.vector_load %arg8[%get3A_1428, %get3A_1429] {strides = array<i32>} : memref<8x128xi32, #tpu.memory_space<vmem>>, vector<16xi32>,
      %add3A_1431 = arith.addi %mul3A_1426, %get3A_1430 : vector<16xi32>
      %mul3A_1432 = arith.constant 3 : i32
      %mul3A_1433 = vector.broadcast %mul3A_1432 : i32 to vector<16xi32>
      %mul3A_1434 = arith.muli %add3A_1431, %mul3A_1433 : vector<16xi32>
      %add3A_1435 = arith.addi %mul3A_1434, %gather3A_1419 : vector<16xi32>
      %swap3A_1436 = arith.constant 6 : i32
      %swap3A_1437 = arith.index_cast %swap3A_1436 : i32 to index
      %swap3A_1438 = arith.constant 112 : index
      %swap3A_1439 = tpu.vector_load %arg11[%swap3A_1437, %swap3A_1438] {strides = array<i32>} : memref<8x128xi32, #tpu.memory_space<vmem>>, vector<16xi32>,
      tpu.vector_store %arg11[%swap3A_1437, %swap3A_1438], %add3A_1435 {strides = array<i32>} : memref<8x128xi32, #tpu.memory_space<vmem>>, vector<16xi32>,
      %get3A_1440 = arith.constant 7 : i32
      %get3A_1441 = arith.index_cast %get3A_1440 : i32 to index
      %get3A_1442 = arith.constant 0 : index
      %get3A_1443 = tpu.vector_load %arg9[%get3A_1441, %get3A_1442] {strides = array<i32>} : memref<8x128xi32, #tpu.memory_space<vmem>>, vector<16xi32>,
      %gather3A_1444 = tpu.vector_load_idx %arg12[%get3A_1443] : memref<10112xi32, #tpu.memory_space<vmem>>[vector<16xi32>], vector<16xi32>,
      %get3A_1445 = arith.constant 7 : i32
      %get3A_1446 = arith.index_cast %get3A_1445 : i32 to index
      %get3A_1447 = arith.constant 0 : index
      %get3A_1448 = tpu.vector_load %arg10[%get3A_1446, %get3A_1447] {strides = array<i32>} : memref<8x128xi32, #tpu.memory_space<vmem>>, vector<16xi32>,
      %mul3A_1449 = arith.constant 10000 : i32
      %mul3A_1450 = vector.broadcast %mul3A_1449 : i32 to vector<16xi32>
      %mul3A_1451 = arith.muli %get3A_1448, %mul3A_1450 : vector<16xi32>
      %get3A_1452 = arith.constant 7 : i32
      %get3A_1453 = arith.index_cast %get3A_1452 : i32 to index
      %get3A_1454 = arith.constant 0 : index
      %get3A_1455 = tpu.vector_load %arg8[%get3A_1453, %get3A_1454] {strides = array<i32>} : memref<8x128xi32, #tpu.memory_space<vmem>>, vector<16xi32>,
      %add3A_1456 = arith.addi %mul3A_1451, %get3A_1455 : vector<16xi32>
      %mul3A_1457 = arith.constant 3 : i32
      %mul3A_1458 = vector.broadcast %mul3A_1457 : i32 to vector<16xi32>
      %mul3A_1459 = arith.muli %add3A_1456, %mul3A_1458 : vector<16xi32>
      %add3A_1460 = arith.addi %mul3A_1459, %gather3A_1444 : vector<16xi32>
      %swap3A_1461 = arith.constant 7 : i32
      %swap3A_1462 = arith.index_cast %swap3A_1461 : i32 to index
      %swap3A_1463 = arith.constant 0 : index
      %swap3A_1464 = tpu.vector_load %arg11[%swap3A_1462, %swap3A_1463] {strides = array<i32>} : memref<8x128xi32, #tpu.memory_space<vmem>>, vector<16xi32>,
      tpu.vector_store %arg11[%swap3A_1462, %swap3A_1463], %add3A_1460 {strides = array<i32>} : memref<8x128xi32, #tpu.memory_space<vmem>>, vector<16xi32>,
      %get3A_1465 = arith.constant 7 : i32
      %get3A_1466 = arith.index_cast %get3A_1465 : i32 to index
      %get3A_1467 = arith.constant 16 : index
      %get3A_1468 = tpu.vector_load %arg9[%get3A_1466, %get3A_1467] {strides = array<i32>} : memref<8x128xi32, #tpu.memory_space<vmem>>, vector<16xi32>,
      %gather3A_1469 = tpu.vector_load_idx %arg12[%get3A_1468] : memref<10112xi32, #tpu.memory_space<vmem>>[vector<16xi32>], vector<16xi32>,
      %get3A_1470 = arith.constant 7 : i32
      %get3A_1471 = arith.index_cast %get3A_1470 : i32 to index
      %get3A_1472 = arith.constant 16 : index
      %get3A_1473 = tpu.vector_load %arg10[%get3A_1471, %get3A_1472] {strides = array<i32>} : memref<8x128xi32, #tpu.memory_space<vmem>>, vector<16xi32>,
      %mul3A_1474 = arith.constant 10000 : i32
      %mul3A_1475 = vector.broadcast %mul3A_1474 : i32 to vector<16xi32>
      %mul3A_1476 = arith.muli %get3A_1473, %mul3A_1475 : vector<16xi32>
      %get3A_1477 = arith.constant 7 : i32
      %get3A_1478 = arith.index_cast %get3A_1477 : i32 to index
      %get3A_1479 = arith.constant 16 : index
      %get3A_1480 = tpu.vector_load %arg8[%get3A_1478, %get3A_1479] {strides = array<i32>} : memref<8x128xi32, #tpu.memory_space<vmem>>, vector<16xi32>,
      %add3A_1481 = arith.addi %mul3A_1476, %get3A_1480 : vector<16xi32>
      %mul3A_1482 = arith.constant 3 : i32
      %mul3A_1483 = vector.broadcast %mul3A_1482 : i32 to vector<16xi32>
      %mul3A_1484 = arith.muli %add3A_1481, %mul3A_1483 : vector<16xi32>
      %add3A_1485 = arith.addi %mul3A_1484, %gather3A_1469 : vector<16xi32>
      %swap3A_1486 = arith.constant 7 : i32
      %swap3A_1487 = arith.index_cast %swap3A_1486 : i32 to index
      %swap3A_1488 = arith.constant 16 : index
      %swap3A_1489 = tpu.vector_load %arg11[%swap3A_1487, %swap3A_1488] {strides = array<i32>} : memref<8x128xi32, #tpu.memory_space<vmem>>, vector<16xi32>,
      tpu.vector_store %arg11[%swap3A_1487, %swap3A_1488], %add3A_1485 {strides = array<i32>} : memref<8x128xi32, #tpu.memory_space<vmem>>, vector<16xi32>,
      %get3A_1490 = arith.constant 7 : i32
      %get3A_1491 = arith.index_cast %get3A_1490 : i32 to index
      %get3A_1492 = arith.constant 32 : index
      %get3A_1493 = tpu.vector_load %arg9[%get3A_1491, %get3A_1492] {strides = array<i32>} : memref<8x128xi32, #tpu.memory_space<vmem>>, vector<16xi32>,
      %gather3A_1494 = tpu.vector_load_idx %arg12[%get3A_1493] : memref<10112xi32, #tpu.memory_space<vmem>>[vector<16xi32>], vector<16xi32>,
      %get3A_1495 = arith.constant 7 : i32
      %get3A_1496 = arith.index_cast %get3A_1495 : i32 to index
      %get3A_1497 = arith.constant 32 : index
      %get3A_1498 = tpu.vector_load %arg10[%get3A_1496, %get3A_1497] {strides = array<i32>} : memref<8x128xi32, #tpu.memory_space<vmem>>, vector<16xi32>,
      %mul3A_1499 = arith.constant 10000 : i32
      %mul3A_1500 = vector.broadcast %mul3A_1499 : i32 to vector<16xi32>
      %mul3A_1501 = arith.muli %get3A_1498, %mul3A_1500 : vector<16xi32>
      %get3A_1502 = arith.constant 7 : i32
      %get3A_1503 = arith.index_cast %get3A_1502 : i32 to index
      %get3A_1504 = arith.constant 32 : index
      %get3A_1505 = tpu.vector_load %arg8[%get3A_1503, %get3A_1504] {strides = array<i32>} : memref<8x128xi32, #tpu.memory_space<vmem>>, vector<16xi32>,
      %add3A_1506 = arith.addi %mul3A_1501, %get3A_1505 : vector<16xi32>
      %mul3A_1507 = arith.constant 3 : i32
      %mul3A_1508 = vector.broadcast %mul3A_1507 : i32 to vector<16xi32>
      %mul3A_1509 = arith.muli %add3A_1506, %mul3A_1508 : vector<16xi32>
      %add3A_1510 = arith.addi %mul3A_1509, %gather3A_1494 : vector<16xi32>
      %swap3A_1511 = arith.constant 7 : i32
      %swap3A_1512 = arith.index_cast %swap3A_1511 : i32 to index
      %swap3A_1513 = arith.constant 32 : index
      %swap3A_1514 = tpu.vector_load %arg11[%swap3A_1512, %swap3A_1513] {strides = array<i32>} : memref<8x128xi32, #tpu.memory_space<vmem>>, vector<16xi32>,
      tpu.vector_store %arg11[%swap3A_1512, %swap3A_1513], %add3A_1510 {strides = array<i32>} : memref<8x128xi32, #tpu.memory_space<vmem>>, vector<16xi32>,
      %get3A_1515 = arith.constant 7 : i32
      %get3A_1516 = arith.index_cast %get3A_1515 : i32 to index
      %get3A_1517 = arith.constant 48 : index
      %get3A_1518 = tpu.vector_load %arg9[%get3A_1516, %get3A_1517] {strides = array<i32>} : memref<8x128xi32, #tpu.memory_space<vmem>>, vector<16xi32>,
      %gather3A_1519 = tpu.vector_load_idx %arg12[%get3A_1518] : memref<10112xi32, #tpu.memory_space<vmem>>[vector<16xi32>], vector<16xi32>,
      %get3A_1520 = arith.constant 7 : i32
      %get3A_1521 = arith.index_cast %get3A_1520 : i32 to index
      %get3A_1522 = arith.constant 48 : index
      %get3A_1523 = tpu.vector_load %arg10[%get3A_1521, %get3A_1522] {strides = array<i32>} : memref<8x128xi32, #tpu.memory_space<vmem>>, vector<16xi32>,
      %mul3A_1524 = arith.constant 10000 : i32
      %mul3A_1525 = vector.broadcast %mul3A_1524 : i32 to vector<16xi32>
      %mul3A_1526 = arith.muli %get3A_1523, %mul3A_1525 : vector<16xi32>
      %get3A_1527 = arith.constant 7 : i32
      %get3A_1528 = arith.index_cast %get3A_1527 : i32 to index
      %get3A_1529 = arith.constant 48 : index
      %get3A_1530 = tpu.vector_load %arg8[%get3A_1528, %get3A_1529] {strides = array<i32>} : memref<8x128xi32, #tpu.memory_space<vmem>>, vector<16xi32>,
      %add3A_1531 = arith.addi %mul3A_1526, %get3A_1530 : vector<16xi32>
      %mul3A_1532 = arith.constant 3 : i32
      %mul3A_1533 = vector.broadcast %mul3A_1532 : i32 to vector<16xi32>
      %mul3A_1534 = arith.muli %add3A_1531, %mul3A_1533 : vector<16xi32>
      %add3A_1535 = arith.addi %mul3A_1534, %gather3A_1519 : vector<16xi32>
      %swap3A_1536 = arith.constant 7 : i32
      %swap3A_1537 = arith.index_cast %swap3A_1536 : i32 to index
      %swap3A_1538 = arith.constant 48 : index
      %swap3A_1539 = tpu.vector_load %arg11[%swap3A_1537, %swap3A_1538] {strides = array<i32>} : memref<8x128xi32, #tpu.memory_space<vmem>>, vector<16xi32>,
      tpu.vector_store %arg11[%swap3A_1537, %swap3A_1538], %add3A_1535 {strides = array<i32>} : memref<8x128xi32, #tpu.memory_space<vmem>>, vector<16xi32>,
      %get3A_1540 = arith.constant 7 : i32
      %get3A_1541 = arith.index_cast %get3A_1540 : i32 to index
      %get3A_1542 = arith.constant 64 : index
      %get3A_1543 = tpu.vector_load %arg9[%get3A_1541, %get3A_1542] {strides = array<i32>} : memref<8x128xi32, #tpu.memory_space<vmem>>, vector<16xi32>,
      %gather3A_1544 = tpu.vector_load_idx %arg12[%get3A_1543] : memref<10112xi32, #tpu.memory_space<vmem>>[vector<16xi32>], vector<16xi32>,
      %get3A_1545 = arith.constant 7 : i32
      %get3A_1546 = arith.index_cast %get3A_1545 : i32 to index
      %get3A_1547 = arith.constant 64 : index
      %get3A_1548 = tpu.vector_load %arg10[%get3A_1546, %get3A_1547] {strides = array<i32>} : memref<8x128xi32, #tpu.memory_space<vmem>>, vector<16xi32>,
      %mul3A_1549 = arith.constant 10000 : i32
      %mul3A_1550 = vector.broadcast %mul3A_1549 : i32 to vector<16xi32>
      %mul3A_1551 = arith.muli %get3A_1548, %mul3A_1550 : vector<16xi32>
      %get3A_1552 = arith.constant 7 : i32
      %get3A_1553 = arith.index_cast %get3A_1552 : i32 to index
      %get3A_1554 = arith.constant 64 : index
      %get3A_1555 = tpu.vector_load %arg8[%get3A_1553, %get3A_1554] {strides = array<i32>} : memref<8x128xi32, #tpu.memory_space<vmem>>, vector<16xi32>,
      %add3A_1556 = arith.addi %mul3A_1551, %get3A_1555 : vector<16xi32>
      %mul3A_1557 = arith.constant 3 : i32
      %mul3A_1558 = vector.broadcast %mul3A_1557 : i32 to vector<16xi32>
      %mul3A_1559 = arith.muli %add3A_1556, %mul3A_1558 : vector<16xi32>
      %add3A_1560 = arith.addi %mul3A_1559, %gather3A_1544 : vector<16xi32>
      %swap3A_1561 = arith.constant 7 : i32
      %swap3A_1562 = arith.index_cast %swap3A_1561 : i32 to index
      %swap3A_1563 = arith.constant 64 : index
      %swap3A_1564 = tpu.vector_load %arg11[%swap3A_1562, %swap3A_1563] {strides = array<i32>} : memref<8x128xi32, #tpu.memory_space<vmem>>, vector<16xi32>,
      tpu.vector_store %arg11[%swap3A_1562, %swap3A_1563], %add3A_1560 {strides = array<i32>} : memref<8x128xi32, #tpu.memory_space<vmem>>, vector<16xi32>,
      %get3A_1565 = arith.constant 7 : i32
      %get3A_1566 = arith.index_cast %get3A_1565 : i32 to index
      %get3A_1567 = arith.constant 80 : index
      %get3A_1568 = tpu.vector_load %arg9[%get3A_1566, %get3A_1567] {strides = array<i32>} : memref<8x128xi32, #tpu.memory_space<vmem>>, vector<16xi32>,
      %gather3A_1569 = tpu.vector_load_idx %arg12[%get3A_1568] : memref<10112xi32, #tpu.memory_space<vmem>>[vector<16xi32>], vector<16xi32>,
      %get3A_1570 = arith.constant 7 : i32
      %get3A_1571 = arith.index_cast %get3A_1570 : i32 to index
      %get3A_1572 = arith.constant 80 : index
      %get3A_1573 = tpu.vector_load %arg10[%get3A_1571, %get3A_1572] {strides = array<i32>} : memref<8x128xi32, #tpu.memory_space<vmem>>, vector<16xi32>,
      %mul3A_1574 = arith.constant 10000 : i32
      %mul3A_1575 = vector.broadcast %mul3A_1574 : i32 to vector<16xi32>
      %mul3A_1576 = arith.muli %get3A_1573, %mul3A_1575 : vector<16xi32>
      %get3A_1577 = arith.constant 7 : i32
      %get3A_1578 = arith.index_cast %get3A_1577 : i32 to index
      %get3A_1579 = arith.constant 80 : index
      %get3A_1580 = tpu.vector_load %arg8[%get3A_1578, %get3A_1579] {strides = array<i32>} : memref<8x128xi32, #tpu.memory_space<vmem>>, vector<16xi32>,
      %add3A_1581 = arith.addi %mul3A_1576, %get3A_1580 : vector<16xi32>
      %mul3A_1582 = arith.constant 3 : i32
      %mul3A_1583 = vector.broadcast %mul3A_1582 : i32 to vector<16xi32>
      %mul3A_1584 = arith.muli %add3A_1581, %mul3A_1583 : vector<16xi32>
      %add3A_1585 = arith.addi %mul3A_1584, %gather3A_1569 : vector<16xi32>
      %swap3A_1586 = arith.constant 7 : i32
      %swap3A_1587 = arith.index_cast %swap3A_1586 : i32 to index
      %swap3A_1588 = arith.constant 80 : index
      %swap3A_1589 = tpu.vector_load %arg11[%swap3A_1587, %swap3A_1588] {strides = array<i32>} : memref<8x128xi32, #tpu.memory_space<vmem>>, vector<16xi32>,
      tpu.vector_store %arg11[%swap3A_1587, %swap3A_1588], %add3A_1585 {strides = array<i32>} : memref<8x128xi32, #tpu.memory_space<vmem>>, vector<16xi32>,
      %get3A_1590 = arith.constant 7 : i32
      %get3A_1591 = arith.index_cast %get3A_1590 : i32 to index
      %get3A_1592 = arith.constant 96 : index
      %get3A_1593 = tpu.vector_load %arg9[%get3A_1591, %get3A_1592] {strides = array<i32>} : memref<8x128xi32, #tpu.memory_space<vmem>>, vector<16xi32>,
      %gather3A_1594 = tpu.vector_load_idx %arg12[%get3A_1593] : memref<10112xi32, #tpu.memory_space<vmem>>[vector<16xi32>], vector<16xi32>,
      %get3A_1595 = arith.constant 7 : i32
      %get3A_1596 = arith.index_cast %get3A_1595 : i32 to index
      %get3A_1597 = arith.constant 96 : index
      %get3A_1598 = tpu.vector_load %arg10[%get3A_1596, %get3A_1597] {strides = array<i32>} : memref<8x128xi32, #tpu.memory_space<vmem>>, vector<16xi32>,
      %mul3A_1599 = arith.constant 10000 : i32
      %mul3A_1600 = vector.broadcast %mul3A_1599 : i32 to vector<16xi32>
      %mul3A_1601 = arith.muli %get3A_1598, %mul3A_1600 : vector<16xi32>
      %get3A_1602 = arith.constant 7 : i32
      %get3A_1603 = arith.index_cast %get3A_1602 : i32 to index
      %get3A_1604 = arith.constant 96 : index
      %get3A_1605 = tpu.vector_load %arg8[%get3A_1603, %get3A_1604] {strides = array<i32>} : memref<8x128xi32, #tpu.memory_space<vmem>>, vector<16xi32>,
      %add3A_1606 = arith.addi %mul3A_1601, %get3A_1605 : vector<16xi32>
      %mul3A_1607 = arith.constant 3 : i32
      %mul3A_1608 = vector.broadcast %mul3A_1607 : i32 to vector<16xi32>
      %mul3A_1609 = arith.muli %add3A_1606, %mul3A_1608 : vector<16xi32>
      %add3A_1610 = arith.addi %mul3A_1609, %gather3A_1594 : vector<16xi32>
      %swap3A_1611 = arith.constant 7 : i32
      %swap3A_1612 = arith.index_cast %swap3A_1611 : i32 to index
      %swap3A_1613 = arith.constant 96 : index
      %swap3A_1614 = tpu.vector_load %arg11[%swap3A_1612, %swap3A_1613] {strides = array<i32>} : memref<8x128xi32, #tpu.memory_space<vmem>>, vector<16xi32>,
      tpu.vector_store %arg11[%swap3A_1612, %swap3A_1613], %add3A_1610 {strides = array<i32>} : memref<8x128xi32, #tpu.memory_space<vmem>>, vector<16xi32>,
      %get3A_1615 = arith.constant 7 : i32
      %get3A_1616 = arith.index_cast %get3A_1615 : i32 to index
      %get3A_1617 = arith.constant 112 : index
      %get3A_1618 = tpu.vector_load %arg9[%get3A_1616, %get3A_1617] {strides = array<i32>} : memref<8x128xi32, #tpu.memory_space<vmem>>, vector<16xi32>,
      %gather3A_1619 = tpu.vector_load_idx %arg12[%get3A_1618] : memref<10112xi32, #tpu.memory_space<vmem>>[vector<16xi32>], vector<16xi32>,
      %get3A_1620 = arith.constant 7 : i32
      %get3A_1621 = arith.index_cast %get3A_1620 : i32 to index
      %get3A_1622 = arith.constant 112 : index
      %get3A_1623 = tpu.vector_load %arg10[%get3A_1621, %get3A_1622] {strides = array<i32>} : memref<8x128xi32, #tpu.memory_space<vmem>>, vector<16xi32>,
      %mul3A_1624 = arith.constant 10000 : i32
      %mul3A_1625 = vector.broadcast %mul3A_1624 : i32 to vector<16xi32>
      %mul3A_1626 = arith.muli %get3A_1623, %mul3A_1625 : vector<16xi32>
      %get3A_1627 = arith.constant 7 : i32
      %get3A_1628 = arith.index_cast %get3A_1627 : i32 to index
      %get3A_1629 = arith.constant 112 : index
      %get3A_1630 = tpu.vector_load %arg8[%get3A_1628, %get3A_1629] {strides = array<i32>} : memref<8x128xi32, #tpu.memory_space<vmem>>, vector<16xi32>,
      %add3A_1631 = arith.addi %mul3A_1626, %get3A_1630 : vector<16xi32>
      %mul3A_1632 = arith.constant 3 : i32
      %mul3A_1633 = vector.broadcast %mul3A_1632 : i32 to vector<16xi32>
      %mul3A_1634 = arith.muli %add3A_1631, %mul3A_1633 : vector<16xi32>
      %add3A_1635 = arith.addi %mul3A_1634, %gather3A_1619 : vector<16xi32>
      %swap3A_1636 = arith.constant 7 : i32
      %swap3A_1637 = arith.index_cast %swap3A_1636 : i32 to index
      %swap3A_1638 = arith.constant 112 : index
      %swap3A_1639 = tpu.vector_load %arg11[%swap3A_1637, %swap3A_1638] {strides = array<i32>} : memref<8x128xi32, #tpu.memory_space<vmem>>, vector<16xi32>,
      tpu.vector_store %arg11[%swap3A_1637, %swap3A_1638], %add3A_1635 {strides = array<i32>} : memref<8x128xi32, #tpu.memory_space<vmem>>, vector<16xi32>,
      %dma_start3A = arith.constant 0 : i32
      %dma_start3A_1640 = arith.constant 0 : i32
      %dma_start3A_1641 = tpu.memref_slice %arg11[%dma_start3A, %dma_start3A_1640] : memref<8x128xi32, #tpu.memory_space<vmem>> -> memref<1x128xi32, #tpu.memory_space<vmem>>
      %dma_start3A_1642 = tpu.memref_squeeze %dma_start3A_1641 : memref<1x128xi32, #tpu.memory_space<vmem>> -> memref<128xi32, #tpu.memory_space<vmem>>
      %dma_start3A_1643 = arith.constant 0 : i32
      %dma_start3A_1644 = arith.constant 0 : i32
      %dma_start3A_1645 = tpu.memref_slice %arg2[%dma_start3A_1643, %dma_start3A_1644] : memref<120000x128xf32, #tpu.memory_space<hbm>> -> memref<120000x128xf32, #tpu.memory_space<hbm>>
      tpu.enqueue_indirect_dma source(%dma_start3A_1645 : memref<120000x128xf32, #tpu.memory_space<hbm>>) target(%arg13 : memref<128x128xf32, #tpu.memory_space<vmem>>) offsets(%dma_start3A_1642 : memref<128xi32, #tpu.memory_space<vmem>>) semaphore(%arg15 : memref<!tpu.dma_semaphore, #tpu.memory_space<semaphore_mem>>)
      %dma_wait3A = arith.constant 0 : i32
      %dma_wait3A_1646 = arith.constant 0 : i32
      %dma_wait3A_1647 = tpu.memref_slice %arg11[%dma_wait3A, %dma_wait3A_1646] : memref<8x128xi32, #tpu.memory_space<vmem>> -> memref<1x128xi32, #tpu.memory_space<vmem>>
      %dma_wait3A_1648 = tpu.memref_squeeze %dma_wait3A_1647 : memref<1x128xi32, #tpu.memory_space<vmem>> -> memref<128xi32, #tpu.memory_space<vmem>>
      %dma_wait3A_1649 = arith.constant 0 : i32
      %dma_wait3A_1650 = arith.constant 0 : i32
      %dma_wait3A_1651 = tpu.memref_slice %arg2[%dma_wait3A_1649, %dma_wait3A_1650] : memref<120000x128xf32, #tpu.memory_space<hbm>> -> memref<120000x128xf32, #tpu.memory_space<hbm>>
      tpu.wait_indirect_dma semaphore(%arg15 : memref<!tpu.dma_semaphore, #tpu.memory_space<semaphore_mem>>) src(%dma_wait3A_1651 : memref<120000x128xf32, #tpu.memory_space<hbm>>) dst(%arg13 : memref<128x128xf32, #tpu.memory_space<vmem>>)
      %run_scoped3A = arith.constant 0 : i32
      "tpu.region"() ({
        %run_scoped3A_1757 = tpu.sem_alloc : memref<!tpu.dma_semaphore, #tpu.memory_space<semaphore_mem>>
        %dma_start3A_1758 = arith.constant 0 : i32
        %dma_start3A_1759 = tpu.memref_slice %arg9[%run_scoped3A, %dma_start3A_1758] : memref<8x128xi32, #tpu.memory_space<vmem>> -> memref<1x128xi32, #tpu.memory_space<vmem>>
        %dma_start3A_1760 = tpu.memref_squeeze %dma_start3A_1759 : memref<1x128xi32, #tpu.memory_space<vmem>> -> memref<128xi32, #tpu.memory_space<vmem>>
        %dma_start3A_1761 = arith.constant 0 : i32
        %dma_start3A_1762 = arith.constant 0 : i32
        %dma_start3A_1763 = tpu.memref_slice %arg14[%dma_start3A_1761, %dma_start3A_1762] : memref<10112x128xf32, #tpu.memory_space<vmem_shared>> -> memref<10112x128xf32, #tpu.memory_space<vmem_shared>>
        tpu.enqueue_indirect_dma source(%arg13 : memref<128x128xf32, #tpu.memory_space<vmem>>) target(%dma_start3A_1763 : memref<10112x128xf32, #tpu.memory_space<vmem_shared>>) offsets(%dma_start3A_1760 : memref<128xi32, #tpu.memory_space<vmem>>) semaphore(%run_scoped3A_1757 : memref<!tpu.dma_semaphore, #tpu.memory_space<semaphore_mem>>) {add = true}
        %dma_wait3A_1764 = arith.constant 0 : i32
        %dma_wait3A_1765 = tpu.memref_slice %arg9[%run_scoped3A, %dma_wait3A_1764] : memref<8x128xi32, #tpu.memory_space<vmem>> -> memref<1x128xi32, #tpu.memory_space<vmem>>
        %dma_wait3A_1766 = tpu.memref_squeeze %dma_wait3A_1765 : memref<1x128xi32, #tpu.memory_space<vmem>> -> memref<128xi32, #tpu.memory_space<vmem>>
        %dma_wait3A_1767 = arith.constant 0 : i32
        %dma_wait3A_1768 = arith.constant 0 : i32
        %dma_wait3A_1769 = tpu.memref_slice %arg14[%dma_wait3A_1767, %dma_wait3A_1768] : memref<10112x128xf32, #tpu.memory_space<vmem_shared>> -> memref<10112x128xf32, #tpu.memory_space<vmem_shared>>
        tpu.wait_indirect_dma semaphore(%run_scoped3A_1757 : memref<!tpu.dma_semaphore, #tpu.memory_space<semaphore_mem>>) src(%arg13 : memref<128x128xf32, #tpu.memory_space<vmem>>) dst(%dma_wait3A_1769 : memref<10112x128xf32, #tpu.memory_space<vmem_shared>>)
        tpu.yield
      }) : () -> ()
      %dma_start3A_1652 = arith.constant 1 : i32
      %dma_start3A_1653 = arith.constant 0 : i32
      %dma_start3A_1654 = tpu.memref_slice %arg11[%dma_start3A_1652, %dma_start3A_1653] : memref<8x128xi32, #tpu.memory_space<vmem>> -> memref<1x128xi32, #tpu.memory_space<vmem>>
      %dma_start3A_1655 = tpu.memref_squeeze %dma_start3A_1654 : memref<1x128xi32, #tpu.memory_space<vmem>> -> memref<128xi32, #tpu.memory_space<vmem>>
      %dma_start3A_1656 = arith.constant 0 : i32
      %dma_start3A_1657 = arith.constant 0 : i32
      %dma_start3A_1658 = tpu.memref_slice %arg2[%dma_start3A_1656, %dma_start3A_1657] : memref<120000x128xf32, #tpu.memory_space<hbm>> -> memref<120000x128xf32, #tpu.memory_space<hbm>>
      tpu.enqueue_indirect_dma source(%dma_start3A_1658 : memref<120000x128xf32, #tpu.memory_space<hbm>>) target(%arg13 : memref<128x128xf32, #tpu.memory_space<vmem>>) offsets(%dma_start3A_1655 : memref<128xi32, #tpu.memory_space<vmem>>) semaphore(%arg15 : memref<!tpu.dma_semaphore, #tpu.memory_space<semaphore_mem>>)
      %dma_wait3A_1659 = arith.constant 1 : i32
      %dma_wait3A_1660 = arith.constant 0 : i32
      %dma_wait3A_1661 = tpu.memref_slice %arg11[%dma_wait3A_1659, %dma_wait3A_1660] : memref<8x128xi32, #tpu.memory_space<vmem>> -> memref<1x128xi32, #tpu.memory_space<vmem>>
      %dma_wait3A_1662 = tpu.memref_squeeze %dma_wait3A_1661 : memref<1x128xi32, #tpu.memory_space<vmem>> -> memref<128xi32, #tpu.memory_space<vmem>>
      %dma_wait3A_1663 = arith.constant 0 : i32
      %dma_wait3A_1664 = arith.constant 0 : i32
      %dma_wait3A_1665 = tpu.memref_slice %arg2[%dma_wait3A_1663, %dma_wait3A_1664] : memref<120000x128xf32, #tpu.memory_space<hbm>> -> memref<120000x128xf32, #tpu.memory_space<hbm>>
      tpu.wait_indirect_dma semaphore(%arg15 : memref<!tpu.dma_semaphore, #tpu.memory_space<semaphore_mem>>) src(%dma_wait3A_1665 : memref<120000x128xf32, #tpu.memory_space<hbm>>) dst(%arg13 : memref<128x128xf32, #tpu.memory_space<vmem>>)
      %run_scoped3A_1666 = arith.constant 1 : i32
      "tpu.region"() ({
        %run_scoped3A_1757 = tpu.sem_alloc : memref<!tpu.dma_semaphore, #tpu.memory_space<semaphore_mem>>
        %dma_start3A_1758 = arith.constant 0 : i32
        %dma_start3A_1759 = tpu.memref_slice %arg9[%run_scoped3A_1666, %dma_start3A_1758] : memref<8x128xi32, #tpu.memory_space<vmem>> -> memref<1x128xi32, #tpu.memory_space<vmem>>
        %dma_start3A_1760 = tpu.memref_squeeze %dma_start3A_1759 : memref<1x128xi32, #tpu.memory_space<vmem>> -> memref<128xi32, #tpu.memory_space<vmem>>
        %dma_start3A_1761 = arith.constant 0 : i32
        %dma_start3A_1762 = arith.constant 0 : i32
        %dma_start3A_1763 = tpu.memref_slice %arg14[%dma_start3A_1761, %dma_start3A_1762] : memref<10112x128xf32, #tpu.memory_space<vmem_shared>> -> memref<10112x128xf32, #tpu.memory_space<vmem_shared>>
        tpu.enqueue_indirect_dma source(%arg13 : memref<128x128xf32, #tpu.memory_space<vmem>>) target(%dma_start3A_1763 : memref<10112x128xf32, #tpu.memory_space<vmem_shared>>) offsets(%dma_start3A_1760 : memref<128xi32, #tpu.memory_space<vmem>>) semaphore(%run_scoped3A_1757 : memref<!tpu.dma_semaphore, #tpu.memory_space<semaphore_mem>>) {add = true}
        %dma_wait3A_1764 = arith.constant 0 : i32
        %dma_wait3A_1765 = tpu.memref_slice %arg9[%run_scoped3A_1666, %dma_wait3A_1764] : memref<8x128xi32, #tpu.memory_space<vmem>> -> memref<1x128xi32, #tpu.memory_space<vmem>>
        %dma_wait3A_1766 = tpu.memref_squeeze %dma_wait3A_1765 : memref<1x128xi32, #tpu.memory_space<vmem>> -> memref<128xi32, #tpu.memory_space<vmem>>
        %dma_wait3A_1767 = arith.constant 0 : i32
        %dma_wait3A_1768 = arith.constant 0 : i32
        %dma_wait3A_1769 = tpu.memref_slice %arg14[%dma_wait3A_1767, %dma_wait3A_1768] : memref<10112x128xf32, #tpu.memory_space<vmem_shared>> -> memref<10112x128xf32, #tpu.memory_space<vmem_shared>>
        tpu.wait_indirect_dma semaphore(%run_scoped3A_1757 : memref<!tpu.dma_semaphore, #tpu.memory_space<semaphore_mem>>) src(%arg13 : memref<128x128xf32, #tpu.memory_space<vmem>>) dst(%dma_wait3A_1769 : memref<10112x128xf32, #tpu.memory_space<vmem_shared>>)
        tpu.yield
      }) : () -> ()
      %dma_start3A_1667 = arith.constant 2 : i32
      %dma_start3A_1668 = arith.constant 0 : i32
      %dma_start3A_1669 = tpu.memref_slice %arg11[%dma_start3A_1667, %dma_start3A_1668] : memref<8x128xi32, #tpu.memory_space<vmem>> -> memref<1x128xi32, #tpu.memory_space<vmem>>
      %dma_start3A_1670 = tpu.memref_squeeze %dma_start3A_1669 : memref<1x128xi32, #tpu.memory_space<vmem>> -> memref<128xi32, #tpu.memory_space<vmem>>
      %dma_start3A_1671 = arith.constant 0 : i32
      %dma_start3A_1672 = arith.constant 0 : i32
      %dma_start3A_1673 = tpu.memref_slice %arg2[%dma_start3A_1671, %dma_start3A_1672] : memref<120000x128xf32, #tpu.memory_space<hbm>> -> memref<120000x128xf32, #tpu.memory_space<hbm>>
      tpu.enqueue_indirect_dma source(%dma_start3A_1673 : memref<120000x128xf32, #tpu.memory_space<hbm>>) target(%arg13 : memref<128x128xf32, #tpu.memory_space<vmem>>) offsets(%dma_start3A_1670 : memref<128xi32, #tpu.memory_space<vmem>>) semaphore(%arg15 : memref<!tpu.dma_semaphore, #tpu.memory_space<semaphore_mem>>)
      %dma_wait3A_1674 = arith.constant 2 : i32
      %dma_wait3A_1675 = arith.constant 0 : i32
      %dma_wait3A_1676 = tpu.memref_slice %arg11[%dma_wait3A_1674, %dma_wait3A_1675] : memref<8x128xi32, #tpu.memory_space<vmem>> -> memref<1x128xi32, #tpu.memory_space<vmem>>
      %dma_wait3A_1677 = tpu.memref_squeeze %dma_wait3A_1676 : memref<1x128xi32, #tpu.memory_space<vmem>> -> memref<128xi32, #tpu.memory_space<vmem>>
      %dma_wait3A_1678 = arith.constant 0 : i32
      %dma_wait3A_1679 = arith.constant 0 : i32
      %dma_wait3A_1680 = tpu.memref_slice %arg2[%dma_wait3A_1678, %dma_wait3A_1679] : memref<120000x128xf32, #tpu.memory_space<hbm>> -> memref<120000x128xf32, #tpu.memory_space<hbm>>
      tpu.wait_indirect_dma semaphore(%arg15 : memref<!tpu.dma_semaphore, #tpu.memory_space<semaphore_mem>>) src(%dma_wait3A_1680 : memref<120000x128xf32, #tpu.memory_space<hbm>>) dst(%arg13 : memref<128x128xf32, #tpu.memory_space<vmem>>)
      %run_scoped3A_1681 = arith.constant 2 : i32
      "tpu.region"() ({
        %run_scoped3A_1757 = tpu.sem_alloc : memref<!tpu.dma_semaphore, #tpu.memory_space<semaphore_mem>>
        %dma_start3A_1758 = arith.constant 0 : i32
        %dma_start3A_1759 = tpu.memref_slice %arg9[%run_scoped3A_1681, %dma_start3A_1758] : memref<8x128xi32, #tpu.memory_space<vmem>> -> memref<1x128xi32, #tpu.memory_space<vmem>>
        %dma_start3A_1760 = tpu.memref_squeeze %dma_start3A_1759 : memref<1x128xi32, #tpu.memory_space<vmem>> -> memref<128xi32, #tpu.memory_space<vmem>>
        %dma_start3A_1761 = arith.constant 0 : i32
        %dma_start3A_1762 = arith.constant 0 : i32
        %dma_start3A_1763 = tpu.memref_slice %arg14[%dma_start3A_1761, %dma_start3A_1762] : memref<10112x128xf32, #tpu.memory_space<vmem_shared>> -> memref<10112x128xf32, #tpu.memory_space<vmem_shared>>
        tpu.enqueue_indirect_dma source(%arg13 : memref<128x128xf32, #tpu.memory_space<vmem>>) target(%dma_start3A_1763 : memref<10112x128xf32, #tpu.memory_space<vmem_shared>>) offsets(%dma_start3A_1760 : memref<128xi32, #tpu.memory_space<vmem>>) semaphore(%run_scoped3A_1757 : memref<!tpu.dma_semaphore, #tpu.memory_space<semaphore_mem>>) {add = true}
        %dma_wait3A_1764 = arith.constant 0 : i32
        %dma_wait3A_1765 = tpu.memref_slice %arg9[%run_scoped3A_1681, %dma_wait3A_1764] : memref<8x128xi32, #tpu.memory_space<vmem>> -> memref<1x128xi32, #tpu.memory_space<vmem>>
        %dma_wait3A_1766 = tpu.memref_squeeze %dma_wait3A_1765 : memref<1x128xi32, #tpu.memory_space<vmem>> -> memref<128xi32, #tpu.memory_space<vmem>>
        %dma_wait3A_1767 = arith.constant 0 : i32
        %dma_wait3A_1768 = arith.constant 0 : i32
        %dma_wait3A_1769 = tpu.memref_slice %arg14[%dma_wait3A_1767, %dma_wait3A_1768] : memref<10112x128xf32, #tpu.memory_space<vmem_shared>> -> memref<10112x128xf32, #tpu.memory_space<vmem_shared>>
        tpu.wait_indirect_dma semaphore(%run_scoped3A_1757 : memref<!tpu.dma_semaphore, #tpu.memory_space<semaphore_mem>>) src(%arg13 : memref<128x128xf32, #tpu.memory_space<vmem>>) dst(%dma_wait3A_1769 : memref<10112x128xf32, #tpu.memory_space<vmem_shared>>)
        tpu.yield
      }) : () -> ()
      %dma_start3A_1682 = arith.constant 3 : i32
      %dma_start3A_1683 = arith.constant 0 : i32
      %dma_start3A_1684 = tpu.memref_slice %arg11[%dma_start3A_1682, %dma_start3A_1683] : memref<8x128xi32, #tpu.memory_space<vmem>> -> memref<1x128xi32, #tpu.memory_space<vmem>>
      %dma_start3A_1685 = tpu.memref_squeeze %dma_start3A_1684 : memref<1x128xi32, #tpu.memory_space<vmem>> -> memref<128xi32, #tpu.memory_space<vmem>>
      %dma_start3A_1686 = arith.constant 0 : i32
      %dma_start3A_1687 = arith.constant 0 : i32
      %dma_start3A_1688 = tpu.memref_slice %arg2[%dma_start3A_1686, %dma_start3A_1687] : memref<120000x128xf32, #tpu.memory_space<hbm>> -> memref<120000x128xf32, #tpu.memory_space<hbm>>
      tpu.enqueue_indirect_dma source(%dma_start3A_1688 : memref<120000x128xf32, #tpu.memory_space<hbm>>) target(%arg13 : memref<128x128xf32, #tpu.memory_space<vmem>>) offsets(%dma_start3A_1685 : memref<128xi32, #tpu.memory_space<vmem>>) semaphore(%arg15 : memref<!tpu.dma_semaphore, #tpu.memory_space<semaphore_mem>>)
      %dma_wait3A_1689 = arith.constant 3 : i32
      %dma_wait3A_1690 = arith.constant 0 : i32
      %dma_wait3A_1691 = tpu.memref_slice %arg11[%dma_wait3A_1689, %dma_wait3A_1690] : memref<8x128xi32, #tpu.memory_space<vmem>> -> memref<1x128xi32, #tpu.memory_space<vmem>>
      %dma_wait3A_1692 = tpu.memref_squeeze %dma_wait3A_1691 : memref<1x128xi32, #tpu.memory_space<vmem>> -> memref<128xi32, #tpu.memory_space<vmem>>
      %dma_wait3A_1693 = arith.constant 0 : i32
      %dma_wait3A_1694 = arith.constant 0 : i32
      %dma_wait3A_1695 = tpu.memref_slice %arg2[%dma_wait3A_1693, %dma_wait3A_1694] : memref<120000x128xf32, #tpu.memory_space<hbm>> -> memref<120000x128xf32, #tpu.memory_space<hbm>>
      tpu.wait_indirect_dma semaphore(%arg15 : memref<!tpu.dma_semaphore, #tpu.memory_space<semaphore_mem>>) src(%dma_wait3A_1695 : memref<120000x128xf32, #tpu.memory_space<hbm>>) dst(%arg13 : memref<128x128xf32, #tpu.memory_space<vmem>>)
      %run_scoped3A_1696 = arith.constant 3 : i32
      "tpu.region"() ({
        %run_scoped3A_1757 = tpu.sem_alloc : memref<!tpu.dma_semaphore, #tpu.memory_space<semaphore_mem>>
        %dma_start3A_1758 = arith.constant 0 : i32
        %dma_start3A_1759 = tpu.memref_slice %arg9[%run_scoped3A_1696, %dma_start3A_1758] : memref<8x128xi32, #tpu.memory_space<vmem>> -> memref<1x128xi32, #tpu.memory_space<vmem>>
        %dma_start3A_1760 = tpu.memref_squeeze %dma_start3A_1759 : memref<1x128xi32, #tpu.memory_space<vmem>> -> memref<128xi32, #tpu.memory_space<vmem>>
        %dma_start3A_1761 = arith.constant 0 : i32
        %dma_start3A_1762 = arith.constant 0 : i32
        %dma_start3A_1763 = tpu.memref_slice %arg14[%dma_start3A_1761, %dma_start3A_1762] : memref<10112x128xf32, #tpu.memory_space<vmem_shared>> -> memref<10112x128xf32, #tpu.memory_space<vmem_shared>>
        tpu.enqueue_indirect_dma source(%arg13 : memref<128x128xf32, #tpu.memory_space<vmem>>) target(%dma_start3A_1763 : memref<10112x128xf32, #tpu.memory_space<vmem_shared>>) offsets(%dma_start3A_1760 : memref<128xi32, #tpu.memory_space<vmem>>) semaphore(%run_scoped3A_1757 : memref<!tpu.dma_semaphore, #tpu.memory_space<semaphore_mem>>) {add = true}
        %dma_wait3A_1764 = arith.constant 0 : i32
        %dma_wait3A_1765 = tpu.memref_slice %arg9[%run_scoped3A_1696, %dma_wait3A_1764] : memref<8x128xi32, #tpu.memory_space<vmem>> -> memref<1x128xi32, #tpu.memory_space<vmem>>
        %dma_wait3A_1766 = tpu.memref_squeeze %dma_wait3A_1765 : memref<1x128xi32, #tpu.memory_space<vmem>> -> memref<128xi32, #tpu.memory_space<vmem>>
        %dma_wait3A_1767 = arith.constant 0 : i32
        %dma_wait3A_1768 = arith.constant 0 : i32
        %dma_wait3A_1769 = tpu.memref_slice %arg14[%dma_wait3A_1767, %dma_wait3A_1768] : memref<10112x128xf32, #tpu.memory_space<vmem_shared>> -> memref<10112x128xf32, #tpu.memory_space<vmem_shared>>
        tpu.wait_indirect_dma semaphore(%run_scoped3A_1757 : memref<!tpu.dma_semaphore, #tpu.memory_space<semaphore_mem>>) src(%arg13 : memref<128x128xf32, #tpu.memory_space<vmem>>) dst(%dma_wait3A_1769 : memref<10112x128xf32, #tpu.memory_space<vmem_shared>>)
        tpu.yield
      }) : () -> ()
      %dma_start3A_1697 = arith.constant 4 : i32
      %dma_start3A_1698 = arith.constant 0 : i32
      %dma_start3A_1699 = tpu.memref_slice %arg11[%dma_start3A_1697, %dma_start3A_1698] : memref<8x128xi32, #tpu.memory_space<vmem>> -> memref<1x128xi32, #tpu.memory_space<vmem>>
      %dma_start3A_1700 = tpu.memref_squeeze %dma_start3A_1699 : memref<1x128xi32, #tpu.memory_space<vmem>> -> memref<128xi32, #tpu.memory_space<vmem>>
      %dma_start3A_1701 = arith.constant 0 : i32
      %dma_start3A_1702 = arith.constant 0 : i32
      %dma_start3A_1703 = tpu.memref_slice %arg2[%dma_start3A_1701, %dma_start3A_1702] : memref<120000x128xf32, #tpu.memory_space<hbm>> -> memref<120000x128xf32, #tpu.memory_space<hbm>>
      tpu.enqueue_indirect_dma source(%dma_start3A_1703 : memref<120000x128xf32, #tpu.memory_space<hbm>>) target(%arg13 : memref<128x128xf32, #tpu.memory_space<vmem>>) offsets(%dma_start3A_1700 : memref<128xi32, #tpu.memory_space<vmem>>) semaphore(%arg15 : memref<!tpu.dma_semaphore, #tpu.memory_space<semaphore_mem>>)
      %dma_wait3A_1704 = arith.constant 4 : i32
      %dma_wait3A_1705 = arith.constant 0 : i32
      %dma_wait3A_1706 = tpu.memref_slice %arg11[%dma_wait3A_1704, %dma_wait3A_1705] : memref<8x128xi32, #tpu.memory_space<vmem>> -> memref<1x128xi32, #tpu.memory_space<vmem>>
      %dma_wait3A_1707 = tpu.memref_squeeze %dma_wait3A_1706 : memref<1x128xi32, #tpu.memory_space<vmem>> -> memref<128xi32, #tpu.memory_space<vmem>>
      %dma_wait3A_1708 = arith.constant 0 : i32
      %dma_wait3A_1709 = arith.constant 0 : i32
      %dma_wait3A_1710 = tpu.memref_slice %arg2[%dma_wait3A_1708, %dma_wait3A_1709] : memref<120000x128xf32, #tpu.memory_space<hbm>> -> memref<120000x128xf32, #tpu.memory_space<hbm>>
      tpu.wait_indirect_dma semaphore(%arg15 : memref<!tpu.dma_semaphore, #tpu.memory_space<semaphore_mem>>) src(%dma_wait3A_1710 : memref<120000x128xf32, #tpu.memory_space<hbm>>) dst(%arg13 : memref<128x128xf32, #tpu.memory_space<vmem>>)
      %run_scoped3A_1711 = arith.constant 4 : i32
      "tpu.region"() ({
        %run_scoped3A_1757 = tpu.sem_alloc : memref<!tpu.dma_semaphore, #tpu.memory_space<semaphore_mem>>
        %dma_start3A_1758 = arith.constant 0 : i32
        %dma_start3A_1759 = tpu.memref_slice %arg9[%run_scoped3A_1711, %dma_start3A_1758] : memref<8x128xi32, #tpu.memory_space<vmem>> -> memref<1x128xi32, #tpu.memory_space<vmem>>
        %dma_start3A_1760 = tpu.memref_squeeze %dma_start3A_1759 : memref<1x128xi32, #tpu.memory_space<vmem>> -> memref<128xi32, #tpu.memory_space<vmem>>
        %dma_start3A_1761 = arith.constant 0 : i32
        %dma_start3A_1762 = arith.constant 0 : i32
        %dma_start3A_1763 = tpu.memref_slice %arg14[%dma_start3A_1761, %dma_start3A_1762] : memref<10112x128xf32, #tpu.memory_space<vmem_shared>> -> memref<10112x128xf32, #tpu.memory_space<vmem_shared>>
        tpu.enqueue_indirect_dma source(%arg13 : memref<128x128xf32, #tpu.memory_space<vmem>>) target(%dma_start3A_1763 : memref<10112x128xf32, #tpu.memory_space<vmem_shared>>) offsets(%dma_start3A_1760 : memref<128xi32, #tpu.memory_space<vmem>>) semaphore(%run_scoped3A_1757 : memref<!tpu.dma_semaphore, #tpu.memory_space<semaphore_mem>>) {add = true}
        %dma_wait3A_1764 = arith.constant 0 : i32
        %dma_wait3A_1765 = tpu.memref_slice %arg9[%run_scoped3A_1711, %dma_wait3A_1764] : memref<8x128xi32, #tpu.memory_space<vmem>> -> memref<1x128xi32, #tpu.memory_space<vmem>>
        %dma_wait3A_1766 = tpu.memref_squeeze %dma_wait3A_1765 : memref<1x128xi32, #tpu.memory_space<vmem>> -> memref<128xi32, #tpu.memory_space<vmem>>
        %dma_wait3A_1767 = arith.constant 0 : i32
        %dma_wait3A_1768 = arith.constant 0 : i32
        %dma_wait3A_1769 = tpu.memref_slice %arg14[%dma_wait3A_1767, %dma_wait3A_1768] : memref<10112x128xf32, #tpu.memory_space<vmem_shared>> -> memref<10112x128xf32, #tpu.memory_space<vmem_shared>>
        tpu.wait_indirect_dma semaphore(%run_scoped3A_1757 : memref<!tpu.dma_semaphore, #tpu.memory_space<semaphore_mem>>) src(%arg13 : memref<128x128xf32, #tpu.memory_space<vmem>>) dst(%dma_wait3A_1769 : memref<10112x128xf32, #tpu.memory_space<vmem_shared>>)
        tpu.yield
      }) : () -> ()
      %dma_start3A_1712 = arith.constant 5 : i32
      %dma_start3A_1713 = arith.constant 0 : i32
      %dma_start3A_1714 = tpu.memref_slice %arg11[%dma_start3A_1712, %dma_start3A_1713] : memref<8x128xi32, #tpu.memory_space<vmem>> -> memref<1x128xi32, #tpu.memory_space<vmem>>
      %dma_start3A_1715 = tpu.memref_squeeze %dma_start3A_1714 : memref<1x128xi32, #tpu.memory_space<vmem>> -> memref<128xi32, #tpu.memory_space<vmem>>
      %dma_start3A_1716 = arith.constant 0 : i32
      %dma_start3A_1717 = arith.constant 0 : i32
      %dma_start3A_1718 = tpu.memref_slice %arg2[%dma_start3A_1716, %dma_start3A_1717] : memref<120000x128xf32, #tpu.memory_space<hbm>> -> memref<120000x128xf32, #tpu.memory_space<hbm>>
      tpu.enqueue_indirect_dma source(%dma_start3A_1718 : memref<120000x128xf32, #tpu.memory_space<hbm>>) target(%arg13 : memref<128x128xf32, #tpu.memory_space<vmem>>) offsets(%dma_start3A_1715 : memref<128xi32, #tpu.memory_space<vmem>>) semaphore(%arg15 : memref<!tpu.dma_semaphore, #tpu.memory_space<semaphore_mem>>)
      %dma_wait3A_1719 = arith.constant 5 : i32
      %dma_wait3A_1720 = arith.constant 0 : i32
      %dma_wait3A_1721 = tpu.memref_slice %arg11[%dma_wait3A_1719, %dma_wait3A_1720] : memref<8x128xi32, #tpu.memory_space<vmem>> -> memref<1x128xi32, #tpu.memory_space<vmem>>
      %dma_wait3A_1722 = tpu.memref_squeeze %dma_wait3A_1721 : memref<1x128xi32, #tpu.memory_space<vmem>> -> memref<128xi32, #tpu.memory_space<vmem>>
      %dma_wait3A_1723 = arith.constant 0 : i32
      %dma_wait3A_1724 = arith.constant 0 : i32
      %dma_wait3A_1725 = tpu.memref_slice %arg2[%dma_wait3A_1723, %dma_wait3A_1724] : memref<120000x128xf32, #tpu.memory_space<hbm>> -> memref<120000x128xf32, #tpu.memory_space<hbm>>
      tpu.wait_indirect_dma semaphore(%arg15 : memref<!tpu.dma_semaphore, #tpu.memory_space<semaphore_mem>>) src(%dma_wait3A_1725 : memref<120000x128xf32, #tpu.memory_space<hbm>>) dst(%arg13 : memref<128x128xf32, #tpu.memory_space<vmem>>)
      %run_scoped3A_1726 = arith.constant 5 : i32
      "tpu.region"() ({
        %run_scoped3A_1757 = tpu.sem_alloc : memref<!tpu.dma_semaphore, #tpu.memory_space<semaphore_mem>>
        %dma_start3A_1758 = arith.constant 0 : i32
        %dma_start3A_1759 = tpu.memref_slice %arg9[%run_scoped3A_1726, %dma_start3A_1758] : memref<8x128xi32, #tpu.memory_space<vmem>> -> memref<1x128xi32, #tpu.memory_space<vmem>>
        %dma_start3A_1760 = tpu.memref_squeeze %dma_start3A_1759 : memref<1x128xi32, #tpu.memory_space<vmem>> -> memref<128xi32, #tpu.memory_space<vmem>>
        %dma_start3A_1761 = arith.constant 0 : i32
        %dma_start3A_1762 = arith.constant 0 : i32
        %dma_start3A_1763 = tpu.memref_slice %arg14[%dma_start3A_1761, %dma_start3A_1762] : memref<10112x128xf32, #tpu.memory_space<vmem_shared>> -> memref<10112x128xf32, #tpu.memory_space<vmem_shared>>
        tpu.enqueue_indirect_dma source(%arg13 : memref<128x128xf32, #tpu.memory_space<vmem>>) target(%dma_start3A_1763 : memref<10112x128xf32, #tpu.memory_space<vmem_shared>>) offsets(%dma_start3A_1760 : memref<128xi32, #tpu.memory_space<vmem>>) semaphore(%run_scoped3A_1757 : memref<!tpu.dma_semaphore, #tpu.memory_space<semaphore_mem>>) {add = true}
        %dma_wait3A_1764 = arith.constant 0 : i32
        %dma_wait3A_1765 = tpu.memref_slice %arg9[%run_scoped3A_1726, %dma_wait3A_1764] : memref<8x128xi32, #tpu.memory_space<vmem>> -> memref<1x128xi32, #tpu.memory_space<vmem>>
        %dma_wait3A_1766 = tpu.memref_squeeze %dma_wait3A_1765 : memref<1x128xi32, #tpu.memory_space<vmem>> -> memref<128xi32, #tpu.memory_space<vmem>>
        %dma_wait3A_1767 = arith.constant 0 : i32
        %dma_wait3A_1768 = arith.constant 0 : i32
        %dma_wait3A_1769 = tpu.memref_slice %arg14[%dma_wait3A_1767, %dma_wait3A_1768] : memref<10112x128xf32, #tpu.memory_space<vmem_shared>> -> memref<10112x128xf32, #tpu.memory_space<vmem_shared>>
        tpu.wait_indirect_dma semaphore(%run_scoped3A_1757 : memref<!tpu.dma_semaphore, #tpu.memory_space<semaphore_mem>>) src(%arg13 : memref<128x128xf32, #tpu.memory_space<vmem>>) dst(%dma_wait3A_1769 : memref<10112x128xf32, #tpu.memory_space<vmem_shared>>)
        tpu.yield
      }) : () -> ()
      %dma_start3A_1727 = arith.constant 6 : i32
      %dma_start3A_1728 = arith.constant 0 : i32
      %dma_start3A_1729 = tpu.memref_slice %arg11[%dma_start3A_1727, %dma_start3A_1728] : memref<8x128xi32, #tpu.memory_space<vmem>> -> memref<1x128xi32, #tpu.memory_space<vmem>>
      %dma_start3A_1730 = tpu.memref_squeeze %dma_start3A_1729 : memref<1x128xi32, #tpu.memory_space<vmem>> -> memref<128xi32, #tpu.memory_space<vmem>>
      %dma_start3A_1731 = arith.constant 0 : i32
      %dma_start3A_1732 = arith.constant 0 : i32
      %dma_start3A_1733 = tpu.memref_slice %arg2[%dma_start3A_1731, %dma_start3A_1732] : memref<120000x128xf32, #tpu.memory_space<hbm>> -> memref<120000x128xf32, #tpu.memory_space<hbm>>
      tpu.enqueue_indirect_dma source(%dma_start3A_1733 : memref<120000x128xf32, #tpu.memory_space<hbm>>) target(%arg13 : memref<128x128xf32, #tpu.memory_space<vmem>>) offsets(%dma_start3A_1730 : memref<128xi32, #tpu.memory_space<vmem>>) semaphore(%arg15 : memref<!tpu.dma_semaphore, #tpu.memory_space<semaphore_mem>>)
      %dma_wait3A_1734 = arith.constant 6 : i32
      %dma_wait3A_1735 = arith.constant 0 : i32
      %dma_wait3A_1736 = tpu.memref_slice %arg11[%dma_wait3A_1734, %dma_wait3A_1735] : memref<8x128xi32, #tpu.memory_space<vmem>> -> memref<1x128xi32, #tpu.memory_space<vmem>>
      %dma_wait3A_1737 = tpu.memref_squeeze %dma_wait3A_1736 : memref<1x128xi32, #tpu.memory_space<vmem>> -> memref<128xi32, #tpu.memory_space<vmem>>
      %dma_wait3A_1738 = arith.constant 0 : i32
      %dma_wait3A_1739 = arith.constant 0 : i32
      %dma_wait3A_1740 = tpu.memref_slice %arg2[%dma_wait3A_1738, %dma_wait3A_1739] : memref<120000x128xf32, #tpu.memory_space<hbm>> -> memref<120000x128xf32, #tpu.memory_space<hbm>>
      tpu.wait_indirect_dma semaphore(%arg15 : memref<!tpu.dma_semaphore, #tpu.memory_space<semaphore_mem>>) src(%dma_wait3A_1740 : memref<120000x128xf32, #tpu.memory_space<hbm>>) dst(%arg13 : memref<128x128xf32, #tpu.memory_space<vmem>>)
      %run_scoped3A_1741 = arith.constant 6 : i32
      "tpu.region"() ({
        %run_scoped3A_1757 = tpu.sem_alloc : memref<!tpu.dma_semaphore, #tpu.memory_space<semaphore_mem>>
        %dma_start3A_1758 = arith.constant 0 : i32
        %dma_start3A_1759 = tpu.memref_slice %arg9[%run_scoped3A_1741, %dma_start3A_1758] : memref<8x128xi32, #tpu.memory_space<vmem>> -> memref<1x128xi32, #tpu.memory_space<vmem>>
        %dma_start3A_1760 = tpu.memref_squeeze %dma_start3A_1759 : memref<1x128xi32, #tpu.memory_space<vmem>> -> memref<128xi32, #tpu.memory_space<vmem>>
        %dma_start3A_1761 = arith.constant 0 : i32
        %dma_start3A_1762 = arith.constant 0 : i32
        %dma_start3A_1763 = tpu.memref_slice %arg14[%dma_start3A_1761, %dma_start3A_1762] : memref<10112x128xf32, #tpu.memory_space<vmem_shared>> -> memref<10112x128xf32, #tpu.memory_space<vmem_shared>>
        tpu.enqueue_indirect_dma source(%arg13 : memref<128x128xf32, #tpu.memory_space<vmem>>) target(%dma_start3A_1763 : memref<10112x128xf32, #tpu.memory_space<vmem_shared>>) offsets(%dma_start3A_1760 : memref<128xi32, #tpu.memory_space<vmem>>) semaphore(%run_scoped3A_1757 : memref<!tpu.dma_semaphore, #tpu.memory_space<semaphore_mem>>) {add = true}
        %dma_wait3A_1764 = arith.constant 0 : i32
        %dma_wait3A_1765 = tpu.memref_slice %arg9[%run_scoped3A_1741, %dma_wait3A_1764] : memref<8x128xi32, #tpu.memory_space<vmem>> -> memref<1x128xi32, #tpu.memory_space<vmem>>
        %dma_wait3A_1766 = tpu.memref_squeeze %dma_wait3A_1765 : memref<1x128xi32, #tpu.memory_space<vmem>> -> memref<128xi32, #tpu.memory_space<vmem>>
        %dma_wait3A_1767 = arith.constant 0 : i32
        %dma_wait3A_1768 = arith.constant 0 : i32
        %dma_wait3A_1769 = tpu.memref_slice %arg14[%dma_wait3A_1767, %dma_wait3A_1768] : memref<10112x128xf32, #tpu.memory_space<vmem_shared>> -> memref<10112x128xf32, #tpu.memory_space<vmem_shared>>
        tpu.wait_indirect_dma semaphore(%run_scoped3A_1757 : memref<!tpu.dma_semaphore, #tpu.memory_space<semaphore_mem>>) src(%arg13 : memref<128x128xf32, #tpu.memory_space<vmem>>) dst(%dma_wait3A_1769 : memref<10112x128xf32, #tpu.memory_space<vmem_shared>>)
        tpu.yield
      }) : () -> ()
      %dma_start3A_1742 = arith.constant 7 : i32
      %dma_start3A_1743 = arith.constant 0 : i32
      %dma_start3A_1744 = tpu.memref_slice %arg11[%dma_start3A_1742, %dma_start3A_1743] : memref<8x128xi32, #tpu.memory_space<vmem>> -> memref<1x128xi32, #tpu.memory_space<vmem>>
      %dma_start3A_1745 = tpu.memref_squeeze %dma_start3A_1744 : memref<1x128xi32, #tpu.memory_space<vmem>> -> memref<128xi32, #tpu.memory_space<vmem>>
      %dma_start3A_1746 = arith.constant 0 : i32
      %dma_start3A_1747 = arith.constant 0 : i32
      %dma_start3A_1748 = tpu.memref_slice %arg2[%dma_start3A_1746, %dma_start3A_1747] : memref<120000x128xf32, #tpu.memory_space<hbm>> -> memref<120000x128xf32, #tpu.memory_space<hbm>>
      tpu.enqueue_indirect_dma source(%dma_start3A_1748 : memref<120000x128xf32, #tpu.memory_space<hbm>>) target(%arg13 : memref<128x128xf32, #tpu.memory_space<vmem>>) offsets(%dma_start3A_1745 : memref<128xi32, #tpu.memory_space<vmem>>) semaphore(%arg15 : memref<!tpu.dma_semaphore, #tpu.memory_space<semaphore_mem>>)
      %dma_wait3A_1749 = arith.constant 7 : i32
      %dma_wait3A_1750 = arith.constant 0 : i32
      %dma_wait3A_1751 = tpu.memref_slice %arg11[%dma_wait3A_1749, %dma_wait3A_1750] : memref<8x128xi32, #tpu.memory_space<vmem>> -> memref<1x128xi32, #tpu.memory_space<vmem>>
      %dma_wait3A_1752 = tpu.memref_squeeze %dma_wait3A_1751 : memref<1x128xi32, #tpu.memory_space<vmem>> -> memref<128xi32, #tpu.memory_space<vmem>>
      %dma_wait3A_1753 = arith.constant 0 : i32
      %dma_wait3A_1754 = arith.constant 0 : i32
      %dma_wait3A_1755 = tpu.memref_slice %arg2[%dma_wait3A_1753, %dma_wait3A_1754] : memref<120000x128xf32, #tpu.memory_space<hbm>> -> memref<120000x128xf32, #tpu.memory_space<hbm>>
      tpu.wait_indirect_dma semaphore(%arg15 : memref<!tpu.dma_semaphore, #tpu.memory_space<semaphore_mem>>) src(%dma_wait3A_1755 : memref<120000x128xf32, #tpu.memory_space<hbm>>) dst(%arg13 : memref<128x128xf32, #tpu.memory_space<vmem>>)
      %run_scoped3A_1756 = arith.constant 7 : i32
      "tpu.region"() ({
        %run_scoped3A_1757 = tpu.sem_alloc : memref<!tpu.dma_semaphore, #tpu.memory_space<semaphore_mem>>
        %dma_start3A_1758 = arith.constant 0 : i32
        %dma_start3A_1759 = tpu.memref_slice %arg9[%run_scoped3A_1756, %dma_start3A_1758] : memref<8x128xi32, #tpu.memory_space<vmem>> -> memref<1x128xi32, #tpu.memory_space<vmem>>
        %dma_start3A_1760 = tpu.memref_squeeze %dma_start3A_1759 : memref<1x128xi32, #tpu.memory_space<vmem>> -> memref<128xi32, #tpu.memory_space<vmem>>
        %dma_start3A_1761 = arith.constant 0 : i32
        %dma_start3A_1762 = arith.constant 0 : i32
        %dma_start3A_1763 = tpu.memref_slice %arg14[%dma_start3A_1761, %dma_start3A_1762] : memref<10112x128xf32, #tpu.memory_space<vmem_shared>> -> memref<10112x128xf32, #tpu.memory_space<vmem_shared>>
        tpu.enqueue_indirect_dma source(%arg13 : memref<128x128xf32, #tpu.memory_space<vmem>>) target(%dma_start3A_1763 : memref<10112x128xf32, #tpu.memory_space<vmem_shared>>) offsets(%dma_start3A_1760 : memref<128xi32, #tpu.memory_space<vmem>>) semaphore(%run_scoped3A_1757 : memref<!tpu.dma_semaphore, #tpu.memory_space<semaphore_mem>>) {add = true}
        %dma_wait3A_1764 = arith.constant 0 : i32
        %dma_wait3A_1765 = tpu.memref_slice %arg9[%run_scoped3A_1756, %dma_wait3A_1764] : memref<8x128xi32, #tpu.memory_space<vmem>> -> memref<1x128xi32, #tpu.memory_space<vmem>>
        %dma_wait3A_1766 = tpu.memref_squeeze %dma_wait3A_1765 : memref<1x128xi32, #tpu.memory_space<vmem>> -> memref<128xi32, #tpu.memory_space<vmem>>
        %dma_wait3A_1767 = arith.constant 0 : i32
        %dma_wait3A_1768 = arith.constant 0 : i32
        %dma_wait3A_1769 = tpu.memref_slice %arg14[%dma_wait3A_1767, %dma_wait3A_1768] : memref<10112x128xf32, #tpu.memory_space<vmem_shared>> -> memref<10112x128xf32, #tpu.memory_space<vmem_shared>>
        tpu.wait_indirect_dma semaphore(%run_scoped3A_1757 : memref<!tpu.dma_semaphore, #tpu.memory_space<semaphore_mem>>) src(%arg13 : memref<128x128xf32, #tpu.memory_space<vmem>>) dst(%dma_wait3A_1769 : memref<10112x128xf32, #tpu.memory_space<vmem_shared>>)
        tpu.yield
      }) : () -> ()
    }
    %scan3A_31 = arith.constant 10 : i32
    %barrier3A_32 = arith.constant 0 : index
    tpu.barrier barrier_id(%barrier3A_32)
    %mul3A_33 = arith.constant 632 : i32
    %mul3A_34 = arith.muli %arg1, %mul3A_33 : i32
    %mul3A_35 = arith.constant 632 : i32
    %mul3A_36 = arith.muli %arg1, %mul3A_35 : i32
    "tpu.region"() ({
      %run_scoped3A = tpu.sem_alloc : memref<!tpu.dma_semaphore, #tpu.memory_space<semaphore_mem>>
      %dma_start3A = arith.constant 0 : i32
      %dma_start3A_37 = tpu.memref_slice %arg7[%arg0, %mul3A_36, %dma_start3A] : memref<2x10112x128xf32, #tpu.memory_space<hbm>> -> memref<1x632x128xf32, #tpu.memory_space<hbm>>
      %dma_start3A_38 = tpu.memref_squeeze %dma_start3A_37 : memref<1x632x128xf32, #tpu.memory_space<hbm>> -> memref<632x128xf32, #tpu.memory_space<hbm>>
      %dma_start3A_39 = arith.constant 0 : i32
      %dma_start3A_40 = tpu.memref_slice %arg14[%mul3A_34, %dma_start3A_39] : memref<10112x128xf32, #tpu.memory_space<vmem_shared>> -> memref<632x128xf32, #tpu.memory_space<vmem_shared>>
      tpu.enqueue_dma source(%dma_start3A_40 : memref<632x128xf32, #tpu.memory_space<vmem_shared>>) target(%dma_start3A_38 : memref<632x128xf32, #tpu.memory_space<hbm>>) target_semaphore(%run_scoped3A : memref<!tpu.dma_semaphore, #tpu.memory_space<semaphore_mem>>)
      %dma_wait3A = arith.constant 0 : i32
      %dma_wait3A_41 = tpu.memref_slice %arg7[%arg0, %mul3A_36, %dma_wait3A] : memref<2x10112x128xf32, #tpu.memory_space<hbm>> -> memref<1x632x128xf32, #tpu.memory_space<hbm>>
      %dma_wait3A_42 = tpu.memref_squeeze %dma_wait3A_41 : memref<1x632x128xf32, #tpu.memory_space<hbm>> -> memref<632x128xf32, #tpu.memory_space<hbm>>
      %dma_wait3A_43 = arith.constant 0 : i32
      %dma_wait3A_44 = tpu.memref_slice %arg14[%mul3A_34, %dma_wait3A_43] : memref<10112x128xf32, #tpu.memory_space<vmem_shared>> -> memref<632x128xf32, #tpu.memory_space<vmem_shared>>
      tpu.wait_dma2 semaphore(%run_scoped3A : memref<!tpu.dma_semaphore, #tpu.memory_space<semaphore_mem>>) src(%dma_wait3A_44 : memref<632x128xf32, #tpu.memory_space<vmem_shared>>) dst(%dma_wait3A_42 : memref<632x128xf32, #tpu.memory_space<hbm>>)
      tpu.yield
    }) : () -> ()
    return
  }
}

#map = affine_map<(d0, d1) -> (0, 0)>
#map1 = affine_map<(d0, d1) -> (0)>
#map2 = affine_map<(d0, d1) -> (0, 0, 0)>
module attributes {stable_mosaic.version = 14 : i64} {
  func.func @k(%arg0: i32, %arg1: i32, %arg2: memref<120000x128xf32, #tpu.memory_space<hbm>>, %arg3: memref<2560x128xi32, #tpu.memory_space<hbm>>, %arg4: memref<2560x128xi32, #tpu.memory_space<hbm>>, %arg5: memref<2560x128xi32, #tpu.memory_space<hbm>>, %arg6: memref<10112xi32, #tpu.memory_space<hbm>>, %arg7: memref<2x10112x128xf32, #tpu.memory_space<hbm>>, %arg8: memref<8x128xi32, #tpu.memory_space<vmem>>, %arg9: memref<8x128xi32, #tpu.memory_space<vmem>>, %arg10: memref<8x128xi32, #tpu.memory_space<vmem>>, %arg11: memref<8x128xi32, #tpu.memory_space<vmem>>, %arg12: memref<10112xi32, #tpu.memory_space<vmem>>, %arg13: memref<128x128xf32, #tpu.memory_space<vmem>>, %arg14: memref<10112x128xf32, #tpu.memory_space<vmem_shared>>, %arg15: memref<!tpu.dma_semaphore, #tpu.memory_space<semaphore_mem>>) attributes {dimension_semantics = [#tpu.dimension_semantics<core_parallel>, #tpu.dimension_semantics<subcore_parallel>], iteration_bounds = array<i64: 2, 16>, scalar_prefetch = 0 : i64, scratch_operands = 8 : i64, tpu.core_type = #tpu.core_type<sc_vector_subcore>, window_params = [{transform_indices = #map}, {transform_indices = #map}, {transform_indices = #map}, {transform_indices = #map}, {transform_indices = #map1}, {transform_indices = #map2}]} {
    %mul3A = arith.constant 16 : i32
    %mul3A_0 = arith.muli %arg0, %mul3A : i32
    %add3A = arith.addi %mul3A_0, %arg1 : i32
    "tpu.region"() ({
      %run_scoped3A = tpu.sem_alloc : memref<!tpu.dma_semaphore, #tpu.memory_space<semaphore_mem>>
      tpu.enqueue_dma source(%arg6 : memref<10112xi32, #tpu.memory_space<hbm>>) target(%arg12 : memref<10112xi32, #tpu.memory_space<vmem>>) target_semaphore(%run_scoped3A : memref<!tpu.dma_semaphore, #tpu.memory_space<semaphore_mem>>)
      tpu.wait_dma2 semaphore(%run_scoped3A : memref<!tpu.dma_semaphore, #tpu.memory_space<semaphore_mem>>) src(%arg6 : memref<10112xi32, #tpu.memory_space<hbm>>) dst(%arg12 : memref<10112xi32, #tpu.memory_space<vmem>>)
      tpu.yield
    }) : () -> ()
    %scan3A = arith.constant 0 : i32
    %scan3A_1 = arith.constant 0 : i32
    %scan3A_2 = arith.constant 128 : i32
    %scan3A_3 = arith.addi %scan3A_1, %scan3A_2 : i32
    %scan3A_4 = arith.constant 1 : i32
    scf.for %scan3A_37 = %scan3A_1 to %scan3A_3 step %scan3A_4  : i32 {
      %broadcast_in_dim3A = arith.constant 0.000000e+00 : f32
      %broadcast_in_dim3A_38 = vector.broadcast %broadcast_in_dim3A : f32 to vector<16xf32>
      %swap3A = arith.index_cast %scan3A_37 : i32 to index
      %swap3A_39 = arith.constant 0 : index
      %swap3A_40 = tpu.vector_load %arg13[%swap3A, %swap3A_39] {strides = array<i32>} : memref<128x128xf32, #tpu.memory_space<vmem>>, vector<16xf32>,
      tpu.vector_store %arg13[%swap3A, %swap3A_39], %broadcast_in_dim3A_38 {strides = array<i32>} : memref<128x128xf32, #tpu.memory_space<vmem>>, vector<16xf32>,
      %broadcast_in_dim3A_41 = arith.constant 0.000000e+00 : f32
      %broadcast_in_dim3A_42 = vector.broadcast %broadcast_in_dim3A_41 : f32 to vector<16xf32>
      %swap3A_43 = arith.index_cast %scan3A_37 : i32 to index
      %swap3A_44 = arith.constant 16 : index
      %swap3A_45 = tpu.vector_load %arg13[%swap3A_43, %swap3A_44] {strides = array<i32>} : memref<128x128xf32, #tpu.memory_space<vmem>>, vector<16xf32>,
      tpu.vector_store %arg13[%swap3A_43, %swap3A_44], %broadcast_in_dim3A_42 {strides = array<i32>} : memref<128x128xf32, #tpu.memory_space<vmem>>, vector<16xf32>,
      %broadcast_in_dim3A_46 = arith.constant 0.000000e+00 : f32
      %broadcast_in_dim3A_47 = vector.broadcast %broadcast_in_dim3A_46 : f32 to vector<16xf32>
      %swap3A_48 = arith.index_cast %scan3A_37 : i32 to index
      %swap3A_49 = arith.constant 32 : index
      %swap3A_50 = tpu.vector_load %arg13[%swap3A_48, %swap3A_49] {strides = array<i32>} : memref<128x128xf32, #tpu.memory_space<vmem>>, vector<16xf32>,
      tpu.vector_store %arg13[%swap3A_48, %swap3A_49], %broadcast_in_dim3A_47 {strides = array<i32>} : memref<128x128xf32, #tpu.memory_space<vmem>>, vector<16xf32>,
      %broadcast_in_dim3A_51 = arith.constant 0.000000e+00 : f32
      %broadcast_in_dim3A_52 = vector.broadcast %broadcast_in_dim3A_51 : f32 to vector<16xf32>
      %swap3A_53 = arith.index_cast %scan3A_37 : i32 to index
      %swap3A_54 = arith.constant 48 : index
      %swap3A_55 = tpu.vector_load %arg13[%swap3A_53, %swap3A_54] {strides = array<i32>} : memref<128x128xf32, #tpu.memory_space<vmem>>, vector<16xf32>,
      tpu.vector_store %arg13[%swap3A_53, %swap3A_54], %broadcast_in_dim3A_52 {strides = array<i32>} : memref<128x128xf32, #tpu.memory_space<vmem>>, vector<16xf32>,
      %broadcast_in_dim3A_56 = arith.constant 0.000000e+00 : f32
      %broadcast_in_dim3A_57 = vector.broadcast %broadcast_in_dim3A_56 : f32 to vector<16xf32>
      %swap3A_58 = arith.index_cast %scan3A_37 : i32 to index
      %swap3A_59 = arith.constant 64 : index
      %swap3A_60 = tpu.vector_load %arg13[%swap3A_58, %swap3A_59] {strides = array<i32>} : memref<128x128xf32, #tpu.memory_space<vmem>>, vector<16xf32>,
      tpu.vector_store %arg13[%swap3A_58, %swap3A_59], %broadcast_in_dim3A_57 {strides = array<i32>} : memref<128x128xf32, #tpu.memory_space<vmem>>, vector<16xf32>,
      %broadcast_in_dim3A_61 = arith.constant 0.000000e+00 : f32
      %broadcast_in_dim3A_62 = vector.broadcast %broadcast_in_dim3A_61 : f32 to vector<16xf32>
      %swap3A_63 = arith.index_cast %scan3A_37 : i32 to index
      %swap3A_64 = arith.constant 80 : index
      %swap3A_65 = tpu.vector_load %arg13[%swap3A_63, %swap3A_64] {strides = array<i32>} : memref<128x128xf32, #tpu.memory_space<vmem>>, vector<16xf32>,
      tpu.vector_store %arg13[%swap3A_63, %swap3A_64], %broadcast_in_dim3A_62 {strides = array<i32>} : memref<128x128xf32, #tpu.memory_space<vmem>>, vector<16xf32>,
      %broadcast_in_dim3A_66 = arith.constant 0.000000e+00 : f32
      %broadcast_in_dim3A_67 = vector.broadcast %broadcast_in_dim3A_66 : f32 to vector<16xf32>
      %swap3A_68 = arith.index_cast %scan3A_37 : i32 to index
      %swap3A_69 = arith.constant 96 : index
      %swap3A_70 = tpu.vector_load %arg13[%swap3A_68, %swap3A_69] {strides = array<i32>} : memref<128x128xf32, #tpu.memory_space<vmem>>, vector<16xf32>,
      tpu.vector_store %arg13[%swap3A_68, %swap3A_69], %broadcast_in_dim3A_67 {strides = array<i32>} : memref<128x128xf32, #tpu.memory_space<vmem>>, vector<16xf32>,
      %broadcast_in_dim3A_71 = arith.constant 0.000000e+00 : f32
      %broadcast_in_dim3A_72 = vector.broadcast %broadcast_in_dim3A_71 : f32 to vector<16xf32>
      %swap3A_73 = arith.index_cast %scan3A_37 : i32 to index
      %swap3A_74 = arith.constant 112 : index
      %swap3A_75 = tpu.vector_load %arg13[%swap3A_73, %swap3A_74] {strides = array<i32>} : memref<128x128xf32, #tpu.memory_space<vmem>>, vector<16xf32>,
      tpu.vector_store %arg13[%swap3A_73, %swap3A_74], %broadcast_in_dim3A_72 {strides = array<i32>} : memref<128x128xf32, #tpu.memory_space<vmem>>, vector<16xf32>,
    }
    %scan3A_5 = arith.constant 128 : i32
    %mul3A_6 = arith.constant 632 : i32
    %mul3A_7 = arith.muli %arg1, %mul3A_6 : i32
    %add3A_8 = arith.constant 0 : i32
    %add3A_9 = arith.addi %mul3A_7, %add3A_8 : i32
    "tpu.region"() ({
      %run_scoped3A = tpu.sem_alloc : memref<!tpu.dma_semaphore, #tpu.memory_space<semaphore_mem>>
      %dma_start3A = arith.constant 0 : i32
      %dma_start3A_37 = arith.constant 0 : i32
      %dma_start3A_38 = tpu.memref_slice %arg13[%dma_start3A, %dma_start3A_37] : memref<128x128xf32, #tpu.memory_space<vmem>> -> memref<128x128xf32, #tpu.memory_space<vmem>>
      %dma_start3A_39 = arith.constant 0 : i32
      %dma_start3A_40 = tpu.memref_slice %arg14[%add3A_9, %dma_start3A_39] : memref<10112x128xf32, #tpu.memory_space<vmem_shared>> -> memref<128x128xf32, #tpu.memory_space<vmem_shared>>
      %dma_start3A_41 = arith.constant 0 : i32
      %dma_start3A_42 = tpu.memref_slice %arg14[%add3A_9, %dma_start3A_41] : memref<10112x128xf32, #tpu.memory_space<vmem_shared>> -> memref<128x128xf32, #tpu.memory_space<vmem_shared>>
      %dma_start3A_43 = arith.constant 0 : i32
      %dma_start3A_44 = arith.constant 0 : i32
      %dma_start3A_45 = tpu.memref_slice %arg13[%dma_start3A_43, %dma_start3A_44] : memref<128x128xf32, #tpu.memory_space<vmem>> -> memref<128x128xf32, #tpu.memory_space<vmem>>
      tpu.enqueue_dma source(%dma_start3A_45 : memref<128x128xf32, #tpu.memory_space<vmem>>) target(%dma_start3A_42 : memref<128x128xf32, #tpu.memory_space<vmem_shared>>) target_semaphore(%run_scoped3A : memref<!tpu.dma_semaphore, #tpu.memory_space<semaphore_mem>>)
      %dma_wait3A = arith.constant 0 : i32
      %dma_wait3A_46 = arith.constant 0 : i32
      %dma_wait3A_47 = tpu.memref_slice %arg13[%dma_wait3A, %dma_wait3A_46] : memref<128x128xf32, #tpu.memory_space<vmem>> -> memref<128x128xf32, #tpu.memory_space<vmem>>
      %dma_wait3A_48 = arith.constant 0 : i32
      %dma_wait3A_49 = tpu.memref_slice %arg14[%add3A_9, %dma_wait3A_48] : memref<10112x128xf32, #tpu.memory_space<vmem_shared>> -> memref<128x128xf32, #tpu.memory_space<vmem_shared>>
      %dma_wait3A_50 = arith.constant 0 : i32
      %dma_wait3A_51 = tpu.memref_slice %arg14[%add3A_9, %dma_wait3A_50] : memref<10112x128xf32, #tpu.memory_space<vmem_shared>> -> memref<128x128xf32, #tpu.memory_space<vmem_shared>>
      %dma_wait3A_52 = arith.constant 0 : i32
      %dma_wait3A_53 = arith.constant 0 : i32
      %dma_wait3A_54 = tpu.memref_slice %arg13[%dma_wait3A_52, %dma_wait3A_53] : memref<128x128xf32, #tpu.memory_space<vmem>> -> memref<128x128xf32, #tpu.memory_space<vmem>>
      tpu.wait_dma2 semaphore(%run_scoped3A : memref<!tpu.dma_semaphore, #tpu.memory_space<semaphore_mem>>) src(%dma_wait3A_54 : memref<128x128xf32, #tpu.memory_space<vmem>>) dst(%dma_wait3A_51 : memref<128x128xf32, #tpu.memory_space<vmem_shared>>)
      tpu.yield
    }) : () -> ()
    %mul3A_10 = arith.constant 632 : i32
    %mul3A_11 = arith.muli %arg1, %mul3A_10 : i32
    %add3A_12 = arith.constant 128 : i32
    %add3A_13 = arith.addi %mul3A_11, %add3A_12 : i32
    "tpu.region"() ({
      %run_scoped3A = tpu.sem_alloc : memref<!tpu.dma_semaphore, #tpu.memory_space<semaphore_mem>>
      %dma_start3A = arith.constant 0 : i32
      %dma_start3A_37 = arith.constant 0 : i32
      %dma_start3A_38 = tpu.memref_slice %arg13[%dma_start3A, %dma_start3A_37] : memref<128x128xf32, #tpu.memory_space<vmem>> -> memref<128x128xf32, #tpu.memory_space<vmem>>
      %dma_start3A_39 = arith.constant 0 : i32
      %dma_start3A_40 = tpu.memref_slice %arg14[%add3A_13, %dma_start3A_39] : memref<10112x128xf32, #tpu.memory_space<vmem_shared>> -> memref<128x128xf32, #tpu.memory_space<vmem_shared>>
      %dma_start3A_41 = arith.constant 0 : i32
      %dma_start3A_42 = tpu.memref_slice %arg14[%add3A_13, %dma_start3A_41] : memref<10112x128xf32, #tpu.memory_space<vmem_shared>> -> memref<128x128xf32, #tpu.memory_space<vmem_shared>>
      %dma_start3A_43 = arith.constant 0 : i32
      %dma_start3A_44 = arith.constant 0 : i32
      %dma_start3A_45 = tpu.memref_slice %arg13[%dma_start3A_43, %dma_start3A_44] : memref<128x128xf32, #tpu.memory_space<vmem>> -> memref<128x128xf32, #tpu.memory_space<vmem>>
      tpu.enqueue_dma source(%dma_start3A_45 : memref<128x128xf32, #tpu.memory_space<vmem>>) target(%dma_start3A_42 : memref<128x128xf32, #tpu.memory_space<vmem_shared>>) target_semaphore(%run_scoped3A : memref<!tpu.dma_semaphore, #tpu.memory_space<semaphore_mem>>)
      %dma_wait3A = arith.constant 0 : i32
      %dma_wait3A_46 = arith.constant 0 : i32
      %dma_wait3A_47 = tpu.memref_slice %arg13[%dma_wait3A, %dma_wait3A_46] : memref<128x128xf32, #tpu.memory_space<vmem>> -> memref<128x128xf32, #tpu.memory_space<vmem>>
      %dma_wait3A_48 = arith.constant 0 : i32
      %dma_wait3A_49 = tpu.memref_slice %arg14[%add3A_13, %dma_wait3A_48] : memref<10112x128xf32, #tpu.memory_space<vmem_shared>> -> memref<128x128xf32, #tpu.memory_space<vmem_shared>>
      %dma_wait3A_50 = arith.constant 0 : i32
      %dma_wait3A_51 = tpu.memref_slice %arg14[%add3A_13, %dma_wait3A_50] : memref<10112x128xf32, #tpu.memory_space<vmem_shared>> -> memref<128x128xf32, #tpu.memory_space<vmem_shared>>
      %dma_wait3A_52 = arith.constant 0 : i32
      %dma_wait3A_53 = arith.constant 0 : i32
      %dma_wait3A_54 = tpu.memref_slice %arg13[%dma_wait3A_52, %dma_wait3A_53] : memref<128x128xf32, #tpu.memory_space<vmem>> -> memref<128x128xf32, #tpu.memory_space<vmem>>
      tpu.wait_dma2 semaphore(%run_scoped3A : memref<!tpu.dma_semaphore, #tpu.memory_space<semaphore_mem>>) src(%dma_wait3A_54 : memref<128x128xf32, #tpu.memory_space<vmem>>) dst(%dma_wait3A_51 : memref<128x128xf32, #tpu.memory_space<vmem_shared>>)
      tpu.yield
    }) : () -> ()
    %mul3A_14 = arith.constant 632 : i32
    %mul3A_15 = arith.muli %arg1, %mul3A_14 : i32
    %add3A_16 = arith.constant 256 : i32
    %add3A_17 = arith.addi %mul3A_15, %add3A_16 : i32
    "tpu.region"() ({
      %run_scoped3A = tpu.sem_alloc : memref<!tpu.dma_semaphore, #tpu.memory_space<semaphore_mem>>
      %dma_start3A = arith.constant 0 : i32
      %dma_start3A_37 = arith.constant 0 : i32
      %dma_start3A_38 = tpu.memref_slice %arg13[%dma_start3A, %dma_start3A_37] : memref<128x128xf32, #tpu.memory_space<vmem>> -> memref<128x128xf32, #tpu.memory_space<vmem>>
      %dma_start3A_39 = arith.constant 0 : i32
      %dma_start3A_40 = tpu.memref_slice %arg14[%add3A_17, %dma_start3A_39] : memref<10112x128xf32, #tpu.memory_space<vmem_shared>> -> memref<128x128xf32, #tpu.memory_space<vmem_shared>>
      %dma_start3A_41 = arith.constant 0 : i32
      %dma_start3A_42 = tpu.memref_slice %arg14[%add3A_17, %dma_start3A_41] : memref<10112x128xf32, #tpu.memory_space<vmem_shared>> -> memref<128x128xf32, #tpu.memory_space<vmem_shared>>
      %dma_start3A_43 = arith.constant 0 : i32
      %dma_start3A_44 = arith.constant 0 : i32
      %dma_start3A_45 = tpu.memref_slice %arg13[%dma_start3A_43, %dma_start3A_44] : memref<128x128xf32, #tpu.memory_space<vmem>> -> memref<128x128xf32, #tpu.memory_space<vmem>>
      tpu.enqueue_dma source(%dma_start3A_45 : memref<128x128xf32, #tpu.memory_space<vmem>>) target(%dma_start3A_42 : memref<128x128xf32, #tpu.memory_space<vmem_shared>>) target_semaphore(%run_scoped3A : memref<!tpu.dma_semaphore, #tpu.memory_space<semaphore_mem>>)
      %dma_wait3A = arith.constant 0 : i32
      %dma_wait3A_46 = arith.constant 0 : i32
      %dma_wait3A_47 = tpu.memref_slice %arg13[%dma_wait3A, %dma_wait3A_46] : memref<128x128xf32, #tpu.memory_space<vmem>> -> memref<128x128xf32, #tpu.memory_space<vmem>>
      %dma_wait3A_48 = arith.constant 0 : i32
      %dma_wait3A_49 = tpu.memref_slice %arg14[%add3A_17, %dma_wait3A_48] : memref<10112x128xf32, #tpu.memory_space<vmem_shared>> -> memref<128x128xf32, #tpu.memory_space<vmem_shared>>
      %dma_wait3A_50 = arith.constant 0 : i32
      %dma_wait3A_51 = tpu.memref_slice %arg14[%add3A_17, %dma_wait3A_50] : memref<10112x128xf32, #tpu.memory_space<vmem_shared>> -> memref<128x128xf32, #tpu.memory_space<vmem_shared>>
      %dma_wait3A_52 = arith.constant 0 : i32
      %dma_wait3A_53 = arith.constant 0 : i32
      %dma_wait3A_54 = tpu.memref_slice %arg13[%dma_wait3A_52, %dma_wait3A_53] : memref<128x128xf32, #tpu.memory_space<vmem>> -> memref<128x128xf32, #tpu.memory_space<vmem>>
      tpu.wait_dma2 semaphore(%run_scoped3A : memref<!tpu.dma_semaphore, #tpu.memory_space<semaphore_mem>>) src(%dma_wait3A_54 : memref<128x128xf32, #tpu.memory_space<vmem>>) dst(%dma_wait3A_51 : memref<128x128xf32, #tpu.memory_space<vmem_shared>>)
      tpu.yield
    }) : () -> ()
    %mul3A_18 = arith.constant 632 : i32
    %mul3A_19 = arith.muli %arg1, %mul3A_18 : i32
    %add3A_20 = arith.constant 384 : i32
    %add3A_21 = arith.addi %mul3A_19, %add3A_20 : i32
    "tpu.region"() ({
      %run_scoped3A = tpu.sem_alloc : memref<!tpu.dma_semaphore, #tpu.memory_space<semaphore_mem>>
      %dma_start3A = arith.constant 0 : i32
      %dma_start3A_37 = arith.constant 0 : i32
      %dma_start3A_38 = tpu.memref_slice %arg13[%dma_start3A, %dma_start3A_37] : memref<128x128xf32, #tpu.memory_space<vmem>> -> memref<128x128xf32, #tpu.memory_space<vmem>>
      %dma_start3A_39 = arith.constant 0 : i32
      %dma_start3A_40 = tpu.memref_slice %arg14[%add3A_21, %dma_start3A_39] : memref<10112x128xf32, #tpu.memory_space<vmem_shared>> -> memref<128x128xf32, #tpu.memory_space<vmem_shared>>
      %dma_start3A_41 = arith.constant 0 : i32
      %dma_start3A_42 = tpu.memref_slice %arg14[%add3A_21, %dma_start3A_41] : memref<10112x128xf32, #tpu.memory_space<vmem_shared>> -> memref<128x128xf32, #tpu.memory_space<vmem_shared>>
      %dma_start3A_43 = arith.constant 0 : i32
      %dma_start3A_44 = arith.constant 0 : i32
      %dma_start3A_45 = tpu.memref_slice %arg13[%dma_start3A_43, %dma_start3A_44] : memref<128x128xf32, #tpu.memory_space<vmem>> -> memref<128x128xf32, #tpu.memory_space<vmem>>
      tpu.enqueue_dma source(%dma_start3A_45 : memref<128x128xf32, #tpu.memory_space<vmem>>) target(%dma_start3A_42 : memref<128x128xf32, #tpu.memory_space<vmem_shared>>) target_semaphore(%run_scoped3A : memref<!tpu.dma_semaphore, #tpu.memory_space<semaphore_mem>>)
      %dma_wait3A = arith.constant 0 : i32
      %dma_wait3A_46 = arith.constant 0 : i32
      %dma_wait3A_47 = tpu.memref_slice %arg13[%dma_wait3A, %dma_wait3A_46] : memref<128x128xf32, #tpu.memory_space<vmem>> -> memref<128x128xf32, #tpu.memory_space<vmem>>
      %dma_wait3A_48 = arith.constant 0 : i32
      %dma_wait3A_49 = tpu.memref_slice %arg14[%add3A_21, %dma_wait3A_48] : memref<10112x128xf32, #tpu.memory_space<vmem_shared>> -> memref<128x128xf32, #tpu.memory_space<vmem_shared>>
      %dma_wait3A_50 = arith.constant 0 : i32
      %dma_wait3A_51 = tpu.memref_slice %arg14[%add3A_21, %dma_wait3A_50] : memref<10112x128xf32, #tpu.memory_space<vmem_shared>> -> memref<128x128xf32, #tpu.memory_space<vmem_shared>>
      %dma_wait3A_52 = arith.constant 0 : i32
      %dma_wait3A_53 = arith.constant 0 : i32
      %dma_wait3A_54 = tpu.memref_slice %arg13[%dma_wait3A_52, %dma_wait3A_53] : memref<128x128xf32, #tpu.memory_space<vmem>> -> memref<128x128xf32, #tpu.memory_space<vmem>>
      tpu.wait_dma2 semaphore(%run_scoped3A : memref<!tpu.dma_semaphore, #tpu.memory_space<semaphore_mem>>) src(%dma_wait3A_54 : memref<128x128xf32, #tpu.memory_space<vmem>>) dst(%dma_wait3A_51 : memref<128x128xf32, #tpu.memory_space<vmem_shared>>)
      tpu.yield
    }) : () -> ()
    %mul3A_22 = arith.constant 632 : i32
    %mul3A_23 = arith.muli %arg1, %mul3A_22 : i32
    %add3A_24 = arith.constant 512 : i32
    %add3A_25 = arith.addi %mul3A_23, %add3A_24 : i32
    "tpu.region"() ({
      %run_scoped3A = tpu.sem_alloc : memref<!tpu.dma_semaphore, #tpu.memory_space<semaphore_mem>>
      %dma_start3A = arith.constant 0 : i32
      %dma_start3A_37 = arith.constant 0 : i32
      %dma_start3A_38 = tpu.memref_slice %arg13[%dma_start3A, %dma_start3A_37] : memref<128x128xf32, #tpu.memory_space<vmem>> -> memref<120x128xf32, #tpu.memory_space<vmem>>
      %dma_start3A_39 = arith.constant 0 : i32
      %dma_start3A_40 = tpu.memref_slice %arg14[%add3A_25, %dma_start3A_39] : memref<10112x128xf32, #tpu.memory_space<vmem_shared>> -> memref<120x128xf32, #tpu.memory_space<vmem_shared>>
      %dma_start3A_41 = arith.constant 0 : i32
      %dma_start3A_42 = tpu.memref_slice %arg14[%add3A_25, %dma_start3A_41] : memref<10112x128xf32, #tpu.memory_space<vmem_shared>> -> memref<120x128xf32, #tpu.memory_space<vmem_shared>>
      %dma_start3A_43 = arith.constant 0 : i32
      %dma_start3A_44 = arith.constant 0 : i32
      %dma_start3A_45 = tpu.memref_slice %arg13[%dma_start3A_43, %dma_start3A_44] : memref<128x128xf32, #tpu.memory_space<vmem>> -> memref<120x128xf32, #tpu.memory_space<vmem>>
      tpu.enqueue_dma source(%dma_start3A_45 : memref<120x128xf32, #tpu.memory_space<vmem>>) target(%dma_start3A_42 : memref<120x128xf32, #tpu.memory_space<vmem_shared>>) target_semaphore(%run_scoped3A : memref<!tpu.dma_semaphore, #tpu.memory_space<semaphore_mem>>)
      %dma_wait3A = arith.constant 0 : i32
      %dma_wait3A_46 = arith.constant 0 : i32
      %dma_wait3A_47 = tpu.memref_slice %arg13[%dma_wait3A, %dma_wait3A_46] : memref<128x128xf32, #tpu.memory_space<vmem>> -> memref<120x128xf32, #tpu.memory_space<vmem>>
      %dma_wait3A_48 = arith.constant 0 : i32
      %dma_wait3A_49 = tpu.memref_slice %arg14[%add3A_25, %dma_wait3A_48] : memref<10112x128xf32, #tpu.memory_space<vmem_shared>> -> memref<120x128xf32, #tpu.memory_space<vmem_shared>>
      %dma_wait3A_50 = arith.constant 0 : i32
      %dma_wait3A_51 = tpu.memref_slice %arg14[%add3A_25, %dma_wait3A_50] : memref<10112x128xf32, #tpu.memory_space<vmem_shared>> -> memref<120x128xf32, #tpu.memory_space<vmem_shared>>
      %dma_wait3A_52 = arith.constant 0 : i32
      %dma_wait3A_53 = arith.constant 0 : i32
      %dma_wait3A_54 = tpu.memref_slice %arg13[%dma_wait3A_52, %dma_wait3A_53] : memref<128x128xf32, #tpu.memory_space<vmem>> -> memref<120x128xf32, #tpu.memory_space<vmem>>
      tpu.wait_dma2 semaphore(%run_scoped3A : memref<!tpu.dma_semaphore, #tpu.memory_space<semaphore_mem>>) src(%dma_wait3A_54 : memref<120x128xf32, #tpu.memory_space<vmem>>) dst(%dma_wait3A_51 : memref<120x128xf32, #tpu.memory_space<vmem_shared>>)
      tpu.yield
    }) : () -> ()
    %barrier3A = arith.constant 0 : index
    tpu.barrier barrier_id(%barrier3A)
    %scan3A_26 = arith.constant 0 : i32
    %scan3A_27 = arith.constant 0 : i32
    %scan3A_28 = arith.constant 10 : i32
    %scan3A_29 = arith.addi %scan3A_27, %scan3A_28 : i32
    %scan3A_30 = arith.constant 1 : i32
    scf.for %scan3A_37 = %scan3A_27 to %scan3A_29 step %scan3A_30  : i32 {
      %mul3A_38 = arith.constant 80 : i32
      %mul3A_39 = arith.muli %add3A, %mul3A_38 : i32
      %mul3A_40 = arith.constant 8 : i32
      %mul3A_41 = arith.muli %scan3A_37, %mul3A_40 : i32
      %add3A_42 = arith.addi %mul3A_39, %mul3A_41 : i32
      "tpu.region"() ({
        %run_scoped3A_1757 = tpu.sem_alloc : memref<!tpu.dma_semaphore, #tpu.memory_space<semaphore_mem>>
        %dma_start3A_1758 = arith.constant 0 : i32
        %dma_start3A_1759 = tpu.memref_slice %arg3[%add3A_42, %dma_start3A_1758] : memref<2560x128xi32, #tpu.memory_space<hbm>> -> memref<8x128xi32, #tpu.memory_space<hbm>>
        %dma_start3A_1760 = arith.constant 0 : i32
        %dma_start3A_1761 = tpu.memref_slice %arg3[%add3A_42, %dma_start3A_1760] : memref<2560x128xi32, #tpu.memory_space<hbm>> -> memref<8x128xi32, #tpu.memory_space<hbm>>
        tpu.enqueue_dma source(%dma_start3A_1761 : memref<8x128xi32, #tpu.memory_space<hbm>>) target(%arg8 : memref<8x128xi32, #tpu.memory_space<vmem>>) target_semaphore(%run_scoped3A_1757 : memref<!tpu.dma_semaphore, #tpu.memory_space<semaphore_mem>>)
        %dma_wait3A_1762 = arith.constant 0 : i32
        %dma_wait3A_1763 = tpu.memref_slice %arg3[%add3A_42, %dma_wait3A_1762] : memref<2560x128xi32, #tpu.memory_space<hbm>> -> memref<8x128xi32, #tpu.memory_space<hbm>>
        %dma_wait3A_1764 = arith.constant 0 : i32
        %dma_wait3A_1765 = tpu.memref_slice %arg3[%add3A_42, %dma_wait3A_1764] : memref<2560x128xi32, #tpu.memory_space<hbm>> -> memref<8x128xi32, #tpu.memory_space<hbm>>
        tpu.wait_dma2 semaphore(%run_scoped3A_1757 : memref<!tpu.dma_semaphore, #tpu.memory_space<semaphore_mem>>) src(%dma_wait3A_1765 : memref<8x128xi32, #tpu.memory_space<hbm>>) dst(%arg8 : memref<8x128xi32, #tpu.memory_space<vmem>>)
        tpu.yield
      }) : () -> ()
      "tpu.region"() ({
        %run_scoped3A_1757 = tpu.sem_alloc : memref<!tpu.dma_semaphore, #tpu.memory_space<semaphore_mem>>
        %dma_start3A_1758 = arith.constant 0 : i32
        %dma_start3A_1759 = tpu.memref_slice %arg4[%add3A_42, %dma_start3A_1758] : memref<2560x128xi32, #tpu.memory_space<hbm>> -> memref<8x128xi32, #tpu.memory_space<hbm>>
        %dma_start3A_1760 = arith.constant 0 : i32
        %dma_start3A_1761 = tpu.memref_slice %arg4[%add3A_42, %dma_start3A_1760] : memref<2560x128xi32, #tpu.memory_space<hbm>> -> memref<8x128xi32, #tpu.memory_space<hbm>>
        tpu.enqueue_dma source(%dma_start3A_1761 : memref<8x128xi32, #tpu.memory_space<hbm>>) target(%arg9 : memref<8x128xi32, #tpu.memory_space<vmem>>) target_semaphore(%run_scoped3A_1757 : memref<!tpu.dma_semaphore, #tpu.memory_space<semaphore_mem>>)
        %dma_wait3A_1762 = arith.constant 0 : i32
        %dma_wait3A_1763 = tpu.memref_slice %arg4[%add3A_42, %dma_wait3A_1762] : memref<2560x128xi32, #tpu.memory_space<hbm>> -> memref<8x128xi32, #tpu.memory_space<hbm>>
        %dma_wait3A_1764 = arith.constant 0 : i32
        %dma_wait3A_1765 = tpu.memref_slice %arg4[%add3A_42, %dma_wait3A_1764] : memref<2560x128xi32, #tpu.memory_space<hbm>> -> memref<8x128xi32, #tpu.memory_space<hbm>>
        tpu.wait_dma2 semaphore(%run_scoped3A_1757 : memref<!tpu.dma_semaphore, #tpu.memory_space<semaphore_mem>>) src(%dma_wait3A_1765 : memref<8x128xi32, #tpu.memory_space<hbm>>) dst(%arg9 : memref<8x128xi32, #tpu.memory_space<vmem>>)
        tpu.yield
      }) : () -> ()
      "tpu.region"() ({
        %run_scoped3A_1757 = tpu.sem_alloc : memref<!tpu.dma_semaphore, #tpu.memory_space<semaphore_mem>>
        %dma_start3A_1758 = arith.constant 0 : i32
        %dma_start3A_1759 = tpu.memref_slice %arg5[%add3A_42, %dma_start3A_1758] : memref<2560x128xi32, #tpu.memory_space<hbm>> -> memref<8x128xi32, #tpu.memory_space<hbm>>
        %dma_start3A_1760 = arith.constant 0 : i32
        %dma_start3A_1761 = tpu.memref_slice %arg5[%add3A_42, %dma_start3A_1760] : memref<2560x128xi32, #tpu.memory_space<hbm>> -> memref<8x128xi32, #tpu.memory_space<hbm>>
        tpu.enqueue_dma source(%dma_start3A_1761 : memref<8x128xi32, #tpu.memory_space<hbm>>) target(%arg10 : memref<8x128xi32, #tpu.memory_space<vmem>>) target_semaphore(%run_scoped3A_1757 : memref<!tpu.dma_semaphore, #tpu.memory_space<semaphore_mem>>)
        %dma_wait3A_1762 = arith.constant 0 : i32
        %dma_wait3A_1763 = tpu.memref_slice %arg5[%add3A_42, %dma_wait3A_1762] : memref<2560x128xi32, #tpu.memory_space<hbm>> -> memref<8x128xi32, #tpu.memory_space<hbm>>
        %dma_wait3A_1764 = arith.constant 0 : i32
        %dma_wait3A_1765 = tpu.memref_slice %arg5[%add3A_42, %dma_wait3A_1764] : memref<2560x128xi32, #tpu.memory_space<hbm>> -> memref<8x128xi32, #tpu.memory_space<hbm>>
        tpu.wait_dma2 semaphore(%run_scoped3A_1757 : memref<!tpu.dma_semaphore, #tpu.memory_space<semaphore_mem>>) src(%dma_wait3A_1765 : memref<8x128xi32, #tpu.memory_space<hbm>>) dst(%arg10 : memref<8x128xi32, #tpu.memory_space<vmem>>)
        tpu.yield
      }) : () -> ()
      %get3A = arith.constant 0 : i32
      %get3A_43 = arith.index_cast %get3A : i32 to index
      %get3A_44 = arith.constant 0 : index
      %get3A_45 = tpu.vector_load %arg9[%get3A_43, %get3A_44] {strides = array<i32>} : memref<8x128xi32, #tpu.memory_space<vmem>>, vector<16xi32>,
      %gather3A = tpu.vector_load_idx %arg12[%get3A_45] : memref<10112xi32, #tpu.memory_space<vmem>>[vector<16xi32>], vector<16xi32>,
      %get3A_46 = arith.constant 0 : i32
      %get3A_47 = arith.index_cast %get3A_46 : i32 to index
      %get3A_48 = arith.constant 0 : index
      %get3A_49 = tpu.vector_load %arg10[%get3A_47, %get3A_48] {strides = array<i32>} : memref<8x128xi32, #tpu.memory_space<vmem>>, vector<16xi32>,
      %mul3A_50 = arith.constant 10000 : i32
      %mul3A_51 = vector.broadcast %mul3A_50 : i32 to vector<16xi32>
      %mul3A_52 = arith.muli %get3A_49, %mul3A_51 : vector<16xi32>
      %get3A_53 = arith.constant 0 : i32
      %get3A_54 = arith.index_cast %get3A_53 : i32 to index
      %get3A_55 = arith.constant 0 : index
      %get3A_56 = tpu.vector_load %arg8[%get3A_54, %get3A_55] {strides = array<i32>} : memref<8x128xi32, #tpu.memory_space<vmem>>, vector<16xi32>,
      %add3A_57 = arith.addi %mul3A_52, %get3A_56 : vector<16xi32>
      %mul3A_58 = arith.constant 3 : i32
      %mul3A_59 = vector.broadcast %mul3A_58 : i32 to vector<16xi32>
      %mul3A_60 = arith.muli %add3A_57, %mul3A_59 : vector<16xi32>
      %add3A_61 = arith.addi %mul3A_60, %gather3A : vector<16xi32>
      %swap3A = arith.constant 0 : i32
      %swap3A_62 = arith.index_cast %swap3A : i32 to index
      %swap3A_63 = arith.constant 0 : index
      %swap3A_64 = tpu.vector_load %arg11[%swap3A_62, %swap3A_63] {strides = array<i32>} : memref<8x128xi32, #tpu.memory_space<vmem>>, vector<16xi32>,
      tpu.vector_store %arg11[%swap3A_62, %swap3A_63], %add3A_61 {strides = array<i32>} : memref<8x128xi32, #tpu.memory_space<vmem>>, vector<16xi32>,
      %get3A_65 = arith.constant 0 : i32
      %get3A_66 = arith.index_cast %get3A_65 : i32 to index
      %get3A_67 = arith.constant 16 : index
      %get3A_68 = tpu.vector_load %arg9[%get3A_66, %get3A_67] {strides = array<i32>} : memref<8x128xi32, #tpu.memory_space<vmem>>, vector<16xi32>,
      %gather3A_69 = tpu.vector_load_idx %arg12[%get3A_68] : memref<10112xi32, #tpu.memory_space<vmem>>[vector<16xi32>], vector<16xi32>,
      %get3A_70 = arith.constant 0 : i32
      %get3A_71 = arith.index_cast %get3A_70 : i32 to index
      %get3A_72 = arith.constant 16 : index
      %get3A_73 = tpu.vector_load %arg10[%get3A_71, %get3A_72] {strides = array<i32>} : memref<8x128xi32, #tpu.memory_space<vmem>>, vector<16xi32>,
      %mul3A_74 = arith.constant 10000 : i32
      %mul3A_75 = vector.broadcast %mul3A_74 : i32 to vector<16xi32>
      %mul3A_76 = arith.muli %get3A_73, %mul3A_75 : vector<16xi32>
      %get3A_77 = arith.constant 0 : i32
      %get3A_78 = arith.index_cast %get3A_77 : i32 to index
      %get3A_79 = arith.constant 16 : index
      %get3A_80 = tpu.vector_load %arg8[%get3A_78, %get3A_79] {strides = array<i32>} : memref<8x128xi32, #tpu.memory_space<vmem>>, vector<16xi32>,
      %add3A_81 = arith.addi %mul3A_76, %get3A_80 : vector<16xi32>
      %mul3A_82 = arith.constant 3 : i32
      %mul3A_83 = vector.broadcast %mul3A_82 : i32 to vector<16xi32>
      %mul3A_84 = arith.muli %add3A_81, %mul3A_83 : vector<16xi32>
      %add3A_85 = arith.addi %mul3A_84, %gather3A_69 : vector<16xi32>
      %swap3A_86 = arith.constant 0 : i32
      %swap3A_87 = arith.index_cast %swap3A_86 : i32 to index
      %swap3A_88 = arith.constant 16 : index
      %swap3A_89 = tpu.vector_load %arg11[%swap3A_87, %swap3A_88] {strides = array<i32>} : memref<8x128xi32, #tpu.memory_space<vmem>>, vector<16xi32>,
      tpu.vector_store %arg11[%swap3A_87, %swap3A_88], %add3A_85 {strides = array<i32>} : memref<8x128xi32, #tpu.memory_space<vmem>>, vector<16xi32>,
      %get3A_90 = arith.constant 0 : i32
      %get3A_91 = arith.index_cast %get3A_90 : i32 to index
      %get3A_92 = arith.constant 32 : index
      %get3A_93 = tpu.vector_load %arg9[%get3A_91, %get3A_92] {strides = array<i32>} : memref<8x128xi32, #tpu.memory_space<vmem>>, vector<16xi32>,
      %gather3A_94 = tpu.vector_load_idx %arg12[%get3A_93] : memref<10112xi32, #tpu.memory_space<vmem>>[vector<16xi32>], vector<16xi32>,
      %get3A_95 = arith.constant 0 : i32
      %get3A_96 = arith.index_cast %get3A_95 : i32 to index
      %get3A_97 = arith.constant 32 : index
      %get3A_98 = tpu.vector_load %arg10[%get3A_96, %get3A_97] {strides = array<i32>} : memref<8x128xi32, #tpu.memory_space<vmem>>, vector<16xi32>,
      %mul3A_99 = arith.constant 10000 : i32
      %mul3A_100 = vector.broadcast %mul3A_99 : i32 to vector<16xi32>
      %mul3A_101 = arith.muli %get3A_98, %mul3A_100 : vector<16xi32>
      %get3A_102 = arith.constant 0 : i32
      %get3A_103 = arith.index_cast %get3A_102 : i32 to index
      %get3A_104 = arith.constant 32 : index
      %get3A_105 = tpu.vector_load %arg8[%get3A_103, %get3A_104] {strides = array<i32>} : memref<8x128xi32, #tpu.memory_space<vmem>>, vector<16xi32>,
      %add3A_106 = arith.addi %mul3A_101, %get3A_105 : vector<16xi32>
      %mul3A_107 = arith.constant 3 : i32
      %mul3A_108 = vector.broadcast %mul3A_107 : i32 to vector<16xi32>
      %mul3A_109 = arith.muli %add3A_106, %mul3A_108 : vector<16xi32>
      %add3A_110 = arith.addi %mul3A_109, %gather3A_94 : vector<16xi32>
      %swap3A_111 = arith.constant 0 : i32
      %swap3A_112 = arith.index_cast %swap3A_111 : i32 to index
      %swap3A_113 = arith.constant 32 : index
      %swap3A_114 = tpu.vector_load %arg11[%swap3A_112, %swap3A_113] {strides = array<i32>} : memref<8x128xi32, #tpu.memory_space<vmem>>, vector<16xi32>,
      tpu.vector_store %arg11[%swap3A_112, %swap3A_113], %add3A_110 {strides = array<i32>} : memref<8x128xi32, #tpu.memory_space<vmem>>, vector<16xi32>,
      %get3A_115 = arith.constant 0 : i32
      %get3A_116 = arith.index_cast %get3A_115 : i32 to index
      %get3A_117 = arith.constant 48 : index
      %get3A_118 = tpu.vector_load %arg9[%get3A_116, %get3A_117] {strides = array<i32>} : memref<8x128xi32, #tpu.memory_space<vmem>>, vector<16xi32>,
      %gather3A_119 = tpu.vector_load_idx %arg12[%get3A_118] : memref<10112xi32, #tpu.memory_space<vmem>>[vector<16xi32>], vector<16xi32>,
      %get3A_120 = arith.constant 0 : i32
      %get3A_121 = arith.index_cast %get3A_120 : i32 to index
      %get3A_122 = arith.constant 48 : index
      %get3A_123 = tpu.vector_load %arg10[%get3A_121, %get3A_122] {strides = array<i32>} : memref<8x128xi32, #tpu.memory_space<vmem>>, vector<16xi32>,
      %mul3A_124 = arith.constant 10000 : i32
      %mul3A_125 = vector.broadcast %mul3A_124 : i32 to vector<16xi32>
      %mul3A_126 = arith.muli %get3A_123, %mul3A_125 : vector<16xi32>
      %get3A_127 = arith.constant 0 : i32
      %get3A_128 = arith.index_cast %get3A_127 : i32 to index
      %get3A_129 = arith.constant 48 : index
      %get3A_130 = tpu.vector_load %arg8[%get3A_128, %get3A_129] {strides = array<i32>} : memref<8x128xi32, #tpu.memory_space<vmem>>, vector<16xi32>,
      %add3A_131 = arith.addi %mul3A_126, %get3A_130 : vector<16xi32>
      %mul3A_132 = arith.constant 3 : i32
      %mul3A_133 = vector.broadcast %mul3A_132 : i32 to vector<16xi32>
      %mul3A_134 = arith.muli %add3A_131, %mul3A_133 : vector<16xi32>
      %add3A_135 = arith.addi %mul3A_134, %gather3A_119 : vector<16xi32>
      %swap3A_136 = arith.constant 0 : i32
      %swap3A_137 = arith.index_cast %swap3A_136 : i32 to index
      %swap3A_138 = arith.constant 48 : index
      %swap3A_139 = tpu.vector_load %arg11[%swap3A_137, %swap3A_138] {strides = array<i32>} : memref<8x128xi32, #tpu.memory_space<vmem>>, vector<16xi32>,
      tpu.vector_store %arg11[%swap3A_137, %swap3A_138], %add3A_135 {strides = array<i32>} : memref<8x128xi32, #tpu.memory_space<vmem>>, vector<16xi32>,
      %get3A_140 = arith.constant 0 : i32
      %get3A_141 = arith.index_cast %get3A_140 : i32 to index
      %get3A_142 = arith.constant 64 : index
      %get3A_143 = tpu.vector_load %arg9[%get3A_141, %get3A_142] {strides = array<i32>} : memref<8x128xi32, #tpu.memory_space<vmem>>, vector<16xi32>,
      %gather3A_144 = tpu.vector_load_idx %arg12[%get3A_143] : memref<10112xi32, #tpu.memory_space<vmem>>[vector<16xi32>], vector<16xi32>,
      %get3A_145 = arith.constant 0 : i32
      %get3A_146 = arith.index_cast %get3A_145 : i32 to index
      %get3A_147 = arith.constant 64 : index
      %get3A_148 = tpu.vector_load %arg10[%get3A_146, %get3A_147] {strides = array<i32>} : memref<8x128xi32, #tpu.memory_space<vmem>>, vector<16xi32>,
      %mul3A_149 = arith.constant 10000 : i32
      %mul3A_150 = vector.broadcast %mul3A_149 : i32 to vector<16xi32>
      %mul3A_151 = arith.muli %get3A_148, %mul3A_150 : vector<16xi32>
      %get3A_152 = arith.constant 0 : i32
      %get3A_153 = arith.index_cast %get3A_152 : i32 to index
      %get3A_154 = arith.constant 64 : index
      %get3A_155 = tpu.vector_load %arg8[%get3A_153, %get3A_154] {strides = array<i32>} : memref<8x128xi32, #tpu.memory_space<vmem>>, vector<16xi32>,
      %add3A_156 = arith.addi %mul3A_151, %get3A_155 : vector<16xi32>
      %mul3A_157 = arith.constant 3 : i32
      %mul3A_158 = vector.broadcast %mul3A_157 : i32 to vector<16xi32>
      %mul3A_159 = arith.muli %add3A_156, %mul3A_158 : vector<16xi32>
      %add3A_160 = arith.addi %mul3A_159, %gather3A_144 : vector<16xi32>
      %swap3A_161 = arith.constant 0 : i32
      %swap3A_162 = arith.index_cast %swap3A_161 : i32 to index
      %swap3A_163 = arith.constant 64 : index
      %swap3A_164 = tpu.vector_load %arg11[%swap3A_162, %swap3A_163] {strides = array<i32>} : memref<8x128xi32, #tpu.memory_space<vmem>>, vector<16xi32>,
      tpu.vector_store %arg11[%swap3A_162, %swap3A_163], %add3A_160 {strides = array<i32>} : memref<8x128xi32, #tpu.memory_space<vmem>>, vector<16xi32>,
      %get3A_165 = arith.constant 0 : i32
      %get3A_166 = arith.index_cast %get3A_165 : i32 to index
      %get3A_167 = arith.constant 80 : index
      %get3A_168 = tpu.vector_load %arg9[%get3A_166, %get3A_167] {strides = array<i32>} : memref<8x128xi32, #tpu.memory_space<vmem>>, vector<16xi32>,
      %gather3A_169 = tpu.vector_load_idx %arg12[%get3A_168] : memref<10112xi32, #tpu.memory_space<vmem>>[vector<16xi32>], vector<16xi32>,
      %get3A_170 = arith.constant 0 : i32
      %get3A_171 = arith.index_cast %get3A_170 : i32 to index
      %get3A_172 = arith.constant 80 : index
      %get3A_173 = tpu.vector_load %arg10[%get3A_171, %get3A_172] {strides = array<i32>} : memref<8x128xi32, #tpu.memory_space<vmem>>, vector<16xi32>,
      %mul3A_174 = arith.constant 10000 : i32
      %mul3A_175 = vector.broadcast %mul3A_174 : i32 to vector<16xi32>
      %mul3A_176 = arith.muli %get3A_173, %mul3A_175 : vector<16xi32>
      %get3A_177 = arith.constant 0 : i32
      %get3A_178 = arith.index_cast %get3A_177 : i32 to index
      %get3A_179 = arith.constant 80 : index
      %get3A_180 = tpu.vector_load %arg8[%get3A_178, %get3A_179] {strides = array<i32>} : memref<8x128xi32, #tpu.memory_space<vmem>>, vector<16xi32>,
      %add3A_181 = arith.addi %mul3A_176, %get3A_180 : vector<16xi32>
      %mul3A_182 = arith.constant 3 : i32
      %mul3A_183 = vector.broadcast %mul3A_182 : i32 to vector<16xi32>
      %mul3A_184 = arith.muli %add3A_181, %mul3A_183 : vector<16xi32>
      %add3A_185 = arith.addi %mul3A_184, %gather3A_169 : vector<16xi32>
      %swap3A_186 = arith.constant 0 : i32
      %swap3A_187 = arith.index_cast %swap3A_186 : i32 to index
      %swap3A_188 = arith.constant 80 : index
      %swap3A_189 = tpu.vector_load %arg11[%swap3A_187, %swap3A_188] {strides = array<i32>} : memref<8x128xi32, #tpu.memory_space<vmem>>, vector<16xi32>,
      tpu.vector_store %arg11[%swap3A_187, %swap3A_188], %add3A_185 {strides = array<i32>} : memref<8x128xi32, #tpu.memory_space<vmem>>, vector<16xi32>,
      %get3A_190 = arith.constant 0 : i32
      %get3A_191 = arith.index_cast %get3A_190 : i32 to index
      %get3A_192 = arith.constant 96 : index
      %get3A_193 = tpu.vector_load %arg9[%get3A_191, %get3A_192] {strides = array<i32>} : memref<8x128xi32, #tpu.memory_space<vmem>>, vector<16xi32>,
      %gather3A_194 = tpu.vector_load_idx %arg12[%get3A_193] : memref<10112xi32, #tpu.memory_space<vmem>>[vector<16xi32>], vector<16xi32>,
      %get3A_195 = arith.constant 0 : i32
      %get3A_196 = arith.index_cast %get3A_195 : i32 to index
      %get3A_197 = arith.constant 96 : index
      %get3A_198 = tpu.vector_load %arg10[%get3A_196, %get3A_197] {strides = array<i32>} : memref<8x128xi32, #tpu.memory_space<vmem>>, vector<16xi32>,
      %mul3A_199 = arith.constant 10000 : i32
      %mul3A_200 = vector.broadcast %mul3A_199 : i32 to vector<16xi32>
      %mul3A_201 = arith.muli %get3A_198, %mul3A_200 : vector<16xi32>
      %get3A_202 = arith.constant 0 : i32
      %get3A_203 = arith.index_cast %get3A_202 : i32 to index
      %get3A_204 = arith.constant 96 : index
      %get3A_205 = tpu.vector_load %arg8[%get3A_203, %get3A_204] {strides = array<i32>} : memref<8x128xi32, #tpu.memory_space<vmem>>, vector<16xi32>,
      %add3A_206 = arith.addi %mul3A_201, %get3A_205 : vector<16xi32>
      %mul3A_207 = arith.constant 3 : i32
      %mul3A_208 = vector.broadcast %mul3A_207 : i32 to vector<16xi32>
      %mul3A_209 = arith.muli %add3A_206, %mul3A_208 : vector<16xi32>
      %add3A_210 = arith.addi %mul3A_209, %gather3A_194 : vector<16xi32>
      %swap3A_211 = arith.constant 0 : i32
      %swap3A_212 = arith.index_cast %swap3A_211 : i32 to index
      %swap3A_213 = arith.constant 96 : index
      %swap3A_214 = tpu.vector_load %arg11[%swap3A_212, %swap3A_213] {strides = array<i32>} : memref<8x128xi32, #tpu.memory_space<vmem>>, vector<16xi32>,
      tpu.vector_store %arg11[%swap3A_212, %swap3A_213], %add3A_210 {strides = array<i32>} : memref<8x128xi32, #tpu.memory_space<vmem>>, vector<16xi32>,
      %get3A_215 = arith.constant 0 : i32
      %get3A_216 = arith.index_cast %get3A_215 : i32 to index
      %get3A_217 = arith.constant 112 : index
      %get3A_218 = tpu.vector_load %arg9[%get3A_216, %get3A_217] {strides = array<i32>} : memref<8x128xi32, #tpu.memory_space<vmem>>, vector<16xi32>,
      %gather3A_219 = tpu.vector_load_idx %arg12[%get3A_218] : memref<10112xi32, #tpu.memory_space<vmem>>[vector<16xi32>], vector<16xi32>,
      %get3A_220 = arith.constant 0 : i32
      %get3A_221 = arith.index_cast %get3A_220 : i32 to index
      %get3A_222 = arith.constant 112 : index
      %get3A_223 = tpu.vector_load %arg10[%get3A_221, %get3A_222] {strides = array<i32>} : memref<8x128xi32, #tpu.memory_space<vmem>>, vector<16xi32>,
      %mul3A_224 = arith.constant 10000 : i32
      %mul3A_225 = vector.broadcast %mul3A_224 : i32 to vector<16xi32>
      %mul3A_226 = arith.muli %get3A_223, %mul3A_225 : vector<16xi32>
      %get3A_227 = arith.constant 0 : i32
      %get3A_228 = arith.index_cast %get3A_227 : i32 to index
      %get3A_229 = arith.constant 112 : index
      %get3A_230 = tpu.vector_load %arg8[%get3A_228, %get3A_229] {strides = array<i32>} : memref<8x128xi32, #tpu.memory_space<vmem>>, vector<16xi32>,
      %add3A_231 = arith.addi %mul3A_226, %get3A_230 : vector<16xi32>
      %mul3A_232 = arith.constant 3 : i32
      %mul3A_233 = vector.broadcast %mul3A_232 : i32 to vector<16xi32>
      %mul3A_234 = arith.muli %add3A_231, %mul3A_233 : vector<16xi32>
      %add3A_235 = arith.addi %mul3A_234, %gather3A_219 : vector<16xi32>
      %swap3A_236 = arith.constant 0 : i32
      %swap3A_237 = arith.index_cast %swap3A_236 : i32 to index
      %swap3A_238 = arith.constant 112 : index
      %swap3A_239 = tpu.vector_load %arg11[%swap3A_237, %swap3A_238] {strides = array<i32>} : memref<8x128xi32, #tpu.memory_space<vmem>>, vector<16xi32>,
      tpu.vector_store %arg11[%swap3A_237, %swap3A_238], %add3A_235 {strides = array<i32>} : memref<8x128xi32, #tpu.memory_space<vmem>>, vector<16xi32>,
      %get3A_240 = arith.constant 1 : i32
      %get3A_241 = arith.index_cast %get3A_240 : i32 to index
      %get3A_242 = arith.constant 0 : index
      %get3A_243 = tpu.vector_load %arg9[%get3A_241, %get3A_242] {strides = array<i32>} : memref<8x128xi32, #tpu.memory_space<vmem>>, vector<16xi32>,
      %gather3A_244 = tpu.vector_load_idx %arg12[%get3A_243] : memref<10112xi32, #tpu.memory_space<vmem>>[vector<16xi32>], vector<16xi32>,
      %get3A_245 = arith.constant 1 : i32
      %get3A_246 = arith.index_cast %get3A_245 : i32 to index
      %get3A_247 = arith.constant 0 : index
      %get3A_248 = tpu.vector_load %arg10[%get3A_246, %get3A_247] {strides = array<i32>} : memref<8x128xi32, #tpu.memory_space<vmem>>, vector<16xi32>,
      %mul3A_249 = arith.constant 10000 : i32
      %mul3A_250 = vector.broadcast %mul3A_249 : i32 to vector<16xi32>
      %mul3A_251 = arith.muli %get3A_248, %mul3A_250 : vector<16xi32>
      %get3A_252 = arith.constant 1 : i32
      %get3A_253 = arith.index_cast %get3A_252 : i32 to index
      %get3A_254 = arith.constant 0 : index
      %get3A_255 = tpu.vector_load %arg8[%get3A_253, %get3A_254] {strides = array<i32>} : memref<8x128xi32, #tpu.memory_space<vmem>>, vector<16xi32>,
      %add3A_256 = arith.addi %mul3A_251, %get3A_255 : vector<16xi32>
      %mul3A_257 = arith.constant 3 : i32
      %mul3A_258 = vector.broadcast %mul3A_257 : i32 to vector<16xi32>
      %mul3A_259 = arith.muli %add3A_256, %mul3A_258 : vector<16xi32>
      %add3A_260 = arith.addi %mul3A_259, %gather3A_244 : vector<16xi32>
      %swap3A_261 = arith.constant 1 : i32
      %swap3A_262 = arith.index_cast %swap3A_261 : i32 to index
      %swap3A_263 = arith.constant 0 : index
      %swap3A_264 = tpu.vector_load %arg11[%swap3A_262, %swap3A_263] {strides = array<i32>} : memref<8x128xi32, #tpu.memory_space<vmem>>, vector<16xi32>,
      tpu.vector_store %arg11[%swap3A_262, %swap3A_263], %add3A_260 {strides = array<i32>} : memref<8x128xi32, #tpu.memory_space<vmem>>, vector<16xi32>,
      %get3A_265 = arith.constant 1 : i32
      %get3A_266 = arith.index_cast %get3A_265 : i32 to index
      %get3A_267 = arith.constant 16 : index
      %get3A_268 = tpu.vector_load %arg9[%get3A_266, %get3A_267] {strides = array<i32>} : memref<8x128xi32, #tpu.memory_space<vmem>>, vector<16xi32>,
      %gather3A_269 = tpu.vector_load_idx %arg12[%get3A_268] : memref<10112xi32, #tpu.memory_space<vmem>>[vector<16xi32>], vector<16xi32>,
      %get3A_270 = arith.constant 1 : i32
      %get3A_271 = arith.index_cast %get3A_270 : i32 to index
      %get3A_272 = arith.constant 16 : index
      %get3A_273 = tpu.vector_load %arg10[%get3A_271, %get3A_272] {strides = array<i32>} : memref<8x128xi32, #tpu.memory_space<vmem>>, vector<16xi32>,
      %mul3A_274 = arith.constant 10000 : i32
      %mul3A_275 = vector.broadcast %mul3A_274 : i32 to vector<16xi32>
      %mul3A_276 = arith.muli %get3A_273, %mul3A_275 : vector<16xi32>
      %get3A_277 = arith.constant 1 : i32
      %get3A_278 = arith.index_cast %get3A_277 : i32 to index
      %get3A_279 = arith.constant 16 : index
      %get3A_280 = tpu.vector_load %arg8[%get3A_278, %get3A_279] {strides = array<i32>} : memref<8x128xi32, #tpu.memory_space<vmem>>, vector<16xi32>,
      %add3A_281 = arith.addi %mul3A_276, %get3A_280 : vector<16xi32>
      %mul3A_282 = arith.constant 3 : i32
      %mul3A_283 = vector.broadcast %mul3A_282 : i32 to vector<16xi32>
      %mul3A_284 = arith.muli %add3A_281, %mul3A_283 : vector<16xi32>
      %add3A_285 = arith.addi %mul3A_284, %gather3A_269 : vector<16xi32>
      %swap3A_286 = arith.constant 1 : i32
      %swap3A_287 = arith.index_cast %swap3A_286 : i32 to index
      %swap3A_288 = arith.constant 16 : index
      %swap3A_289 = tpu.vector_load %arg11[%swap3A_287, %swap3A_288] {strides = array<i32>} : memref<8x128xi32, #tpu.memory_space<vmem>>, vector<16xi32>,
      tpu.vector_store %arg11[%swap3A_287, %swap3A_288], %add3A_285 {strides = array<i32>} : memref<8x128xi32, #tpu.memory_space<vmem>>, vector<16xi32>,
      %get3A_290 = arith.constant 1 : i32
      %get3A_291 = arith.index_cast %get3A_290 : i32 to index
      %get3A_292 = arith.constant 32 : index
      %get3A_293 = tpu.vector_load %arg9[%get3A_291, %get3A_292] {strides = array<i32>} : memref<8x128xi32, #tpu.memory_space<vmem>>, vector<16xi32>,
      %gather3A_294 = tpu.vector_load_idx %arg12[%get3A_293] : memref<10112xi32, #tpu.memory_space<vmem>>[vector<16xi32>], vector<16xi32>,
      %get3A_295 = arith.constant 1 : i32
      %get3A_296 = arith.index_cast %get3A_295 : i32 to index
      %get3A_297 = arith.constant 32 : index
      %get3A_298 = tpu.vector_load %arg10[%get3A_296, %get3A_297] {strides = array<i32>} : memref<8x128xi32, #tpu.memory_space<vmem>>, vector<16xi32>,
      %mul3A_299 = arith.constant 10000 : i32
      %mul3A_300 = vector.broadcast %mul3A_299 : i32 to vector<16xi32>
      %mul3A_301 = arith.muli %get3A_298, %mul3A_300 : vector<16xi32>
      %get3A_302 = arith.constant 1 : i32
      %get3A_303 = arith.index_cast %get3A_302 : i32 to index
      %get3A_304 = arith.constant 32 : index
      %get3A_305 = tpu.vector_load %arg8[%get3A_303, %get3A_304] {strides = array<i32>} : memref<8x128xi32, #tpu.memory_space<vmem>>, vector<16xi32>,
      %add3A_306 = arith.addi %mul3A_301, %get3A_305 : vector<16xi32>
      %mul3A_307 = arith.constant 3 : i32
      %mul3A_308 = vector.broadcast %mul3A_307 : i32 to vector<16xi32>
      %mul3A_309 = arith.muli %add3A_306, %mul3A_308 : vector<16xi32>
      %add3A_310 = arith.addi %mul3A_309, %gather3A_294 : vector<16xi32>
      %swap3A_311 = arith.constant 1 : i32
      %swap3A_312 = arith.index_cast %swap3A_311 : i32 to index
      %swap3A_313 = arith.constant 32 : index
      %swap3A_314 = tpu.vector_load %arg11[%swap3A_312, %swap3A_313] {strides = array<i32>} : memref<8x128xi32, #tpu.memory_space<vmem>>, vector<16xi32>,
      tpu.vector_store %arg11[%swap3A_312, %swap3A_313], %add3A_310 {strides = array<i32>} : memref<8x128xi32, #tpu.memory_space<vmem>>, vector<16xi32>,
      %get3A_315 = arith.constant 1 : i32
      %get3A_316 = arith.index_cast %get3A_315 : i32 to index
      %get3A_317 = arith.constant 48 : index
      %get3A_318 = tpu.vector_load %arg9[%get3A_316, %get3A_317] {strides = array<i32>} : memref<8x128xi32, #tpu.memory_space<vmem>>, vector<16xi32>,
      %gather3A_319 = tpu.vector_load_idx %arg12[%get3A_318] : memref<10112xi32, #tpu.memory_space<vmem>>[vector<16xi32>], vector<16xi32>,
      %get3A_320 = arith.constant 1 : i32
      %get3A_321 = arith.index_cast %get3A_320 : i32 to index
      %get3A_322 = arith.constant 48 : index
      %get3A_323 = tpu.vector_load %arg10[%get3A_321, %get3A_322] {strides = array<i32>} : memref<8x128xi32, #tpu.memory_space<vmem>>, vector<16xi32>,
      %mul3A_324 = arith.constant 10000 : i32
      %mul3A_325 = vector.broadcast %mul3A_324 : i32 to vector<16xi32>
      %mul3A_326 = arith.muli %get3A_323, %mul3A_325 : vector<16xi32>
      %get3A_327 = arith.constant 1 : i32
      %get3A_328 = arith.index_cast %get3A_327 : i32 to index
      %get3A_329 = arith.constant 48 : index
      %get3A_330 = tpu.vector_load %arg8[%get3A_328, %get3A_329] {strides = array<i32>} : memref<8x128xi32, #tpu.memory_space<vmem>>, vector<16xi32>,
      %add3A_331 = arith.addi %mul3A_326, %get3A_330 : vector<16xi32>
      %mul3A_332 = arith.constant 3 : i32
      %mul3A_333 = vector.broadcast %mul3A_332 : i32 to vector<16xi32>
      %mul3A_334 = arith.muli %add3A_331, %mul3A_333 : vector<16xi32>
      %add3A_335 = arith.addi %mul3A_334, %gather3A_319 : vector<16xi32>
      %swap3A_336 = arith.constant 1 : i32
      %swap3A_337 = arith.index_cast %swap3A_336 : i32 to index
      %swap3A_338 = arith.constant 48 : index
      %swap3A_339 = tpu.vector_load %arg11[%swap3A_337, %swap3A_338] {strides = array<i32>} : memref<8x128xi32, #tpu.memory_space<vmem>>, vector<16xi32>,
      tpu.vector_store %arg11[%swap3A_337, %swap3A_338], %add3A_335 {strides = array<i32>} : memref<8x128xi32, #tpu.memory_space<vmem>>, vector<16xi32>,
      %get3A_340 = arith.constant 1 : i32
      %get3A_341 = arith.index_cast %get3A_340 : i32 to index
      %get3A_342 = arith.constant 64 : index
      %get3A_343 = tpu.vector_load %arg9[%get3A_341, %get3A_342] {strides = array<i32>} : memref<8x128xi32, #tpu.memory_space<vmem>>, vector<16xi32>,
      %gather3A_344 = tpu.vector_load_idx %arg12[%get3A_343] : memref<10112xi32, #tpu.memory_space<vmem>>[vector<16xi32>], vector<16xi32>,
      %get3A_345 = arith.constant 1 : i32
      %get3A_346 = arith.index_cast %get3A_345 : i32 to index
      %get3A_347 = arith.constant 64 : index
      %get3A_348 = tpu.vector_load %arg10[%get3A_346, %get3A_347] {strides = array<i32>} : memref<8x128xi32, #tpu.memory_space<vmem>>, vector<16xi32>,
      %mul3A_349 = arith.constant 10000 : i32
      %mul3A_350 = vector.broadcast %mul3A_349 : i32 to vector<16xi32>
      %mul3A_351 = arith.muli %get3A_348, %mul3A_350 : vector<16xi32>
      %get3A_352 = arith.constant 1 : i32
      %get3A_353 = arith.index_cast %get3A_352 : i32 to index
      %get3A_354 = arith.constant 64 : index
      %get3A_355 = tpu.vector_load %arg8[%get3A_353, %get3A_354] {strides = array<i32>} : memref<8x128xi32, #tpu.memory_space<vmem>>, vector<16xi32>,
      %add3A_356 = arith.addi %mul3A_351, %get3A_355 : vector<16xi32>
      %mul3A_357 = arith.constant 3 : i32
      %mul3A_358 = vector.broadcast %mul3A_357 : i32 to vector<16xi32>
      %mul3A_359 = arith.muli %add3A_356, %mul3A_358 : vector<16xi32>
      %add3A_360 = arith.addi %mul3A_359, %gather3A_344 : vector<16xi32>
      %swap3A_361 = arith.constant 1 : i32
      %swap3A_362 = arith.index_cast %swap3A_361 : i32 to index
      %swap3A_363 = arith.constant 64 : index
      %swap3A_364 = tpu.vector_load %arg11[%swap3A_362, %swap3A_363] {strides = array<i32>} : memref<8x128xi32, #tpu.memory_space<vmem>>, vector<16xi32>,
      tpu.vector_store %arg11[%swap3A_362, %swap3A_363], %add3A_360 {strides = array<i32>} : memref<8x128xi32, #tpu.memory_space<vmem>>, vector<16xi32>,
      %get3A_365 = arith.constant 1 : i32
      %get3A_366 = arith.index_cast %get3A_365 : i32 to index
      %get3A_367 = arith.constant 80 : index
      %get3A_368 = tpu.vector_load %arg9[%get3A_366, %get3A_367] {strides = array<i32>} : memref<8x128xi32, #tpu.memory_space<vmem>>, vector<16xi32>,
      %gather3A_369 = tpu.vector_load_idx %arg12[%get3A_368] : memref<10112xi32, #tpu.memory_space<vmem>>[vector<16xi32>], vector<16xi32>,
      %get3A_370 = arith.constant 1 : i32
      %get3A_371 = arith.index_cast %get3A_370 : i32 to index
      %get3A_372 = arith.constant 80 : index
      %get3A_373 = tpu.vector_load %arg10[%get3A_371, %get3A_372] {strides = array<i32>} : memref<8x128xi32, #tpu.memory_space<vmem>>, vector<16xi32>,
      %mul3A_374 = arith.constant 10000 : i32
      %mul3A_375 = vector.broadcast %mul3A_374 : i32 to vector<16xi32>
      %mul3A_376 = arith.muli %get3A_373, %mul3A_375 : vector<16xi32>
      %get3A_377 = arith.constant 1 : i32
      %get3A_378 = arith.index_cast %get3A_377 : i32 to index
      %get3A_379 = arith.constant 80 : index
      %get3A_380 = tpu.vector_load %arg8[%get3A_378, %get3A_379] {strides = array<i32>} : memref<8x128xi32, #tpu.memory_space<vmem>>, vector<16xi32>,
      %add3A_381 = arith.addi %mul3A_376, %get3A_380 : vector<16xi32>
      %mul3A_382 = arith.constant 3 : i32
      %mul3A_383 = vector.broadcast %mul3A_382 : i32 to vector<16xi32>
      %mul3A_384 = arith.muli %add3A_381, %mul3A_383 : vector<16xi32>
      %add3A_385 = arith.addi %mul3A_384, %gather3A_369 : vector<16xi32>
      %swap3A_386 = arith.constant 1 : i32
      %swap3A_387 = arith.index_cast %swap3A_386 : i32 to index
      %swap3A_388 = arith.constant 80 : index
      %swap3A_389 = tpu.vector_load %arg11[%swap3A_387, %swap3A_388] {strides = array<i32>} : memref<8x128xi32, #tpu.memory_space<vmem>>, vector<16xi32>,
      tpu.vector_store %arg11[%swap3A_387, %swap3A_388], %add3A_385 {strides = array<i32>} : memref<8x128xi32, #tpu.memory_space<vmem>>, vector<16xi32>,
      %get3A_390 = arith.constant 1 : i32
      %get3A_391 = arith.index_cast %get3A_390 : i32 to index
      %get3A_392 = arith.constant 96 : index
      %get3A_393 = tpu.vector_load %arg9[%get3A_391, %get3A_392] {strides = array<i32>} : memref<8x128xi32, #tpu.memory_space<vmem>>, vector<16xi32>,
      %gather3A_394 = tpu.vector_load_idx %arg12[%get3A_393] : memref<10112xi32, #tpu.memory_space<vmem>>[vector<16xi32>], vector<16xi32>,
      %get3A_395 = arith.constant 1 : i32
      %get3A_396 = arith.index_cast %get3A_395 : i32 to index
      %get3A_397 = arith.constant 96 : index
      %get3A_398 = tpu.vector_load %arg10[%get3A_396, %get3A_397] {strides = array<i32>} : memref<8x128xi32, #tpu.memory_space<vmem>>, vector<16xi32>,
      %mul3A_399 = arith.constant 10000 : i32
      %mul3A_400 = vector.broadcast %mul3A_399 : i32 to vector<16xi32>
      %mul3A_401 = arith.muli %get3A_398, %mul3A_400 : vector<16xi32>
      %get3A_402 = arith.constant 1 : i32
      %get3A_403 = arith.index_cast %get3A_402 : i32 to index
      %get3A_404 = arith.constant 96 : index
      %get3A_405 = tpu.vector_load %arg8[%get3A_403, %get3A_404] {strides = array<i32>} : memref<8x128xi32, #tpu.memory_space<vmem>>, vector<16xi32>,
      %add3A_406 = arith.addi %mul3A_401, %get3A_405 : vector<16xi32>
      %mul3A_407 = arith.constant 3 : i32
      %mul3A_408 = vector.broadcast %mul3A_407 : i32 to vector<16xi32>
      %mul3A_409 = arith.muli %add3A_406, %mul3A_408 : vector<16xi32>
      %add3A_410 = arith.addi %mul3A_409, %gather3A_394 : vector<16xi32>
      %swap3A_411 = arith.constant 1 : i32
      %swap3A_412 = arith.index_cast %swap3A_411 : i32 to index
      %swap3A_413 = arith.constant 96 : index
      %swap3A_414 = tpu.vector_load %arg11[%swap3A_412, %swap3A_413] {strides = array<i32>} : memref<8x128xi32, #tpu.memory_space<vmem>>, vector<16xi32>,
      tpu.vector_store %arg11[%swap3A_412, %swap3A_413], %add3A_410 {strides = array<i32>} : memref<8x128xi32, #tpu.memory_space<vmem>>, vector<16xi32>,
      %get3A_415 = arith.constant 1 : i32
      %get3A_416 = arith.index_cast %get3A_415 : i32 to index
      %get3A_417 = arith.constant 112 : index
      %get3A_418 = tpu.vector_load %arg9[%get3A_416, %get3A_417] {strides = array<i32>} : memref<8x128xi32, #tpu.memory_space<vmem>>, vector<16xi32>,
      %gather3A_419 = tpu.vector_load_idx %arg12[%get3A_418] : memref<10112xi32, #tpu.memory_space<vmem>>[vector<16xi32>], vector<16xi32>,
      %get3A_420 = arith.constant 1 : i32
      %get3A_421 = arith.index_cast %get3A_420 : i32 to index
      %get3A_422 = arith.constant 112 : index
      %get3A_423 = tpu.vector_load %arg10[%get3A_421, %get3A_422] {strides = array<i32>} : memref<8x128xi32, #tpu.memory_space<vmem>>, vector<16xi32>,
      %mul3A_424 = arith.constant 10000 : i32
      %mul3A_425 = vector.broadcast %mul3A_424 : i32 to vector<16xi32>
      %mul3A_426 = arith.muli %get3A_423, %mul3A_425 : vector<16xi32>
      %get3A_427 = arith.constant 1 : i32
      %get3A_428 = arith.index_cast %get3A_427 : i32 to index
      %get3A_429 = arith.constant 112 : index
      %get3A_430 = tpu.vector_load %arg8[%get3A_428, %get3A_429] {strides = array<i32>} : memref<8x128xi32, #tpu.memory_space<vmem>>, vector<16xi32>,
      %add3A_431 = arith.addi %mul3A_426, %get3A_430 : vector<16xi32>
      %mul3A_432 = arith.constant 3 : i32
      %mul3A_433 = vector.broadcast %mul3A_432 : i32 to vector<16xi32>
      %mul3A_434 = arith.muli %add3A_431, %mul3A_433 : vector<16xi32>
      %add3A_435 = arith.addi %mul3A_434, %gather3A_419 : vector<16xi32>
      %swap3A_436 = arith.constant 1 : i32
      %swap3A_437 = arith.index_cast %swap3A_436 : i32 to index
      %swap3A_438 = arith.constant 112 : index
      %swap3A_439 = tpu.vector_load %arg11[%swap3A_437, %swap3A_438] {strides = array<i32>} : memref<8x128xi32, #tpu.memory_space<vmem>>, vector<16xi32>,
      tpu.vector_store %arg11[%swap3A_437, %swap3A_438], %add3A_435 {strides = array<i32>} : memref<8x128xi32, #tpu.memory_space<vmem>>, vector<16xi32>,
      %get3A_440 = arith.constant 2 : i32
      %get3A_441 = arith.index_cast %get3A_440 : i32 to index
      %get3A_442 = arith.constant 0 : index
      %get3A_443 = tpu.vector_load %arg9[%get3A_441, %get3A_442] {strides = array<i32>} : memref<8x128xi32, #tpu.memory_space<vmem>>, vector<16xi32>,
      %gather3A_444 = tpu.vector_load_idx %arg12[%get3A_443] : memref<10112xi32, #tpu.memory_space<vmem>>[vector<16xi32>], vector<16xi32>,
      %get3A_445 = arith.constant 2 : i32
      %get3A_446 = arith.index_cast %get3A_445 : i32 to index
      %get3A_447 = arith.constant 0 : index
      %get3A_448 = tpu.vector_load %arg10[%get3A_446, %get3A_447] {strides = array<i32>} : memref<8x128xi32, #tpu.memory_space<vmem>>, vector<16xi32>,
      %mul3A_449 = arith.constant 10000 : i32
      %mul3A_450 = vector.broadcast %mul3A_449 : i32 to vector<16xi32>
      %mul3A_451 = arith.muli %get3A_448, %mul3A_450 : vector<16xi32>
      %get3A_452 = arith.constant 2 : i32
      %get3A_453 = arith.index_cast %get3A_452 : i32 to index
      %get3A_454 = arith.constant 0 : index
      %get3A_455 = tpu.vector_load %arg8[%get3A_453, %get3A_454] {strides = array<i32>} : memref<8x128xi32, #tpu.memory_space<vmem>>, vector<16xi32>,
      %add3A_456 = arith.addi %mul3A_451, %get3A_455 : vector<16xi32>
      %mul3A_457 = arith.constant 3 : i32
      %mul3A_458 = vector.broadcast %mul3A_457 : i32 to vector<16xi32>
      %mul3A_459 = arith.muli %add3A_456, %mul3A_458 : vector<16xi32>
      %add3A_460 = arith.addi %mul3A_459, %gather3A_444 : vector<16xi32>
      %swap3A_461 = arith.constant 2 : i32
      %swap3A_462 = arith.index_cast %swap3A_461 : i32 to index
      %swap3A_463 = arith.constant 0 : index
      %swap3A_464 = tpu.vector_load %arg11[%swap3A_462, %swap3A_463] {strides = array<i32>} : memref<8x128xi32, #tpu.memory_space<vmem>>, vector<16xi32>,
      tpu.vector_store %arg11[%swap3A_462, %swap3A_463], %add3A_460 {strides = array<i32>} : memref<8x128xi32, #tpu.memory_space<vmem>>, vector<16xi32>,
      %get3A_465 = arith.constant 2 : i32
      %get3A_466 = arith.index_cast %get3A_465 : i32 to index
      %get3A_467 = arith.constant 16 : index
      %get3A_468 = tpu.vector_load %arg9[%get3A_466, %get3A_467] {strides = array<i32>} : memref<8x128xi32, #tpu.memory_space<vmem>>, vector<16xi32>,
      %gather3A_469 = tpu.vector_load_idx %arg12[%get3A_468] : memref<10112xi32, #tpu.memory_space<vmem>>[vector<16xi32>], vector<16xi32>,
      %get3A_470 = arith.constant 2 : i32
      %get3A_471 = arith.index_cast %get3A_470 : i32 to index
      %get3A_472 = arith.constant 16 : index
      %get3A_473 = tpu.vector_load %arg10[%get3A_471, %get3A_472] {strides = array<i32>} : memref<8x128xi32, #tpu.memory_space<vmem>>, vector<16xi32>,
      %mul3A_474 = arith.constant 10000 : i32
      %mul3A_475 = vector.broadcast %mul3A_474 : i32 to vector<16xi32>
      %mul3A_476 = arith.muli %get3A_473, %mul3A_475 : vector<16xi32>
      %get3A_477 = arith.constant 2 : i32
      %get3A_478 = arith.index_cast %get3A_477 : i32 to index
      %get3A_479 = arith.constant 16 : index
      %get3A_480 = tpu.vector_load %arg8[%get3A_478, %get3A_479] {strides = array<i32>} : memref<8x128xi32, #tpu.memory_space<vmem>>, vector<16xi32>,
      %add3A_481 = arith.addi %mul3A_476, %get3A_480 : vector<16xi32>
      %mul3A_482 = arith.constant 3 : i32
      %mul3A_483 = vector.broadcast %mul3A_482 : i32 to vector<16xi32>
      %mul3A_484 = arith.muli %add3A_481, %mul3A_483 : vector<16xi32>
      %add3A_485 = arith.addi %mul3A_484, %gather3A_469 : vector<16xi32>
      %swap3A_486 = arith.constant 2 : i32
      %swap3A_487 = arith.index_cast %swap3A_486 : i32 to index
      %swap3A_488 = arith.constant 16 : index
      %swap3A_489 = tpu.vector_load %arg11[%swap3A_487, %swap3A_488] {strides = array<i32>} : memref<8x128xi32, #tpu.memory_space<vmem>>, vector<16xi32>,
      tpu.vector_store %arg11[%swap3A_487, %swap3A_488], %add3A_485 {strides = array<i32>} : memref<8x128xi32, #tpu.memory_space<vmem>>, vector<16xi32>,
      %get3A_490 = arith.constant 2 : i32
      %get3A_491 = arith.index_cast %get3A_490 : i32 to index
      %get3A_492 = arith.constant 32 : index
      %get3A_493 = tpu.vector_load %arg9[%get3A_491, %get3A_492] {strides = array<i32>} : memref<8x128xi32, #tpu.memory_space<vmem>>, vector<16xi32>,
      %gather3A_494 = tpu.vector_load_idx %arg12[%get3A_493] : memref<10112xi32, #tpu.memory_space<vmem>>[vector<16xi32>], vector<16xi32>,
      %get3A_495 = arith.constant 2 : i32
      %get3A_496 = arith.index_cast %get3A_495 : i32 to index
      %get3A_497 = arith.constant 32 : index
      %get3A_498 = tpu.vector_load %arg10[%get3A_496, %get3A_497] {strides = array<i32>} : memref<8x128xi32, #tpu.memory_space<vmem>>, vector<16xi32>,
      %mul3A_499 = arith.constant 10000 : i32
      %mul3A_500 = vector.broadcast %mul3A_499 : i32 to vector<16xi32>
      %mul3A_501 = arith.muli %get3A_498, %mul3A_500 : vector<16xi32>
      %get3A_502 = arith.constant 2 : i32
      %get3A_503 = arith.index_cast %get3A_502 : i32 to index
      %get3A_504 = arith.constant 32 : index
      %get3A_505 = tpu.vector_load %arg8[%get3A_503, %get3A_504] {strides = array<i32>} : memref<8x128xi32, #tpu.memory_space<vmem>>, vector<16xi32>,
      %add3A_506 = arith.addi %mul3A_501, %get3A_505 : vector<16xi32>
      %mul3A_507 = arith.constant 3 : i32
      %mul3A_508 = vector.broadcast %mul3A_507 : i32 to vector<16xi32>
      %mul3A_509 = arith.muli %add3A_506, %mul3A_508 : vector<16xi32>
      %add3A_510 = arith.addi %mul3A_509, %gather3A_494 : vector<16xi32>
      %swap3A_511 = arith.constant 2 : i32
      %swap3A_512 = arith.index_cast %swap3A_511 : i32 to index
      %swap3A_513 = arith.constant 32 : index
      %swap3A_514 = tpu.vector_load %arg11[%swap3A_512, %swap3A_513] {strides = array<i32>} : memref<8x128xi32, #tpu.memory_space<vmem>>, vector<16xi32>,
      tpu.vector_store %arg11[%swap3A_512, %swap3A_513], %add3A_510 {strides = array<i32>} : memref<8x128xi32, #tpu.memory_space<vmem>>, vector<16xi32>,
      %get3A_515 = arith.constant 2 : i32
      %get3A_516 = arith.index_cast %get3A_515 : i32 to index
      %get3A_517 = arith.constant 48 : index
      %get3A_518 = tpu.vector_load %arg9[%get3A_516, %get3A_517] {strides = array<i32>} : memref<8x128xi32, #tpu.memory_space<vmem>>, vector<16xi32>,
      %gather3A_519 = tpu.vector_load_idx %arg12[%get3A_518] : memref<10112xi32, #tpu.memory_space<vmem>>[vector<16xi32>], vector<16xi32>,
      %get3A_520 = arith.constant 2 : i32
      %get3A_521 = arith.index_cast %get3A_520 : i32 to index
      %get3A_522 = arith.constant 48 : index
      %get3A_523 = tpu.vector_load %arg10[%get3A_521, %get3A_522] {strides = array<i32>} : memref<8x128xi32, #tpu.memory_space<vmem>>, vector<16xi32>,
      %mul3A_524 = arith.constant 10000 : i32
      %mul3A_525 = vector.broadcast %mul3A_524 : i32 to vector<16xi32>
      %mul3A_526 = arith.muli %get3A_523, %mul3A_525 : vector<16xi32>
      %get3A_527 = arith.constant 2 : i32
      %get3A_528 = arith.index_cast %get3A_527 : i32 to index
      %get3A_529 = arith.constant 48 : index
      %get3A_530 = tpu.vector_load %arg8[%get3A_528, %get3A_529] {strides = array<i32>} : memref<8x128xi32, #tpu.memory_space<vmem>>, vector<16xi32>,
      %add3A_531 = arith.addi %mul3A_526, %get3A_530 : vector<16xi32>
      %mul3A_532 = arith.constant 3 : i32
      %mul3A_533 = vector.broadcast %mul3A_532 : i32 to vector<16xi32>
      %mul3A_534 = arith.muli %add3A_531, %mul3A_533 : vector<16xi32>
      %add3A_535 = arith.addi %mul3A_534, %gather3A_519 : vector<16xi32>
      %swap3A_536 = arith.constant 2 : i32
      %swap3A_537 = arith.index_cast %swap3A_536 : i32 to index
      %swap3A_538 = arith.constant 48 : index
      %swap3A_539 = tpu.vector_load %arg11[%swap3A_537, %swap3A_538] {strides = array<i32>} : memref<8x128xi32, #tpu.memory_space<vmem>>, vector<16xi32>,
      tpu.vector_store %arg11[%swap3A_537, %swap3A_538], %add3A_535 {strides = array<i32>} : memref<8x128xi32, #tpu.memory_space<vmem>>, vector<16xi32>,
      %get3A_540 = arith.constant 2 : i32
      %get3A_541 = arith.index_cast %get3A_540 : i32 to index
      %get3A_542 = arith.constant 64 : index
      %get3A_543 = tpu.vector_load %arg9[%get3A_541, %get3A_542] {strides = array<i32>} : memref<8x128xi32, #tpu.memory_space<vmem>>, vector<16xi32>,
      %gather3A_544 = tpu.vector_load_idx %arg12[%get3A_543] : memref<10112xi32, #tpu.memory_space<vmem>>[vector<16xi32>], vector<16xi32>,
      %get3A_545 = arith.constant 2 : i32
      %get3A_546 = arith.index_cast %get3A_545 : i32 to index
      %get3A_547 = arith.constant 64 : index
      %get3A_548 = tpu.vector_load %arg10[%get3A_546, %get3A_547] {strides = array<i32>} : memref<8x128xi32, #tpu.memory_space<vmem>>, vector<16xi32>,
      %mul3A_549 = arith.constant 10000 : i32
      %mul3A_550 = vector.broadcast %mul3A_549 : i32 to vector<16xi32>
      %mul3A_551 = arith.muli %get3A_548, %mul3A_550 : vector<16xi32>
      %get3A_552 = arith.constant 2 : i32
      %get3A_553 = arith.index_cast %get3A_552 : i32 to index
      %get3A_554 = arith.constant 64 : index
      %get3A_555 = tpu.vector_load %arg8[%get3A_553, %get3A_554] {strides = array<i32>} : memref<8x128xi32, #tpu.memory_space<vmem>>, vector<16xi32>,
      %add3A_556 = arith.addi %mul3A_551, %get3A_555 : vector<16xi32>
      %mul3A_557 = arith.constant 3 : i32
      %mul3A_558 = vector.broadcast %mul3A_557 : i32 to vector<16xi32>
      %mul3A_559 = arith.muli %add3A_556, %mul3A_558 : vector<16xi32>
      %add3A_560 = arith.addi %mul3A_559, %gather3A_544 : vector<16xi32>
      %swap3A_561 = arith.constant 2 : i32
      %swap3A_562 = arith.index_cast %swap3A_561 : i32 to index
      %swap3A_563 = arith.constant 64 : index
      %swap3A_564 = tpu.vector_load %arg11[%swap3A_562, %swap3A_563] {strides = array<i32>} : memref<8x128xi32, #tpu.memory_space<vmem>>, vector<16xi32>,
      tpu.vector_store %arg11[%swap3A_562, %swap3A_563], %add3A_560 {strides = array<i32>} : memref<8x128xi32, #tpu.memory_space<vmem>>, vector<16xi32>,
      %get3A_565 = arith.constant 2 : i32
      %get3A_566 = arith.index_cast %get3A_565 : i32 to index
      %get3A_567 = arith.constant 80 : index
      %get3A_568 = tpu.vector_load %arg9[%get3A_566, %get3A_567] {strides = array<i32>} : memref<8x128xi32, #tpu.memory_space<vmem>>, vector<16xi32>,
      %gather3A_569 = tpu.vector_load_idx %arg12[%get3A_568] : memref<10112xi32, #tpu.memory_space<vmem>>[vector<16xi32>], vector<16xi32>,
      %get3A_570 = arith.constant 2 : i32
      %get3A_571 = arith.index_cast %get3A_570 : i32 to index
      %get3A_572 = arith.constant 80 : index
      %get3A_573 = tpu.vector_load %arg10[%get3A_571, %get3A_572] {strides = array<i32>} : memref<8x128xi32, #tpu.memory_space<vmem>>, vector<16xi32>,
      %mul3A_574 = arith.constant 10000 : i32
      %mul3A_575 = vector.broadcast %mul3A_574 : i32 to vector<16xi32>
      %mul3A_576 = arith.muli %get3A_573, %mul3A_575 : vector<16xi32>
      %get3A_577 = arith.constant 2 : i32
      %get3A_578 = arith.index_cast %get3A_577 : i32 to index
      %get3A_579 = arith.constant 80 : index
      %get3A_580 = tpu.vector_load %arg8[%get3A_578, %get3A_579] {strides = array<i32>} : memref<8x128xi32, #tpu.memory_space<vmem>>, vector<16xi32>,
      %add3A_581 = arith.addi %mul3A_576, %get3A_580 : vector<16xi32>
      %mul3A_582 = arith.constant 3 : i32
      %mul3A_583 = vector.broadcast %mul3A_582 : i32 to vector<16xi32>
      %mul3A_584 = arith.muli %add3A_581, %mul3A_583 : vector<16xi32>
      %add3A_585 = arith.addi %mul3A_584, %gather3A_569 : vector<16xi32>
      %swap3A_586 = arith.constant 2 : i32
      %swap3A_587 = arith.index_cast %swap3A_586 : i32 to index
      %swap3A_588 = arith.constant 80 : index
      %swap3A_589 = tpu.vector_load %arg11[%swap3A_587, %swap3A_588] {strides = array<i32>} : memref<8x128xi32, #tpu.memory_space<vmem>>, vector<16xi32>,
      tpu.vector_store %arg11[%swap3A_587, %swap3A_588], %add3A_585 {strides = array<i32>} : memref<8x128xi32, #tpu.memory_space<vmem>>, vector<16xi32>,
      %get3A_590 = arith.constant 2 : i32
      %get3A_591 = arith.index_cast %get3A_590 : i32 to index
      %get3A_592 = arith.constant 96 : index
      %get3A_593 = tpu.vector_load %arg9[%get3A_591, %get3A_592] {strides = array<i32>} : memref<8x128xi32, #tpu.memory_space<vmem>>, vector<16xi32>,
      %gather3A_594 = tpu.vector_load_idx %arg12[%get3A_593] : memref<10112xi32, #tpu.memory_space<vmem>>[vector<16xi32>], vector<16xi32>,
      %get3A_595 = arith.constant 2 : i32
      %get3A_596 = arith.index_cast %get3A_595 : i32 to index
      %get3A_597 = arith.constant 96 : index
      %get3A_598 = tpu.vector_load %arg10[%get3A_596, %get3A_597] {strides = array<i32>} : memref<8x128xi32, #tpu.memory_space<vmem>>, vector<16xi32>,
      %mul3A_599 = arith.constant 10000 : i32
      %mul3A_600 = vector.broadcast %mul3A_599 : i32 to vector<16xi32>
      %mul3A_601 = arith.muli %get3A_598, %mul3A_600 : vector<16xi32>
      %get3A_602 = arith.constant 2 : i32
      %get3A_603 = arith.index_cast %get3A_602 : i32 to index
      %get3A_604 = arith.constant 96 : index
      %get3A_605 = tpu.vector_load %arg8[%get3A_603, %get3A_604] {strides = array<i32>} : memref<8x128xi32, #tpu.memory_space<vmem>>, vector<16xi32>,
      %add3A_606 = arith.addi %mul3A_601, %get3A_605 : vector<16xi32>
      %mul3A_607 = arith.constant 3 : i32
      %mul3A_608 = vector.broadcast %mul3A_607 : i32 to vector<16xi32>
      %mul3A_609 = arith.muli %add3A_606, %mul3A_608 : vector<16xi32>
      %add3A_610 = arith.addi %mul3A_609, %gather3A_594 : vector<16xi32>
      %swap3A_611 = arith.constant 2 : i32
      %swap3A_612 = arith.index_cast %swap3A_611 : i32 to index
      %swap3A_613 = arith.constant 96 : index
      %swap3A_614 = tpu.vector_load %arg11[%swap3A_612, %swap3A_613] {strides = array<i32>} : memref<8x128xi32, #tpu.memory_space<vmem>>, vector<16xi32>,
      tpu.vector_store %arg11[%swap3A_612, %swap3A_613], %add3A_610 {strides = array<i32>} : memref<8x128xi32, #tpu.memory_space<vmem>>, vector<16xi32>,
      %get3A_615 = arith.constant 2 : i32
      %get3A_616 = arith.index_cast %get3A_615 : i32 to index
      %get3A_617 = arith.constant 112 : index
      %get3A_618 = tpu.vector_load %arg9[%get3A_616, %get3A_617] {strides = array<i32>} : memref<8x128xi32, #tpu.memory_space<vmem>>, vector<16xi32>,
      %gather3A_619 = tpu.vector_load_idx %arg12[%get3A_618] : memref<10112xi32, #tpu.memory_space<vmem>>[vector<16xi32>], vector<16xi32>,
      %get3A_620 = arith.constant 2 : i32
      %get3A_621 = arith.index_cast %get3A_620 : i32 to index
      %get3A_622 = arith.constant 112 : index
      %get3A_623 = tpu.vector_load %arg10[%get3A_621, %get3A_622] {strides = array<i32>} : memref<8x128xi32, #tpu.memory_space<vmem>>, vector<16xi32>,
      %mul3A_624 = arith.constant 10000 : i32
      %mul3A_625 = vector.broadcast %mul3A_624 : i32 to vector<16xi32>
      %mul3A_626 = arith.muli %get3A_623, %mul3A_625 : vector<16xi32>
      %get3A_627 = arith.constant 2 : i32
      %get3A_628 = arith.index_cast %get3A_627 : i32 to index
      %get3A_629 = arith.constant 112 : index
      %get3A_630 = tpu.vector_load %arg8[%get3A_628, %get3A_629] {strides = array<i32>} : memref<8x128xi32, #tpu.memory_space<vmem>>, vector<16xi32>,
      %add3A_631 = arith.addi %mul3A_626, %get3A_630 : vector<16xi32>
      %mul3A_632 = arith.constant 3 : i32
      %mul3A_633 = vector.broadcast %mul3A_632 : i32 to vector<16xi32>
      %mul3A_634 = arith.muli %add3A_631, %mul3A_633 : vector<16xi32>
      %add3A_635 = arith.addi %mul3A_634, %gather3A_619 : vector<16xi32>
      %swap3A_636 = arith.constant 2 : i32
      %swap3A_637 = arith.index_cast %swap3A_636 : i32 to index
      %swap3A_638 = arith.constant 112 : index
      %swap3A_639 = tpu.vector_load %arg11[%swap3A_637, %swap3A_638] {strides = array<i32>} : memref<8x128xi32, #tpu.memory_space<vmem>>, vector<16xi32>,
      tpu.vector_store %arg11[%swap3A_637, %swap3A_638], %add3A_635 {strides = array<i32>} : memref<8x128xi32, #tpu.memory_space<vmem>>, vector<16xi32>,
      %get3A_640 = arith.constant 3 : i32
      %get3A_641 = arith.index_cast %get3A_640 : i32 to index
      %get3A_642 = arith.constant 0 : index
      %get3A_643 = tpu.vector_load %arg9[%get3A_641, %get3A_642] {strides = array<i32>} : memref<8x128xi32, #tpu.memory_space<vmem>>, vector<16xi32>,
      %gather3A_644 = tpu.vector_load_idx %arg12[%get3A_643] : memref<10112xi32, #tpu.memory_space<vmem>>[vector<16xi32>], vector<16xi32>,
      %get3A_645 = arith.constant 3 : i32
      %get3A_646 = arith.index_cast %get3A_645 : i32 to index
      %get3A_647 = arith.constant 0 : index
      %get3A_648 = tpu.vector_load %arg10[%get3A_646, %get3A_647] {strides = array<i32>} : memref<8x128xi32, #tpu.memory_space<vmem>>, vector<16xi32>,
      %mul3A_649 = arith.constant 10000 : i32
      %mul3A_650 = vector.broadcast %mul3A_649 : i32 to vector<16xi32>
      %mul3A_651 = arith.muli %get3A_648, %mul3A_650 : vector<16xi32>
      %get3A_652 = arith.constant 3 : i32
      %get3A_653 = arith.index_cast %get3A_652 : i32 to index
      %get3A_654 = arith.constant 0 : index
      %get3A_655 = tpu.vector_load %arg8[%get3A_653, %get3A_654] {strides = array<i32>} : memref<8x128xi32, #tpu.memory_space<vmem>>, vector<16xi32>,
      %add3A_656 = arith.addi %mul3A_651, %get3A_655 : vector<16xi32>
      %mul3A_657 = arith.constant 3 : i32
      %mul3A_658 = vector.broadcast %mul3A_657 : i32 to vector<16xi32>
      %mul3A_659 = arith.muli %add3A_656, %mul3A_658 : vector<16xi32>
      %add3A_660 = arith.addi %mul3A_659, %gather3A_644 : vector<16xi32>
      %swap3A_661 = arith.constant 3 : i32
      %swap3A_662 = arith.index_cast %swap3A_661 : i32 to index
      %swap3A_663 = arith.constant 0 : index
      %swap3A_664 = tpu.vector_load %arg11[%swap3A_662, %swap3A_663] {strides = array<i32>} : memref<8x128xi32, #tpu.memory_space<vmem>>, vector<16xi32>,
      tpu.vector_store %arg11[%swap3A_662, %swap3A_663], %add3A_660 {strides = array<i32>} : memref<8x128xi32, #tpu.memory_space<vmem>>, vector<16xi32>,
      %get3A_665 = arith.constant 3 : i32
      %get3A_666 = arith.index_cast %get3A_665 : i32 to index
      %get3A_667 = arith.constant 16 : index
      %get3A_668 = tpu.vector_load %arg9[%get3A_666, %get3A_667] {strides = array<i32>} : memref<8x128xi32, #tpu.memory_space<vmem>>, vector<16xi32>,
      %gather3A_669 = tpu.vector_load_idx %arg12[%get3A_668] : memref<10112xi32, #tpu.memory_space<vmem>>[vector<16xi32>], vector<16xi32>,
      %get3A_670 = arith.constant 3 : i32
      %get3A_671 = arith.index_cast %get3A_670 : i32 to index
      %get3A_672 = arith.constant 16 : index
      %get3A_673 = tpu.vector_load %arg10[%get3A_671, %get3A_672] {strides = array<i32>} : memref<8x128xi32, #tpu.memory_space<vmem>>, vector<16xi32>,
      %mul3A_674 = arith.constant 10000 : i32
      %mul3A_675 = vector.broadcast %mul3A_674 : i32 to vector<16xi32>
      %mul3A_676 = arith.muli %get3A_673, %mul3A_675 : vector<16xi32>
      %get3A_677 = arith.constant 3 : i32
      %get3A_678 = arith.index_cast %get3A_677 : i32 to index
      %get3A_679 = arith.constant 16 : index
      %get3A_680 = tpu.vector_load %arg8[%get3A_678, %get3A_679] {strides = array<i32>} : memref<8x128xi32, #tpu.memory_space<vmem>>, vector<16xi32>,
      %add3A_681 = arith.addi %mul3A_676, %get3A_680 : vector<16xi32>
      %mul3A_682 = arith.constant 3 : i32
      %mul3A_683 = vector.broadcast %mul3A_682 : i32 to vector<16xi32>
      %mul3A_684 = arith.muli %add3A_681, %mul3A_683 : vector<16xi32>
      %add3A_685 = arith.addi %mul3A_684, %gather3A_669 : vector<16xi32>
      %swap3A_686 = arith.constant 3 : i32
      %swap3A_687 = arith.index_cast %swap3A_686 : i32 to index
      %swap3A_688 = arith.constant 16 : index
      %swap3A_689 = tpu.vector_load %arg11[%swap3A_687, %swap3A_688] {strides = array<i32>} : memref<8x128xi32, #tpu.memory_space<vmem>>, vector<16xi32>,
      tpu.vector_store %arg11[%swap3A_687, %swap3A_688], %add3A_685 {strides = array<i32>} : memref<8x128xi32, #tpu.memory_space<vmem>>, vector<16xi32>,
      %get3A_690 = arith.constant 3 : i32
      %get3A_691 = arith.index_cast %get3A_690 : i32 to index
      %get3A_692 = arith.constant 32 : index
      %get3A_693 = tpu.vector_load %arg9[%get3A_691, %get3A_692] {strides = array<i32>} : memref<8x128xi32, #tpu.memory_space<vmem>>, vector<16xi32>,
      %gather3A_694 = tpu.vector_load_idx %arg12[%get3A_693] : memref<10112xi32, #tpu.memory_space<vmem>>[vector<16xi32>], vector<16xi32>,
      %get3A_695 = arith.constant 3 : i32
      %get3A_696 = arith.index_cast %get3A_695 : i32 to index
      %get3A_697 = arith.constant 32 : index
      %get3A_698 = tpu.vector_load %arg10[%get3A_696, %get3A_697] {strides = array<i32>} : memref<8x128xi32, #tpu.memory_space<vmem>>, vector<16xi32>,
      %mul3A_699 = arith.constant 10000 : i32
      %mul3A_700 = vector.broadcast %mul3A_699 : i32 to vector<16xi32>
      %mul3A_701 = arith.muli %get3A_698, %mul3A_700 : vector<16xi32>
      %get3A_702 = arith.constant 3 : i32
      %get3A_703 = arith.index_cast %get3A_702 : i32 to index
      %get3A_704 = arith.constant 32 : index
      %get3A_705 = tpu.vector_load %arg8[%get3A_703, %get3A_704] {strides = array<i32>} : memref<8x128xi32, #tpu.memory_space<vmem>>, vector<16xi32>,
      %add3A_706 = arith.addi %mul3A_701, %get3A_705 : vector<16xi32>
      %mul3A_707 = arith.constant 3 : i32
      %mul3A_708 = vector.broadcast %mul3A_707 : i32 to vector<16xi32>
      %mul3A_709 = arith.muli %add3A_706, %mul3A_708 : vector<16xi32>
      %add3A_710 = arith.addi %mul3A_709, %gather3A_694 : vector<16xi32>
      %swap3A_711 = arith.constant 3 : i32
      %swap3A_712 = arith.index_cast %swap3A_711 : i32 to index
      %swap3A_713 = arith.constant 32 : index
      %swap3A_714 = tpu.vector_load %arg11[%swap3A_712, %swap3A_713] {strides = array<i32>} : memref<8x128xi32, #tpu.memory_space<vmem>>, vector<16xi32>,
      tpu.vector_store %arg11[%swap3A_712, %swap3A_713], %add3A_710 {strides = array<i32>} : memref<8x128xi32, #tpu.memory_space<vmem>>, vector<16xi32>,
      %get3A_715 = arith.constant 3 : i32
      %get3A_716 = arith.index_cast %get3A_715 : i32 to index
      %get3A_717 = arith.constant 48 : index
      %get3A_718 = tpu.vector_load %arg9[%get3A_716, %get3A_717] {strides = array<i32>} : memref<8x128xi32, #tpu.memory_space<vmem>>, vector<16xi32>,
      %gather3A_719 = tpu.vector_load_idx %arg12[%get3A_718] : memref<10112xi32, #tpu.memory_space<vmem>>[vector<16xi32>], vector<16xi32>,
      %get3A_720 = arith.constant 3 : i32
      %get3A_721 = arith.index_cast %get3A_720 : i32 to index
      %get3A_722 = arith.constant 48 : index
      %get3A_723 = tpu.vector_load %arg10[%get3A_721, %get3A_722] {strides = array<i32>} : memref<8x128xi32, #tpu.memory_space<vmem>>, vector<16xi32>,
      %mul3A_724 = arith.constant 10000 : i32
      %mul3A_725 = vector.broadcast %mul3A_724 : i32 to vector<16xi32>
      %mul3A_726 = arith.muli %get3A_723, %mul3A_725 : vector<16xi32>
      %get3A_727 = arith.constant 3 : i32
      %get3A_728 = arith.index_cast %get3A_727 : i32 to index
      %get3A_729 = arith.constant 48 : index
      %get3A_730 = tpu.vector_load %arg8[%get3A_728, %get3A_729] {strides = array<i32>} : memref<8x128xi32, #tpu.memory_space<vmem>>, vector<16xi32>,
      %add3A_731 = arith.addi %mul3A_726, %get3A_730 : vector<16xi32>
      %mul3A_732 = arith.constant 3 : i32
      %mul3A_733 = vector.broadcast %mul3A_732 : i32 to vector<16xi32>
      %mul3A_734 = arith.muli %add3A_731, %mul3A_733 : vector<16xi32>
      %add3A_735 = arith.addi %mul3A_734, %gather3A_719 : vector<16xi32>
      %swap3A_736 = arith.constant 3 : i32
      %swap3A_737 = arith.index_cast %swap3A_736 : i32 to index
      %swap3A_738 = arith.constant 48 : index
      %swap3A_739 = tpu.vector_load %arg11[%swap3A_737, %swap3A_738] {strides = array<i32>} : memref<8x128xi32, #tpu.memory_space<vmem>>, vector<16xi32>,
      tpu.vector_store %arg11[%swap3A_737, %swap3A_738], %add3A_735 {strides = array<i32>} : memref<8x128xi32, #tpu.memory_space<vmem>>, vector<16xi32>,
      %get3A_740 = arith.constant 3 : i32
      %get3A_741 = arith.index_cast %get3A_740 : i32 to index
      %get3A_742 = arith.constant 64 : index
      %get3A_743 = tpu.vector_load %arg9[%get3A_741, %get3A_742] {strides = array<i32>} : memref<8x128xi32, #tpu.memory_space<vmem>>, vector<16xi32>,
      %gather3A_744 = tpu.vector_load_idx %arg12[%get3A_743] : memref<10112xi32, #tpu.memory_space<vmem>>[vector<16xi32>], vector<16xi32>,
      %get3A_745 = arith.constant 3 : i32
      %get3A_746 = arith.index_cast %get3A_745 : i32 to index
      %get3A_747 = arith.constant 64 : index
      %get3A_748 = tpu.vector_load %arg10[%get3A_746, %get3A_747] {strides = array<i32>} : memref<8x128xi32, #tpu.memory_space<vmem>>, vector<16xi32>,
      %mul3A_749 = arith.constant 10000 : i32
      %mul3A_750 = vector.broadcast %mul3A_749 : i32 to vector<16xi32>
      %mul3A_751 = arith.muli %get3A_748, %mul3A_750 : vector<16xi32>
      %get3A_752 = arith.constant 3 : i32
      %get3A_753 = arith.index_cast %get3A_752 : i32 to index
      %get3A_754 = arith.constant 64 : index
      %get3A_755 = tpu.vector_load %arg8[%get3A_753, %get3A_754] {strides = array<i32>} : memref<8x128xi32, #tpu.memory_space<vmem>>, vector<16xi32>,
      %add3A_756 = arith.addi %mul3A_751, %get3A_755 : vector<16xi32>
      %mul3A_757 = arith.constant 3 : i32
      %mul3A_758 = vector.broadcast %mul3A_757 : i32 to vector<16xi32>
      %mul3A_759 = arith.muli %add3A_756, %mul3A_758 : vector<16xi32>
      %add3A_760 = arith.addi %mul3A_759, %gather3A_744 : vector<16xi32>
      %swap3A_761 = arith.constant 3 : i32
      %swap3A_762 = arith.index_cast %swap3A_761 : i32 to index
      %swap3A_763 = arith.constant 64 : index
      %swap3A_764 = tpu.vector_load %arg11[%swap3A_762, %swap3A_763] {strides = array<i32>} : memref<8x128xi32, #tpu.memory_space<vmem>>, vector<16xi32>,
      tpu.vector_store %arg11[%swap3A_762, %swap3A_763], %add3A_760 {strides = array<i32>} : memref<8x128xi32, #tpu.memory_space<vmem>>, vector<16xi32>,
      %get3A_765 = arith.constant 3 : i32
      %get3A_766 = arith.index_cast %get3A_765 : i32 to index
      %get3A_767 = arith.constant 80 : index
      %get3A_768 = tpu.vector_load %arg9[%get3A_766, %get3A_767] {strides = array<i32>} : memref<8x128xi32, #tpu.memory_space<vmem>>, vector<16xi32>,
      %gather3A_769 = tpu.vector_load_idx %arg12[%get3A_768] : memref<10112xi32, #tpu.memory_space<vmem>>[vector<16xi32>], vector<16xi32>,
      %get3A_770 = arith.constant 3 : i32
      %get3A_771 = arith.index_cast %get3A_770 : i32 to index
      %get3A_772 = arith.constant 80 : index
      %get3A_773 = tpu.vector_load %arg10[%get3A_771, %get3A_772] {strides = array<i32>} : memref<8x128xi32, #tpu.memory_space<vmem>>, vector<16xi32>,
      %mul3A_774 = arith.constant 10000 : i32
      %mul3A_775 = vector.broadcast %mul3A_774 : i32 to vector<16xi32>
      %mul3A_776 = arith.muli %get3A_773, %mul3A_775 : vector<16xi32>
      %get3A_777 = arith.constant 3 : i32
      %get3A_778 = arith.index_cast %get3A_777 : i32 to index
      %get3A_779 = arith.constant 80 : index
      %get3A_780 = tpu.vector_load %arg8[%get3A_778, %get3A_779] {strides = array<i32>} : memref<8x128xi32, #tpu.memory_space<vmem>>, vector<16xi32>,
      %add3A_781 = arith.addi %mul3A_776, %get3A_780 : vector<16xi32>
      %mul3A_782 = arith.constant 3 : i32
      %mul3A_783 = vector.broadcast %mul3A_782 : i32 to vector<16xi32>
      %mul3A_784 = arith.muli %add3A_781, %mul3A_783 : vector<16xi32>
      %add3A_785 = arith.addi %mul3A_784, %gather3A_769 : vector<16xi32>
      %swap3A_786 = arith.constant 3 : i32
      %swap3A_787 = arith.index_cast %swap3A_786 : i32 to index
      %swap3A_788 = arith.constant 80 : index
      %swap3A_789 = tpu.vector_load %arg11[%swap3A_787, %swap3A_788] {strides = array<i32>} : memref<8x128xi32, #tpu.memory_space<vmem>>, vector<16xi32>,
      tpu.vector_store %arg11[%swap3A_787, %swap3A_788], %add3A_785 {strides = array<i32>} : memref<8x128xi32, #tpu.memory_space<vmem>>, vector<16xi32>,
      %get3A_790 = arith.constant 3 : i32
      %get3A_791 = arith.index_cast %get3A_790 : i32 to index
      %get3A_792 = arith.constant 96 : index
      %get3A_793 = tpu.vector_load %arg9[%get3A_791, %get3A_792] {strides = array<i32>} : memref<8x128xi32, #tpu.memory_space<vmem>>, vector<16xi32>,
      %gather3A_794 = tpu.vector_load_idx %arg12[%get3A_793] : memref<10112xi32, #tpu.memory_space<vmem>>[vector<16xi32>], vector<16xi32>,
      %get3A_795 = arith.constant 3 : i32
      %get3A_796 = arith.index_cast %get3A_795 : i32 to index
      %get3A_797 = arith.constant 96 : index
      %get3A_798 = tpu.vector_load %arg10[%get3A_796, %get3A_797] {strides = array<i32>} : memref<8x128xi32, #tpu.memory_space<vmem>>, vector<16xi32>,
      %mul3A_799 = arith.constant 10000 : i32
      %mul3A_800 = vector.broadcast %mul3A_799 : i32 to vector<16xi32>
      %mul3A_801 = arith.muli %get3A_798, %mul3A_800 : vector<16xi32>
      %get3A_802 = arith.constant 3 : i32
      %get3A_803 = arith.index_cast %get3A_802 : i32 to index
      %get3A_804 = arith.constant 96 : index
      %get3A_805 = tpu.vector_load %arg8[%get3A_803, %get3A_804] {strides = array<i32>} : memref<8x128xi32, #tpu.memory_space<vmem>>, vector<16xi32>,
      %add3A_806 = arith.addi %mul3A_801, %get3A_805 : vector<16xi32>
      %mul3A_807 = arith.constant 3 : i32
      %mul3A_808 = vector.broadcast %mul3A_807 : i32 to vector<16xi32>
      %mul3A_809 = arith.muli %add3A_806, %mul3A_808 : vector<16xi32>
      %add3A_810 = arith.addi %mul3A_809, %gather3A_794 : vector<16xi32>
      %swap3A_811 = arith.constant 3 : i32
      %swap3A_812 = arith.index_cast %swap3A_811 : i32 to index
      %swap3A_813 = arith.constant 96 : index
      %swap3A_814 = tpu.vector_load %arg11[%swap3A_812, %swap3A_813] {strides = array<i32>} : memref<8x128xi32, #tpu.memory_space<vmem>>, vector<16xi32>,
      tpu.vector_store %arg11[%swap3A_812, %swap3A_813], %add3A_810 {strides = array<i32>} : memref<8x128xi32, #tpu.memory_space<vmem>>, vector<16xi32>,
      %get3A_815 = arith.constant 3 : i32
      %get3A_816 = arith.index_cast %get3A_815 : i32 to index
      %get3A_817 = arith.constant 112 : index
      %get3A_818 = tpu.vector_load %arg9[%get3A_816, %get3A_817] {strides = array<i32>} : memref<8x128xi32, #tpu.memory_space<vmem>>, vector<16xi32>,
      %gather3A_819 = tpu.vector_load_idx %arg12[%get3A_818] : memref<10112xi32, #tpu.memory_space<vmem>>[vector<16xi32>], vector<16xi32>,
      %get3A_820 = arith.constant 3 : i32
      %get3A_821 = arith.index_cast %get3A_820 : i32 to index
      %get3A_822 = arith.constant 112 : index
      %get3A_823 = tpu.vector_load %arg10[%get3A_821, %get3A_822] {strides = array<i32>} : memref<8x128xi32, #tpu.memory_space<vmem>>, vector<16xi32>,
      %mul3A_824 = arith.constant 10000 : i32
      %mul3A_825 = vector.broadcast %mul3A_824 : i32 to vector<16xi32>
      %mul3A_826 = arith.muli %get3A_823, %mul3A_825 : vector<16xi32>
      %get3A_827 = arith.constant 3 : i32
      %get3A_828 = arith.index_cast %get3A_827 : i32 to index
      %get3A_829 = arith.constant 112 : index
      %get3A_830 = tpu.vector_load %arg8[%get3A_828, %get3A_829] {strides = array<i32>} : memref<8x128xi32, #tpu.memory_space<vmem>>, vector<16xi32>,
      %add3A_831 = arith.addi %mul3A_826, %get3A_830 : vector<16xi32>
      %mul3A_832 = arith.constant 3 : i32
      %mul3A_833 = vector.broadcast %mul3A_832 : i32 to vector<16xi32>
      %mul3A_834 = arith.muli %add3A_831, %mul3A_833 : vector<16xi32>
      %add3A_835 = arith.addi %mul3A_834, %gather3A_819 : vector<16xi32>
      %swap3A_836 = arith.constant 3 : i32
      %swap3A_837 = arith.index_cast %swap3A_836 : i32 to index
      %swap3A_838 = arith.constant 112 : index
      %swap3A_839 = tpu.vector_load %arg11[%swap3A_837, %swap3A_838] {strides = array<i32>} : memref<8x128xi32, #tpu.memory_space<vmem>>, vector<16xi32>,
      tpu.vector_store %arg11[%swap3A_837, %swap3A_838], %add3A_835 {strides = array<i32>} : memref<8x128xi32, #tpu.memory_space<vmem>>, vector<16xi32>,
      %get3A_840 = arith.constant 4 : i32
      %get3A_841 = arith.index_cast %get3A_840 : i32 to index
      %get3A_842 = arith.constant 0 : index
      %get3A_843 = tpu.vector_load %arg9[%get3A_841, %get3A_842] {strides = array<i32>} : memref<8x128xi32, #tpu.memory_space<vmem>>, vector<16xi32>,
      %gather3A_844 = tpu.vector_load_idx %arg12[%get3A_843] : memref<10112xi32, #tpu.memory_space<vmem>>[vector<16xi32>], vector<16xi32>,
      %get3A_845 = arith.constant 4 : i32
      %get3A_846 = arith.index_cast %get3A_845 : i32 to index
      %get3A_847 = arith.constant 0 : index
      %get3A_848 = tpu.vector_load %arg10[%get3A_846, %get3A_847] {strides = array<i32>} : memref<8x128xi32, #tpu.memory_space<vmem>>, vector<16xi32>,
      %mul3A_849 = arith.constant 10000 : i32
      %mul3A_850 = vector.broadcast %mul3A_849 : i32 to vector<16xi32>
      %mul3A_851 = arith.muli %get3A_848, %mul3A_850 : vector<16xi32>
      %get3A_852 = arith.constant 4 : i32
      %get3A_853 = arith.index_cast %get3A_852 : i32 to index
      %get3A_854 = arith.constant 0 : index
      %get3A_855 = tpu.vector_load %arg8[%get3A_853, %get3A_854] {strides = array<i32>} : memref<8x128xi32, #tpu.memory_space<vmem>>, vector<16xi32>,
      %add3A_856 = arith.addi %mul3A_851, %get3A_855 : vector<16xi32>
      %mul3A_857 = arith.constant 3 : i32
      %mul3A_858 = vector.broadcast %mul3A_857 : i32 to vector<16xi32>
      %mul3A_859 = arith.muli %add3A_856, %mul3A_858 : vector<16xi32>
      %add3A_860 = arith.addi %mul3A_859, %gather3A_844 : vector<16xi32>
      %swap3A_861 = arith.constant 4 : i32
      %swap3A_862 = arith.index_cast %swap3A_861 : i32 to index
      %swap3A_863 = arith.constant 0 : index
      %swap3A_864 = tpu.vector_load %arg11[%swap3A_862, %swap3A_863] {strides = array<i32>} : memref<8x128xi32, #tpu.memory_space<vmem>>, vector<16xi32>,
      tpu.vector_store %arg11[%swap3A_862, %swap3A_863], %add3A_860 {strides = array<i32>} : memref<8x128xi32, #tpu.memory_space<vmem>>, vector<16xi32>,
      %get3A_865 = arith.constant 4 : i32
      %get3A_866 = arith.index_cast %get3A_865 : i32 to index
      %get3A_867 = arith.constant 16 : index
      %get3A_868 = tpu.vector_load %arg9[%get3A_866, %get3A_867] {strides = array<i32>} : memref<8x128xi32, #tpu.memory_space<vmem>>, vector<16xi32>,
      %gather3A_869 = tpu.vector_load_idx %arg12[%get3A_868] : memref<10112xi32, #tpu.memory_space<vmem>>[vector<16xi32>], vector<16xi32>,
      %get3A_870 = arith.constant 4 : i32
      %get3A_871 = arith.index_cast %get3A_870 : i32 to index
      %get3A_872 = arith.constant 16 : index
      %get3A_873 = tpu.vector_load %arg10[%get3A_871, %get3A_872] {strides = array<i32>} : memref<8x128xi32, #tpu.memory_space<vmem>>, vector<16xi32>,
      %mul3A_874 = arith.constant 10000 : i32
      %mul3A_875 = vector.broadcast %mul3A_874 : i32 to vector<16xi32>
      %mul3A_876 = arith.muli %get3A_873, %mul3A_875 : vector<16xi32>
      %get3A_877 = arith.constant 4 : i32
      %get3A_878 = arith.index_cast %get3A_877 : i32 to index
      %get3A_879 = arith.constant 16 : index
      %get3A_880 = tpu.vector_load %arg8[%get3A_878, %get3A_879] {strides = array<i32>} : memref<8x128xi32, #tpu.memory_space<vmem>>, vector<16xi32>,
      %add3A_881 = arith.addi %mul3A_876, %get3A_880 : vector<16xi32>
      %mul3A_882 = arith.constant 3 : i32
      %mul3A_883 = vector.broadcast %mul3A_882 : i32 to vector<16xi32>
      %mul3A_884 = arith.muli %add3A_881, %mul3A_883 : vector<16xi32>
      %add3A_885 = arith.addi %mul3A_884, %gather3A_869 : vector<16xi32>
      %swap3A_886 = arith.constant 4 : i32
      %swap3A_887 = arith.index_cast %swap3A_886 : i32 to index
      %swap3A_888 = arith.constant 16 : index
      %swap3A_889 = tpu.vector_load %arg11[%swap3A_887, %swap3A_888] {strides = array<i32>} : memref<8x128xi32, #tpu.memory_space<vmem>>, vector<16xi32>,
      tpu.vector_store %arg11[%swap3A_887, %swap3A_888], %add3A_885 {strides = array<i32>} : memref<8x128xi32, #tpu.memory_space<vmem>>, vector<16xi32>,
      %get3A_890 = arith.constant 4 : i32
      %get3A_891 = arith.index_cast %get3A_890 : i32 to index
      %get3A_892 = arith.constant 32 : index
      %get3A_893 = tpu.vector_load %arg9[%get3A_891, %get3A_892] {strides = array<i32>} : memref<8x128xi32, #tpu.memory_space<vmem>>, vector<16xi32>,
      %gather3A_894 = tpu.vector_load_idx %arg12[%get3A_893] : memref<10112xi32, #tpu.memory_space<vmem>>[vector<16xi32>], vector<16xi32>,
      %get3A_895 = arith.constant 4 : i32
      %get3A_896 = arith.index_cast %get3A_895 : i32 to index
      %get3A_897 = arith.constant 32 : index
      %get3A_898 = tpu.vector_load %arg10[%get3A_896, %get3A_897] {strides = array<i32>} : memref<8x128xi32, #tpu.memory_space<vmem>>, vector<16xi32>,
      %mul3A_899 = arith.constant 10000 : i32
      %mul3A_900 = vector.broadcast %mul3A_899 : i32 to vector<16xi32>
      %mul3A_901 = arith.muli %get3A_898, %mul3A_900 : vector<16xi32>
      %get3A_902 = arith.constant 4 : i32
      %get3A_903 = arith.index_cast %get3A_902 : i32 to index
      %get3A_904 = arith.constant 32 : index
      %get3A_905 = tpu.vector_load %arg8[%get3A_903, %get3A_904] {strides = array<i32>} : memref<8x128xi32, #tpu.memory_space<vmem>>, vector<16xi32>,
      %add3A_906 = arith.addi %mul3A_901, %get3A_905 : vector<16xi32>
      %mul3A_907 = arith.constant 3 : i32
      %mul3A_908 = vector.broadcast %mul3A_907 : i32 to vector<16xi32>
      %mul3A_909 = arith.muli %add3A_906, %mul3A_908 : vector<16xi32>
      %add3A_910 = arith.addi %mul3A_909, %gather3A_894 : vector<16xi32>
      %swap3A_911 = arith.constant 4 : i32
      %swap3A_912 = arith.index_cast %swap3A_911 : i32 to index
      %swap3A_913 = arith.constant 32 : index
      %swap3A_914 = tpu.vector_load %arg11[%swap3A_912, %swap3A_913] {strides = array<i32>} : memref<8x128xi32, #tpu.memory_space<vmem>>, vector<16xi32>,
      tpu.vector_store %arg11[%swap3A_912, %swap3A_913], %add3A_910 {strides = array<i32>} : memref<8x128xi32, #tpu.memory_space<vmem>>, vector<16xi32>,
      %get3A_915 = arith.constant 4 : i32
      %get3A_916 = arith.index_cast %get3A_915 : i32 to index
      %get3A_917 = arith.constant 48 : index
      %get3A_918 = tpu.vector_load %arg9[%get3A_916, %get3A_917] {strides = array<i32>} : memref<8x128xi32, #tpu.memory_space<vmem>>, vector<16xi32>,
      %gather3A_919 = tpu.vector_load_idx %arg12[%get3A_918] : memref<10112xi32, #tpu.memory_space<vmem>>[vector<16xi32>], vector<16xi32>,
      %get3A_920 = arith.constant 4 : i32
      %get3A_921 = arith.index_cast %get3A_920 : i32 to index
      %get3A_922 = arith.constant 48 : index
      %get3A_923 = tpu.vector_load %arg10[%get3A_921, %get3A_922] {strides = array<i32>} : memref<8x128xi32, #tpu.memory_space<vmem>>, vector<16xi32>,
      %mul3A_924 = arith.constant 10000 : i32
      %mul3A_925 = vector.broadcast %mul3A_924 : i32 to vector<16xi32>
      %mul3A_926 = arith.muli %get3A_923, %mul3A_925 : vector<16xi32>
      %get3A_927 = arith.constant 4 : i32
      %get3A_928 = arith.index_cast %get3A_927 : i32 to index
      %get3A_929 = arith.constant 48 : index
      %get3A_930 = tpu.vector_load %arg8[%get3A_928, %get3A_929] {strides = array<i32>} : memref<8x128xi32, #tpu.memory_space<vmem>>, vector<16xi32>,
      %add3A_931 = arith.addi %mul3A_926, %get3A_930 : vector<16xi32>
      %mul3A_932 = arith.constant 3 : i32
      %mul3A_933 = vector.broadcast %mul3A_932 : i32 to vector<16xi32>
      %mul3A_934 = arith.muli %add3A_931, %mul3A_933 : vector<16xi32>
      %add3A_935 = arith.addi %mul3A_934, %gather3A_919 : vector<16xi32>
      %swap3A_936 = arith.constant 4 : i32
      %swap3A_937 = arith.index_cast %swap3A_936 : i32 to index
      %swap3A_938 = arith.constant 48 : index
      %swap3A_939 = tpu.vector_load %arg11[%swap3A_937, %swap3A_938] {strides = array<i32>} : memref<8x128xi32, #tpu.memory_space<vmem>>, vector<16xi32>,
      tpu.vector_store %arg11[%swap3A_937, %swap3A_938], %add3A_935 {strides = array<i32>} : memref<8x128xi32, #tpu.memory_space<vmem>>, vector<16xi32>,
      %get3A_940 = arith.constant 4 : i32
      %get3A_941 = arith.index_cast %get3A_940 : i32 to index
      %get3A_942 = arith.constant 64 : index
      %get3A_943 = tpu.vector_load %arg9[%get3A_941, %get3A_942] {strides = array<i32>} : memref<8x128xi32, #tpu.memory_space<vmem>>, vector<16xi32>,
      %gather3A_944 = tpu.vector_load_idx %arg12[%get3A_943] : memref<10112xi32, #tpu.memory_space<vmem>>[vector<16xi32>], vector<16xi32>,
      %get3A_945 = arith.constant 4 : i32
      %get3A_946 = arith.index_cast %get3A_945 : i32 to index
      %get3A_947 = arith.constant 64 : index
      %get3A_948 = tpu.vector_load %arg10[%get3A_946, %get3A_947] {strides = array<i32>} : memref<8x128xi32, #tpu.memory_space<vmem>>, vector<16xi32>,
      %mul3A_949 = arith.constant 10000 : i32
      %mul3A_950 = vector.broadcast %mul3A_949 : i32 to vector<16xi32>
      %mul3A_951 = arith.muli %get3A_948, %mul3A_950 : vector<16xi32>
      %get3A_952 = arith.constant 4 : i32
      %get3A_953 = arith.index_cast %get3A_952 : i32 to index
      %get3A_954 = arith.constant 64 : index
      %get3A_955 = tpu.vector_load %arg8[%get3A_953, %get3A_954] {strides = array<i32>} : memref<8x128xi32, #tpu.memory_space<vmem>>, vector<16xi32>,
      %add3A_956 = arith.addi %mul3A_951, %get3A_955 : vector<16xi32>
      %mul3A_957 = arith.constant 3 : i32
      %mul3A_958 = vector.broadcast %mul3A_957 : i32 to vector<16xi32>
      %mul3A_959 = arith.muli %add3A_956, %mul3A_958 : vector<16xi32>
      %add3A_960 = arith.addi %mul3A_959, %gather3A_944 : vector<16xi32>
      %swap3A_961 = arith.constant 4 : i32
      %swap3A_962 = arith.index_cast %swap3A_961 : i32 to index
      %swap3A_963 = arith.constant 64 : index
      %swap3A_964 = tpu.vector_load %arg11[%swap3A_962, %swap3A_963] {strides = array<i32>} : memref<8x128xi32, #tpu.memory_space<vmem>>, vector<16xi32>,
      tpu.vector_store %arg11[%swap3A_962, %swap3A_963], %add3A_960 {strides = array<i32>} : memref<8x128xi32, #tpu.memory_space<vmem>>, vector<16xi32>,
      %get3A_965 = arith.constant 4 : i32
      %get3A_966 = arith.index_cast %get3A_965 : i32 to index
      %get3A_967 = arith.constant 80 : index
      %get3A_968 = tpu.vector_load %arg9[%get3A_966, %get3A_967] {strides = array<i32>} : memref<8x128xi32, #tpu.memory_space<vmem>>, vector<16xi32>,
      %gather3A_969 = tpu.vector_load_idx %arg12[%get3A_968] : memref<10112xi32, #tpu.memory_space<vmem>>[vector<16xi32>], vector<16xi32>,
      %get3A_970 = arith.constant 4 : i32
      %get3A_971 = arith.index_cast %get3A_970 : i32 to index
      %get3A_972 = arith.constant 80 : index
      %get3A_973 = tpu.vector_load %arg10[%get3A_971, %get3A_972] {strides = array<i32>} : memref<8x128xi32, #tpu.memory_space<vmem>>, vector<16xi32>,
      %mul3A_974 = arith.constant 10000 : i32
      %mul3A_975 = vector.broadcast %mul3A_974 : i32 to vector<16xi32>
      %mul3A_976 = arith.muli %get3A_973, %mul3A_975 : vector<16xi32>
      %get3A_977 = arith.constant 4 : i32
      %get3A_978 = arith.index_cast %get3A_977 : i32 to index
      %get3A_979 = arith.constant 80 : index
      %get3A_980 = tpu.vector_load %arg8[%get3A_978, %get3A_979] {strides = array<i32>} : memref<8x128xi32, #tpu.memory_space<vmem>>, vector<16xi32>,
      %add3A_981 = arith.addi %mul3A_976, %get3A_980 : vector<16xi32>
      %mul3A_982 = arith.constant 3 : i32
      %mul3A_983 = vector.broadcast %mul3A_982 : i32 to vector<16xi32>
      %mul3A_984 = arith.muli %add3A_981, %mul3A_983 : vector<16xi32>
      %add3A_985 = arith.addi %mul3A_984, %gather3A_969 : vector<16xi32>
      %swap3A_986 = arith.constant 4 : i32
      %swap3A_987 = arith.index_cast %swap3A_986 : i32 to index
      %swap3A_988 = arith.constant 80 : index
      %swap3A_989 = tpu.vector_load %arg11[%swap3A_987, %swap3A_988] {strides = array<i32>} : memref<8x128xi32, #tpu.memory_space<vmem>>, vector<16xi32>,
      tpu.vector_store %arg11[%swap3A_987, %swap3A_988], %add3A_985 {strides = array<i32>} : memref<8x128xi32, #tpu.memory_space<vmem>>, vector<16xi32>,
      %get3A_990 = arith.constant 4 : i32
      %get3A_991 = arith.index_cast %get3A_990 : i32 to index
      %get3A_992 = arith.constant 96 : index
      %get3A_993 = tpu.vector_load %arg9[%get3A_991, %get3A_992] {strides = array<i32>} : memref<8x128xi32, #tpu.memory_space<vmem>>, vector<16xi32>,
      %gather3A_994 = tpu.vector_load_idx %arg12[%get3A_993] : memref<10112xi32, #tpu.memory_space<vmem>>[vector<16xi32>], vector<16xi32>,
      %get3A_995 = arith.constant 4 : i32
      %get3A_996 = arith.index_cast %get3A_995 : i32 to index
      %get3A_997 = arith.constant 96 : index
      %get3A_998 = tpu.vector_load %arg10[%get3A_996, %get3A_997] {strides = array<i32>} : memref<8x128xi32, #tpu.memory_space<vmem>>, vector<16xi32>,
      %mul3A_999 = arith.constant 10000 : i32
      %mul3A_1000 = vector.broadcast %mul3A_999 : i32 to vector<16xi32>
      %mul3A_1001 = arith.muli %get3A_998, %mul3A_1000 : vector<16xi32>
      %get3A_1002 = arith.constant 4 : i32
      %get3A_1003 = arith.index_cast %get3A_1002 : i32 to index
      %get3A_1004 = arith.constant 96 : index
      %get3A_1005 = tpu.vector_load %arg8[%get3A_1003, %get3A_1004] {strides = array<i32>} : memref<8x128xi32, #tpu.memory_space<vmem>>, vector<16xi32>,
      %add3A_1006 = arith.addi %mul3A_1001, %get3A_1005 : vector<16xi32>
      %mul3A_1007 = arith.constant 3 : i32
      %mul3A_1008 = vector.broadcast %mul3A_1007 : i32 to vector<16xi32>
      %mul3A_1009 = arith.muli %add3A_1006, %mul3A_1008 : vector<16xi32>
      %add3A_1010 = arith.addi %mul3A_1009, %gather3A_994 : vector<16xi32>
      %swap3A_1011 = arith.constant 4 : i32
      %swap3A_1012 = arith.index_cast %swap3A_1011 : i32 to index
      %swap3A_1013 = arith.constant 96 : index
      %swap3A_1014 = tpu.vector_load %arg11[%swap3A_1012, %swap3A_1013] {strides = array<i32>} : memref<8x128xi32, #tpu.memory_space<vmem>>, vector<16xi32>,
      tpu.vector_store %arg11[%swap3A_1012, %swap3A_1013], %add3A_1010 {strides = array<i32>} : memref<8x128xi32, #tpu.memory_space<vmem>>, vector<16xi32>,
      %get3A_1015 = arith.constant 4 : i32
      %get3A_1016 = arith.index_cast %get3A_1015 : i32 to index
      %get3A_1017 = arith.constant 112 : index
      %get3A_1018 = tpu.vector_load %arg9[%get3A_1016, %get3A_1017] {strides = array<i32>} : memref<8x128xi32, #tpu.memory_space<vmem>>, vector<16xi32>,
      %gather3A_1019 = tpu.vector_load_idx %arg12[%get3A_1018] : memref<10112xi32, #tpu.memory_space<vmem>>[vector<16xi32>], vector<16xi32>,
      %get3A_1020 = arith.constant 4 : i32
      %get3A_1021 = arith.index_cast %get3A_1020 : i32 to index
      %get3A_1022 = arith.constant 112 : index
      %get3A_1023 = tpu.vector_load %arg10[%get3A_1021, %get3A_1022] {strides = array<i32>} : memref<8x128xi32, #tpu.memory_space<vmem>>, vector<16xi32>,
      %mul3A_1024 = arith.constant 10000 : i32
      %mul3A_1025 = vector.broadcast %mul3A_1024 : i32 to vector<16xi32>
      %mul3A_1026 = arith.muli %get3A_1023, %mul3A_1025 : vector<16xi32>
      %get3A_1027 = arith.constant 4 : i32
      %get3A_1028 = arith.index_cast %get3A_1027 : i32 to index
      %get3A_1029 = arith.constant 112 : index
      %get3A_1030 = tpu.vector_load %arg8[%get3A_1028, %get3A_1029] {strides = array<i32>} : memref<8x128xi32, #tpu.memory_space<vmem>>, vector<16xi32>,
      %add3A_1031 = arith.addi %mul3A_1026, %get3A_1030 : vector<16xi32>
      %mul3A_1032 = arith.constant 3 : i32
      %mul3A_1033 = vector.broadcast %mul3A_1032 : i32 to vector<16xi32>
      %mul3A_1034 = arith.muli %add3A_1031, %mul3A_1033 : vector<16xi32>
      %add3A_1035 = arith.addi %mul3A_1034, %gather3A_1019 : vector<16xi32>
      %swap3A_1036 = arith.constant 4 : i32
      %swap3A_1037 = arith.index_cast %swap3A_1036 : i32 to index
      %swap3A_1038 = arith.constant 112 : index
      %swap3A_1039 = tpu.vector_load %arg11[%swap3A_1037, %swap3A_1038] {strides = array<i32>} : memref<8x128xi32, #tpu.memory_space<vmem>>, vector<16xi32>,
      tpu.vector_store %arg11[%swap3A_1037, %swap3A_1038], %add3A_1035 {strides = array<i32>} : memref<8x128xi32, #tpu.memory_space<vmem>>, vector<16xi32>,
      %get3A_1040 = arith.constant 5 : i32
      %get3A_1041 = arith.index_cast %get3A_1040 : i32 to index
      %get3A_1042 = arith.constant 0 : index
      %get3A_1043 = tpu.vector_load %arg9[%get3A_1041, %get3A_1042] {strides = array<i32>} : memref<8x128xi32, #tpu.memory_space<vmem>>, vector<16xi32>,
      %gather3A_1044 = tpu.vector_load_idx %arg12[%get3A_1043] : memref<10112xi32, #tpu.memory_space<vmem>>[vector<16xi32>], vector<16xi32>,
      %get3A_1045 = arith.constant 5 : i32
      %get3A_1046 = arith.index_cast %get3A_1045 : i32 to index
      %get3A_1047 = arith.constant 0 : index
      %get3A_1048 = tpu.vector_load %arg10[%get3A_1046, %get3A_1047] {strides = array<i32>} : memref<8x128xi32, #tpu.memory_space<vmem>>, vector<16xi32>,
      %mul3A_1049 = arith.constant 10000 : i32
      %mul3A_1050 = vector.broadcast %mul3A_1049 : i32 to vector<16xi32>
      %mul3A_1051 = arith.muli %get3A_1048, %mul3A_1050 : vector<16xi32>
      %get3A_1052 = arith.constant 5 : i32
      %get3A_1053 = arith.index_cast %get3A_1052 : i32 to index
      %get3A_1054 = arith.constant 0 : index
      %get3A_1055 = tpu.vector_load %arg8[%get3A_1053, %get3A_1054] {strides = array<i32>} : memref<8x128xi32, #tpu.memory_space<vmem>>, vector<16xi32>,
      %add3A_1056 = arith.addi %mul3A_1051, %get3A_1055 : vector<16xi32>
      %mul3A_1057 = arith.constant 3 : i32
      %mul3A_1058 = vector.broadcast %mul3A_1057 : i32 to vector<16xi32>
      %mul3A_1059 = arith.muli %add3A_1056, %mul3A_1058 : vector<16xi32>
      %add3A_1060 = arith.addi %mul3A_1059, %gather3A_1044 : vector<16xi32>
      %swap3A_1061 = arith.constant 5 : i32
      %swap3A_1062 = arith.index_cast %swap3A_1061 : i32 to index
      %swap3A_1063 = arith.constant 0 : index
      %swap3A_1064 = tpu.vector_load %arg11[%swap3A_1062, %swap3A_1063] {strides = array<i32>} : memref<8x128xi32, #tpu.memory_space<vmem>>, vector<16xi32>,
      tpu.vector_store %arg11[%swap3A_1062, %swap3A_1063], %add3A_1060 {strides = array<i32>} : memref<8x128xi32, #tpu.memory_space<vmem>>, vector<16xi32>,
      %get3A_1065 = arith.constant 5 : i32
      %get3A_1066 = arith.index_cast %get3A_1065 : i32 to index
      %get3A_1067 = arith.constant 16 : index
      %get3A_1068 = tpu.vector_load %arg9[%get3A_1066, %get3A_1067] {strides = array<i32>} : memref<8x128xi32, #tpu.memory_space<vmem>>, vector<16xi32>,
      %gather3A_1069 = tpu.vector_load_idx %arg12[%get3A_1068] : memref<10112xi32, #tpu.memory_space<vmem>>[vector<16xi32>], vector<16xi32>,
      %get3A_1070 = arith.constant 5 : i32
      %get3A_1071 = arith.index_cast %get3A_1070 : i32 to index
      %get3A_1072 = arith.constant 16 : index
      %get3A_1073 = tpu.vector_load %arg10[%get3A_1071, %get3A_1072] {strides = array<i32>} : memref<8x128xi32, #tpu.memory_space<vmem>>, vector<16xi32>,
      %mul3A_1074 = arith.constant 10000 : i32
      %mul3A_1075 = vector.broadcast %mul3A_1074 : i32 to vector<16xi32>
      %mul3A_1076 = arith.muli %get3A_1073, %mul3A_1075 : vector<16xi32>
      %get3A_1077 = arith.constant 5 : i32
      %get3A_1078 = arith.index_cast %get3A_1077 : i32 to index
      %get3A_1079 = arith.constant 16 : index
      %get3A_1080 = tpu.vector_load %arg8[%get3A_1078, %get3A_1079] {strides = array<i32>} : memref<8x128xi32, #tpu.memory_space<vmem>>, vector<16xi32>,
      %add3A_1081 = arith.addi %mul3A_1076, %get3A_1080 : vector<16xi32>
      %mul3A_1082 = arith.constant 3 : i32
      %mul3A_1083 = vector.broadcast %mul3A_1082 : i32 to vector<16xi32>
      %mul3A_1084 = arith.muli %add3A_1081, %mul3A_1083 : vector<16xi32>
      %add3A_1085 = arith.addi %mul3A_1084, %gather3A_1069 : vector<16xi32>
      %swap3A_1086 = arith.constant 5 : i32
      %swap3A_1087 = arith.index_cast %swap3A_1086 : i32 to index
      %swap3A_1088 = arith.constant 16 : index
      %swap3A_1089 = tpu.vector_load %arg11[%swap3A_1087, %swap3A_1088] {strides = array<i32>} : memref<8x128xi32, #tpu.memory_space<vmem>>, vector<16xi32>,
      tpu.vector_store %arg11[%swap3A_1087, %swap3A_1088], %add3A_1085 {strides = array<i32>} : memref<8x128xi32, #tpu.memory_space<vmem>>, vector<16xi32>,
      %get3A_1090 = arith.constant 5 : i32
      %get3A_1091 = arith.index_cast %get3A_1090 : i32 to index
      %get3A_1092 = arith.constant 32 : index
      %get3A_1093 = tpu.vector_load %arg9[%get3A_1091, %get3A_1092] {strides = array<i32>} : memref<8x128xi32, #tpu.memory_space<vmem>>, vector<16xi32>,
      %gather3A_1094 = tpu.vector_load_idx %arg12[%get3A_1093] : memref<10112xi32, #tpu.memory_space<vmem>>[vector<16xi32>], vector<16xi32>,
      %get3A_1095 = arith.constant 5 : i32
      %get3A_1096 = arith.index_cast %get3A_1095 : i32 to index
      %get3A_1097 = arith.constant 32 : index
      %get3A_1098 = tpu.vector_load %arg10[%get3A_1096, %get3A_1097] {strides = array<i32>} : memref<8x128xi32, #tpu.memory_space<vmem>>, vector<16xi32>,
      %mul3A_1099 = arith.constant 10000 : i32
      %mul3A_1100 = vector.broadcast %mul3A_1099 : i32 to vector<16xi32>
      %mul3A_1101 = arith.muli %get3A_1098, %mul3A_1100 : vector<16xi32>
      %get3A_1102 = arith.constant 5 : i32
      %get3A_1103 = arith.index_cast %get3A_1102 : i32 to index
      %get3A_1104 = arith.constant 32 : index
      %get3A_1105 = tpu.vector_load %arg8[%get3A_1103, %get3A_1104] {strides = array<i32>} : memref<8x128xi32, #tpu.memory_space<vmem>>, vector<16xi32>,
      %add3A_1106 = arith.addi %mul3A_1101, %get3A_1105 : vector<16xi32>
      %mul3A_1107 = arith.constant 3 : i32
      %mul3A_1108 = vector.broadcast %mul3A_1107 : i32 to vector<16xi32>
      %mul3A_1109 = arith.muli %add3A_1106, %mul3A_1108 : vector<16xi32>
      %add3A_1110 = arith.addi %mul3A_1109, %gather3A_1094 : vector<16xi32>
      %swap3A_1111 = arith.constant 5 : i32
      %swap3A_1112 = arith.index_cast %swap3A_1111 : i32 to index
      %swap3A_1113 = arith.constant 32 : index
      %swap3A_1114 = tpu.vector_load %arg11[%swap3A_1112, %swap3A_1113] {strides = array<i32>} : memref<8x128xi32, #tpu.memory_space<vmem>>, vector<16xi32>,
      tpu.vector_store %arg11[%swap3A_1112, %swap3A_1113], %add3A_1110 {strides = array<i32>} : memref<8x128xi32, #tpu.memory_space<vmem>>, vector<16xi32>,
      %get3A_1115 = arith.constant 5 : i32
      %get3A_1116 = arith.index_cast %get3A_1115 : i32 to index
      %get3A_1117 = arith.constant 48 : index
      %get3A_1118 = tpu.vector_load %arg9[%get3A_1116, %get3A_1117] {strides = array<i32>} : memref<8x128xi32, #tpu.memory_space<vmem>>, vector<16xi32>,
      %gather3A_1119 = tpu.vector_load_idx %arg12[%get3A_1118] : memref<10112xi32, #tpu.memory_space<vmem>>[vector<16xi32>], vector<16xi32>,
      %get3A_1120 = arith.constant 5 : i32
      %get3A_1121 = arith.index_cast %get3A_1120 : i32 to index
      %get3A_1122 = arith.constant 48 : index
      %get3A_1123 = tpu.vector_load %arg10[%get3A_1121, %get3A_1122] {strides = array<i32>} : memref<8x128xi32, #tpu.memory_space<vmem>>, vector<16xi32>,
      %mul3A_1124 = arith.constant 10000 : i32
      %mul3A_1125 = vector.broadcast %mul3A_1124 : i32 to vector<16xi32>
      %mul3A_1126 = arith.muli %get3A_1123, %mul3A_1125 : vector<16xi32>
      %get3A_1127 = arith.constant 5 : i32
      %get3A_1128 = arith.index_cast %get3A_1127 : i32 to index
      %get3A_1129 = arith.constant 48 : index
      %get3A_1130 = tpu.vector_load %arg8[%get3A_1128, %get3A_1129] {strides = array<i32>} : memref<8x128xi32, #tpu.memory_space<vmem>>, vector<16xi32>,
      %add3A_1131 = arith.addi %mul3A_1126, %get3A_1130 : vector<16xi32>
      %mul3A_1132 = arith.constant 3 : i32
      %mul3A_1133 = vector.broadcast %mul3A_1132 : i32 to vector<16xi32>
      %mul3A_1134 = arith.muli %add3A_1131, %mul3A_1133 : vector<16xi32>
      %add3A_1135 = arith.addi %mul3A_1134, %gather3A_1119 : vector<16xi32>
      %swap3A_1136 = arith.constant 5 : i32
      %swap3A_1137 = arith.index_cast %swap3A_1136 : i32 to index
      %swap3A_1138 = arith.constant 48 : index
      %swap3A_1139 = tpu.vector_load %arg11[%swap3A_1137, %swap3A_1138] {strides = array<i32>} : memref<8x128xi32, #tpu.memory_space<vmem>>, vector<16xi32>,
      tpu.vector_store %arg11[%swap3A_1137, %swap3A_1138], %add3A_1135 {strides = array<i32>} : memref<8x128xi32, #tpu.memory_space<vmem>>, vector<16xi32>,
      %get3A_1140 = arith.constant 5 : i32
      %get3A_1141 = arith.index_cast %get3A_1140 : i32 to index
      %get3A_1142 = arith.constant 64 : index
      %get3A_1143 = tpu.vector_load %arg9[%get3A_1141, %get3A_1142] {strides = array<i32>} : memref<8x128xi32, #tpu.memory_space<vmem>>, vector<16xi32>,
      %gather3A_1144 = tpu.vector_load_idx %arg12[%get3A_1143] : memref<10112xi32, #tpu.memory_space<vmem>>[vector<16xi32>], vector<16xi32>,
      %get3A_1145 = arith.constant 5 : i32
      %get3A_1146 = arith.index_cast %get3A_1145 : i32 to index
      %get3A_1147 = arith.constant 64 : index
      %get3A_1148 = tpu.vector_load %arg10[%get3A_1146, %get3A_1147] {strides = array<i32>} : memref<8x128xi32, #tpu.memory_space<vmem>>, vector<16xi32>,
      %mul3A_1149 = arith.constant 10000 : i32
      %mul3A_1150 = vector.broadcast %mul3A_1149 : i32 to vector<16xi32>
      %mul3A_1151 = arith.muli %get3A_1148, %mul3A_1150 : vector<16xi32>
      %get3A_1152 = arith.constant 5 : i32
      %get3A_1153 = arith.index_cast %get3A_1152 : i32 to index
      %get3A_1154 = arith.constant 64 : index
      %get3A_1155 = tpu.vector_load %arg8[%get3A_1153, %get3A_1154] {strides = array<i32>} : memref<8x128xi32, #tpu.memory_space<vmem>>, vector<16xi32>,
      %add3A_1156 = arith.addi %mul3A_1151, %get3A_1155 : vector<16xi32>
      %mul3A_1157 = arith.constant 3 : i32
      %mul3A_1158 = vector.broadcast %mul3A_1157 : i32 to vector<16xi32>
      %mul3A_1159 = arith.muli %add3A_1156, %mul3A_1158 : vector<16xi32>
      %add3A_1160 = arith.addi %mul3A_1159, %gather3A_1144 : vector<16xi32>
      %swap3A_1161 = arith.constant 5 : i32
      %swap3A_1162 = arith.index_cast %swap3A_1161 : i32 to index
      %swap3A_1163 = arith.constant 64 : index
      %swap3A_1164 = tpu.vector_load %arg11[%swap3A_1162, %swap3A_1163] {strides = array<i32>} : memref<8x128xi32, #tpu.memory_space<vmem>>, vector<16xi32>,
      tpu.vector_store %arg11[%swap3A_1162, %swap3A_1163], %add3A_1160 {strides = array<i32>} : memref<8x128xi32, #tpu.memory_space<vmem>>, vector<16xi32>,
      %get3A_1165 = arith.constant 5 : i32
      %get3A_1166 = arith.index_cast %get3A_1165 : i32 to index
      %get3A_1167 = arith.constant 80 : index
      %get3A_1168 = tpu.vector_load %arg9[%get3A_1166, %get3A_1167] {strides = array<i32>} : memref<8x128xi32, #tpu.memory_space<vmem>>, vector<16xi32>,
      %gather3A_1169 = tpu.vector_load_idx %arg12[%get3A_1168] : memref<10112xi32, #tpu.memory_space<vmem>>[vector<16xi32>], vector<16xi32>,
      %get3A_1170 = arith.constant 5 : i32
      %get3A_1171 = arith.index_cast %get3A_1170 : i32 to index
      %get3A_1172 = arith.constant 80 : index
      %get3A_1173 = tpu.vector_load %arg10[%get3A_1171, %get3A_1172] {strides = array<i32>} : memref<8x128xi32, #tpu.memory_space<vmem>>, vector<16xi32>,
      %mul3A_1174 = arith.constant 10000 : i32
      %mul3A_1175 = vector.broadcast %mul3A_1174 : i32 to vector<16xi32>
      %mul3A_1176 = arith.muli %get3A_1173, %mul3A_1175 : vector<16xi32>
      %get3A_1177 = arith.constant 5 : i32
      %get3A_1178 = arith.index_cast %get3A_1177 : i32 to index
      %get3A_1179 = arith.constant 80 : index
      %get3A_1180 = tpu.vector_load %arg8[%get3A_1178, %get3A_1179] {strides = array<i32>} : memref<8x128xi32, #tpu.memory_space<vmem>>, vector<16xi32>,
      %add3A_1181 = arith.addi %mul3A_1176, %get3A_1180 : vector<16xi32>
      %mul3A_1182 = arith.constant 3 : i32
      %mul3A_1183 = vector.broadcast %mul3A_1182 : i32 to vector<16xi32>
      %mul3A_1184 = arith.muli %add3A_1181, %mul3A_1183 : vector<16xi32>
      %add3A_1185 = arith.addi %mul3A_1184, %gather3A_1169 : vector<16xi32>
      %swap3A_1186 = arith.constant 5 : i32
      %swap3A_1187 = arith.index_cast %swap3A_1186 : i32 to index
      %swap3A_1188 = arith.constant 80 : index
      %swap3A_1189 = tpu.vector_load %arg11[%swap3A_1187, %swap3A_1188] {strides = array<i32>} : memref<8x128xi32, #tpu.memory_space<vmem>>, vector<16xi32>,
      tpu.vector_store %arg11[%swap3A_1187, %swap3A_1188], %add3A_1185 {strides = array<i32>} : memref<8x128xi32, #tpu.memory_space<vmem>>, vector<16xi32>,
      %get3A_1190 = arith.constant 5 : i32
      %get3A_1191 = arith.index_cast %get3A_1190 : i32 to index
      %get3A_1192 = arith.constant 96 : index
      %get3A_1193 = tpu.vector_load %arg9[%get3A_1191, %get3A_1192] {strides = array<i32>} : memref<8x128xi32, #tpu.memory_space<vmem>>, vector<16xi32>,
      %gather3A_1194 = tpu.vector_load_idx %arg12[%get3A_1193] : memref<10112xi32, #tpu.memory_space<vmem>>[vector<16xi32>], vector<16xi32>,
      %get3A_1195 = arith.constant 5 : i32
      %get3A_1196 = arith.index_cast %get3A_1195 : i32 to index
      %get3A_1197 = arith.constant 96 : index
      %get3A_1198 = tpu.vector_load %arg10[%get3A_1196, %get3A_1197] {strides = array<i32>} : memref<8x128xi32, #tpu.memory_space<vmem>>, vector<16xi32>,
      %mul3A_1199 = arith.constant 10000 : i32
      %mul3A_1200 = vector.broadcast %mul3A_1199 : i32 to vector<16xi32>
      %mul3A_1201 = arith.muli %get3A_1198, %mul3A_1200 : vector<16xi32>
      %get3A_1202 = arith.constant 5 : i32
      %get3A_1203 = arith.index_cast %get3A_1202 : i32 to index
      %get3A_1204 = arith.constant 96 : index
      %get3A_1205 = tpu.vector_load %arg8[%get3A_1203, %get3A_1204] {strides = array<i32>} : memref<8x128xi32, #tpu.memory_space<vmem>>, vector<16xi32>,
      %add3A_1206 = arith.addi %mul3A_1201, %get3A_1205 : vector<16xi32>
      %mul3A_1207 = arith.constant 3 : i32
      %mul3A_1208 = vector.broadcast %mul3A_1207 : i32 to vector<16xi32>
      %mul3A_1209 = arith.muli %add3A_1206, %mul3A_1208 : vector<16xi32>
      %add3A_1210 = arith.addi %mul3A_1209, %gather3A_1194 : vector<16xi32>
      %swap3A_1211 = arith.constant 5 : i32
      %swap3A_1212 = arith.index_cast %swap3A_1211 : i32 to index
      %swap3A_1213 = arith.constant 96 : index
      %swap3A_1214 = tpu.vector_load %arg11[%swap3A_1212, %swap3A_1213] {strides = array<i32>} : memref<8x128xi32, #tpu.memory_space<vmem>>, vector<16xi32>,
      tpu.vector_store %arg11[%swap3A_1212, %swap3A_1213], %add3A_1210 {strides = array<i32>} : memref<8x128xi32, #tpu.memory_space<vmem>>, vector<16xi32>,
      %get3A_1215 = arith.constant 5 : i32
      %get3A_1216 = arith.index_cast %get3A_1215 : i32 to index
      %get3A_1217 = arith.constant 112 : index
      %get3A_1218 = tpu.vector_load %arg9[%get3A_1216, %get3A_1217] {strides = array<i32>} : memref<8x128xi32, #tpu.memory_space<vmem>>, vector<16xi32>,
      %gather3A_1219 = tpu.vector_load_idx %arg12[%get3A_1218] : memref<10112xi32, #tpu.memory_space<vmem>>[vector<16xi32>], vector<16xi32>,
      %get3A_1220 = arith.constant 5 : i32
      %get3A_1221 = arith.index_cast %get3A_1220 : i32 to index
      %get3A_1222 = arith.constant 112 : index
      %get3A_1223 = tpu.vector_load %arg10[%get3A_1221, %get3A_1222] {strides = array<i32>} : memref<8x128xi32, #tpu.memory_space<vmem>>, vector<16xi32>,
      %mul3A_1224 = arith.constant 10000 : i32
      %mul3A_1225 = vector.broadcast %mul3A_1224 : i32 to vector<16xi32>
      %mul3A_1226 = arith.muli %get3A_1223, %mul3A_1225 : vector<16xi32>
      %get3A_1227 = arith.constant 5 : i32
      %get3A_1228 = arith.index_cast %get3A_1227 : i32 to index
      %get3A_1229 = arith.constant 112 : index
      %get3A_1230 = tpu.vector_load %arg8[%get3A_1228, %get3A_1229] {strides = array<i32>} : memref<8x128xi32, #tpu.memory_space<vmem>>, vector<16xi32>,
      %add3A_1231 = arith.addi %mul3A_1226, %get3A_1230 : vector<16xi32>
      %mul3A_1232 = arith.constant 3 : i32
      %mul3A_1233 = vector.broadcast %mul3A_1232 : i32 to vector<16xi32>
      %mul3A_1234 = arith.muli %add3A_1231, %mul3A_1233 : vector<16xi32>
      %add3A_1235 = arith.addi %mul3A_1234, %gather3A_1219 : vector<16xi32>
      %swap3A_1236 = arith.constant 5 : i32
      %swap3A_1237 = arith.index_cast %swap3A_1236 : i32 to index
      %swap3A_1238 = arith.constant 112 : index
      %swap3A_1239 = tpu.vector_load %arg11[%swap3A_1237, %swap3A_1238] {strides = array<i32>} : memref<8x128xi32, #tpu.memory_space<vmem>>, vector<16xi32>,
      tpu.vector_store %arg11[%swap3A_1237, %swap3A_1238], %add3A_1235 {strides = array<i32>} : memref<8x128xi32, #tpu.memory_space<vmem>>, vector<16xi32>,
      %get3A_1240 = arith.constant 6 : i32
      %get3A_1241 = arith.index_cast %get3A_1240 : i32 to index
      %get3A_1242 = arith.constant 0 : index
      %get3A_1243 = tpu.vector_load %arg9[%get3A_1241, %get3A_1242] {strides = array<i32>} : memref<8x128xi32, #tpu.memory_space<vmem>>, vector<16xi32>,
      %gather3A_1244 = tpu.vector_load_idx %arg12[%get3A_1243] : memref<10112xi32, #tpu.memory_space<vmem>>[vector<16xi32>], vector<16xi32>,
      %get3A_1245 = arith.constant 6 : i32
      %get3A_1246 = arith.index_cast %get3A_1245 : i32 to index
      %get3A_1247 = arith.constant 0 : index
      %get3A_1248 = tpu.vector_load %arg10[%get3A_1246, %get3A_1247] {strides = array<i32>} : memref<8x128xi32, #tpu.memory_space<vmem>>, vector<16xi32>,
      %mul3A_1249 = arith.constant 10000 : i32
      %mul3A_1250 = vector.broadcast %mul3A_1249 : i32 to vector<16xi32>
      %mul3A_1251 = arith.muli %get3A_1248, %mul3A_1250 : vector<16xi32>
      %get3A_1252 = arith.constant 6 : i32
      %get3A_1253 = arith.index_cast %get3A_1252 : i32 to index
      %get3A_1254 = arith.constant 0 : index
      %get3A_1255 = tpu.vector_load %arg8[%get3A_1253, %get3A_1254] {strides = array<i32>} : memref<8x128xi32, #tpu.memory_space<vmem>>, vector<16xi32>,
      %add3A_1256 = arith.addi %mul3A_1251, %get3A_1255 : vector<16xi32>
      %mul3A_1257 = arith.constant 3 : i32
      %mul3A_1258 = vector.broadcast %mul3A_1257 : i32 to vector<16xi32>
      %mul3A_1259 = arith.muli %add3A_1256, %mul3A_1258 : vector<16xi32>
      %add3A_1260 = arith.addi %mul3A_1259, %gather3A_1244 : vector<16xi32>
      %swap3A_1261 = arith.constant 6 : i32
      %swap3A_1262 = arith.index_cast %swap3A_1261 : i32 to index
      %swap3A_1263 = arith.constant 0 : index
      %swap3A_1264 = tpu.vector_load %arg11[%swap3A_1262, %swap3A_1263] {strides = array<i32>} : memref<8x128xi32, #tpu.memory_space<vmem>>, vector<16xi32>,
      tpu.vector_store %arg11[%swap3A_1262, %swap3A_1263], %add3A_1260 {strides = array<i32>} : memref<8x128xi32, #tpu.memory_space<vmem>>, vector<16xi32>,
      %get3A_1265 = arith.constant 6 : i32
      %get3A_1266 = arith.index_cast %get3A_1265 : i32 to index
      %get3A_1267 = arith.constant 16 : index
      %get3A_1268 = tpu.vector_load %arg9[%get3A_1266, %get3A_1267] {strides = array<i32>} : memref<8x128xi32, #tpu.memory_space<vmem>>, vector<16xi32>,
      %gather3A_1269 = tpu.vector_load_idx %arg12[%get3A_1268] : memref<10112xi32, #tpu.memory_space<vmem>>[vector<16xi32>], vector<16xi32>,
      %get3A_1270 = arith.constant 6 : i32
      %get3A_1271 = arith.index_cast %get3A_1270 : i32 to index
      %get3A_1272 = arith.constant 16 : index
      %get3A_1273 = tpu.vector_load %arg10[%get3A_1271, %get3A_1272] {strides = array<i32>} : memref<8x128xi32, #tpu.memory_space<vmem>>, vector<16xi32>,
      %mul3A_1274 = arith.constant 10000 : i32
      %mul3A_1275 = vector.broadcast %mul3A_1274 : i32 to vector<16xi32>
      %mul3A_1276 = arith.muli %get3A_1273, %mul3A_1275 : vector<16xi32>
      %get3A_1277 = arith.constant 6 : i32
      %get3A_1278 = arith.index_cast %get3A_1277 : i32 to index
      %get3A_1279 = arith.constant 16 : index
      %get3A_1280 = tpu.vector_load %arg8[%get3A_1278, %get3A_1279] {strides = array<i32>} : memref<8x128xi32, #tpu.memory_space<vmem>>, vector<16xi32>,
      %add3A_1281 = arith.addi %mul3A_1276, %get3A_1280 : vector<16xi32>
      %mul3A_1282 = arith.constant 3 : i32
      %mul3A_1283 = vector.broadcast %mul3A_1282 : i32 to vector<16xi32>
      %mul3A_1284 = arith.muli %add3A_1281, %mul3A_1283 : vector<16xi32>
      %add3A_1285 = arith.addi %mul3A_1284, %gather3A_1269 : vector<16xi32>
      %swap3A_1286 = arith.constant 6 : i32
      %swap3A_1287 = arith.index_cast %swap3A_1286 : i32 to index
      %swap3A_1288 = arith.constant 16 : index
      %swap3A_1289 = tpu.vector_load %arg11[%swap3A_1287, %swap3A_1288] {strides = array<i32>} : memref<8x128xi32, #tpu.memory_space<vmem>>, vector<16xi32>,
      tpu.vector_store %arg11[%swap3A_1287, %swap3A_1288], %add3A_1285 {strides = array<i32>} : memref<8x128xi32, #tpu.memory_space<vmem>>, vector<16xi32>,
      %get3A_1290 = arith.constant 6 : i32
      %get3A_1291 = arith.index_cast %get3A_1290 : i32 to index
      %get3A_1292 = arith.constant 32 : index
      %get3A_1293 = tpu.vector_load %arg9[%get3A_1291, %get3A_1292] {strides = array<i32>} : memref<8x128xi32, #tpu.memory_space<vmem>>, vector<16xi32>,
      %gather3A_1294 = tpu.vector_load_idx %arg12[%get3A_1293] : memref<10112xi32, #tpu.memory_space<vmem>>[vector<16xi32>], vector<16xi32>,
      %get3A_1295 = arith.constant 6 : i32
      %get3A_1296 = arith.index_cast %get3A_1295 : i32 to index
      %get3A_1297 = arith.constant 32 : index
      %get3A_1298 = tpu.vector_load %arg10[%get3A_1296, %get3A_1297] {strides = array<i32>} : memref<8x128xi32, #tpu.memory_space<vmem>>, vector<16xi32>,
      %mul3A_1299 = arith.constant 10000 : i32
      %mul3A_1300 = vector.broadcast %mul3A_1299 : i32 to vector<16xi32>
      %mul3A_1301 = arith.muli %get3A_1298, %mul3A_1300 : vector<16xi32>
      %get3A_1302 = arith.constant 6 : i32
      %get3A_1303 = arith.index_cast %get3A_1302 : i32 to index
      %get3A_1304 = arith.constant 32 : index
      %get3A_1305 = tpu.vector_load %arg8[%get3A_1303, %get3A_1304] {strides = array<i32>} : memref<8x128xi32, #tpu.memory_space<vmem>>, vector<16xi32>,
      %add3A_1306 = arith.addi %mul3A_1301, %get3A_1305 : vector<16xi32>
      %mul3A_1307 = arith.constant 3 : i32
      %mul3A_1308 = vector.broadcast %mul3A_1307 : i32 to vector<16xi32>
      %mul3A_1309 = arith.muli %add3A_1306, %mul3A_1308 : vector<16xi32>
      %add3A_1310 = arith.addi %mul3A_1309, %gather3A_1294 : vector<16xi32>
      %swap3A_1311 = arith.constant 6 : i32
      %swap3A_1312 = arith.index_cast %swap3A_1311 : i32 to index
      %swap3A_1313 = arith.constant 32 : index
      %swap3A_1314 = tpu.vector_load %arg11[%swap3A_1312, %swap3A_1313] {strides = array<i32>} : memref<8x128xi32, #tpu.memory_space<vmem>>, vector<16xi32>,
      tpu.vector_store %arg11[%swap3A_1312, %swap3A_1313], %add3A_1310 {strides = array<i32>} : memref<8x128xi32, #tpu.memory_space<vmem>>, vector<16xi32>,
      %get3A_1315 = arith.constant 6 : i32
      %get3A_1316 = arith.index_cast %get3A_1315 : i32 to index
      %get3A_1317 = arith.constant 48 : index
      %get3A_1318 = tpu.vector_load %arg9[%get3A_1316, %get3A_1317] {strides = array<i32>} : memref<8x128xi32, #tpu.memory_space<vmem>>, vector<16xi32>,
      %gather3A_1319 = tpu.vector_load_idx %arg12[%get3A_1318] : memref<10112xi32, #tpu.memory_space<vmem>>[vector<16xi32>], vector<16xi32>,
      %get3A_1320 = arith.constant 6 : i32
      %get3A_1321 = arith.index_cast %get3A_1320 : i32 to index
      %get3A_1322 = arith.constant 48 : index
      %get3A_1323 = tpu.vector_load %arg10[%get3A_1321, %get3A_1322] {strides = array<i32>} : memref<8x128xi32, #tpu.memory_space<vmem>>, vector<16xi32>,
      %mul3A_1324 = arith.constant 10000 : i32
      %mul3A_1325 = vector.broadcast %mul3A_1324 : i32 to vector<16xi32>
      %mul3A_1326 = arith.muli %get3A_1323, %mul3A_1325 : vector<16xi32>
      %get3A_1327 = arith.constant 6 : i32
      %get3A_1328 = arith.index_cast %get3A_1327 : i32 to index
      %get3A_1329 = arith.constant 48 : index
      %get3A_1330 = tpu.vector_load %arg8[%get3A_1328, %get3A_1329] {strides = array<i32>} : memref<8x128xi32, #tpu.memory_space<vmem>>, vector<16xi32>,
      %add3A_1331 = arith.addi %mul3A_1326, %get3A_1330 : vector<16xi32>
      %mul3A_1332 = arith.constant 3 : i32
      %mul3A_1333 = vector.broadcast %mul3A_1332 : i32 to vector<16xi32>
      %mul3A_1334 = arith.muli %add3A_1331, %mul3A_1333 : vector<16xi32>
      %add3A_1335 = arith.addi %mul3A_1334, %gather3A_1319 : vector<16xi32>
      %swap3A_1336 = arith.constant 6 : i32
      %swap3A_1337 = arith.index_cast %swap3A_1336 : i32 to index
      %swap3A_1338 = arith.constant 48 : index
      %swap3A_1339 = tpu.vector_load %arg11[%swap3A_1337, %swap3A_1338] {strides = array<i32>} : memref<8x128xi32, #tpu.memory_space<vmem>>, vector<16xi32>,
      tpu.vector_store %arg11[%swap3A_1337, %swap3A_1338], %add3A_1335 {strides = array<i32>} : memref<8x128xi32, #tpu.memory_space<vmem>>, vector<16xi32>,
      %get3A_1340 = arith.constant 6 : i32
      %get3A_1341 = arith.index_cast %get3A_1340 : i32 to index
      %get3A_1342 = arith.constant 64 : index
      %get3A_1343 = tpu.vector_load %arg9[%get3A_1341, %get3A_1342] {strides = array<i32>} : memref<8x128xi32, #tpu.memory_space<vmem>>, vector<16xi32>,
      %gather3A_1344 = tpu.vector_load_idx %arg12[%get3A_1343] : memref<10112xi32, #tpu.memory_space<vmem>>[vector<16xi32>], vector<16xi32>,
      %get3A_1345 = arith.constant 6 : i32
      %get3A_1346 = arith.index_cast %get3A_1345 : i32 to index
      %get3A_1347 = arith.constant 64 : index
      %get3A_1348 = tpu.vector_load %arg10[%get3A_1346, %get3A_1347] {strides = array<i32>} : memref<8x128xi32, #tpu.memory_space<vmem>>, vector<16xi32>,
      %mul3A_1349 = arith.constant 10000 : i32
      %mul3A_1350 = vector.broadcast %mul3A_1349 : i32 to vector<16xi32>
      %mul3A_1351 = arith.muli %get3A_1348, %mul3A_1350 : vector<16xi32>
      %get3A_1352 = arith.constant 6 : i32
      %get3A_1353 = arith.index_cast %get3A_1352 : i32 to index
      %get3A_1354 = arith.constant 64 : index
      %get3A_1355 = tpu.vector_load %arg8[%get3A_1353, %get3A_1354] {strides = array<i32>} : memref<8x128xi32, #tpu.memory_space<vmem>>, vector<16xi32>,
      %add3A_1356 = arith.addi %mul3A_1351, %get3A_1355 : vector<16xi32>
      %mul3A_1357 = arith.constant 3 : i32
      %mul3A_1358 = vector.broadcast %mul3A_1357 : i32 to vector<16xi32>
      %mul3A_1359 = arith.muli %add3A_1356, %mul3A_1358 : vector<16xi32>
      %add3A_1360 = arith.addi %mul3A_1359, %gather3A_1344 : vector<16xi32>
      %swap3A_1361 = arith.constant 6 : i32
      %swap3A_1362 = arith.index_cast %swap3A_1361 : i32 to index
      %swap3A_1363 = arith.constant 64 : index
      %swap3A_1364 = tpu.vector_load %arg11[%swap3A_1362, %swap3A_1363] {strides = array<i32>} : memref<8x128xi32, #tpu.memory_space<vmem>>, vector<16xi32>,
      tpu.vector_store %arg11[%swap3A_1362, %swap3A_1363], %add3A_1360 {strides = array<i32>} : memref<8x128xi32, #tpu.memory_space<vmem>>, vector<16xi32>,
      %get3A_1365 = arith.constant 6 : i32
      %get3A_1366 = arith.index_cast %get3A_1365 : i32 to index
      %get3A_1367 = arith.constant 80 : index
      %get3A_1368 = tpu.vector_load %arg9[%get3A_1366, %get3A_1367] {strides = array<i32>} : memref<8x128xi32, #tpu.memory_space<vmem>>, vector<16xi32>,
      %gather3A_1369 = tpu.vector_load_idx %arg12[%get3A_1368] : memref<10112xi32, #tpu.memory_space<vmem>>[vector<16xi32>], vector<16xi32>,
      %get3A_1370 = arith.constant 6 : i32
      %get3A_1371 = arith.index_cast %get3A_1370 : i32 to index
      %get3A_1372 = arith.constant 80 : index
      %get3A_1373 = tpu.vector_load %arg10[%get3A_1371, %get3A_1372] {strides = array<i32>} : memref<8x128xi32, #tpu.memory_space<vmem>>, vector<16xi32>,
      %mul3A_1374 = arith.constant 10000 : i32
      %mul3A_1375 = vector.broadcast %mul3A_1374 : i32 to vector<16xi32>
      %mul3A_1376 = arith.muli %get3A_1373, %mul3A_1375 : vector<16xi32>
      %get3A_1377 = arith.constant 6 : i32
      %get3A_1378 = arith.index_cast %get3A_1377 : i32 to index
      %get3A_1379 = arith.constant 80 : index
      %get3A_1380 = tpu.vector_load %arg8[%get3A_1378, %get3A_1379] {strides = array<i32>} : memref<8x128xi32, #tpu.memory_space<vmem>>, vector<16xi32>,
      %add3A_1381 = arith.addi %mul3A_1376, %get3A_1380 : vector<16xi32>
      %mul3A_1382 = arith.constant 3 : i32
      %mul3A_1383 = vector.broadcast %mul3A_1382 : i32 to vector<16xi32>
      %mul3A_1384 = arith.muli %add3A_1381, %mul3A_1383 : vector<16xi32>
      %add3A_1385 = arith.addi %mul3A_1384, %gather3A_1369 : vector<16xi32>
      %swap3A_1386 = arith.constant 6 : i32
      %swap3A_1387 = arith.index_cast %swap3A_1386 : i32 to index
      %swap3A_1388 = arith.constant 80 : index
      %swap3A_1389 = tpu.vector_load %arg11[%swap3A_1387, %swap3A_1388] {strides = array<i32>} : memref<8x128xi32, #tpu.memory_space<vmem>>, vector<16xi32>,
      tpu.vector_store %arg11[%swap3A_1387, %swap3A_1388], %add3A_1385 {strides = array<i32>} : memref<8x128xi32, #tpu.memory_space<vmem>>, vector<16xi32>,
      %get3A_1390 = arith.constant 6 : i32
      %get3A_1391 = arith.index_cast %get3A_1390 : i32 to index
      %get3A_1392 = arith.constant 96 : index
      %get3A_1393 = tpu.vector_load %arg9[%get3A_1391, %get3A_1392] {strides = array<i32>} : memref<8x128xi32, #tpu.memory_space<vmem>>, vector<16xi32>,
      %gather3A_1394 = tpu.vector_load_idx %arg12[%get3A_1393] : memref<10112xi32, #tpu.memory_space<vmem>>[vector<16xi32>], vector<16xi32>,
      %get3A_1395 = arith.constant 6 : i32
      %get3A_1396 = arith.index_cast %get3A_1395 : i32 to index
      %get3A_1397 = arith.constant 96 : index
      %get3A_1398 = tpu.vector_load %arg10[%get3A_1396, %get3A_1397] {strides = array<i32>} : memref<8x128xi32, #tpu.memory_space<vmem>>, vector<16xi32>,
      %mul3A_1399 = arith.constant 10000 : i32
      %mul3A_1400 = vector.broadcast %mul3A_1399 : i32 to vector<16xi32>
      %mul3A_1401 = arith.muli %get3A_1398, %mul3A_1400 : vector<16xi32>
      %get3A_1402 = arith.constant 6 : i32
      %get3A_1403 = arith.index_cast %get3A_1402 : i32 to index
      %get3A_1404 = arith.constant 96 : index
      %get3A_1405 = tpu.vector_load %arg8[%get3A_1403, %get3A_1404] {strides = array<i32>} : memref<8x128xi32, #tpu.memory_space<vmem>>, vector<16xi32>,
      %add3A_1406 = arith.addi %mul3A_1401, %get3A_1405 : vector<16xi32>
      %mul3A_1407 = arith.constant 3 : i32
      %mul3A_1408 = vector.broadcast %mul3A_1407 : i32 to vector<16xi32>
      %mul3A_1409 = arith.muli %add3A_1406, %mul3A_1408 : vector<16xi32>
      %add3A_1410 = arith.addi %mul3A_1409, %gather3A_1394 : vector<16xi32>
      %swap3A_1411 = arith.constant 6 : i32
      %swap3A_1412 = arith.index_cast %swap3A_1411 : i32 to index
      %swap3A_1413 = arith.constant 96 : index
      %swap3A_1414 = tpu.vector_load %arg11[%swap3A_1412, %swap3A_1413] {strides = array<i32>} : memref<8x128xi32, #tpu.memory_space<vmem>>, vector<16xi32>,
      tpu.vector_store %arg11[%swap3A_1412, %swap3A_1413], %add3A_1410 {strides = array<i32>} : memref<8x128xi32, #tpu.memory_space<vmem>>, vector<16xi32>,
      %get3A_1415 = arith.constant 6 : i32
      %get3A_1416 = arith.index_cast %get3A_1415 : i32 to index
      %get3A_1417 = arith.constant 112 : index
      %get3A_1418 = tpu.vector_load %arg9[%get3A_1416, %get3A_1417] {strides = array<i32>} : memref<8x128xi32, #tpu.memory_space<vmem>>, vector<16xi32>,
      %gather3A_1419 = tpu.vector_load_idx %arg12[%get3A_1418] : memref<10112xi32, #tpu.memory_space<vmem>>[vector<16xi32>], vector<16xi32>,
      %get3A_1420 = arith.constant 6 : i32
      %get3A_1421 = arith.index_cast %get3A_1420 : i32 to index
      %get3A_1422 = arith.constant 112 : index
      %get3A_1423 = tpu.vector_load %arg10[%get3A_1421, %get3A_1422] {strides = array<i32>} : memref<8x128xi32, #tpu.memory_space<vmem>>, vector<16xi32>,
      %mul3A_1424 = arith.constant 10000 : i32
      %mul3A_1425 = vector.broadcast %mul3A_1424 : i32 to vector<16xi32>
      %mul3A_1426 = arith.muli %get3A_1423, %mul3A_1425 : vector<16xi32>
      %get3A_1427 = arith.constant 6 : i32
      %get3A_1428 = arith.index_cast %get3A_1427 : i32 to index
      %get3A_1429 = arith.constant 112 : index
      %get3A_1430 = tpu.vector_load %arg8[%get3A_1428, %get3A_1429] {strides = array<i32>} : memref<8x128xi32, #tpu.memory_space<vmem>>, vector<16xi32>,
      %add3A_1431 = arith.addi %mul3A_1426, %get3A_1430 : vector<16xi32>
      %mul3A_1432 = arith.constant 3 : i32
      %mul3A_1433 = vector.broadcast %mul3A_1432 : i32 to vector<16xi32>
      %mul3A_1434 = arith.muli %add3A_1431, %mul3A_1433 : vector<16xi32>
      %add3A_1435 = arith.addi %mul3A_1434, %gather3A_1419 : vector<16xi32>
      %swap3A_1436 = arith.constant 6 : i32
      %swap3A_1437 = arith.index_cast %swap3A_1436 : i32 to index
      %swap3A_1438 = arith.constant 112 : index
      %swap3A_1439 = tpu.vector_load %arg11[%swap3A_1437, %swap3A_1438] {strides = array<i32>} : memref<8x128xi32, #tpu.memory_space<vmem>>, vector<16xi32>,
      tpu.vector_store %arg11[%swap3A_1437, %swap3A_1438], %add3A_1435 {strides = array<i32>} : memref<8x128xi32, #tpu.memory_space<vmem>>, vector<16xi32>,
      %get3A_1440 = arith.constant 7 : i32
      %get3A_1441 = arith.index_cast %get3A_1440 : i32 to index
      %get3A_1442 = arith.constant 0 : index
      %get3A_1443 = tpu.vector_load %arg9[%get3A_1441, %get3A_1442] {strides = array<i32>} : memref<8x128xi32, #tpu.memory_space<vmem>>, vector<16xi32>,
      %gather3A_1444 = tpu.vector_load_idx %arg12[%get3A_1443] : memref<10112xi32, #tpu.memory_space<vmem>>[vector<16xi32>], vector<16xi32>,
      %get3A_1445 = arith.constant 7 : i32
      %get3A_1446 = arith.index_cast %get3A_1445 : i32 to index
      %get3A_1447 = arith.constant 0 : index
      %get3A_1448 = tpu.vector_load %arg10[%get3A_1446, %get3A_1447] {strides = array<i32>} : memref<8x128xi32, #tpu.memory_space<vmem>>, vector<16xi32>,
      %mul3A_1449 = arith.constant 10000 : i32
      %mul3A_1450 = vector.broadcast %mul3A_1449 : i32 to vector<16xi32>
      %mul3A_1451 = arith.muli %get3A_1448, %mul3A_1450 : vector<16xi32>
      %get3A_1452 = arith.constant 7 : i32
      %get3A_1453 = arith.index_cast %get3A_1452 : i32 to index
      %get3A_1454 = arith.constant 0 : index
      %get3A_1455 = tpu.vector_load %arg8[%get3A_1453, %get3A_1454] {strides = array<i32>} : memref<8x128xi32, #tpu.memory_space<vmem>>, vector<16xi32>,
      %add3A_1456 = arith.addi %mul3A_1451, %get3A_1455 : vector<16xi32>
      %mul3A_1457 = arith.constant 3 : i32
      %mul3A_1458 = vector.broadcast %mul3A_1457 : i32 to vector<16xi32>
      %mul3A_1459 = arith.muli %add3A_1456, %mul3A_1458 : vector<16xi32>
      %add3A_1460 = arith.addi %mul3A_1459, %gather3A_1444 : vector<16xi32>
      %swap3A_1461 = arith.constant 7 : i32
      %swap3A_1462 = arith.index_cast %swap3A_1461 : i32 to index
      %swap3A_1463 = arith.constant 0 : index
      %swap3A_1464 = tpu.vector_load %arg11[%swap3A_1462, %swap3A_1463] {strides = array<i32>} : memref<8x128xi32, #tpu.memory_space<vmem>>, vector<16xi32>,
      tpu.vector_store %arg11[%swap3A_1462, %swap3A_1463], %add3A_1460 {strides = array<i32>} : memref<8x128xi32, #tpu.memory_space<vmem>>, vector<16xi32>,
      %get3A_1465 = arith.constant 7 : i32
      %get3A_1466 = arith.index_cast %get3A_1465 : i32 to index
      %get3A_1467 = arith.constant 16 : index
      %get3A_1468 = tpu.vector_load %arg9[%get3A_1466, %get3A_1467] {strides = array<i32>} : memref<8x128xi32, #tpu.memory_space<vmem>>, vector<16xi32>,
      %gather3A_1469 = tpu.vector_load_idx %arg12[%get3A_1468] : memref<10112xi32, #tpu.memory_space<vmem>>[vector<16xi32>], vector<16xi32>,
      %get3A_1470 = arith.constant 7 : i32
      %get3A_1471 = arith.index_cast %get3A_1470 : i32 to index
      %get3A_1472 = arith.constant 16 : index
      %get3A_1473 = tpu.vector_load %arg10[%get3A_1471, %get3A_1472] {strides = array<i32>} : memref<8x128xi32, #tpu.memory_space<vmem>>, vector<16xi32>,
      %mul3A_1474 = arith.constant 10000 : i32
      %mul3A_1475 = vector.broadcast %mul3A_1474 : i32 to vector<16xi32>
      %mul3A_1476 = arith.muli %get3A_1473, %mul3A_1475 : vector<16xi32>
      %get3A_1477 = arith.constant 7 : i32
      %get3A_1478 = arith.index_cast %get3A_1477 : i32 to index
      %get3A_1479 = arith.constant 16 : index
      %get3A_1480 = tpu.vector_load %arg8[%get3A_1478, %get3A_1479] {strides = array<i32>} : memref<8x128xi32, #tpu.memory_space<vmem>>, vector<16xi32>,
      %add3A_1481 = arith.addi %mul3A_1476, %get3A_1480 : vector<16xi32>
      %mul3A_1482 = arith.constant 3 : i32
      %mul3A_1483 = vector.broadcast %mul3A_1482 : i32 to vector<16xi32>
      %mul3A_1484 = arith.muli %add3A_1481, %mul3A_1483 : vector<16xi32>
      %add3A_1485 = arith.addi %mul3A_1484, %gather3A_1469 : vector<16xi32>
      %swap3A_1486 = arith.constant 7 : i32
      %swap3A_1487 = arith.index_cast %swap3A_1486 : i32 to index
      %swap3A_1488 = arith.constant 16 : index
      %swap3A_1489 = tpu.vector_load %arg11[%swap3A_1487, %swap3A_1488] {strides = array<i32>} : memref<8x128xi32, #tpu.memory_space<vmem>>, vector<16xi32>,
      tpu.vector_store %arg11[%swap3A_1487, %swap3A_1488], %add3A_1485 {strides = array<i32>} : memref<8x128xi32, #tpu.memory_space<vmem>>, vector<16xi32>,
      %get3A_1490 = arith.constant 7 : i32
      %get3A_1491 = arith.index_cast %get3A_1490 : i32 to index
      %get3A_1492 = arith.constant 32 : index
      %get3A_1493 = tpu.vector_load %arg9[%get3A_1491, %get3A_1492] {strides = array<i32>} : memref<8x128xi32, #tpu.memory_space<vmem>>, vector<16xi32>,
      %gather3A_1494 = tpu.vector_load_idx %arg12[%get3A_1493] : memref<10112xi32, #tpu.memory_space<vmem>>[vector<16xi32>], vector<16xi32>,
      %get3A_1495 = arith.constant 7 : i32
      %get3A_1496 = arith.index_cast %get3A_1495 : i32 to index
      %get3A_1497 = arith.constant 32 : index
      %get3A_1498 = tpu.vector_load %arg10[%get3A_1496, %get3A_1497] {strides = array<i32>} : memref<8x128xi32, #tpu.memory_space<vmem>>, vector<16xi32>,
      %mul3A_1499 = arith.constant 10000 : i32
      %mul3A_1500 = vector.broadcast %mul3A_1499 : i32 to vector<16xi32>
      %mul3A_1501 = arith.muli %get3A_1498, %mul3A_1500 : vector<16xi32>
      %get3A_1502 = arith.constant 7 : i32
      %get3A_1503 = arith.index_cast %get3A_1502 : i32 to index
      %get3A_1504 = arith.constant 32 : index
      %get3A_1505 = tpu.vector_load %arg8[%get3A_1503, %get3A_1504] {strides = array<i32>} : memref<8x128xi32, #tpu.memory_space<vmem>>, vector<16xi32>,
      %add3A_1506 = arith.addi %mul3A_1501, %get3A_1505 : vector<16xi32>
      %mul3A_1507 = arith.constant 3 : i32
      %mul3A_1508 = vector.broadcast %mul3A_1507 : i32 to vector<16xi32>
      %mul3A_1509 = arith.muli %add3A_1506, %mul3A_1508 : vector<16xi32>
      %add3A_1510 = arith.addi %mul3A_1509, %gather3A_1494 : vector<16xi32>
      %swap3A_1511 = arith.constant 7 : i32
      %swap3A_1512 = arith.index_cast %swap3A_1511 : i32 to index
      %swap3A_1513 = arith.constant 32 : index
      %swap3A_1514 = tpu.vector_load %arg11[%swap3A_1512, %swap3A_1513] {strides = array<i32>} : memref<8x128xi32, #tpu.memory_space<vmem>>, vector<16xi32>,
      tpu.vector_store %arg11[%swap3A_1512, %swap3A_1513], %add3A_1510 {strides = array<i32>} : memref<8x128xi32, #tpu.memory_space<vmem>>, vector<16xi32>,
      %get3A_1515 = arith.constant 7 : i32
      %get3A_1516 = arith.index_cast %get3A_1515 : i32 to index
      %get3A_1517 = arith.constant 48 : index
      %get3A_1518 = tpu.vector_load %arg9[%get3A_1516, %get3A_1517] {strides = array<i32>} : memref<8x128xi32, #tpu.memory_space<vmem>>, vector<16xi32>,
      %gather3A_1519 = tpu.vector_load_idx %arg12[%get3A_1518] : memref<10112xi32, #tpu.memory_space<vmem>>[vector<16xi32>], vector<16xi32>,
      %get3A_1520 = arith.constant 7 : i32
      %get3A_1521 = arith.index_cast %get3A_1520 : i32 to index
      %get3A_1522 = arith.constant 48 : index
      %get3A_1523 = tpu.vector_load %arg10[%get3A_1521, %get3A_1522] {strides = array<i32>} : memref<8x128xi32, #tpu.memory_space<vmem>>, vector<16xi32>,
      %mul3A_1524 = arith.constant 10000 : i32
      %mul3A_1525 = vector.broadcast %mul3A_1524 : i32 to vector<16xi32>
      %mul3A_1526 = arith.muli %get3A_1523, %mul3A_1525 : vector<16xi32>
      %get3A_1527 = arith.constant 7 : i32
      %get3A_1528 = arith.index_cast %get3A_1527 : i32 to index
      %get3A_1529 = arith.constant 48 : index
      %get3A_1530 = tpu.vector_load %arg8[%get3A_1528, %get3A_1529] {strides = array<i32>} : memref<8x128xi32, #tpu.memory_space<vmem>>, vector<16xi32>,
      %add3A_1531 = arith.addi %mul3A_1526, %get3A_1530 : vector<16xi32>
      %mul3A_1532 = arith.constant 3 : i32
      %mul3A_1533 = vector.broadcast %mul3A_1532 : i32 to vector<16xi32>
      %mul3A_1534 = arith.muli %add3A_1531, %mul3A_1533 : vector<16xi32>
      %add3A_1535 = arith.addi %mul3A_1534, %gather3A_1519 : vector<16xi32>
      %swap3A_1536 = arith.constant 7 : i32
      %swap3A_1537 = arith.index_cast %swap3A_1536 : i32 to index
      %swap3A_1538 = arith.constant 48 : index
      %swap3A_1539 = tpu.vector_load %arg11[%swap3A_1537, %swap3A_1538] {strides = array<i32>} : memref<8x128xi32, #tpu.memory_space<vmem>>, vector<16xi32>,
      tpu.vector_store %arg11[%swap3A_1537, %swap3A_1538], %add3A_1535 {strides = array<i32>} : memref<8x128xi32, #tpu.memory_space<vmem>>, vector<16xi32>,
      %get3A_1540 = arith.constant 7 : i32
      %get3A_1541 = arith.index_cast %get3A_1540 : i32 to index
      %get3A_1542 = arith.constant 64 : index
      %get3A_1543 = tpu.vector_load %arg9[%get3A_1541, %get3A_1542] {strides = array<i32>} : memref<8x128xi32, #tpu.memory_space<vmem>>, vector<16xi32>,
      %gather3A_1544 = tpu.vector_load_idx %arg12[%get3A_1543] : memref<10112xi32, #tpu.memory_space<vmem>>[vector<16xi32>], vector<16xi32>,
      %get3A_1545 = arith.constant 7 : i32
      %get3A_1546 = arith.index_cast %get3A_1545 : i32 to index
      %get3A_1547 = arith.constant 64 : index
      %get3A_1548 = tpu.vector_load %arg10[%get3A_1546, %get3A_1547] {strides = array<i32>} : memref<8x128xi32, #tpu.memory_space<vmem>>, vector<16xi32>,
      %mul3A_1549 = arith.constant 10000 : i32
      %mul3A_1550 = vector.broadcast %mul3A_1549 : i32 to vector<16xi32>
      %mul3A_1551 = arith.muli %get3A_1548, %mul3A_1550 : vector<16xi32>
      %get3A_1552 = arith.constant 7 : i32
      %get3A_1553 = arith.index_cast %get3A_1552 : i32 to index
      %get3A_1554 = arith.constant 64 : index
      %get3A_1555 = tpu.vector_load %arg8[%get3A_1553, %get3A_1554] {strides = array<i32>} : memref<8x128xi32, #tpu.memory_space<vmem>>, vector<16xi32>,
      %add3A_1556 = arith.addi %mul3A_1551, %get3A_1555 : vector<16xi32>
      %mul3A_1557 = arith.constant 3 : i32
      %mul3A_1558 = vector.broadcast %mul3A_1557 : i32 to vector<16xi32>
      %mul3A_1559 = arith.muli %add3A_1556, %mul3A_1558 : vector<16xi32>
      %add3A_1560 = arith.addi %mul3A_1559, %gather3A_1544 : vector<16xi32>
      %swap3A_1561 = arith.constant 7 : i32
      %swap3A_1562 = arith.index_cast %swap3A_1561 : i32 to index
      %swap3A_1563 = arith.constant 64 : index
      %swap3A_1564 = tpu.vector_load %arg11[%swap3A_1562, %swap3A_1563] {strides = array<i32>} : memref<8x128xi32, #tpu.memory_space<vmem>>, vector<16xi32>,
      tpu.vector_store %arg11[%swap3A_1562, %swap3A_1563], %add3A_1560 {strides = array<i32>} : memref<8x128xi32, #tpu.memory_space<vmem>>, vector<16xi32>,
      %get3A_1565 = arith.constant 7 : i32
      %get3A_1566 = arith.index_cast %get3A_1565 : i32 to index
      %get3A_1567 = arith.constant 80 : index
      %get3A_1568 = tpu.vector_load %arg9[%get3A_1566, %get3A_1567] {strides = array<i32>} : memref<8x128xi32, #tpu.memory_space<vmem>>, vector<16xi32>,
      %gather3A_1569 = tpu.vector_load_idx %arg12[%get3A_1568] : memref<10112xi32, #tpu.memory_space<vmem>>[vector<16xi32>], vector<16xi32>,
      %get3A_1570 = arith.constant 7 : i32
      %get3A_1571 = arith.index_cast %get3A_1570 : i32 to index
      %get3A_1572 = arith.constant 80 : index
      %get3A_1573 = tpu.vector_load %arg10[%get3A_1571, %get3A_1572] {strides = array<i32>} : memref<8x128xi32, #tpu.memory_space<vmem>>, vector<16xi32>,
      %mul3A_1574 = arith.constant 10000 : i32
      %mul3A_1575 = vector.broadcast %mul3A_1574 : i32 to vector<16xi32>
      %mul3A_1576 = arith.muli %get3A_1573, %mul3A_1575 : vector<16xi32>
      %get3A_1577 = arith.constant 7 : i32
      %get3A_1578 = arith.index_cast %get3A_1577 : i32 to index
      %get3A_1579 = arith.constant 80 : index
      %get3A_1580 = tpu.vector_load %arg8[%get3A_1578, %get3A_1579] {strides = array<i32>} : memref<8x128xi32, #tpu.memory_space<vmem>>, vector<16xi32>,
      %add3A_1581 = arith.addi %mul3A_1576, %get3A_1580 : vector<16xi32>
      %mul3A_1582 = arith.constant 3 : i32
      %mul3A_1583 = vector.broadcast %mul3A_1582 : i32 to vector<16xi32>
      %mul3A_1584 = arith.muli %add3A_1581, %mul3A_1583 : vector<16xi32>
      %add3A_1585 = arith.addi %mul3A_1584, %gather3A_1569 : vector<16xi32>
      %swap3A_1586 = arith.constant 7 : i32
      %swap3A_1587 = arith.index_cast %swap3A_1586 : i32 to index
      %swap3A_1588 = arith.constant 80 : index
      %swap3A_1589 = tpu.vector_load %arg11[%swap3A_1587, %swap3A_1588] {strides = array<i32>} : memref<8x128xi32, #tpu.memory_space<vmem>>, vector<16xi32>,
      tpu.vector_store %arg11[%swap3A_1587, %swap3A_1588], %add3A_1585 {strides = array<i32>} : memref<8x128xi32, #tpu.memory_space<vmem>>, vector<16xi32>,
      %get3A_1590 = arith.constant 7 : i32
      %get3A_1591 = arith.index_cast %get3A_1590 : i32 to index
      %get3A_1592 = arith.constant 96 : index
      %get3A_1593 = tpu.vector_load %arg9[%get3A_1591, %get3A_1592] {strides = array<i32>} : memref<8x128xi32, #tpu.memory_space<vmem>>, vector<16xi32>,
      %gather3A_1594 = tpu.vector_load_idx %arg12[%get3A_1593] : memref<10112xi32, #tpu.memory_space<vmem>>[vector<16xi32>], vector<16xi32>,
      %get3A_1595 = arith.constant 7 : i32
      %get3A_1596 = arith.index_cast %get3A_1595 : i32 to index
      %get3A_1597 = arith.constant 96 : index
      %get3A_1598 = tpu.vector_load %arg10[%get3A_1596, %get3A_1597] {strides = array<i32>} : memref<8x128xi32, #tpu.memory_space<vmem>>, vector<16xi32>,
      %mul3A_1599 = arith.constant 10000 : i32
      %mul3A_1600 = vector.broadcast %mul3A_1599 : i32 to vector<16xi32>
      %mul3A_1601 = arith.muli %get3A_1598, %mul3A_1600 : vector<16xi32>
      %get3A_1602 = arith.constant 7 : i32
      %get3A_1603 = arith.index_cast %get3A_1602 : i32 to index
      %get3A_1604 = arith.constant 96 : index
      %get3A_1605 = tpu.vector_load %arg8[%get3A_1603, %get3A_1604] {strides = array<i32>} : memref<8x128xi32, #tpu.memory_space<vmem>>, vector<16xi32>,
      %add3A_1606 = arith.addi %mul3A_1601, %get3A_1605 : vector<16xi32>
      %mul3A_1607 = arith.constant 3 : i32
      %mul3A_1608 = vector.broadcast %mul3A_1607 : i32 to vector<16xi32>
      %mul3A_1609 = arith.muli %add3A_1606, %mul3A_1608 : vector<16xi32>
      %add3A_1610 = arith.addi %mul3A_1609, %gather3A_1594 : vector<16xi32>
      %swap3A_1611 = arith.constant 7 : i32
      %swap3A_1612 = arith.index_cast %swap3A_1611 : i32 to index
      %swap3A_1613 = arith.constant 96 : index
      %swap3A_1614 = tpu.vector_load %arg11[%swap3A_1612, %swap3A_1613] {strides = array<i32>} : memref<8x128xi32, #tpu.memory_space<vmem>>, vector<16xi32>,
      tpu.vector_store %arg11[%swap3A_1612, %swap3A_1613], %add3A_1610 {strides = array<i32>} : memref<8x128xi32, #tpu.memory_space<vmem>>, vector<16xi32>,
      %get3A_1615 = arith.constant 7 : i32
      %get3A_1616 = arith.index_cast %get3A_1615 : i32 to index
      %get3A_1617 = arith.constant 112 : index
      %get3A_1618 = tpu.vector_load %arg9[%get3A_1616, %get3A_1617] {strides = array<i32>} : memref<8x128xi32, #tpu.memory_space<vmem>>, vector<16xi32>,
      %gather3A_1619 = tpu.vector_load_idx %arg12[%get3A_1618] : memref<10112xi32, #tpu.memory_space<vmem>>[vector<16xi32>], vector<16xi32>,
      %get3A_1620 = arith.constant 7 : i32
      %get3A_1621 = arith.index_cast %get3A_1620 : i32 to index
      %get3A_1622 = arith.constant 112 : index
      %get3A_1623 = tpu.vector_load %arg10[%get3A_1621, %get3A_1622] {strides = array<i32>} : memref<8x128xi32, #tpu.memory_space<vmem>>, vector<16xi32>,
      %mul3A_1624 = arith.constant 10000 : i32
      %mul3A_1625 = vector.broadcast %mul3A_1624 : i32 to vector<16xi32>
      %mul3A_1626 = arith.muli %get3A_1623, %mul3A_1625 : vector<16xi32>
      %get3A_1627 = arith.constant 7 : i32
      %get3A_1628 = arith.index_cast %get3A_1627 : i32 to index
      %get3A_1629 = arith.constant 112 : index
      %get3A_1630 = tpu.vector_load %arg8[%get3A_1628, %get3A_1629] {strides = array<i32>} : memref<8x128xi32, #tpu.memory_space<vmem>>, vector<16xi32>,
      %add3A_1631 = arith.addi %mul3A_1626, %get3A_1630 : vector<16xi32>
      %mul3A_1632 = arith.constant 3 : i32
      %mul3A_1633 = vector.broadcast %mul3A_1632 : i32 to vector<16xi32>
      %mul3A_1634 = arith.muli %add3A_1631, %mul3A_1633 : vector<16xi32>
      %add3A_1635 = arith.addi %mul3A_1634, %gather3A_1619 : vector<16xi32>
      %swap3A_1636 = arith.constant 7 : i32
      %swap3A_1637 = arith.index_cast %swap3A_1636 : i32 to index
      %swap3A_1638 = arith.constant 112 : index
      %swap3A_1639 = tpu.vector_load %arg11[%swap3A_1637, %swap3A_1638] {strides = array<i32>} : memref<8x128xi32, #tpu.memory_space<vmem>>, vector<16xi32>,
      tpu.vector_store %arg11[%swap3A_1637, %swap3A_1638], %add3A_1635 {strides = array<i32>} : memref<8x128xi32, #tpu.memory_space<vmem>>, vector<16xi32>,
      %dma_start3A = arith.constant 0 : i32
      %dma_start3A_1640 = arith.constant 0 : i32
      %dma_start3A_1641 = tpu.memref_slice %arg11[%dma_start3A, %dma_start3A_1640] : memref<8x128xi32, #tpu.memory_space<vmem>> -> memref<1x128xi32, #tpu.memory_space<vmem>>
      %dma_start3A_1642 = tpu.memref_squeeze %dma_start3A_1641 : memref<1x128xi32, #tpu.memory_space<vmem>> -> memref<128xi32, #tpu.memory_space<vmem>>
      %dma_start3A_1643 = arith.constant 0 : i32
      %dma_start3A_1644 = arith.constant 0 : i32
      %dma_start3A_1645 = tpu.memref_slice %arg2[%dma_start3A_1643, %dma_start3A_1644] : memref<120000x128xf32, #tpu.memory_space<hbm>> -> memref<120000x128xf32, #tpu.memory_space<hbm>>
      tpu.enqueue_indirect_dma source(%dma_start3A_1645 : memref<120000x128xf32, #tpu.memory_space<hbm>>) target(%arg13 : memref<128x128xf32, #tpu.memory_space<vmem>>) offsets(%dma_start3A_1642 : memref<128xi32, #tpu.memory_space<vmem>>) semaphore(%arg15 : memref<!tpu.dma_semaphore, #tpu.memory_space<semaphore_mem>>)
      %dma_wait3A = arith.constant 0 : i32
      %dma_wait3A_1646 = arith.constant 0 : i32
      %dma_wait3A_1647 = tpu.memref_slice %arg11[%dma_wait3A, %dma_wait3A_1646] : memref<8x128xi32, #tpu.memory_space<vmem>> -> memref<1x128xi32, #tpu.memory_space<vmem>>
      %dma_wait3A_1648 = tpu.memref_squeeze %dma_wait3A_1647 : memref<1x128xi32, #tpu.memory_space<vmem>> -> memref<128xi32, #tpu.memory_space<vmem>>
      %dma_wait3A_1649 = arith.constant 0 : i32
      %dma_wait3A_1650 = arith.constant 0 : i32
      %dma_wait3A_1651 = tpu.memref_slice %arg2[%dma_wait3A_1649, %dma_wait3A_1650] : memref<120000x128xf32, #tpu.memory_space<hbm>> -> memref<120000x128xf32, #tpu.memory_space<hbm>>
      tpu.wait_indirect_dma semaphore(%arg15 : memref<!tpu.dma_semaphore, #tpu.memory_space<semaphore_mem>>) src(%dma_wait3A_1651 : memref<120000x128xf32, #tpu.memory_space<hbm>>) dst(%arg13 : memref<128x128xf32, #tpu.memory_space<vmem>>)
      %run_scoped3A = arith.constant 0 : i32
      "tpu.region"() ({
        %run_scoped3A_1757 = tpu.sem_alloc : memref<!tpu.dma_semaphore, #tpu.memory_space<semaphore_mem>>
        %dma_start3A_1758 = arith.constant 0 : i32
        %dma_start3A_1759 = tpu.memref_slice %arg9[%run_scoped3A, %dma_start3A_1758] : memref<8x128xi32, #tpu.memory_space<vmem>> -> memref<1x128xi32, #tpu.memory_space<vmem>>
        %dma_start3A_1760 = tpu.memref_squeeze %dma_start3A_1759 : memref<1x128xi32, #tpu.memory_space<vmem>> -> memref<128xi32, #tpu.memory_space<vmem>>
        %dma_start3A_1761 = arith.constant 0 : i32
        %dma_start3A_1762 = arith.constant 0 : i32
        %dma_start3A_1763 = tpu.memref_slice %arg14[%dma_start3A_1761, %dma_start3A_1762] : memref<10112x128xf32, #tpu.memory_space<vmem_shared>> -> memref<10112x128xf32, #tpu.memory_space<vmem_shared>>
        tpu.enqueue_indirect_dma source(%arg13 : memref<128x128xf32, #tpu.memory_space<vmem>>) target(%dma_start3A_1763 : memref<10112x128xf32, #tpu.memory_space<vmem_shared>>) offsets(%dma_start3A_1760 : memref<128xi32, #tpu.memory_space<vmem>>) semaphore(%run_scoped3A_1757 : memref<!tpu.dma_semaphore, #tpu.memory_space<semaphore_mem>>) {add = true}
        %dma_wait3A_1764 = arith.constant 0 : i32
        %dma_wait3A_1765 = tpu.memref_slice %arg9[%run_scoped3A, %dma_wait3A_1764] : memref<8x128xi32, #tpu.memory_space<vmem>> -> memref<1x128xi32, #tpu.memory_space<vmem>>
        %dma_wait3A_1766 = tpu.memref_squeeze %dma_wait3A_1765 : memref<1x128xi32, #tpu.memory_space<vmem>> -> memref<128xi32, #tpu.memory_space<vmem>>
        %dma_wait3A_1767 = arith.constant 0 : i32
        %dma_wait3A_1768 = arith.constant 0 : i32
        %dma_wait3A_1769 = tpu.memref_slice %arg14[%dma_wait3A_1767, %dma_wait3A_1768] : memref<10112x128xf32, #tpu.memory_space<vmem_shared>> -> memref<10112x128xf32, #tpu.memory_space<vmem_shared>>
        tpu.wait_indirect_dma semaphore(%run_scoped3A_1757 : memref<!tpu.dma_semaphore, #tpu.memory_space<semaphore_mem>>) src(%arg13 : memref<128x128xf32, #tpu.memory_space<vmem>>) dst(%dma_wait3A_1769 : memref<10112x128xf32, #tpu.memory_space<vmem_shared>>)
        tpu.yield
      }) : () -> ()
      %dma_start3A_1652 = arith.constant 1 : i32
      %dma_start3A_1653 = arith.constant 0 : i32
      %dma_start3A_1654 = tpu.memref_slice %arg11[%dma_start3A_1652, %dma_start3A_1653] : memref<8x128xi32, #tpu.memory_space<vmem>> -> memref<1x128xi32, #tpu.memory_space<vmem>>
      %dma_start3A_1655 = tpu.memref_squeeze %dma_start3A_1654 : memref<1x128xi32, #tpu.memory_space<vmem>> -> memref<128xi32, #tpu.memory_space<vmem>>
      %dma_start3A_1656 = arith.constant 0 : i32
      %dma_start3A_1657 = arith.constant 0 : i32
      %dma_start3A_1658 = tpu.memref_slice %arg2[%dma_start3A_1656, %dma_start3A_1657] : memref<120000x128xf32, #tpu.memory_space<hbm>> -> memref<120000x128xf32, #tpu.memory_space<hbm>>
      tpu.enqueue_indirect_dma source(%dma_start3A_1658 : memref<120000x128xf32, #tpu.memory_space<hbm>>) target(%arg13 : memref<128x128xf32, #tpu.memory_space<vmem>>) offsets(%dma_start3A_1655 : memref<128xi32, #tpu.memory_space<vmem>>) semaphore(%arg15 : memref<!tpu.dma_semaphore, #tpu.memory_space<semaphore_mem>>)
      %dma_wait3A_1659 = arith.constant 1 : i32
      %dma_wait3A_1660 = arith.constant 0 : i32
      %dma_wait3A_1661 = tpu.memref_slice %arg11[%dma_wait3A_1659, %dma_wait3A_1660] : memref<8x128xi32, #tpu.memory_space<vmem>> -> memref<1x128xi32, #tpu.memory_space<vmem>>
      %dma_wait3A_1662 = tpu.memref_squeeze %dma_wait3A_1661 : memref<1x128xi32, #tpu.memory_space<vmem>> -> memref<128xi32, #tpu.memory_space<vmem>>
      %dma_wait3A_1663 = arith.constant 0 : i32
      %dma_wait3A_1664 = arith.constant 0 : i32
      %dma_wait3A_1665 = tpu.memref_slice %arg2[%dma_wait3A_1663, %dma_wait3A_1664] : memref<120000x128xf32, #tpu.memory_space<hbm>> -> memref<120000x128xf32, #tpu.memory_space<hbm>>
      tpu.wait_indirect_dma semaphore(%arg15 : memref<!tpu.dma_semaphore, #tpu.memory_space<semaphore_mem>>) src(%dma_wait3A_1665 : memref<120000x128xf32, #tpu.memory_space<hbm>>) dst(%arg13 : memref<128x128xf32, #tpu.memory_space<vmem>>)
      %run_scoped3A_1666 = arith.constant 1 : i32
      "tpu.region"() ({
        %run_scoped3A_1757 = tpu.sem_alloc : memref<!tpu.dma_semaphore, #tpu.memory_space<semaphore_mem>>
        %dma_start3A_1758 = arith.constant 0 : i32
        %dma_start3A_1759 = tpu.memref_slice %arg9[%run_scoped3A_1666, %dma_start3A_1758] : memref<8x128xi32, #tpu.memory_space<vmem>> -> memref<1x128xi32, #tpu.memory_space<vmem>>
        %dma_start3A_1760 = tpu.memref_squeeze %dma_start3A_1759 : memref<1x128xi32, #tpu.memory_space<vmem>> -> memref<128xi32, #tpu.memory_space<vmem>>
        %dma_start3A_1761 = arith.constant 0 : i32
        %dma_start3A_1762 = arith.constant 0 : i32
        %dma_start3A_1763 = tpu.memref_slice %arg14[%dma_start3A_1761, %dma_start3A_1762] : memref<10112x128xf32, #tpu.memory_space<vmem_shared>> -> memref<10112x128xf32, #tpu.memory_space<vmem_shared>>
        tpu.enqueue_indirect_dma source(%arg13 : memref<128x128xf32, #tpu.memory_space<vmem>>) target(%dma_start3A_1763 : memref<10112x128xf32, #tpu.memory_space<vmem_shared>>) offsets(%dma_start3A_1760 : memref<128xi32, #tpu.memory_space<vmem>>) semaphore(%run_scoped3A_1757 : memref<!tpu.dma_semaphore, #tpu.memory_space<semaphore_mem>>) {add = true}
        %dma_wait3A_1764 = arith.constant 0 : i32
        %dma_wait3A_1765 = tpu.memref_slice %arg9[%run_scoped3A_1666, %dma_wait3A_1764] : memref<8x128xi32, #tpu.memory_space<vmem>> -> memref<1x128xi32, #tpu.memory_space<vmem>>
        %dma_wait3A_1766 = tpu.memref_squeeze %dma_wait3A_1765 : memref<1x128xi32, #tpu.memory_space<vmem>> -> memref<128xi32, #tpu.memory_space<vmem>>
        %dma_wait3A_1767 = arith.constant 0 : i32
        %dma_wait3A_1768 = arith.constant 0 : i32
        %dma_wait3A_1769 = tpu.memref_slice %arg14[%dma_wait3A_1767, %dma_wait3A_1768] : memref<10112x128xf32, #tpu.memory_space<vmem_shared>> -> memref<10112x128xf32, #tpu.memory_space<vmem_shared>>
        tpu.wait_indirect_dma semaphore(%run_scoped3A_1757 : memref<!tpu.dma_semaphore, #tpu.memory_space<semaphore_mem>>) src(%arg13 : memref<128x128xf32, #tpu.memory_space<vmem>>) dst(%dma_wait3A_1769 : memref<10112x128xf32, #tpu.memory_space<vmem_shared>>)
        tpu.yield
      }) : () -> ()
      %dma_start3A_1667 = arith.constant 2 : i32
      %dma_start3A_1668 = arith.constant 0 : i32
      %dma_start3A_1669 = tpu.memref_slice %arg11[%dma_start3A_1667, %dma_start3A_1668] : memref<8x128xi32, #tpu.memory_space<vmem>> -> memref<1x128xi32, #tpu.memory_space<vmem>>
      %dma_start3A_1670 = tpu.memref_squeeze %dma_start3A_1669 : memref<1x128xi32, #tpu.memory_space<vmem>> -> memref<128xi32, #tpu.memory_space<vmem>>
      %dma_start3A_1671 = arith.constant 0 : i32
      %dma_start3A_1672 = arith.constant 0 : i32
      %dma_start3A_1673 = tpu.memref_slice %arg2[%dma_start3A_1671, %dma_start3A_1672] : memref<120000x128xf32, #tpu.memory_space<hbm>> -> memref<120000x128xf32, #tpu.memory_space<hbm>>
      tpu.enqueue_indirect_dma source(%dma_start3A_1673 : memref<120000x128xf32, #tpu.memory_space<hbm>>) target(%arg13 : memref<128x128xf32, #tpu.memory_space<vmem>>) offsets(%dma_start3A_1670 : memref<128xi32, #tpu.memory_space<vmem>>) semaphore(%arg15 : memref<!tpu.dma_semaphore, #tpu.memory_space<semaphore_mem>>)
      %dma_wait3A_1674 = arith.constant 2 : i32
      %dma_wait3A_1675 = arith.constant 0 : i32
      %dma_wait3A_1676 = tpu.memref_slice %arg11[%dma_wait3A_1674, %dma_wait3A_1675] : memref<8x128xi32, #tpu.memory_space<vmem>> -> memref<1x128xi32, #tpu.memory_space<vmem>>
      %dma_wait3A_1677 = tpu.memref_squeeze %dma_wait3A_1676 : memref<1x128xi32, #tpu.memory_space<vmem>> -> memref<128xi32, #tpu.memory_space<vmem>>
      %dma_wait3A_1678 = arith.constant 0 : i32
      %dma_wait3A_1679 = arith.constant 0 : i32
      %dma_wait3A_1680 = tpu.memref_slice %arg2[%dma_wait3A_1678, %dma_wait3A_1679] : memref<120000x128xf32, #tpu.memory_space<hbm>> -> memref<120000x128xf32, #tpu.memory_space<hbm>>
      tpu.wait_indirect_dma semaphore(%arg15 : memref<!tpu.dma_semaphore, #tpu.memory_space<semaphore_mem>>) src(%dma_wait3A_1680 : memref<120000x128xf32, #tpu.memory_space<hbm>>) dst(%arg13 : memref<128x128xf32, #tpu.memory_space<vmem>>)
      %run_scoped3A_1681 = arith.constant 2 : i32
      "tpu.region"() ({
        %run_scoped3A_1757 = tpu.sem_alloc : memref<!tpu.dma_semaphore, #tpu.memory_space<semaphore_mem>>
        %dma_start3A_1758 = arith.constant 0 : i32
        %dma_start3A_1759 = tpu.memref_slice %arg9[%run_scoped3A_1681, %dma_start3A_1758] : memref<8x128xi32, #tpu.memory_space<vmem>> -> memref<1x128xi32, #tpu.memory_space<vmem>>
        %dma_start3A_1760 = tpu.memref_squeeze %dma_start3A_1759 : memref<1x128xi32, #tpu.memory_space<vmem>> -> memref<128xi32, #tpu.memory_space<vmem>>
        %dma_start3A_1761 = arith.constant 0 : i32
        %dma_start3A_1762 = arith.constant 0 : i32
        %dma_start3A_1763 = tpu.memref_slice %arg14[%dma_start3A_1761, %dma_start3A_1762] : memref<10112x128xf32, #tpu.memory_space<vmem_shared>> -> memref<10112x128xf32, #tpu.memory_space<vmem_shared>>
        tpu.enqueue_indirect_dma source(%arg13 : memref<128x128xf32, #tpu.memory_space<vmem>>) target(%dma_start3A_1763 : memref<10112x128xf32, #tpu.memory_space<vmem_shared>>) offsets(%dma_start3A_1760 : memref<128xi32, #tpu.memory_space<vmem>>) semaphore(%run_scoped3A_1757 : memref<!tpu.dma_semaphore, #tpu.memory_space<semaphore_mem>>) {add = true}
        %dma_wait3A_1764 = arith.constant 0 : i32
        %dma_wait3A_1765 = tpu.memref_slice %arg9[%run_scoped3A_1681, %dma_wait3A_1764] : memref<8x128xi32, #tpu.memory_space<vmem>> -> memref<1x128xi32, #tpu.memory_space<vmem>>
        %dma_wait3A_1766 = tpu.memref_squeeze %dma_wait3A_1765 : memref<1x128xi32, #tpu.memory_space<vmem>> -> memref<128xi32, #tpu.memory_space<vmem>>
        %dma_wait3A_1767 = arith.constant 0 : i32
        %dma_wait3A_1768 = arith.constant 0 : i32
        %dma_wait3A_1769 = tpu.memref_slice %arg14[%dma_wait3A_1767, %dma_wait3A_1768] : memref<10112x128xf32, #tpu.memory_space<vmem_shared>> -> memref<10112x128xf32, #tpu.memory_space<vmem_shared>>
        tpu.wait_indirect_dma semaphore(%run_scoped3A_1757 : memref<!tpu.dma_semaphore, #tpu.memory_space<semaphore_mem>>) src(%arg13 : memref<128x128xf32, #tpu.memory_space<vmem>>) dst(%dma_wait3A_1769 : memref<10112x128xf32, #tpu.memory_space<vmem_shared>>)
        tpu.yield
      }) : () -> ()
      %dma_start3A_1682 = arith.constant 3 : i32
      %dma_start3A_1683 = arith.constant 0 : i32
      %dma_start3A_1684 = tpu.memref_slice %arg11[%dma_start3A_1682, %dma_start3A_1683] : memref<8x128xi32, #tpu.memory_space<vmem>> -> memref<1x128xi32, #tpu.memory_space<vmem>>
      %dma_start3A_1685 = tpu.memref_squeeze %dma_start3A_1684 : memref<1x128xi32, #tpu.memory_space<vmem>> -> memref<128xi32, #tpu.memory_space<vmem>>
      %dma_start3A_1686 = arith.constant 0 : i32
      %dma_start3A_1687 = arith.constant 0 : i32
      %dma_start3A_1688 = tpu.memref_slice %arg2[%dma_start3A_1686, %dma_start3A_1687] : memref<120000x128xf32, #tpu.memory_space<hbm>> -> memref<120000x128xf32, #tpu.memory_space<hbm>>
      tpu.enqueue_indirect_dma source(%dma_start3A_1688 : memref<120000x128xf32, #tpu.memory_space<hbm>>) target(%arg13 : memref<128x128xf32, #tpu.memory_space<vmem>>) offsets(%dma_start3A_1685 : memref<128xi32, #tpu.memory_space<vmem>>) semaphore(%arg15 : memref<!tpu.dma_semaphore, #tpu.memory_space<semaphore_mem>>)
      %dma_wait3A_1689 = arith.constant 3 : i32
      %dma_wait3A_1690 = arith.constant 0 : i32
      %dma_wait3A_1691 = tpu.memref_slice %arg11[%dma_wait3A_1689, %dma_wait3A_1690] : memref<8x128xi32, #tpu.memory_space<vmem>> -> memref<1x128xi32, #tpu.memory_space<vmem>>
      %dma_wait3A_1692 = tpu.memref_squeeze %dma_wait3A_1691 : memref<1x128xi32, #tpu.memory_space<vmem>> -> memref<128xi32, #tpu.memory_space<vmem>>
      %dma_wait3A_1693 = arith.constant 0 : i32
      %dma_wait3A_1694 = arith.constant 0 : i32
      %dma_wait3A_1695 = tpu.memref_slice %arg2[%dma_wait3A_1693, %dma_wait3A_1694] : memref<120000x128xf32, #tpu.memory_space<hbm>> -> memref<120000x128xf32, #tpu.memory_space<hbm>>
      tpu.wait_indirect_dma semaphore(%arg15 : memref<!tpu.dma_semaphore, #tpu.memory_space<semaphore_mem>>) src(%dma_wait3A_1695 : memref<120000x128xf32, #tpu.memory_space<hbm>>) dst(%arg13 : memref<128x128xf32, #tpu.memory_space<vmem>>)
      %run_scoped3A_1696 = arith.constant 3 : i32
      "tpu.region"() ({
        %run_scoped3A_1757 = tpu.sem_alloc : memref<!tpu.dma_semaphore, #tpu.memory_space<semaphore_mem>>
        %dma_start3A_1758 = arith.constant 0 : i32
        %dma_start3A_1759 = tpu.memref_slice %arg9[%run_scoped3A_1696, %dma_start3A_1758] : memref<8x128xi32, #tpu.memory_space<vmem>> -> memref<1x128xi32, #tpu.memory_space<vmem>>
        %dma_start3A_1760 = tpu.memref_squeeze %dma_start3A_1759 : memref<1x128xi32, #tpu.memory_space<vmem>> -> memref<128xi32, #tpu.memory_space<vmem>>
        %dma_start3A_1761 = arith.constant 0 : i32
        %dma_start3A_1762 = arith.constant 0 : i32
        %dma_start3A_1763 = tpu.memref_slice %arg14[%dma_start3A_1761, %dma_start3A_1762] : memref<10112x128xf32, #tpu.memory_space<vmem_shared>> -> memref<10112x128xf32, #tpu.memory_space<vmem_shared>>
        tpu.enqueue_indirect_dma source(%arg13 : memref<128x128xf32, #tpu.memory_space<vmem>>) target(%dma_start3A_1763 : memref<10112x128xf32, #tpu.memory_space<vmem_shared>>) offsets(%dma_start3A_1760 : memref<128xi32, #tpu.memory_space<vmem>>) semaphore(%run_scoped3A_1757 : memref<!tpu.dma_semaphore, #tpu.memory_space<semaphore_mem>>) {add = true}
        %dma_wait3A_1764 = arith.constant 0 : i32
        %dma_wait3A_1765 = tpu.memref_slice %arg9[%run_scoped3A_1696, %dma_wait3A_1764] : memref<8x128xi32, #tpu.memory_space<vmem>> -> memref<1x128xi32, #tpu.memory_space<vmem>>
        %dma_wait3A_1766 = tpu.memref_squeeze %dma_wait3A_1765 : memref<1x128xi32, #tpu.memory_space<vmem>> -> memref<128xi32, #tpu.memory_space<vmem>>
        %dma_wait3A_1767 = arith.constant 0 : i32
        %dma_wait3A_1768 = arith.constant 0 : i32
        %dma_wait3A_1769 = tpu.memref_slice %arg14[%dma_wait3A_1767, %dma_wait3A_1768] : memref<10112x128xf32, #tpu.memory_space<vmem_shared>> -> memref<10112x128xf32, #tpu.memory_space<vmem_shared>>
        tpu.wait_indirect_dma semaphore(%run_scoped3A_1757 : memref<!tpu.dma_semaphore, #tpu.memory_space<semaphore_mem>>) src(%arg13 : memref<128x128xf32, #tpu.memory_space<vmem>>) dst(%dma_wait3A_1769 : memref<10112x128xf32, #tpu.memory_space<vmem_shared>>)
        tpu.yield
      }) : () -> ()
      %dma_start3A_1697 = arith.constant 4 : i32
      %dma_start3A_1698 = arith.constant 0 : i32
      %dma_start3A_1699 = tpu.memref_slice %arg11[%dma_start3A_1697, %dma_start3A_1698] : memref<8x128xi32, #tpu.memory_space<vmem>> -> memref<1x128xi32, #tpu.memory_space<vmem>>
      %dma_start3A_1700 = tpu.memref_squeeze %dma_start3A_1699 : memref<1x128xi32, #tpu.memory_space<vmem>> -> memref<128xi32, #tpu.memory_space<vmem>>
      %dma_start3A_1701 = arith.constant 0 : i32
      %dma_start3A_1702 = arith.constant 0 : i32
      %dma_start3A_1703 = tpu.memref_slice %arg2[%dma_start3A_1701, %dma_start3A_1702] : memref<120000x128xf32, #tpu.memory_space<hbm>> -> memref<120000x128xf32, #tpu.memory_space<hbm>>
      tpu.enqueue_indirect_dma source(%dma_start3A_1703 : memref<120000x128xf32, #tpu.memory_space<hbm>>) target(%arg13 : memref<128x128xf32, #tpu.memory_space<vmem>>) offsets(%dma_start3A_1700 : memref<128xi32, #tpu.memory_space<vmem>>) semaphore(%arg15 : memref<!tpu.dma_semaphore, #tpu.memory_space<semaphore_mem>>)
      %dma_wait3A_1704 = arith.constant 4 : i32
      %dma_wait3A_1705 = arith.constant 0 : i32
      %dma_wait3A_1706 = tpu.memref_slice %arg11[%dma_wait3A_1704, %dma_wait3A_1705] : memref<8x128xi32, #tpu.memory_space<vmem>> -> memref<1x128xi32, #tpu.memory_space<vmem>>
      %dma_wait3A_1707 = tpu.memref_squeeze %dma_wait3A_1706 : memref<1x128xi32, #tpu.memory_space<vmem>> -> memref<128xi32, #tpu.memory_space<vmem>>
      %dma_wait3A_1708 = arith.constant 0 : i32
      %dma_wait3A_1709 = arith.constant 0 : i32
      %dma_wait3A_1710 = tpu.memref_slice %arg2[%dma_wait3A_1708, %dma_wait3A_1709] : memref<120000x128xf32, #tpu.memory_space<hbm>> -> memref<120000x128xf32, #tpu.memory_space<hbm>>
      tpu.wait_indirect_dma semaphore(%arg15 : memref<!tpu.dma_semaphore, #tpu.memory_space<semaphore_mem>>) src(%dma_wait3A_1710 : memref<120000x128xf32, #tpu.memory_space<hbm>>) dst(%arg13 : memref<128x128xf32, #tpu.memory_space<vmem>>)
      %run_scoped3A_1711 = arith.constant 4 : i32
      "tpu.region"() ({
        %run_scoped3A_1757 = tpu.sem_alloc : memref<!tpu.dma_semaphore, #tpu.memory_space<semaphore_mem>>
        %dma_start3A_1758 = arith.constant 0 : i32
        %dma_start3A_1759 = tpu.memref_slice %arg9[%run_scoped3A_1711, %dma_start3A_1758] : memref<8x128xi32, #tpu.memory_space<vmem>> -> memref<1x128xi32, #tpu.memory_space<vmem>>
        %dma_start3A_1760 = tpu.memref_squeeze %dma_start3A_1759 : memref<1x128xi32, #tpu.memory_space<vmem>> -> memref<128xi32, #tpu.memory_space<vmem>>
        %dma_start3A_1761 = arith.constant 0 : i32
        %dma_start3A_1762 = arith.constant 0 : i32
        %dma_start3A_1763 = tpu.memref_slice %arg14[%dma_start3A_1761, %dma_start3A_1762] : memref<10112x128xf32, #tpu.memory_space<vmem_shared>> -> memref<10112x128xf32, #tpu.memory_space<vmem_shared>>
        tpu.enqueue_indirect_dma source(%arg13 : memref<128x128xf32, #tpu.memory_space<vmem>>) target(%dma_start3A_1763 : memref<10112x128xf32, #tpu.memory_space<vmem_shared>>) offsets(%dma_start3A_1760 : memref<128xi32, #tpu.memory_space<vmem>>) semaphore(%run_scoped3A_1757 : memref<!tpu.dma_semaphore, #tpu.memory_space<semaphore_mem>>) {add = true}
        %dma_wait3A_1764 = arith.constant 0 : i32
        %dma_wait3A_1765 = tpu.memref_slice %arg9[%run_scoped3A_1711, %dma_wait3A_1764] : memref<8x128xi32, #tpu.memory_space<vmem>> -> memref<1x128xi32, #tpu.memory_space<vmem>>
        %dma_wait3A_1766 = tpu.memref_squeeze %dma_wait3A_1765 : memref<1x128xi32, #tpu.memory_space<vmem>> -> memref<128xi32, #tpu.memory_space<vmem>>
        %dma_wait3A_1767 = arith.constant 0 : i32
        %dma_wait3A_1768 = arith.constant 0 : i32
        %dma_wait3A_1769 = tpu.memref_slice %arg14[%dma_wait3A_1767, %dma_wait3A_1768] : memref<10112x128xf32, #tpu.memory_space<vmem_shared>> -> memref<10112x128xf32, #tpu.memory_space<vmem_shared>>
        tpu.wait_indirect_dma semaphore(%run_scoped3A_1757 : memref<!tpu.dma_semaphore, #tpu.memory_space<semaphore_mem>>) src(%arg13 : memref<128x128xf32, #tpu.memory_space<vmem>>) dst(%dma_wait3A_1769 : memref<10112x128xf32, #tpu.memory_space<vmem_shared>>)
        tpu.yield
      }) : () -> ()
      %dma_start3A_1712 = arith.constant 5 : i32
      %dma_start3A_1713 = arith.constant 0 : i32
      %dma_start3A_1714 = tpu.memref_slice %arg11[%dma_start3A_1712, %dma_start3A_1713] : memref<8x128xi32, #tpu.memory_space<vmem>> -> memref<1x128xi32, #tpu.memory_space<vmem>>
      %dma_start3A_1715 = tpu.memref_squeeze %dma_start3A_1714 : memref<1x128xi32, #tpu.memory_space<vmem>> -> memref<128xi32, #tpu.memory_space<vmem>>
      %dma_start3A_1716 = arith.constant 0 : i32
      %dma_start3A_1717 = arith.constant 0 : i32
      %dma_start3A_1718 = tpu.memref_slice %arg2[%dma_start3A_1716, %dma_start3A_1717] : memref<120000x128xf32, #tpu.memory_space<hbm>> -> memref<120000x128xf32, #tpu.memory_space<hbm>>
      tpu.enqueue_indirect_dma source(%dma_start3A_1718 : memref<120000x128xf32, #tpu.memory_space<hbm>>) target(%arg13 : memref<128x128xf32, #tpu.memory_space<vmem>>) offsets(%dma_start3A_1715 : memref<128xi32, #tpu.memory_space<vmem>>) semaphore(%arg15 : memref<!tpu.dma_semaphore, #tpu.memory_space<semaphore_mem>>)
      %dma_wait3A_1719 = arith.constant 5 : i32
      %dma_wait3A_1720 = arith.constant 0 : i32
      %dma_wait3A_1721 = tpu.memref_slice %arg11[%dma_wait3A_1719, %dma_wait3A_1720] : memref<8x128xi32, #tpu.memory_space<vmem>> -> memref<1x128xi32, #tpu.memory_space<vmem>>
      %dma_wait3A_1722 = tpu.memref_squeeze %dma_wait3A_1721 : memref<1x128xi32, #tpu.memory_space<vmem>> -> memref<128xi32, #tpu.memory_space<vmem>>
      %dma_wait3A_1723 = arith.constant 0 : i32
      %dma_wait3A_1724 = arith.constant 0 : i32
      %dma_wait3A_1725 = tpu.memref_slice %arg2[%dma_wait3A_1723, %dma_wait3A_1724] : memref<120000x128xf32, #tpu.memory_space<hbm>> -> memref<120000x128xf32, #tpu.memory_space<hbm>>
      tpu.wait_indirect_dma semaphore(%arg15 : memref<!tpu.dma_semaphore, #tpu.memory_space<semaphore_mem>>) src(%dma_wait3A_1725 : memref<120000x128xf32, #tpu.memory_space<hbm>>) dst(%arg13 : memref<128x128xf32, #tpu.memory_space<vmem>>)
      %run_scoped3A_1726 = arith.constant 5 : i32
      "tpu.region"() ({
        %run_scoped3A_1757 = tpu.sem_alloc : memref<!tpu.dma_semaphore, #tpu.memory_space<semaphore_mem>>
        %dma_start3A_1758 = arith.constant 0 : i32
        %dma_start3A_1759 = tpu.memref_slice %arg9[%run_scoped3A_1726, %dma_start3A_1758] : memref<8x128xi32, #tpu.memory_space<vmem>> -> memref<1x128xi32, #tpu.memory_space<vmem>>
        %dma_start3A_1760 = tpu.memref_squeeze %dma_start3A_1759 : memref<1x128xi32, #tpu.memory_space<vmem>> -> memref<128xi32, #tpu.memory_space<vmem>>
        %dma_start3A_1761 = arith.constant 0 : i32
        %dma_start3A_1762 = arith.constant 0 : i32
        %dma_start3A_1763 = tpu.memref_slice %arg14[%dma_start3A_1761, %dma_start3A_1762] : memref<10112x128xf32, #tpu.memory_space<vmem_shared>> -> memref<10112x128xf32, #tpu.memory_space<vmem_shared>>
        tpu.enqueue_indirect_dma source(%arg13 : memref<128x128xf32, #tpu.memory_space<vmem>>) target(%dma_start3A_1763 : memref<10112x128xf32, #tpu.memory_space<vmem_shared>>) offsets(%dma_start3A_1760 : memref<128xi32, #tpu.memory_space<vmem>>) semaphore(%run_scoped3A_1757 : memref<!tpu.dma_semaphore, #tpu.memory_space<semaphore_mem>>) {add = true}
        %dma_wait3A_1764 = arith.constant 0 : i32
        %dma_wait3A_1765 = tpu.memref_slice %arg9[%run_scoped3A_1726, %dma_wait3A_1764] : memref<8x128xi32, #tpu.memory_space<vmem>> -> memref<1x128xi32, #tpu.memory_space<vmem>>
        %dma_wait3A_1766 = tpu.memref_squeeze %dma_wait3A_1765 : memref<1x128xi32, #tpu.memory_space<vmem>> -> memref<128xi32, #tpu.memory_space<vmem>>
        %dma_wait3A_1767 = arith.constant 0 : i32
        %dma_wait3A_1768 = arith.constant 0 : i32
        %dma_wait3A_1769 = tpu.memref_slice %arg14[%dma_wait3A_1767, %dma_wait3A_1768] : memref<10112x128xf32, #tpu.memory_space<vmem_shared>> -> memref<10112x128xf32, #tpu.memory_space<vmem_shared>>
        tpu.wait_indirect_dma semaphore(%run_scoped3A_1757 : memref<!tpu.dma_semaphore, #tpu.memory_space<semaphore_mem>>) src(%arg13 : memref<128x128xf32, #tpu.memory_space<vmem>>) dst(%dma_wait3A_1769 : memref<10112x128xf32, #tpu.memory_space<vmem_shared>>)
        tpu.yield
      }) : () -> ()
      %dma_start3A_1727 = arith.constant 6 : i32
      %dma_start3A_1728 = arith.constant 0 : i32
      %dma_start3A_1729 = tpu.memref_slice %arg11[%dma_start3A_1727, %dma_start3A_1728] : memref<8x128xi32, #tpu.memory_space<vmem>> -> memref<1x128xi32, #tpu.memory_space<vmem>>
      %dma_start3A_1730 = tpu.memref_squeeze %dma_start3A_1729 : memref<1x128xi32, #tpu.memory_space<vmem>> -> memref<128xi32, #tpu.memory_space<vmem>>
      %dma_start3A_1731 = arith.constant 0 : i32
      %dma_start3A_1732 = arith.constant 0 : i32
      %dma_start3A_1733 = tpu.memref_slice %arg2[%dma_start3A_1731, %dma_start3A_1732] : memref<120000x128xf32, #tpu.memory_space<hbm>> -> memref<120000x128xf32, #tpu.memory_space<hbm>>
      tpu.enqueue_indirect_dma source(%dma_start3A_1733 : memref<120000x128xf32, #tpu.memory_space<hbm>>) target(%arg13 : memref<128x128xf32, #tpu.memory_space<vmem>>) offsets(%dma_start3A_1730 : memref<128xi32, #tpu.memory_space<vmem>>) semaphore(%arg15 : memref<!tpu.dma_semaphore, #tpu.memory_space<semaphore_mem>>)
      %dma_wait3A_1734 = arith.constant 6 : i32
      %dma_wait3A_1735 = arith.constant 0 : i32
      %dma_wait3A_1736 = tpu.memref_slice %arg11[%dma_wait3A_1734, %dma_wait3A_1735] : memref<8x128xi32, #tpu.memory_space<vmem>> -> memref<1x128xi32, #tpu.memory_space<vmem>>
      %dma_wait3A_1737 = tpu.memref_squeeze %dma_wait3A_1736 : memref<1x128xi32, #tpu.memory_space<vmem>> -> memref<128xi32, #tpu.memory_space<vmem>>
      %dma_wait3A_1738 = arith.constant 0 : i32
      %dma_wait3A_1739 = arith.constant 0 : i32
      %dma_wait3A_1740 = tpu.memref_slice %arg2[%dma_wait3A_1738, %dma_wait3A_1739] : memref<120000x128xf32, #tpu.memory_space<hbm>> -> memref<120000x128xf32, #tpu.memory_space<hbm>>
      tpu.wait_indirect_dma semaphore(%arg15 : memref<!tpu.dma_semaphore, #tpu.memory_space<semaphore_mem>>) src(%dma_wait3A_1740 : memref<120000x128xf32, #tpu.memory_space<hbm>>) dst(%arg13 : memref<128x128xf32, #tpu.memory_space<vmem>>)
      %run_scoped3A_1741 = arith.constant 6 : i32
      "tpu.region"() ({
        %run_scoped3A_1757 = tpu.sem_alloc : memref<!tpu.dma_semaphore, #tpu.memory_space<semaphore_mem>>
        %dma_start3A_1758 = arith.constant 0 : i32
        %dma_start3A_1759 = tpu.memref_slice %arg9[%run_scoped3A_1741, %dma_start3A_1758] : memref<8x128xi32, #tpu.memory_space<vmem>> -> memref<1x128xi32, #tpu.memory_space<vmem>>
        %dma_start3A_1760 = tpu.memref_squeeze %dma_start3A_1759 : memref<1x128xi32, #tpu.memory_space<vmem>> -> memref<128xi32, #tpu.memory_space<vmem>>
        %dma_start3A_1761 = arith.constant 0 : i32
        %dma_start3A_1762 = arith.constant 0 : i32
        %dma_start3A_1763 = tpu.memref_slice %arg14[%dma_start3A_1761, %dma_start3A_1762] : memref<10112x128xf32, #tpu.memory_space<vmem_shared>> -> memref<10112x128xf32, #tpu.memory_space<vmem_shared>>
        tpu.enqueue_indirect_dma source(%arg13 : memref<128x128xf32, #tpu.memory_space<vmem>>) target(%dma_start3A_1763 : memref<10112x128xf32, #tpu.memory_space<vmem_shared>>) offsets(%dma_start3A_1760 : memref<128xi32, #tpu.memory_space<vmem>>) semaphore(%run_scoped3A_1757 : memref<!tpu.dma_semaphore, #tpu.memory_space<semaphore_mem>>) {add = true}
        %dma_wait3A_1764 = arith.constant 0 : i32
        %dma_wait3A_1765 = tpu.memref_slice %arg9[%run_scoped3A_1741, %dma_wait3A_1764] : memref<8x128xi32, #tpu.memory_space<vmem>> -> memref<1x128xi32, #tpu.memory_space<vmem>>
        %dma_wait3A_1766 = tpu.memref_squeeze %dma_wait3A_1765 : memref<1x128xi32, #tpu.memory_space<vmem>> -> memref<128xi32, #tpu.memory_space<vmem>>
        %dma_wait3A_1767 = arith.constant 0 : i32
        %dma_wait3A_1768 = arith.constant 0 : i32
        %dma_wait3A_1769 = tpu.memref_slice %arg14[%dma_wait3A_1767, %dma_wait3A_1768] : memref<10112x128xf32, #tpu.memory_space<vmem_shared>> -> memref<10112x128xf32, #tpu.memory_space<vmem_shared>>
        tpu.wait_indirect_dma semaphore(%run_scoped3A_1757 : memref<!tpu.dma_semaphore, #tpu.memory_space<semaphore_mem>>) src(%arg13 : memref<128x128xf32, #tpu.memory_space<vmem>>) dst(%dma_wait3A_1769 : memref<10112x128xf32, #tpu.memory_space<vmem_shared>>)
        tpu.yield
      }) : () -> ()
      %dma_start3A_1742 = arith.constant 7 : i32
      %dma_start3A_1743 = arith.constant 0 : i32
      %dma_start3A_1744 = tpu.memref_slice %arg11[%dma_start3A_1742, %dma_start3A_1743] : memref<8x128xi32, #tpu.memory_space<vmem>> -> memref<1x128xi32, #tpu.memory_space<vmem>>
      %dma_start3A_1745 = tpu.memref_squeeze %dma_start3A_1744 : memref<1x128xi32, #tpu.memory_space<vmem>> -> memref<128xi32, #tpu.memory_space<vmem>>
      %dma_start3A_1746 = arith.constant 0 : i32
      %dma_start3A_1747 = arith.constant 0 : i32
      %dma_start3A_1748 = tpu.memref_slice %arg2[%dma_start3A_1746, %dma_start3A_1747] : memref<120000x128xf32, #tpu.memory_space<hbm>> -> memref<120000x128xf32, #tpu.memory_space<hbm>>
      tpu.enqueue_indirect_dma source(%dma_start3A_1748 : memref<120000x128xf32, #tpu.memory_space<hbm>>) target(%arg13 : memref<128x128xf32, #tpu.memory_space<vmem>>) offsets(%dma_start3A_1745 : memref<128xi32, #tpu.memory_space<vmem>>) semaphore(%arg15 : memref<!tpu.dma_semaphore, #tpu.memory_space<semaphore_mem>>)
      %dma_wait3A_1749 = arith.constant 7 : i32
      %dma_wait3A_1750 = arith.constant 0 : i32
      %dma_wait3A_1751 = tpu.memref_slice %arg11[%dma_wait3A_1749, %dma_wait3A_1750] : memref<8x128xi32, #tpu.memory_space<vmem>> -> memref<1x128xi32, #tpu.memory_space<vmem>>
      %dma_wait3A_1752 = tpu.memref_squeeze %dma_wait3A_1751 : memref<1x128xi32, #tpu.memory_space<vmem>> -> memref<128xi32, #tpu.memory_space<vmem>>
      %dma_wait3A_1753 = arith.constant 0 : i32
      %dma_wait3A_1754 = arith.constant 0 : i32
      %dma_wait3A_1755 = tpu.memref_slice %arg2[%dma_wait3A_1753, %dma_wait3A_1754] : memref<120000x128xf32, #tpu.memory_space<hbm>> -> memref<120000x128xf32, #tpu.memory_space<hbm>>
      tpu.wait_indirect_dma semaphore(%arg15 : memref<!tpu.dma_semaphore, #tpu.memory_space<semaphore_mem>>) src(%dma_wait3A_1755 : memref<120000x128xf32, #tpu.memory_space<hbm>>) dst(%arg13 : memref<128x128xf32, #tpu.memory_space<vmem>>)
      %run_scoped3A_1756 = arith.constant 7 : i32
      "tpu.region"() ({
        %run_scoped3A_1757 = tpu.sem_alloc : memref<!tpu.dma_semaphore, #tpu.memory_space<semaphore_mem>>
        %dma_start3A_1758 = arith.constant 0 : i32
        %dma_start3A_1759 = tpu.memref_slice %arg9[%run_scoped3A_1756, %dma_start3A_1758] : memref<8x128xi32, #tpu.memory_space<vmem>> -> memref<1x128xi32, #tpu.memory_space<vmem>>
        %dma_start3A_1760 = tpu.memref_squeeze %dma_start3A_1759 : memref<1x128xi32, #tpu.memory_space<vmem>> -> memref<128xi32, #tpu.memory_space<vmem>>
        %dma_start3A_1761 = arith.constant 0 : i32
        %dma_start3A_1762 = arith.constant 0 : i32
        %dma_start3A_1763 = tpu.memref_slice %arg14[%dma_start3A_1761, %dma_start3A_1762] : memref<10112x128xf32, #tpu.memory_space<vmem_shared>> -> memref<10112x128xf32, #tpu.memory_space<vmem_shared>>
        tpu.enqueue_indirect_dma source(%arg13 : memref<128x128xf32, #tpu.memory_space<vmem>>) target(%dma_start3A_1763 : memref<10112x128xf32, #tpu.memory_space<vmem_shared>>) offsets(%dma_start3A_1760 : memref<128xi32, #tpu.memory_space<vmem>>) semaphore(%run_scoped3A_1757 : memref<!tpu.dma_semaphore, #tpu.memory_space<semaphore_mem>>) {add = true}
        %dma_wait3A_1764 = arith.constant 0 : i32
        %dma_wait3A_1765 = tpu.memref_slice %arg9[%run_scoped3A_1756, %dma_wait3A_1764] : memref<8x128xi32, #tpu.memory_space<vmem>> -> memref<1x128xi32, #tpu.memory_space<vmem>>
        %dma_wait3A_1766 = tpu.memref_squeeze %dma_wait3A_1765 : memref<1x128xi32, #tpu.memory_space<vmem>> -> memref<128xi32, #tpu.memory_space<vmem>>
        %dma_wait3A_1767 = arith.constant 0 : i32
        %dma_wait3A_1768 = arith.constant 0 : i32
        %dma_wait3A_1769 = tpu.memref_slice %arg14[%dma_wait3A_1767, %dma_wait3A_1768] : memref<10112x128xf32, #tpu.memory_space<vmem_shared>> -> memref<10112x128xf32, #tpu.memory_space<vmem_shared>>
        tpu.wait_indirect_dma semaphore(%run_scoped3A_1757 : memref<!tpu.dma_semaphore, #tpu.memory_space<semaphore_mem>>) src(%arg13 : memref<128x128xf32, #tpu.memory_space<vmem>>) dst(%dma_wait3A_1769 : memref<10112x128xf32, #tpu.memory_space<vmem_shared>>)
        tpu.yield
      }) : () -> ()
    }
    %scan3A_31 = arith.constant 10 : i32
    %barrier3A_32 = arith.constant 0 : index
    tpu.barrier barrier_id(%barrier3A_32)
    %mul3A_33 = arith.constant 632 : i32
    %mul3A_34 = arith.muli %arg1, %mul3A_33 : i32
    %mul3A_35 = arith.constant 632 : i32
    %mul3A_36 = arith.muli %arg1, %mul3A_35 : i32
    "tpu.region"() ({
      %run_scoped3A = tpu.sem_alloc : memref<!tpu.dma_semaphore, #tpu.memory_space<semaphore_mem>>
      %dma_start3A = arith.constant 0 : i32
      %dma_start3A_37 = tpu.memref_slice %arg7[%arg0, %mul3A_36, %dma_start3A] : memref<2x10112x128xf32, #tpu.memory_space<hbm>> -> memref<1x632x128xf32, #tpu.memory_space<hbm>>
      %dma_start3A_38 = tpu.memref_squeeze %dma_start3A_37 : memref<1x632x128xf32, #tpu.memory_space<hbm>> -> memref<632x128xf32, #tpu.memory_space<hbm>>
      %dma_start3A_39 = arith.constant 0 : i32
      %dma_start3A_40 = tpu.memref_slice %arg14[%mul3A_34, %dma_start3A_39] : memref<10112x128xf32, #tpu.memory_space<vmem_shared>> -> memref<632x128xf32, #tpu.memory_space<vmem_shared>>
      tpu.enqueue_dma source(%dma_start3A_40 : memref<632x128xf32, #tpu.memory_space<vmem_shared>>) target(%dma_start3A_38 : memref<632x128xf32, #tpu.memory_space<hbm>>) target_semaphore(%run_scoped3A : memref<!tpu.dma_semaphore, #tpu.memory_space<semaphore_mem>>)
      %dma_wait3A = arith.constant 0 : i32
      %dma_wait3A_41 = tpu.memref_slice %arg7[%arg0, %mul3A_36, %dma_wait3A] : memref<2x10112x128xf32, #tpu.memory_space<hbm>> -> memref<1x632x128xf32, #tpu.memory_space<hbm>>
      %dma_wait3A_42 = tpu.memref_squeeze %dma_wait3A_41 : memref<1x632x128xf32, #tpu.memory_space<hbm>> -> memref<632x128xf32, #tpu.memory_space<hbm>>
      %dma_wait3A_43 = arith.constant 0 : i32
      %dma_wait3A_44 = tpu.memref_slice %arg14[%mul3A_34, %dma_wait3A_43] : memref<10112x128xf32, #tpu.memory_space<vmem_shared>> -> memref<632x128xf32, #tpu.memory_space<vmem_shared>>
      tpu.wait_dma2 semaphore(%run_scoped3A : memref<!tpu.dma_semaphore, #tpu.memory_space<semaphore_mem>>) src(%dma_wait3A_44 : memref<632x128xf32, #tpu.memory_space<vmem_shared>>) dst(%dma_wait3A_42 : memref<632x128xf32, #tpu.memory_space<hbm>>)
      tpu.yield
    }) : () -> ()
    return
  }
}

module attributes {stable_mosaic.version = 14 : i64} {
  func.func @_prep_body(%arg0: i32, %arg1: i32, %arg2: memref<1x1x128x128xf32, #tpu.memory_space<vmem>>, %arg3: memref<1x1x128x384xf32, #tpu.memory_space<vmem>>, %arg4: memref<1x1x1x128xf32, #tpu.memory_space<vmem>>, %arg5: memref<1x1x128x384xf32, #tpu.memory_space<vmem>>, %arg6: memref<1x1x1x384xf32, #tpu.memory_space<vmem>>) attributes {dimension_semantics = [#tpu.dimension_semantics<arbitrary>, #tpu.dimension_semantics<arbitrary>], iteration_bounds = array<i64: 2, 4>, scalar_prefetch = 0 : i64, scratch_operands = 0 : i64, tpu.core_type = #tpu.core_type<tc>, window_params = [{transform_indices = @transform_0, window_bounds = array<i64: 1, 1, 128, 128>}, {transform_indices = @transform_1, window_bounds = array<i64: 1, 1, 128, 384>}, {transform_indices = @transform_2, window_bounds = array<i64: 1, 1, 1, 128>}, {transform_indices = @transform_3, window_bounds = array<i64: 1, 1, 128, 384>}, {transform_indices = @transform_4, window_bounds = array<i64: 1, 1, 1, 384>}]} {
    %get3A = arith.constant 0 : index
    %get3A_0 = arith.constant 0 : index
    %get3A_1 = arith.constant 0 : index
    %get3A_2 = arith.constant 0 : index
    %get3A_3 = vector.load %arg3[%get3A, %get3A_0, %get3A_1, %get3A_2] : memref<1x1x128x384xf32, #tpu.memory_space<vmem>>, vector<1x1x128x384xf32>
    %get3A_4 = vector.shape_cast %get3A_3 : vector<1x1x128x384xf32> to vector<128x384xf32>
    %get3A_5 = arith.constant 0 : index
    %get3A_6 = arith.constant 0 : index
    %get3A_7 = arith.constant 0 : index
    %get3A_8 = arith.constant 0 : index
    %get3A_9 = vector.load %arg2[%get3A_5, %get3A_6, %get3A_7, %get3A_8] : memref<1x1x128x128xf32, #tpu.memory_space<vmem>>, vector<1x1x128x128xf32>
    %get3A_10 = vector.shape_cast %get3A_9 : vector<1x1x128x128xf32> to vector<128x128xf32>
    %dot_general3A = arith.constant dense<0.000000e+00> : vector<128x384xf32>
    %dot_general3A_11 = tpu.matmul %get3A_10, %get3A_4, %dot_general3A {dimension_numbers = #tpu.dot_dimension_numbers<[1], [0], [0], [1], [0, 0, 1, 1], [], []>, transpose_lhs_hint = false} : vector<128x128xf32>, vector<128x384xf32>, vector<128x384xf32> -> vector<128x384xf32>
    %swap3A = arith.constant 0 : index
    %swap3A_12 = arith.constant 0 : index
    %swap3A_13 = arith.constant 0 : index
    %swap3A_14 = arith.constant 0 : index
    %swap3A_15 = vector.load %arg5[%swap3A, %swap3A_12, %swap3A_13, %swap3A_14] : memref<1x1x128x384xf32, #tpu.memory_space<vmem>>, vector<1x1x128x384xf32>
    %swap3A_16 = vector.shape_cast %swap3A_15 : vector<1x1x128x384xf32> to vector<128x384xf32>
    %swap3A_17 = vector.shape_cast %dot_general3A_11 : vector<128x384xf32> to vector<1x1x128x384xf32>
    tpu.vector_store %arg5[%swap3A, %swap3A_12, %swap3A_13, %swap3A_14], %swap3A_17 {strides = array<i32>} : memref<1x1x128x384xf32, #tpu.memory_space<vmem>>, vector<1x1x128x384xf32>,
    %get3A_18 = arith.constant 0 : index
    %get3A_19 = arith.constant 0 : index
    %get3A_20 = arith.constant 0 : index
    %get3A_21 = arith.constant 0 : index
    %get3A_22 = vector.load %arg4[%get3A_18, %get3A_19, %get3A_20, %get3A_21] : memref<1x1x1x128xf32, #tpu.memory_space<vmem>>, vector<1x1x1x128xf32>
    %get3A_23 = vector.shape_cast %get3A_22 : vector<1x1x1x128xf32> to vector<1x128xf32>
    %dot_general3A_24 = arith.constant dense<0.000000e+00> : vector<1x384xf32>
    %dot_general3A_25 = tpu.matmul %get3A_23, %get3A_4, %dot_general3A_24 {dimension_numbers = #tpu.dot_dimension_numbers<[1], [0], [0], [1], [0, 0, 1, 1], [], []>, transpose_lhs_hint = false} : vector<1x128xf32>, vector<128x384xf32>, vector<1x384xf32> -> vector<1x384xf32>
    %swap3A_26 = arith.constant 0 : index
    %swap3A_27 = arith.constant 0 : index
    %swap3A_28 = arith.constant 0 : index
    %swap3A_29 = arith.constant 0 : index
    %swap3A_30 = vector.load %arg6[%swap3A_26, %swap3A_27, %swap3A_28, %swap3A_29] : memref<1x1x1x384xf32, #tpu.memory_space<vmem>>, vector<1x1x1x384xf32>
    %swap3A_31 = vector.shape_cast %swap3A_30 : vector<1x1x1x384xf32> to vector<1x384xf32>
    %swap3A_32 = vector.shape_cast %dot_general3A_25 : vector<1x384xf32> to vector<1x1x1x384xf32>
    tpu.vector_store %arg6[%swap3A_26, %swap3A_27, %swap3A_28, %swap3A_29], %swap3A_32 {strides = array<i32>} : memref<1x1x1x384xf32, #tpu.memory_space<vmem>>, vector<1x1x1x384xf32>,
    return
  }
  func.func @transform_0(%arg0: i32, %arg1: i32) -> (i32, i32, i32, i32) {
    %c0_i32 = arith.constant 0 : i32
    %c0_i32_0 = arith.constant 0 : i32
    %c0_i32_1 = arith.constant 0 : i32
    return %arg0, %arg1, %c0_i32, %c0_i32_0 : i32, i32, i32, i32
  }
  func.func @transform_1(%arg0: i32, %arg1: i32) -> (i32, i32, i32, i32) {
    %c0_i32 = arith.constant 0 : i32
    %c0_i32_0 = arith.constant 0 : i32
    %c0_i32_1 = arith.constant 0 : i32
    return %arg0, %arg1, %c0_i32, %c0_i32_0 : i32, i32, i32, i32
  }
  func.func @transform_2(%arg0: i32, %arg1: i32) -> (i32, i32, i32, i32) {
    %c0_i32 = arith.constant 0 : i32
    %c0_i32_0 = arith.constant 0 : i32
    %c0_i32_1 = arith.constant 0 : i32
    return %arg0, %arg1, %c0_i32, %c0_i32_0 : i32, i32, i32, i32
  }
  func.func @transform_3(%arg0: i32, %arg1: i32) -> (i32, i32, i32, i32) {
    %c0_i32 = arith.constant 0 : i32
    %c0_i32_0 = arith.constant 0 : i32
    %c0_i32_1 = arith.constant 0 : i32
    return %arg0, %arg1, %c0_i32, %c0_i32_0 : i32, i32, i32, i32
  }
  func.func @transform_4(%arg0: i32, %arg1: i32) -> (i32, i32, i32, i32) {
    %c0_i32 = arith.constant 0 : i32
    %c0_i32_0 = arith.constant 0 : i32
    %c0_i32_1 = arith.constant 0 : i32
    return %arg0, %arg1, %c0_i32, %c0_i32_0 : i32, i32, i32, i32
  }
}

module attributes {stable_mosaic.version = 14 : i64} {
  func.func @_table_body(%arg0: i32, %arg1: i32, %arg2: memref<1000x128xf32, #tpu.memory_space<vmem>>, %arg3: memref<1x128x128xf32, #tpu.memory_space<vmem>>, %arg4: memref<1x1x128xf32, #tpu.memory_space<vmem>>, %arg5: memref<1x128x384xf32, #tpu.memory_space<vmem>>, %arg6: memref<1x1x384xf32, #tpu.memory_space<vmem>>, %arg7: memref<1x1000x384xf32, #tpu.memory_space<vmem>>) attributes {dimension_semantics = [#tpu.dimension_semantics<arbitrary>, #tpu.dimension_semantics<arbitrary>], iteration_bounds = array<i64: 4, 10>, scalar_prefetch = 0 : i64, scratch_operands = 0 : i64, tpu.core_type = #tpu.core_type<tc>, window_params = [{transform_indices = @transform_0, window_bounds = array<i64: 1000, 128>}, {transform_indices = @transform_1, window_bounds = array<i64: 1, 128, 128>}, {transform_indices = @transform_2, window_bounds = array<i64: 1, 1, 128>}, {transform_indices = @transform_3, window_bounds = array<i64: 1, 128, 384>}, {transform_indices = @transform_4, window_bounds = array<i64: 1, 1, 384>}, {transform_indices = @transform_5, window_bounds = array<i64: 1, 1000, 384>}]} {
    %get3A = arith.constant 0 : index
    %get3A_0 = arith.constant 0 : index
    %get3A_1 = vector.load %arg2[%get3A, %get3A_0] : memref<1000x128xf32, #tpu.memory_space<vmem>>, vector<1000x128xf32>
    %get3A_2 = arith.constant 0 : index
    %get3A_3 = arith.constant 0 : index
    %get3A_4 = arith.constant 0 : index
    %get3A_5 = vector.load %arg3[%get3A_2, %get3A_3, %get3A_4] : memref<1x128x128xf32, #tpu.memory_space<vmem>>, vector<1x128x128xf32>
    %get3A_6 = vector.shape_cast %get3A_5 : vector<1x128x128xf32> to vector<128x128xf32>
    %dot_general3A = arith.constant dense<0.000000e+00> : vector<1000x128xf32>
    %dot_general3A_7 = tpu.matmul %get3A_1, %get3A_6, %dot_general3A {dimension_numbers = #tpu.dot_dimension_numbers<[1], [0], [0], [1], [0, 0, 1, 1], [], []>, transpose_lhs_hint = false} : vector<1000x128xf32>, vector<128x128xf32>, vector<1000x128xf32> -> vector<1000x128xf32>
    %get3A_8 = arith.constant 0 : index
    %get3A_9 = arith.constant 0 : index
    %get3A_10 = arith.constant 0 : index
    %get3A_11 = vector.load %arg4[%get3A_8, %get3A_9, %get3A_10] : memref<1x1x128xf32, #tpu.memory_space<vmem>>, vector<1x1x128xf32>
    %get3A_12 = vector.shape_cast %get3A_11 : vector<1x1x128xf32> to vector<1x128xf32>
    %add3A = vector.broadcast %get3A_12 : vector<1x128xf32> to vector<1000x128xf32>
    %add3A_13 = arith.addf %dot_general3A_7, %add3A : vector<1000x128xf32>
    %max3A = arith.constant 0.000000e+00 : f32
    %max3A_14 = vector.broadcast %max3A : f32 to vector<1000x128xf32>
    %max3A_15 = arith.maximumf %add3A_13, %max3A_14 : vector<1000x128xf32>
    %get3A_16 = arith.constant 0 : index
    %get3A_17 = arith.constant 0 : index
    %get3A_18 = arith.constant 0 : index
    %get3A_19 = vector.load %arg5[%get3A_16, %get3A_17, %get3A_18] : memref<1x128x384xf32, #tpu.memory_space<vmem>>, vector<1x128x384xf32>
    %get3A_20 = vector.shape_cast %get3A_19 : vector<1x128x384xf32> to vector<128x384xf32>
    %dot_general3A_21 = arith.constant dense<0.000000e+00> : vector<1000x384xf32>
    %dot_general3A_22 = tpu.matmul %max3A_15, %get3A_20, %dot_general3A_21 {dimension_numbers = #tpu.dot_dimension_numbers<[1], [0], [0], [1], [0, 0, 1, 1], [], []>, transpose_lhs_hint = false} : vector<1000x128xf32>, vector<128x384xf32>, vector<1000x384xf32> -> vector<1000x384xf32>
    %get3A_23 = arith.constant 0 : index
    %get3A_24 = arith.constant 0 : index
    %get3A_25 = arith.constant 0 : index
    %get3A_26 = vector.load %arg6[%get3A_23, %get3A_24, %get3A_25] : memref<1x1x384xf32, #tpu.memory_space<vmem>>, vector<1x1x384xf32>
    %get3A_27 = vector.shape_cast %get3A_26 : vector<1x1x384xf32> to vector<1x384xf32>
    %add3A_28 = vector.broadcast %get3A_27 : vector<1x384xf32> to vector<1000x384xf32>
    %add3A_29 = arith.addf %dot_general3A_22, %add3A_28 : vector<1000x384xf32>
    %swap3A = arith.constant 0 : index
    %swap3A_30 = arith.constant 0 : index
    %swap3A_31 = arith.constant 0 : index
    %swap3A_32 = vector.load %arg7[%swap3A, %swap3A_30, %swap3A_31] : memref<1x1000x384xf32, #tpu.memory_space<vmem>>, vector<1x1000x384xf32>
    %swap3A_33 = vector.shape_cast %swap3A_32 : vector<1x1000x384xf32> to vector<1000x384xf32>
    %swap3A_34 = vector.shape_cast %add3A_29 : vector<1000x384xf32> to vector<1x1000x384xf32>
    tpu.vector_store %arg7[%swap3A, %swap3A_30, %swap3A_31], %swap3A_34 {strides = array<i32>} : memref<1x1000x384xf32, #tpu.memory_space<vmem>>, vector<1x1000x384xf32>,
    return
  }
  func.func @transform_0(%arg0: i32, %arg1: i32) -> (i32, i32) {
    %c0_i32 = arith.constant 0 : i32
    %c0_i32_0 = arith.constant 0 : i32
    return %arg1, %c0_i32 : i32, i32
  }
  func.func @transform_1(%arg0: i32, %arg1: i32) -> (i32, i32, i32) {
    %c0_i32 = arith.constant 0 : i32
    %c0_i32_0 = arith.constant 0 : i32
    %c0_i32_1 = arith.constant 0 : i32
    return %arg0, %c0_i32, %c0_i32_0 : i32, i32, i32
  }
  func.func @transform_2(%arg0: i32, %arg1: i32) -> (i32, i32, i32) {
    %c0_i32 = arith.constant 0 : i32
    %c0_i32_0 = arith.constant 0 : i32
    %c0_i32_1 = arith.constant 0 : i32
    return %arg0, %c0_i32, %c0_i32_0 : i32, i32, i32
  }
  func.func @transform_3(%arg0: i32, %arg1: i32) -> (i32, i32, i32) {
    %c0_i32 = arith.constant 0 : i32
    %c0_i32_0 = arith.constant 0 : i32
    %c0_i32_1 = arith.constant 0 : i32
    return %arg0, %c0_i32, %c0_i32_0 : i32, i32, i32
  }
  func.func @transform_4(%arg0: i32, %arg1: i32) -> (i32, i32, i32) {
    %c0_i32 = arith.constant 0 : i32
    %c0_i32_0 = arith.constant 0 : i32
    %c0_i32_1 = arith.constant 0 : i32
    return %arg0, %c0_i32, %c0_i32_0 : i32, i32, i32
  }
  func.func @transform_5(%arg0: i32, %arg1: i32) -> (i32, i32, i32) {
    %c0_i32 = arith.constant 0 : i32
    %c0_i32_0 = arith.constant 0 : i32
    return %arg0, %arg1, %c0_i32 : i32, i32, i32
  }
}

module attributes {stable_mosaic.version = 14 : i64} {
  func.func @_update_body(%arg0: i32, %arg1: memref<2x1000x128xf32, #tpu.memory_space<vmem>>, %arg2: memref<1000x128xf32, #tpu.memory_space<vmem>>, %arg3: memref<1000x1xi32, #tpu.memory_space<vmem>>, %arg4: memref<128x384xf32, #tpu.memory_space<vmem>>, %arg5: memref<1x384xf32, #tpu.memory_space<vmem>>, %arg6: memref<384x128xf32, #tpu.memory_space<vmem>>, %arg7: memref<3x128xf32, #tpu.memory_space<vmem>>, %arg8: memref<1000x128xf32, #tpu.memory_space<vmem>>) attributes {dimension_semantics = [#tpu.dimension_semantics<arbitrary>], iteration_bounds = array<i64: 10>, scalar_prefetch = 0 : i64, scratch_operands = 0 : i64, tpu.core_type = #tpu.core_type<tc>, window_params = [{transform_indices = @transform_0, window_bounds = array<i64: 2, 1000, 128>}, {transform_indices = @transform_1, window_bounds = array<i64: 1000, 128>}, {transform_indices = @transform_2, window_bounds = array<i64: 1000, 1>}, {pipeline_mode = #tpu.pipeline_mode<synchronous>, transform_indices = @transform_3, window_bounds = array<i64: 128, 384>}, {pipeline_mode = #tpu.pipeline_mode<synchronous>, transform_indices = @transform_4, window_bounds = array<i64: 1, 384>}, {pipeline_mode = #tpu.pipeline_mode<synchronous>, transform_indices = @transform_5, window_bounds = array<i64: 384, 128>}, {pipeline_mode = #tpu.pipeline_mode<synchronous>, transform_indices = @transform_6, window_bounds = array<i64: 3, 128>}, {transform_indices = @transform_7, window_bounds = array<i64: 1000, 128>}]} {
    %get3A = arith.constant 0 : index
    %get3A_0 = arith.constant 0 : index
    %get3A_1 = arith.constant 0 : index
    %get3A_2 = vector.load %arg1[%get3A, %get3A_0, %get3A_1] : memref<2x1000x128xf32, #tpu.memory_space<vmem>>, vector<1x1000x128xf32>
    %get3A_3 = vector.shape_cast %get3A_2 : vector<1x1000x128xf32> to vector<1000x128xf32>
    %get3A_4 = arith.constant 1 : index
    %get3A_5 = arith.constant 0 : index
    %get3A_6 = arith.constant 0 : index
    %get3A_7 = vector.load %arg1[%get3A_4, %get3A_5, %get3A_6] : memref<2x1000x128xf32, #tpu.memory_space<vmem>>, vector<1x1000x128xf32>
    %get3A_8 = vector.shape_cast %get3A_7 : vector<1x1000x128xf32> to vector<1000x128xf32>
    %add3A = arith.addf %get3A_3, %get3A_8 : vector<1000x128xf32>
    %get3A_9 = arith.constant 0 : index
    %get3A_10 = arith.constant 0 : index
    %get3A_11 = vector.load %arg2[%get3A_9, %get3A_10] : memref<1000x128xf32, #tpu.memory_space<vmem>>, vector<1000x128xf32>
    %get3A_12 = arith.constant 0 : index
    %get3A_13 = arith.constant 0 : index
    %get3A_14 = vector.load %arg4[%get3A_12, %get3A_13] : memref<128x384xf32, #tpu.memory_space<vmem>>, vector<128x384xf32>
    %dot_general3A = arith.constant dense<0.000000e+00> : vector<1000x384xf32>
    %dot_general3A_15 = tpu.matmul %get3A_11, %get3A_14, %dot_general3A {dimension_numbers = #tpu.dot_dimension_numbers<[1], [0], [0], [1], [0, 0, 1, 1], [], []>, transpose_lhs_hint = false} : vector<1000x128xf32>, vector<128x384xf32>, vector<1000x384xf32> -> vector<1000x384xf32>
    %get3A_16 = arith.constant 0 : index
    %get3A_17 = arith.constant 0 : index
    %get3A_18 = vector.load %arg5[%get3A_16, %get3A_17] : memref<1x384xf32, #tpu.memory_space<vmem>>, vector<1x384xf32>
    %add3A_19 = vector.broadcast %get3A_18 : vector<1x384xf32> to vector<1000x384xf32>
    %add3A_20 = arith.addf %dot_general3A_15, %add3A_19 : vector<1000x384xf32>
    %get3A_21 = arith.constant 0 : index
    %get3A_22 = arith.constant 0 : index
    %get3A_23 = vector.load %arg3[%get3A_21, %get3A_22] : memref<1000x1xi32, #tpu.memory_space<vmem>>, vector<1000x1xi32>
    %eq3A = arith.constant 0 : i32
    %eq3A_24 = vector.broadcast %eq3A : i32 to vector<1000x1xi32>
    %eq3A_25 = arith.cmpi eq, %get3A_23, %eq3A_24 : vector<1000x1xi32>
    %convert_element_type3A = arith.extui %eq3A_25 : vector<1000x1xi1> to vector<1000x1xi32>
    %convert_element_type3A_26 = arith.sitofp %convert_element_type3A : vector<1000x1xi32> to vector<1000x1xf32>
    %slice3A = vector.extract_strided_slice %add3A_20 {offsets = [0, 0], sizes = [1000, 128], strides = [1, 1]} : vector<1000x384xf32> to vector<1000x128xf32>
    %add3A_27 = arith.addf %slice3A, %add3A : vector<1000x128xf32>
    %max3A = arith.constant 0.000000e+00 : f32
    %max3A_28 = vector.broadcast %max3A : f32 to vector<1000x128xf32>
    %max3A_29 = arith.maximumf %add3A_27, %max3A_28 : vector<1000x128xf32>
    %mul3A = vector.broadcast %convert_element_type3A_26 : vector<1000x1xf32> to vector<1000x128xf32>
    %mul3A_30 = arith.mulf %max3A_29, %mul3A : vector<1000x128xf32>
    %eq3A_31 = arith.constant 1 : i32
    %eq3A_32 = vector.broadcast %eq3A_31 : i32 to vector<1000x1xi32>
    %eq3A_33 = arith.cmpi eq, %get3A_23, %eq3A_32 : vector<1000x1xi32>
    %convert_element_type3A_34 = arith.extui %eq3A_33 : vector<1000x1xi1> to vector<1000x1xi32>
    %convert_element_type3A_35 = arith.sitofp %convert_element_type3A_34 : vector<1000x1xi32> to vector<1000x1xf32>
    %slice3A_36 = vector.extract_strided_slice %add3A_20 {offsets = [0, 128], sizes = [1000, 128], strides = [1, 1]} : vector<1000x384xf32> to vector<1000x128xf32>
    %add3A_37 = arith.addf %slice3A_36, %add3A : vector<1000x128xf32>
    %max3A_38 = arith.constant 0.000000e+00 : f32
    %max3A_39 = vector.broadcast %max3A_38 : f32 to vector<1000x128xf32>
    %max3A_40 = arith.maximumf %add3A_37, %max3A_39 : vector<1000x128xf32>
    %mul3A_41 = vector.broadcast %convert_element_type3A_35 : vector<1000x1xf32> to vector<1000x128xf32>
    %mul3A_42 = arith.mulf %max3A_40, %mul3A_41 : vector<1000x128xf32>
    %eq3A_43 = arith.constant 2 : i32
    %eq3A_44 = vector.broadcast %eq3A_43 : i32 to vector<1000x1xi32>
    %eq3A_45 = arith.cmpi eq, %get3A_23, %eq3A_44 : vector<1000x1xi32>
    %convert_element_type3A_46 = arith.extui %eq3A_45 : vector<1000x1xi1> to vector<1000x1xi32>
    %convert_element_type3A_47 = arith.sitofp %convert_element_type3A_46 : vector<1000x1xi32> to vector<1000x1xf32>
    %slice3A_48 = vector.extract_strided_slice %add3A_20 {offsets = [0, 256], sizes = [1000, 128], strides = [1, 1]} : vector<1000x384xf32> to vector<1000x128xf32>
    %add3A_49 = arith.addf %slice3A_48, %add3A : vector<1000x128xf32>
    %max3A_50 = arith.constant 0.000000e+00 : f32
    %max3A_51 = vector.broadcast %max3A_50 : f32 to vector<1000x128xf32>
    %max3A_52 = arith.maximumf %add3A_49, %max3A_51 : vector<1000x128xf32>
    %mul3A_53 = vector.broadcast %convert_element_type3A_47 : vector<1000x1xf32> to vector<1000x128xf32>
    %mul3A_54 = arith.mulf %max3A_52, %mul3A_53 : vector<1000x128xf32>
    %concatenate3A = tpu.concatenate %mul3A_30, %mul3A_42, %mul3A_54 in 1 : vector<1000x128xf32>, vector<1000x128xf32>, vector<1000x128xf32> -> vector<1000x384xf32>
    %get3A_55 = arith.constant 0 : index
    %get3A_56 = arith.constant 0 : index
    %get3A_57 = vector.load %arg6[%get3A_55, %get3A_56] : memref<384x128xf32, #tpu.memory_space<vmem>>, vector<384x128xf32>
    %dot_general3A_58 = arith.constant dense<0.000000e+00> : vector<1000x128xf32>
    %dot_general3A_59 = tpu.matmul %concatenate3A, %get3A_57, %dot_general3A_58 {dimension_numbers = #tpu.dot_dimension_numbers<[1], [0], [0], [1], [0, 0, 1, 1], [], []>, transpose_lhs_hint = false} : vector<1000x384xf32>, vector<384x128xf32>, vector<1000x128xf32> -> vector<1000x128xf32>
    %eq3A_60 = arith.constant 0 : i32
    %eq3A_61 = vector.broadcast %eq3A_60 : i32 to vector<1000x1xi32>
    %eq3A_62 = arith.cmpi eq, %get3A_23, %eq3A_61 : vector<1000x1xi32>
    %convert_element_type3A_63 = arith.extui %eq3A_62 : vector<1000x1xi1> to vector<1000x1xi32>
    %convert_element_type3A_64 = arith.sitofp %convert_element_type3A_63 : vector<1000x1xi32> to vector<1000x1xf32>
    %get3A_65 = arith.constant 0 : index
    %get3A_66 = arith.constant 0 : index
    %get3A_67 = vector.load %arg7[%get3A_65, %get3A_66] : memref<3x128xf32, #tpu.memory_space<vmem>>, vector<1x128xf32>
    %get3A_68 = vector.shape_cast %get3A_67 : vector<1x128xf32> to vector<128xf32>
    %broadcast_in_dim3A = vector.shape_cast %get3A_68 : vector<128xf32> to vector<1x128xf32>
    %mul3A_69 = vector.broadcast %convert_element_type3A_64 : vector<1000x1xf32> to vector<1000x128xf32>
    %mul3A_70 = vector.broadcast %broadcast_in_dim3A : vector<1x128xf32> to vector<1000x128xf32>
    %mul3A_71 = arith.mulf %mul3A_69, %mul3A_70 : vector<1000x128xf32>
    %add3A_72 = arith.addf %dot_general3A_59, %mul3A_71 : vector<1000x128xf32>
    %eq3A_73 = arith.constant 1 : i32
    %eq3A_74 = vector.broadcast %eq3A_73 : i32 to vector<1000x1xi32>
    %eq3A_75 = arith.cmpi eq, %get3A_23, %eq3A_74 : vector<1000x1xi32>
    %convert_element_type3A_76 = arith.extui %eq3A_75 : vector<1000x1xi1> to vector<1000x1xi32>
    %convert_element_type3A_77 = arith.sitofp %convert_element_type3A_76 : vector<1000x1xi32> to vector<1000x1xf32>
    %get3A_78 = arith.constant 1 : index
    %get3A_79 = arith.constant 0 : index
    %get3A_80 = vector.load %arg7[%get3A_78, %get3A_79] : memref<3x128xf32, #tpu.memory_space<vmem>>, vector<1x128xf32>
    %get3A_81 = vector.shape_cast %get3A_80 : vector<1x128xf32> to vector<128xf32>
    %broadcast_in_dim3A_82 = vector.shape_cast %get3A_81 : vector<128xf32> to vector<1x128xf32>
    %mul3A_83 = vector.broadcast %convert_element_type3A_77 : vector<1000x1xf32> to vector<1000x128xf32>
    %mul3A_84 = vector.broadcast %broadcast_in_dim3A_82 : vector<1x128xf32> to vector<1000x128xf32>
    %mul3A_85 = arith.mulf %mul3A_83, %mul3A_84 : vector<1000x128xf32>
    %add3A_86 = arith.addf %add3A_72, %mul3A_85 : vector<1000x128xf32>
    %eq3A_87 = arith.constant 2 : i32
    %eq3A_88 = vector.broadcast %eq3A_87 : i32 to vector<1000x1xi32>
    %eq3A_89 = arith.cmpi eq, %get3A_23, %eq3A_88 : vector<1000x1xi32>
    %convert_element_type3A_90 = arith.extui %eq3A_89 : vector<1000x1xi1> to vector<1000x1xi32>
    %convert_element_type3A_91 = arith.sitofp %convert_element_type3A_90 : vector<1000x1xi32> to vector<1000x1xf32>
    %get3A_92 = arith.constant 2 : index
    %get3A_93 = arith.constant 0 : index
    %get3A_94 = vector.load %arg7[%get3A_92, %get3A_93] : memref<3x128xf32, #tpu.memory_space<vmem>>, vector<1x128xf32>
    %get3A_95 = vector.shape_cast %get3A_94 : vector<1x128xf32> to vector<128xf32>
    %broadcast_in_dim3A_96 = vector.shape_cast %get3A_95 : vector<128xf32> to vector<1x128xf32>
    %mul3A_97 = vector.broadcast %convert_element_type3A_91 : vector<1000x1xf32> to vector<1000x128xf32>
    %mul3A_98 = vector.broadcast %broadcast_in_dim3A_96 : vector<1x128xf32> to vector<1000x128xf32>
    %mul3A_99 = arith.mulf %mul3A_97, %mul3A_98 : vector<1000x128xf32>
    %add3A_100 = arith.addf %add3A_86, %mul3A_99 : vector<1000x128xf32>
    %swap3A = arith.constant 0 : index
    %swap3A_101 = arith.constant 0 : index
    %swap3A_102 = vector.load %arg8[%swap3A, %swap3A_101] : memref<1000x128xf32, #tpu.memory_space<vmem>>, vector<1000x128xf32>
    tpu.vector_store %arg8[%swap3A, %swap3A_101], %add3A_100 {strides = array<i32>} : memref<1000x128xf32, #tpu.memory_space<vmem>>, vector<1000x128xf32>,
    return
  }
  func.func @transform_0(%arg0: i32) -> (i32, i32, i32) {
    %c0_i32 = arith.constant 0 : i32
    %c0_i32_0 = arith.constant 0 : i32
    %c0_i32_1 = arith.constant 0 : i32
    return %c0_i32, %arg0, %c0_i32_0 : i32, i32, i32
  }
  func.func @transform_1(%arg0: i32) -> (i32, i32) {
    %c0_i32 = arith.constant 0 : i32
    %c0_i32_0 = arith.constant 0 : i32
    return %arg0, %c0_i32 : i32, i32
  }
  func.func @transform_2(%arg0: i32) -> (i32, i32) {
    %c0_i32 = arith.constant 0 : i32
    %c0_i32_0 = arith.constant 0 : i32
    return %arg0, %c0_i32 : i32, i32
  }
  func.func @transform_3(%arg0: i32) -> (i32, i32) {
    %c0_i32 = arith.constant 0 : i32
    %c0_i32_0 = arith.constant 0 : i32
    %c0_i32_1 = arith.constant 0 : i32
    return %c0_i32, %c0_i32_0 : i32, i32
  }
  func.func @transform_4(%arg0: i32) -> (i32, i32) {
    %c0_i32 = arith.constant 0 : i32
    %c0_i32_0 = arith.constant 0 : i32
    %c0_i32_1 = arith.constant 0 : i32
    return %c0_i32, %c0_i32_0 : i32, i32
  }
  func.func @transform_5(%arg0: i32) -> (i32, i32) {
    %c0_i32 = arith.constant 0 : i32
    %c0_i32_0 = arith.constant 0 : i32
    %c0_i32_1 = arith.constant 0 : i32
    return %c0_i32, %c0_i32_0 : i32, i32
  }
  func.func @transform_6(%arg0: i32) -> (i32, i32) {
    %c0_i32 = arith.constant 0 : i32
    %c0_i32_0 = arith.constant 0 : i32
    %c0_i32_1 = arith.constant 0 : i32
    return %c0_i32, %c0_i32_0 : i32, i32
  }
  func.func @transform_7(%arg0: i32) -> (i32, i32) {
    %c0_i32 = arith.constant 0 : i32
    %c0_i32_0 = arith.constant 0 : i32
    return %arg0, %c0_i32 : i32, i32
  }
}

module attributes {stable_mosaic.version = 14 : i64} {
  func.func @_update_body(%arg0: i32, %arg1: memref<2x1000x128xf32, #tpu.memory_space<vmem>>, %arg2: memref<1000x128xf32, #tpu.memory_space<vmem>>, %arg3: memref<1000x1xi32, #tpu.memory_space<vmem>>, %arg4: memref<128x384xf32, #tpu.memory_space<vmem>>, %arg5: memref<1x384xf32, #tpu.memory_space<vmem>>, %arg6: memref<384x128xf32, #tpu.memory_space<vmem>>, %arg7: memref<3x128xf32, #tpu.memory_space<vmem>>, %arg8: memref<1000x128xf32, #tpu.memory_space<vmem>>) attributes {dimension_semantics = [#tpu.dimension_semantics<arbitrary>], iteration_bounds = array<i64: 10>, scalar_prefetch = 0 : i64, scratch_operands = 0 : i64, tpu.core_type = #tpu.core_type<tc>, window_params = [{transform_indices = @transform_0, window_bounds = array<i64: 2, 1000, 128>}, {transform_indices = @transform_1, window_bounds = array<i64: 1000, 128>}, {transform_indices = @transform_2, window_bounds = array<i64: 1000, 1>}, {pipeline_mode = #tpu.pipeline_mode<synchronous>, transform_indices = @transform_3, window_bounds = array<i64: 128, 384>}, {pipeline_mode = #tpu.pipeline_mode<synchronous>, transform_indices = @transform_4, window_bounds = array<i64: 1, 384>}, {pipeline_mode = #tpu.pipeline_mode<synchronous>, transform_indices = @transform_5, window_bounds = array<i64: 384, 128>}, {pipeline_mode = #tpu.pipeline_mode<synchronous>, transform_indices = @transform_6, window_bounds = array<i64: 3, 128>}, {transform_indices = @transform_7, window_bounds = array<i64: 1000, 128>}]} {
    %get3A = arith.constant 0 : index
    %get3A_0 = arith.constant 0 : index
    %get3A_1 = arith.constant 0 : index
    %get3A_2 = vector.load %arg1[%get3A, %get3A_0, %get3A_1] : memref<2x1000x128xf32, #tpu.memory_space<vmem>>, vector<1x1000x128xf32>
    %get3A_3 = vector.shape_cast %get3A_2 : vector<1x1000x128xf32> to vector<1000x128xf32>
    %get3A_4 = arith.constant 1 : index
    %get3A_5 = arith.constant 0 : index
    %get3A_6 = arith.constant 0 : index
    %get3A_7 = vector.load %arg1[%get3A_4, %get3A_5, %get3A_6] : memref<2x1000x128xf32, #tpu.memory_space<vmem>>, vector<1x1000x128xf32>
    %get3A_8 = vector.shape_cast %get3A_7 : vector<1x1000x128xf32> to vector<1000x128xf32>
    %add3A = arith.addf %get3A_3, %get3A_8 : vector<1000x128xf32>
    %get3A_9 = arith.constant 0 : index
    %get3A_10 = arith.constant 0 : index
    %get3A_11 = vector.load %arg2[%get3A_9, %get3A_10] : memref<1000x128xf32, #tpu.memory_space<vmem>>, vector<1000x128xf32>
    %get3A_12 = arith.constant 0 : index
    %get3A_13 = arith.constant 0 : index
    %get3A_14 = vector.load %arg4[%get3A_12, %get3A_13] : memref<128x384xf32, #tpu.memory_space<vmem>>, vector<128x384xf32>
    %dot_general3A = arith.constant dense<0.000000e+00> : vector<1000x384xf32>
    %dot_general3A_15 = tpu.matmul %get3A_11, %get3A_14, %dot_general3A {dimension_numbers = #tpu.dot_dimension_numbers<[1], [0], [0], [1], [0, 0, 1, 1], [], []>, transpose_lhs_hint = false} : vector<1000x128xf32>, vector<128x384xf32>, vector<1000x384xf32> -> vector<1000x384xf32>
    %get3A_16 = arith.constant 0 : index
    %get3A_17 = arith.constant 0 : index
    %get3A_18 = vector.load %arg5[%get3A_16, %get3A_17] : memref<1x384xf32, #tpu.memory_space<vmem>>, vector<1x384xf32>
    %add3A_19 = vector.broadcast %get3A_18 : vector<1x384xf32> to vector<1000x384xf32>
    %add3A_20 = arith.addf %dot_general3A_15, %add3A_19 : vector<1000x384xf32>
    %get3A_21 = arith.constant 0 : index
    %get3A_22 = arith.constant 0 : index
    %get3A_23 = vector.load %arg3[%get3A_21, %get3A_22] : memref<1000x1xi32, #tpu.memory_space<vmem>>, vector<1000x1xi32>
    %eq3A = arith.constant 0 : i32
    %eq3A_24 = vector.broadcast %eq3A : i32 to vector<1000x1xi32>
    %eq3A_25 = arith.cmpi eq, %get3A_23, %eq3A_24 : vector<1000x1xi32>
    %convert_element_type3A = arith.extui %eq3A_25 : vector<1000x1xi1> to vector<1000x1xi32>
    %convert_element_type3A_26 = arith.sitofp %convert_element_type3A : vector<1000x1xi32> to vector<1000x1xf32>
    %slice3A = vector.extract_strided_slice %add3A_20 {offsets = [0, 0], sizes = [1000, 128], strides = [1, 1]} : vector<1000x384xf32> to vector<1000x128xf32>
    %add3A_27 = arith.addf %slice3A, %add3A : vector<1000x128xf32>
    %max3A = arith.constant 0.000000e+00 : f32
    %max3A_28 = vector.broadcast %max3A : f32 to vector<1000x128xf32>
    %max3A_29 = arith.maximumf %add3A_27, %max3A_28 : vector<1000x128xf32>
    %mul3A = vector.broadcast %convert_element_type3A_26 : vector<1000x1xf32> to vector<1000x128xf32>
    %mul3A_30 = arith.mulf %max3A_29, %mul3A : vector<1000x128xf32>
    %eq3A_31 = arith.constant 1 : i32
    %eq3A_32 = vector.broadcast %eq3A_31 : i32 to vector<1000x1xi32>
    %eq3A_33 = arith.cmpi eq, %get3A_23, %eq3A_32 : vector<1000x1xi32>
    %convert_element_type3A_34 = arith.extui %eq3A_33 : vector<1000x1xi1> to vector<1000x1xi32>
    %convert_element_type3A_35 = arith.sitofp %convert_element_type3A_34 : vector<1000x1xi32> to vector<1000x1xf32>
    %slice3A_36 = vector.extract_strided_slice %add3A_20 {offsets = [0, 128], sizes = [1000, 128], strides = [1, 1]} : vector<1000x384xf32> to vector<1000x128xf32>
    %add3A_37 = arith.addf %slice3A_36, %add3A : vector<1000x128xf32>
    %max3A_38 = arith.constant 0.000000e+00 : f32
    %max3A_39 = vector.broadcast %max3A_38 : f32 to vector<1000x128xf32>
    %max3A_40 = arith.maximumf %add3A_37, %max3A_39 : vector<1000x128xf32>
    %mul3A_41 = vector.broadcast %convert_element_type3A_35 : vector<1000x1xf32> to vector<1000x128xf32>
    %mul3A_42 = arith.mulf %max3A_40, %mul3A_41 : vector<1000x128xf32>
    %eq3A_43 = arith.constant 2 : i32
    %eq3A_44 = vector.broadcast %eq3A_43 : i32 to vector<1000x1xi32>
    %eq3A_45 = arith.cmpi eq, %get3A_23, %eq3A_44 : vector<1000x1xi32>
    %convert_element_type3A_46 = arith.extui %eq3A_45 : vector<1000x1xi1> to vector<1000x1xi32>
    %convert_element_type3A_47 = arith.sitofp %convert_element_type3A_46 : vector<1000x1xi32> to vector<1000x1xf32>
    %slice3A_48 = vector.extract_strided_slice %add3A_20 {offsets = [0, 256], sizes = [1000, 128], strides = [1, 1]} : vector<1000x384xf32> to vector<1000x128xf32>
    %add3A_49 = arith.addf %slice3A_48, %add3A : vector<1000x128xf32>
    %max3A_50 = arith.constant 0.000000e+00 : f32
    %max3A_51 = vector.broadcast %max3A_50 : f32 to vector<1000x128xf32>
    %max3A_52 = arith.maximumf %add3A_49, %max3A_51 : vector<1000x128xf32>
    %mul3A_53 = vector.broadcast %convert_element_type3A_47 : vector<1000x1xf32> to vector<1000x128xf32>
    %mul3A_54 = arith.mulf %max3A_52, %mul3A_53 : vector<1000x128xf32>
    %concatenate3A = tpu.concatenate %mul3A_30, %mul3A_42, %mul3A_54 in 1 : vector<1000x128xf32>, vector<1000x128xf32>, vector<1000x128xf32> -> vector<1000x384xf32>
    %get3A_55 = arith.constant 0 : index
    %get3A_56 = arith.constant 0 : index
    %get3A_57 = vector.load %arg6[%get3A_55, %get3A_56] : memref<384x128xf32, #tpu.memory_space<vmem>>, vector<384x128xf32>
    %dot_general3A_58 = arith.constant dense<0.000000e+00> : vector<1000x128xf32>
    %dot_general3A_59 = tpu.matmul %concatenate3A, %get3A_57, %dot_general3A_58 {dimension_numbers = #tpu.dot_dimension_numbers<[1], [0], [0], [1], [0, 0, 1, 1], [], []>, transpose_lhs_hint = false} : vector<1000x384xf32>, vector<384x128xf32>, vector<1000x128xf32> -> vector<1000x128xf32>
    %eq3A_60 = arith.constant 0 : i32
    %eq3A_61 = vector.broadcast %eq3A_60 : i32 to vector<1000x1xi32>
    %eq3A_62 = arith.cmpi eq, %get3A_23, %eq3A_61 : vector<1000x1xi32>
    %convert_element_type3A_63 = arith.extui %eq3A_62 : vector<1000x1xi1> to vector<1000x1xi32>
    %convert_element_type3A_64 = arith.sitofp %convert_element_type3A_63 : vector<1000x1xi32> to vector<1000x1xf32>
    %get3A_65 = arith.constant 0 : index
    %get3A_66 = arith.constant 0 : index
    %get3A_67 = vector.load %arg7[%get3A_65, %get3A_66] : memref<3x128xf32, #tpu.memory_space<vmem>>, vector<1x128xf32>
    %get3A_68 = vector.shape_cast %get3A_67 : vector<1x128xf32> to vector<128xf32>
    %broadcast_in_dim3A = vector.shape_cast %get3A_68 : vector<128xf32> to vector<1x128xf32>
    %mul3A_69 = vector.broadcast %convert_element_type3A_64 : vector<1000x1xf32> to vector<1000x128xf32>
    %mul3A_70 = vector.broadcast %broadcast_in_dim3A : vector<1x128xf32> to vector<1000x128xf32>
    %mul3A_71 = arith.mulf %mul3A_69, %mul3A_70 : vector<1000x128xf32>
    %add3A_72 = arith.addf %dot_general3A_59, %mul3A_71 : vector<1000x128xf32>
    %eq3A_73 = arith.constant 1 : i32
    %eq3A_74 = vector.broadcast %eq3A_73 : i32 to vector<1000x1xi32>
    %eq3A_75 = arith.cmpi eq, %get3A_23, %eq3A_74 : vector<1000x1xi32>
    %convert_element_type3A_76 = arith.extui %eq3A_75 : vector<1000x1xi1> to vector<1000x1xi32>
    %convert_element_type3A_77 = arith.sitofp %convert_element_type3A_76 : vector<1000x1xi32> to vector<1000x1xf32>
    %get3A_78 = arith.constant 1 : index
    %get3A_79 = arith.constant 0 : index
    %get3A_80 = vector.load %arg7[%get3A_78, %get3A_79] : memref<3x128xf32, #tpu.memory_space<vmem>>, vector<1x128xf32>
    %get3A_81 = vector.shape_cast %get3A_80 : vector<1x128xf32> to vector<128xf32>
    %broadcast_in_dim3A_82 = vector.shape_cast %get3A_81 : vector<128xf32> to vector<1x128xf32>
    %mul3A_83 = vector.broadcast %convert_element_type3A_77 : vector<1000x1xf32> to vector<1000x128xf32>
    %mul3A_84 = vector.broadcast %broadcast_in_dim3A_82 : vector<1x128xf32> to vector<1000x128xf32>
    %mul3A_85 = arith.mulf %mul3A_83, %mul3A_84 : vector<1000x128xf32>
    %add3A_86 = arith.addf %add3A_72, %mul3A_85 : vector<1000x128xf32>
    %eq3A_87 = arith.constant 2 : i32
    %eq3A_88 = vector.broadcast %eq3A_87 : i32 to vector<1000x1xi32>
    %eq3A_89 = arith.cmpi eq, %get3A_23, %eq3A_88 : vector<1000x1xi32>
    %convert_element_type3A_90 = arith.extui %eq3A_89 : vector<1000x1xi1> to vector<1000x1xi32>
    %convert_element_type3A_91 = arith.sitofp %convert_element_type3A_90 : vector<1000x1xi32> to vector<1000x1xf32>
    %get3A_92 = arith.constant 2 : index
    %get3A_93 = arith.constant 0 : index
    %get3A_94 = vector.load %arg7[%get3A_92, %get3A_93] : memref<3x128xf32, #tpu.memory_space<vmem>>, vector<1x128xf32>
    %get3A_95 = vector.shape_cast %get3A_94 : vector<1x128xf32> to vector<128xf32>
    %broadcast_in_dim3A_96 = vector.shape_cast %get3A_95 : vector<128xf32> to vector<1x128xf32>
    %mul3A_97 = vector.broadcast %convert_element_type3A_91 : vector<1000x1xf32> to vector<1000x128xf32>
    %mul3A_98 = vector.broadcast %broadcast_in_dim3A_96 : vector<1x128xf32> to vector<1000x128xf32>
    %mul3A_99 = arith.mulf %mul3A_97, %mul3A_98 : vector<1000x128xf32>
    %add3A_100 = arith.addf %add3A_86, %mul3A_99 : vector<1000x128xf32>
    %swap3A = arith.constant 0 : index
    %swap3A_101 = arith.constant 0 : index
    %swap3A_102 = vector.load %arg8[%swap3A, %swap3A_101] : memref<1000x128xf32, #tpu.memory_space<vmem>>, vector<1000x128xf32>
    tpu.vector_store %arg8[%swap3A, %swap3A_101], %add3A_100 {strides = array<i32>} : memref<1000x128xf32, #tpu.memory_space<vmem>>, vector<1000x128xf32>,
    return
  }
  func.func @transform_0(%arg0: i32) -> (i32, i32, i32) {
    %c0_i32 = arith.constant 0 : i32
    %c0_i32_0 = arith.constant 0 : i32
    %c0_i32_1 = arith.constant 0 : i32
    return %c0_i32, %arg0, %c0_i32_0 : i32, i32, i32
  }
  func.func @transform_1(%arg0: i32) -> (i32, i32) {
    %c0_i32 = arith.constant 0 : i32
    %c0_i32_0 = arith.constant 0 : i32
    return %arg0, %c0_i32 : i32, i32
  }
  func.func @transform_2(%arg0: i32) -> (i32, i32) {
    %c0_i32 = arith.constant 0 : i32
    %c0_i32_0 = arith.constant 0 : i32
    return %arg0, %c0_i32 : i32, i32
  }
  func.func @transform_3(%arg0: i32) -> (i32, i32) {
    %c0_i32 = arith.constant 0 : i32
    %c0_i32_0 = arith.constant 0 : i32
    %c0_i32_1 = arith.constant 0 : i32
    return %c0_i32, %c0_i32_0 : i32, i32
  }
  func.func @transform_4(%arg0: i32) -> (i32, i32) {
    %c0_i32 = arith.constant 0 : i32
    %c0_i32_0 = arith.constant 0 : i32
    %c0_i32_1 = arith.constant 0 : i32
    return %c0_i32, %c0_i32_0 : i32, i32
  }
  func.func @transform_5(%arg0: i32) -> (i32, i32) {
    %c0_i32 = arith.constant 0 : i32
    %c0_i32_0 = arith.constant 0 : i32
    %c0_i32_1 = arith.constant 0 : i32
    return %c0_i32, %c0_i32_0 : i32, i32
  }
  func.func @transform_6(%arg0: i32) -> (i32, i32) {
    %c0_i32 = arith.constant 0 : i32
    %c0_i32_0 = arith.constant 0 : i32
    %c0_i32_1 = arith.constant 0 : i32
    return %c0_i32, %c0_i32_0 : i32, i32
  }
  func.func @transform_7(%arg0: i32) -> (i32, i32) {
    %c0_i32 = arith.constant 0 : i32
    %c0_i32_0 = arith.constant 0 : i32
    return %arg0, %c0_i32 : i32, i32
  }
}

</mosaic_0001>

<sc_bundles>
// kernel: kernel.12.cloned.1.call-start
scs
__scs_entry_jumppad:
0x0: {  	(pc) =	sbr.rel $0x88, $3  }
0x1: {  	(tag) =	ssettag $0x0;
	lr =	simm.s32 $0x1  }
0x2: {  	[smem:$0x3F95] =	sst lr;
	_ =	strace $0xD0000000  }
0x3: {  	_ = 	snop  }
0x4: {  	_ = 	snop  }
0x5: {  	_ = 	snop  }
0x6: {  	_ = 	snop  }
0x7: {  	_ = 	snop  }
__scs_overlays_trampoline_lowered:
0x8: {  	[smem:$0x3FA4] =	sst s0  }
0x9: {  	[smem:$0x3FA5] =	sst s1  }
0xa: {  	[smem:$0x3FA6] =	sst s2  }
0xb: {  	[smem:$0x3FA7] =	sst s3  }
0xc: {  	[smem:$0x3FA8] =	sst s4  }
0xd: {  	[smem:$0x3FA9] =	sst s5  }
0xe: {  	[smem:$0x3FAA] =	sst s6  }
0xf: {  	[smem:$0x3FAB] =	sst s7  }
0x10: {  	[smem:$0x3FAC] =	sst s8  }
0x11: {  	[smem:$0x3FAD] =	sst s9;
	s0 =	simm.s32 @!p0 $0x0  }
0x12: {  	s1 =	sld [smem:$0x3F93];
	s0 =	simm.s32 @p0 $0x1  }
0x13: {  	[smem:$0x3FAE] =	sst s0;
	s0 =	simm.s32 @!p1 $0x0  }
0x14: {  	s2 =	sld [smem:$0x3F92];
	s0 =	simm.s32 @p1 $0x1  }
0x15: {  	[smem:$0x3FAF] =	sst s0;
	s0 =	simm.s32 @!p2 $0x0  }
0x16: {  	s3 =	sld [smem:$0x3FDB];
	s0 =	simm.s32 @p2 $0x1  }
0x17: {  	s4 =	simm.s32 $0x1BF5;
	[smem:$0x3FB1] =	sst s0  }
0x18: {  	s0 =	sld [smem:$0x3F94];
	_ =	swait.ge [sflag:s4], $0x0  }
0x19: {  	s7 =	sld [smem:$0x3F95]  }
0x1a: {  	s8 =	sadd.s32 $0xFFFFE003, lr  }
0x1b: {  	s9 =	sadd.s32 $0xFFFFFEF7, lr;
	s5 =	simm.s32 $0xFFFFFFFF;
	p2 =	slt.u32 s8, $0xFFFFF086  }
0x1c: {  	p1 =	slt.u32 s9, $0xF7A;
	s5 =	simm.s32 @!p2 $0x0  }
0x1d: {  	s5 =	simm.s32 @p1 $0x1;
	p0 =	seq.s32 s7, s2  }
0x1e: {  	s7 =	smul.u32 @!p0 $0xF7A, s2;
	p2 =	seq.s32 @!p0 s5, $0x0  }
0x1f: {  	s9 =	smul.u32 $0xF7A, s1;
	s8 =	simm.s32 @!p0 $0x1BF5;
	p2 =	por !p2, p0  }
0x20: {  	[sflag:s8] =	ssyncset.s32 @!p0 $0xFFFFF086;
	s6 =	sadd.s32 @!p0 s3, s7;
	s7 =	simm.s32 @!p0 $0x108  }
0x21: {  	s3 =	sadd.s32 s3, s9;
	s6 =	sadd.s32 @!p0 $0x88, s6;
	s7 =	simm.s32 @p2 $0x1082  }
0x22: {  	[simem:s7], [sflag:s8] =	dma.local @!p0 [hbm:s6], $0xF7A  }
0x23: {  	s9 =	sor.u32 $0xD0000000, s2;
	s6 =	simm.s32 $0x108;
	_ =	swait.ge @!p0 [sflag:s8], $0x0  }
0x24: {  	s3 =	sadd.s32 $0x88, s3;
	s6 =	simm.s32 @!p1 $0x1082;
	[sflag:s4] =	ssyncset.s32 $0xFFFFF086  }
0x25: {  	[simem:s6], [sflag:s4] =	dma.local [hbm:s3], $0xF7A  }
0x26: {  	[smem:$0x3F95] =	sst s1;
	(tag) =	ssettag s2;
	_ =	strace s9  }
0x27: {  	s1 =	sld [smem:$0x3FA5]  }
0x28: {  	s2 =	sld [smem:$0x3FA6]  }
0x29: {  	s4 =	sld [smem:$0x3FA8]  }
0x2a: {  	p0 =	seq.s32 s5, $0x0;
	s5 =	sld [smem:$0x3FA9]  }
0x2b: {  	s6 =	sld [smem:$0x3FAA]  }
0x2c: {  	s7 =	sld [smem:$0x3FAB]  }
0x2d: {  	s3 =	simm.s32 $0x108;
	s8 =	sld [smem:$0x3FAC]  }
0x2e: {  	s3 =	simm.s32 @!p0 $0x1082;
	s9 =	sld [smem:$0x3FAD]  }
0x2f: {  	lr =	sadd.s32 s0, s3;
	s0 =	sld [smem:$0x3FA4]  }
0x30: {  	s3 =	sld [smem:$0x3FA7]  }
0x31: {  	[smem:$0x3FB0] =	sst s10  }
0x32: {  	s10 =	sld [smem:$0x3FAE];
	_ =	sdelay $0x3  }
0x33: {  	p0 =	seq.s32 s10, $0x1;
	s10 =	sld [smem:$0x3FB0];
	_ =	sdelay $0x3  }
0x34: {  	[smem:$0x3FB0] =	sst s10  }
0x35: {  	s10 =	sld [smem:$0x3FAF];
	_ =	sdelay $0x3  }
0x36: {  	p1 =	seq.s32 s10, $0x1;
	s10 =	sld [smem:$0x3FB0];
	_ =	sdelay $0x3  }
0x37: {  	[smem:$0x3FB0] =	sst s10  }
0x38: {  	s10 =	sld [smem:$0x3FB1]  }
0x39: {  	_ = 	snop;
	(pc) =	sbr.ind lr, $3  }
0x3a: {  	_ = 	snop  }
0x3b: {  	_ = 	snop  }
0x3c: {  	p2 =	seq.s32 s10, $0x1;
	s10 =	sld [smem:$0x3FB0]  }
0x3d: {  	_ =	shalt  }
0x3e: {  	_ =	shalt  }
0x3f: {  	_ =	shalt  }
0x40: {  	_ =	shalt  }
0x41: {  	_ =	shalt  }
0x42: {  	_ =	shalt  }
0x43: {  	_ =	shalt  }
0x44: {  	_ =	shalt  }
0x45: {  	_ =	shalt  }
0x46: {  	_ =	shalt  }
0x47: {  	_ =	shalt  }
0x48: {  	_ =	shalt  }
0x49: {  	_ =	shalt  }
0x4a: {  	_ =	shalt  }
0x4b: {  	_ =	shalt  }
0x4c: {  	_ =	shalt  }
0x4d: {  	_ =	shalt  }
0x4e: {  	_ =	shalt  }
0x4f: {  	_ =	shalt  }
0x50: {  	_ =	shalt  }
0x51: {  	_ =	shalt  }
0x52: {  	_ =	shalt  }
0x53: {  	_ =	shalt  }
0x54: {  	_ =	shalt  }
0x55: {  	_ =	shalt  }
0x56: {  	_ =	shalt  }
0x57: {  	_ =	shalt  }
0x58: {  	_ =	shalt  }
0x59: {  	_ =	shalt  }
0x5a: {  	_ =	shalt  }
0x5b: {  	_ =	shalt  }
0x5c: {  	_ =	shalt  }
0x5d: {  	_ =	shalt  }
0x5e: {  	_ =	shalt  }
0x5f: {  	_ =	shalt  }
0x60: {  	_ =	shalt  }
0x61: {  	_ =	shalt  }
0x62: {  	_ =	shalt  }
0x63: {  	_ =	shalt  }
0x64: {  	_ =	shalt  }
0x65: {  	_ =	shalt  }
0x66: {  	_ =	shalt  }
0x67: {  	_ =	shalt  }
0x68: {  	_ =	shalt  }
0x69: {  	_ =	shalt  }
0x6a: {  	_ =	shalt  }
0x6b: {  	_ =	shalt  }
0x6c: {  	_ =	shalt  }
0x6d: {  	_ =	shalt  }
0x6e: {  	_ =	shalt  }
0x6f: {  	_ =	shalt  }
0x70: {  	_ =	shalt  }
0x71: {  	_ =	shalt  }
0x72: {  	_ =	shalt  }
0x73: {  	_ =	shalt  }
0x74: {  	_ =	shalt  }
0x75: {  	_ =	shalt  }
0x76: {  	_ =	shalt  }
0x77: {  	_ =	shalt  }
0x78: {  	_ =	shalt  }
0x79: {  	_ =	shalt  }
0x7a: {  	_ =	shalt  }
0x7b: {  	_ =	shalt  }
0x7c: {  	_ =	shalt  }
0x7d: {  	_ =	shalt  }
0x7e: {  	_ =	shalt  }
0x7f: {  	_ =	shalt  }
0x80: {  	_ =	shalt  }
0x81: {  	_ =	shalt  }
0x82: {  	_ =	shalt  }
0x83: {  	_ =	shalt  }
0x84: {  	_ =	shalt  }
0x85: {  	_ =	shalt  }
0x86: {  	_ =	shalt  }
0x87: {  	_ =	shalt  }
.Lfunc_end0:
.L_simem_size_0:
called_computation.1_lowered:
.L_overlay_start_0:
0x88: {  	s2 =	sld [smem:$0x3FD9]  }
0x89: {  	s3 =	sld [smem:$0x3FFE];
	_ =	sdelay $0x1  }
0x8a: {  	s1 =	srdreg.scid  }
0x8b: {  	s0 =	sand.u32 $0x1, s1  }
0x8c: {  	s17 =	sshll.u32 s0, $0xA;
	s2 =	sadd.s32 s3, s2  }
0x8d: {  	s2 =	sadd.s32 s2, s17  }
0x8e: {  	[smem:$0x3FBC] =	sst s2  }
0x8f: {  	_ = 	snop  }
0x90: {  	s2 =	sld [smem:$0x3FD0];
	(tm) =	ssettm $0x1  }
0x91: {  	s18 =	sld [smem:$0x3FFB];
	_ =	sdelay $0x3  }
0x92: {  	_ =	strace s18  }
0x93: {  	s3 =	sld [smem:$0x3FFC];
	_ =	sdelay $0x3  }
0x94: {  	_ =	strace s3  }
0x95: {  	s3 =	sld [smem:$0x3FFD];
	_ =	sdelay $0x3  }
0x96: {  	_ =	strace s3  }
0x97: {  	_ =	strace $0x8FFFFFFF  }
0x98: {  	s19 =	sld [smem:$0x3FDB];
	_ =	sdelay $0x1  }
0x99: {  	s4 =	simm.s32 $_scs_section_size  }
0x9a: {  	s5 =	simm.s32 $_size__tile_overlayer_lowered;
	s6 =	simm.s32 $_tile_overlayer_lowered  }
0x9b: {  	s22 =	simm.s32 $0x1BFF;
	s21 =	sshll.u32 s6, $0x1;
	s3 =	sadd.s32 s4, s19  }
0x9c: {  	s7 =	simm.s32 $0x0;
	s20 =	sshll.u32 s5, $0x1;
	s5 =	sadd.s32 s21, s3  }
0x9d: {  	[timem:s7], [sflag:s22] =	dma.local [hbm:s5], s20  }
0x9e: {  	_ =	swait.ge [sflag:s22], s20  }
0x9f: {  	s4 =	ssub.s32 $0x0, s20;
	[sflag:s22] =	ssyncset.done $0x0  }
0xa0: {  	[sflag:s22] =	ssyncadd.s32 s4;
	_ =	sdelay $0x1  }
0xa1: {  	s23 =	simm.s32 $0x1B8B  }
0xa2: {  	_ =	swait.ge [sflag:s23], $0x1  }
0xa3: {  	[sflag:s23] =	ssyncset.done $0x0  }
0xa4: {  	s25 =	simm.s32 $0x1B8E;
	s24 =	sld [smem:$0x3FFE];
	[sflag:s23] =	ssyncadd.s32 $0xFFFFFFFF  }
0xa5: {  	s26 =	simm.s32 $execute0_lowered;
	[smem:$0x3FD2] =	sst s25  }
0xa6: {  	s5 =	sshll.u32 s26, $0x1;
	_ =	strace $0x80000049;
	[dreg:$0x1] =	wrdreg $0xFFFFFFFF  }
0xa7: {  	s28 =	simm.s32 $_size_execute0_lowered;
	s3 =	sadd.s32 s3, s5;
	[dreg:$0x0] =	wrdreg $0x0  }
0xa8: {  	s5 =	sshll.u32 s28, $0x1;
	[dreg:$0x2] =	wrdreg s3  }
0xa9: {  	[dreg:$0x3] =	wrdreg s5  }
0xaa: {  	[dreg:$0x4] =	wrdreg $0xC0  }
0xab: {  	_ =	task [dreg:s7], $0x5FFFF  }
0xac: {  	[dreg:$0x1] =	wrdreg $0xFFFFFFFF  }
0xad: {  	[dreg:$0x0] =	wrdreg $0x60  }
0xae: {  	[dreg:$0x2] =	wrdreg s24  }
0xaf: {  	[dreg:$0x3] =	wrdreg s2  }
0xb0: {  	[dreg:$0x4] =	wrdreg $0x77800  }
0xb1: {  	[dreg:$0x5] =	wrdreg $0x9  }
0xb2: {  	_ =	task.clear_ibuf [dreg:s7], $0x6FFFF;
	_ =	strace $0x90000049  }
0xb3: {  	s29 =	simm.s32 $0x9;
	_ =	strace $0x8000004B  }
0xb4: {  	_ =	swait.ge [sflag:s29], $0x1  }
0xb5: {  	[sflag:s29] =	ssyncadd.s32 $0xFFFFFFFF  }
0xb6: {  	_ =	strace $0x9000004B  }
0xb7: {  	_ =	sfence  }
0xb8: {  	s30 =	sld [smem:$0x0];
	_ =	sdelay $0x2  }
0xb9: {  	s31 =	sshll.u32 s1, $0xD;
	s1 =	sshrl.u32 s1, $0x2  }
0xba: {  	s3 =	sand.u32 $0x4000, s31;
	s1 =	sadd.s32 s1, s30  }
0xbb: {  	s0 =	sor.u32 s3, s0;
	s1 =	sshll.u32 s1, $0x11  }
0xbc: {  	s0 =	sor.u32 s1, s0  }
0xbd: {  	s0 =	sadd.s32 $0x8F2B, s0  }
0xbe: {  	[sflag:s0] =	ssyncadd.remote.s32 $0x1  }
0xbf: {  	_ =	sfence.sel $0xFFFF  }
0xc0: {  	[dreg:$0x0] =	wrdreg $0xFFFFFFFF;
	(pc) =	sbr.abs _section_cstart, $3  }
0xc1: {  	[dreg:$0x1] =	wrdreg $0xFFFFFFFF  }
0xc2: {  	_ =	task.clear_ibuf [dreg:s7], $0x2FFFF;
	_ =	strace $0x9FFFFFFF  }
0xc3: {  	(tm) =	ssettm $0x7FFFFFFF  }
tec
execute0_lowered:
.L_overlay_start_1:
0x0: {  	(tag) =	ssettag $0x1  }
0x1: {  	s0 =	rddreg [dreg:$0x0]  }
0x2: {  	s2 =	rddreg [dreg:$0x1];
	s3 =	srdreg.scid  }
0x3: {  	s1 =	rddreg [dreg:$0x2];
	s11 =	stileid.u32  }
0x4: {  	s14 =	simm.s32 $0x1000;
	s15 =	simm.s32 $0x2;
	s16 =	simm.s32 $0x3780  }
0x5: {  	s17 =	simm.s32 $0x400;
	s18 =	simm.s32 $0x800;
	s28 =	simm.s32 $0x580  }
0x6: {  	s29 =	simm.s32 $0xE00;
	s30 =	simm.s32 $0x600;
	s8 =	smul.u32 $0x13C00, s11  }
0x7: {  	s31 =	simm.s32 $0xE80;
	s5 =	sand.u32 $0x1, s3;
	s19 =	smul.u32 $0x4F000, s11  }
0x8: {  	s3 =	simm.s32 $0x0;
	s4 =	sadd.s32 $0x1EBC00, s0;
	s11 =	smul.u32 $0x500, s11  }
0x9: {  	s10 =	sadd.s32 $0x16A00, s0;
	s7 =	smul.u32 $0x5000, s5;
	[smem:$0x7FF] =	sst s3  }
0xa: {  	s6 =	smul.u32 $0x13C000, s5;
	s5 =	ssub.s32 $0x2, s5;
	_ =	strace $0x8000004A  }
0xb: {  	[dreg:$0x6] =	wrdreg s10;
	s20 =	sshrl.u32 s5, $0x1;
	s9 =	sadd.s32 s7, s0  }
0xc: {  	s6 =	sadd.s32 s8, s6;
	s8 =	sshrl.u32 s19, $0x2;
	s5 =	ssub.s32 s5, s20  }
0xd: {  	s2 =	sadd.s32 s7, s2;
	s19 =	simm.s32 $0x80;
	s20 =	simm.s32 $0xC00  }
0xe: {  	s7 =	simm.s32 $0xF80;
	s6 =	sshrl.u32 s6, $0x3;
	s22 =	sadd.s32 s11, s9  }
0xf: {  	s2 =	sadd.s32 s11, s2;
	s26 =	smax.u32 s5, $0x1;
	s5 =	simm.s32 $0x700  }
0x10: {  	s9 =	simm.s32 $0x0;
	s0 =	sadd.s32 s6, s0;
	[dreg:$0xc] =	wrdreg s26  }
0x11: {  	s6 =	sadd.s32 s8, s1;
	s24 =	sadd.s32 $0x2A00, s22;
	[dreg:$0x5] =	wrdreg s2  }
0x12: {  	s13 =	sadd.s32 $0xCA00, s22;
	s8 =	sadd.s32 $0x4000, s6;
	[dreg:$0x4] =	wrdreg s24  }
0x13: {  	s22 =	simm.s32 $0xC80;
	s21 =	sadd.s32 $0x8000, s6;
	[dreg:$0x7] =	wrdreg s8  }
0x14: {  	s26 =	simm.s32 $0xD80;
	s23 =	sadd.s32 $0xC000, s6;
	[dreg:$0x8] =	wrdreg s21  }
0x15: {  	s2 =	simm.s32 $0xF00;
	s25 =	sadd.s32 $0x10000, s6;
	[dreg:$0x9] =	wrdreg s23  }
0x16: {  	s0 =	sadd.s32 $0x17000, s0;
	s24 =	simm.s32 $0xD00;
	[dreg:$0xa] =	wrdreg s25  }
0x17: {  	[dreg:$0xb] =	wrdreg s0;
	s21 =	simm.s32 $0x1;
	s23 =	simm.s32 $0x480  }
0x18: {  	v0 =	vimm.f32 $0.0e+00;
	s25 =	simm.s32 $0x500;
	s0 =	simm.s32 $0x680;
	s8 =	simm.s32 $0x780  }
.LBB2_1:
0x19: {  	s10 =	rddreg [dreg:$0x6]  }
0x1a: {  	[tilespmem:s14], [sflag:$0x2] =	stream.linear.gather [hbm4b:s10+s3], $0x2780, $0x38;
	[tilespmem:$0x1B380] =	vst v63  }
0x1b: {  	_ =	swait.ge [sflag:s15], $0x2780  }
0x1c: {  	[sflag:s15] =	ssyncset.done $0x0  }
0x1d: {  	s11 =	simm.s32 $0x200;
	s10 =	simm.s32 $0x0;
	[sflag:s15] =	ssyncadd.s32 $0xFFFFD880  }
.LBB2_2:
0x1e: {  	p0 =	sne.s32 s11, $0xFE00;
	[tilespmem:s10+$0x37F0] =	vst v0  }
0x1f: {  	[tilespmem:s10+$0x3780] =	vst v0  }
0x20: {  	[tilespmem:s10+$0x3790] =	vst v0  }
.Ltmp0:
0x21: {  	[tilespmem:s10+$0x37A0] =	vst v0;
	(pc) =	sbr.rel @p0 .LBB2_2-.Ltmp0, $4  }
0x22: {  	[tilespmem:s10+$0x37B0] =	vst v0  }
0x23: {  	[tilespmem:s10+$0x37C0] =	vst v0  }
0x24: {  	[tilespmem:s10+$0x37D0] =	vst v0  }
0x25: {  	[tilespmem:s10+$0x37E0] =	vst v0;
	s10 =	sshra.s32 s11, $0x2;
	s11 =	sadd.s32 $0x200, s11  }
0x26: {  	[tilespmem:s10+$0x37F0] =	vst v0  }
0x27: {  	[tilespmem:s10+$0x3780] =	vst v0  }
0x28: {  	[tilespmem:s10+$0x3790] =	vst v0  }
0x29: {  	[tilespmem:s10+$0x37A0] =	vst v0  }
0x2a: {  	[tilespmem:s10+$0x37B0] =	vst v0  }
0x2b: {  	[tilespmem:s10+$0x37C0] =	vst v0  }
0x2c: {  	[tilespmem:s10+$0x37D0] =	vst v0  }
0x2d: {  	[tilespmem:s10+$0x37E0] =	vst v0  }
0x2e: {  	[spmem:s6] =	stream.linear.scatter [tilespmem:s16], [sflag:$0x2], $0x4000, $0x38;
	[tilespmem:$0x1B380] =	vst v63  }
0x2f: {  	_ =	swait.ge [sflag:s15], $0x4000  }
0x30: {  	[sflag:s15] =	ssyncset.done $0x0  }
0x31: {  	s11 =	rddreg [dreg:$0x7];
	[sflag:s15] =	ssyncadd.s32 $0xFFFFC000  }
0x32: {  	[spmem:s11] =	stream.linear.scatter [tilespmem:s16], [sflag:$0x2], $0x4000, $0x38;
	[tilespmem:$0x1B380] =	vst v63  }
0x33: {  	_ =	swait.ge [sflag:s15], $0x4000  }
0x34: {  	[sflag:s15] =	ssyncset.done $0x0  }
0x35: {  	s12 =	rddreg [dreg:$0x8];
	[sflag:s15] =	ssyncadd.s32 $0xFFFFC000  }
0x36: {  	[spmem:s12] =	stream.linear.scatter [tilespmem:s16], [sflag:$0x2], $0x4000, $0x38;
	[tilespmem:$0x1B380] =	vst v63  }
0x37: {  	_ =	swait.ge [sflag:s15], $0x4000  }
0x38: {  	[sflag:s15] =	ssyncset.done $0x0  }
0x39: {  	s11 =	rddreg [dreg:$0x9];
	[sflag:s15] =	ssyncadd.s32 $0xFFFFC000  }
0x3a: {  	[spmem:s11] =	stream.linear.scatter [tilespmem:s16], [sflag:$0x2], $0x4000, $0x38;
	[tilespmem:$0x1B380] =	vst v63  }
0x3b: {  	_ =	swait.ge [sflag:s15], $0x4000  }
0x3c: {  	[sflag:s15] =	ssyncset.done $0x0  }
0x3d: {  	s12 =	rddreg [dreg:$0xa];
	[sflag:s15] =	ssyncadd.s32 $0xFFFFC000  }
0x3e: {  	[spmem:s12] =	stream.linear.scatter [tilespmem:s16], [sflag:$0x2], $0x3C00, $0x38;
	[tilespmem:$0x1B380] =	vst v63  }
0x3f: {  	_ =	swait.ge [sflag:s15], $0x3C00  }
0x40: {  	[sflag:s15] =	ssyncset.done $0x0  }
0x41: {  	[sflag:s15] =	ssyncadd.s32 $0xFFFFC400  }
0x42: {  	s10 =	simm.s32 $0x0;
	[bflag:$0x0] =	sbarrier.arrive $0xFFFF  }
.LBB2_4:
0x43: {  	s11 =	sadd.s32 s10, s13  }
0x44: {  	[tilespmem:s3], [sflag:$0x2] =	stream.linear.gather [hbm4b:s11+s3], $0x400, $0x38;
	[tilespmem:$0x1B380] =	vst v63  }
0x45: {  	_ =	swait.ge [sflag:s15], $0x400  }
0x46: {  	s12 =	rddreg [dreg:$0x5];
	[sflag:s15] =	ssyncset.done $0x0  }
0x47: {  	[sflag:s15] =	ssyncadd.s32 $0xFFFFFC00;
	s11 =	sadd.s32 s10, s12  }
0x48: {  	[tilespmem:s17], [sflag:$0x2] =	stream.linear.gather [hbm4b:s11+s3], $0x400, $0x38;
	[tilespmem:$0x1B380] =	vst v63  }
0x49: {  	_ =	swait.ge [sflag:s15], $0x400  }
0x4a: {  	s12 =	rddreg [dreg:$0x4];
	[sflag:s15] =	ssyncset.done $0x0  }
0x4b: {  	[sflag:s15] =	ssyncadd.s32 $0xFFFFFC00;
	s11 =	sadd.s32 s10, s12  }
0x4c: {  	[tilespmem:s18], [sflag:$0x2] =	stream.linear.gather [hbm4b:s11+s3], $0x400, $0x38;
	[tilespmem:$0x1B380] =	vst v63  }
0x4d: {  	_ =	swait.ge [sflag:s15], $0x400  }
0x4e: {  	[sflag:s15] =	ssyncset.done $0x0  }
0x4f: {  	[sflag:s15] =	ssyncadd.s32 $0xFFFFFC00  }
0x50: {  	v1 =	vld [tilespmem:$0x400];
	_ =	sdelay $0x2  }
0x51: {  	v2 =	vld [tilespmem:$0x800];
	_ =	sdelay $0x1  }
0x52: {  	v3 =	vld [tilespmem:$0x0];
	_ =	sdelay $0x1  }
0x53: {  	v4 =	vld [tilespmem:$0x410]  }
0x54: {  	v2 =	vmul.u32 $0x2710, v2;
	v1 =	vld.idx.msk [tilespmem:v1+s14+$0x0], $0xffff;
	_ =	sdelay $0x1  }
0x55: {  	v2 =	vadd.s32 v3, v2;
	v3 =	vld [tilespmem:$0x810]  }
0x56: {  	v2 =	vmul.u32 $0x3, v2  }
0x57: {  	v5 =	vld [tilespmem:$0x10]  }
0x58: {  	v1 =	vadd.s32 v1, v2  }
0x59: {  	[tilespmem:$0xC00] =	vst v1;
	v1 =	vld [tilespmem:$0x420]  }
0x5a: {  	v3 =	vmul.u32 $0x2710, v3;
	v2 =	vld.idx.msk [tilespmem:v4+s14+$0x0], $0xffff;
	_ =	sdelay $0x1  }
0x5b: {  	v52 =	vld [tilespmem:$0x820];
	v3 =	vadd.s32 v5, v3  }
0x5c: {  	v3 =	vmul.u32 $0x3, v3  }
0x5d: {  	v53 =	vld [tilespmem:$0x20]  }
0x5e: {  	v2 =	vadd.s32 v2, v3  }
0x5f: {  	[tilespmem:$0xC10] =	vst v2;
	v2 =	vld [tilespmem:$0x430]  }
0x60: {  	v3 =	vmul.u32 $0x2710, v52;
	v1 =	vld.idx.msk [tilespmem:v1+s14+$0x0], $0xffff;
	_ =	sdelay $0x1  }
0x61: {  	v54 =	vld [tilespmem:$0x830];
	v3 =	vadd.s32 v53, v3  }
0x62: {  	v3 =	vmul.u32 $0x3, v3  }
0x63: {  	v55 =	vld [tilespmem:$0x30]  }
0x64: {  	v1 =	vadd.s32 v1, v3  }
0x65: {  	[tilespmem:$0xC20] =	vst v1;
	v1 =	vld [tilespmem:$0x440]  }
0x66: {  	v3 =	vmul.u32 $0x2710, v54;
	v2 =	vld.idx.msk [tilespmem:v2+s14+$0x0], $0xffff;
	_ =	sdelay $0x1  }
0x67: {  	v56 =	vld [tilespmem:$0x840];
	v3 =	vadd.s32 v55, v3  }
0x68: {  	v3 =	vmul.u32 $0x3, v3  }
0x69: {  	v57 =	vld [tilespmem:$0x40]  }
0x6a: {  	v2 =	vadd.s32 v2, v3  }
0x6b: {  	[tilespmem:$0xC30] =	vst v2;
	v2 =	vld [tilespmem:$0x450]  }
0x6c: {  	v3 =	vmul.u32 $0x2710, v56;
	v1 =	vld.idx.msk [tilespmem:v1+s14+$0x0], $0xffff;
	_ =	sdelay $0x1  }
0x6d: {  	v58 =	vld [tilespmem:$0x850];
	v3 =	vadd.s32 v57, v3  }
0x6e: {  	v3 =	vmul.u32 $0x3, v3  }
0x6f: {  	v59 =	vld [tilespmem:$0x50]  }
0x70: {  	v1 =	vadd.s32 v1, v3  }
0x71: {  	[tilespmem:$0xC40] =	vst v1;
	v1 =	vld [tilespmem:$0x460]  }
0x72: {  	v3 =	vmul.u32 $0x2710, v58;
	v2 =	vld.idx.msk [tilespmem:v2+s14+$0x0], $0xffff;
	_ =	sdelay $0x1  }
0x73: {  	v60 =	vld [tilespmem:$0x860];
	v3 =	vadd.s32 v59, v3  }
0x74: {  	v3 =	vmul.u32 $0x3, v3  }
0x75: {  	v61 =	vld [tilespmem:$0x60]  }
0x76: {  	v2 =	vadd.s32 v2, v3  }
0x77: {  	[tilespmem:$0xC50] =	vst v2;
	v2 =	vld [tilespmem:$0x470]  }
0x78: {  	v3 =	vmul.u32 $0x2710, v60;
	v1 =	vld.idx.msk [tilespmem:v1+s14+$0x0], $0xffff;
	_ =	sdelay $0x1  }
0x79: {  	v62 =	vld [tilespmem:$0x870];
	v3 =	vadd.s32 v61, v3  }
0x7a: {  	v3 =	vmul.u32 $0x3, v3  }
0x7b: {  	v63 =	vld [tilespmem:$0x70]  }
0x7c: {  	v1 =	vadd.s32 v1, v3  }
0x7d: {  	[tilespmem:$0xC60] =	vst v1;
	v1 =	vld [tilespmem:$0x480]  }
0x7e: {  	v3 =	vmul.u32 $0x2710, v62;
	v2 =	vld.idx.msk [tilespmem:v2+s14+$0x0], $0xffff;
	_ =	sdelay $0x1  }
0x7f: {  	v8 =	vld [tilespmem:$0x880];
	v3 =	vadd.s32 v63, v3  }
0x80: {  	v3 =	vmul.u32 $0x3, v3  }
0x81: {  	v9 =	vld [tilespmem:$0x80]  }
0x82: {  	v2 =	vadd.s32 v2, v3  }
0x83: {  	[tilespmem:$0xC70] =	vst v2;
	v2 =	vld [tilespmem:$0x490]  }
0x84: {  	v3 =	vmul.u32 $0x2710, v8;
	v1 =	vld.idx.msk [tilespmem:v1+s14+$0x0], $0xffff;
	_ =	sdelay $0x1  }
0x85: {  	v10 =	vld [tilespmem:$0x890];
	v3 =	vadd.s32 v9, v3  }
0x86: {  	v3 =	vmul.u32 $0x3, v3  }
0x87: {  	v11 =	vld [tilespmem:$0x90]  }
0x88: {  	v1 =	vadd.s32 v1, v3  }
0x89: {  	[tilespmem:$0xC80] =	vst v1;
	v1 =	vld [tilespmem:$0x4A0]  }
0x8a: {  	v3 =	vmul.u32 $0x2710, v10;
	v2 =	vld.idx.msk [tilespmem:v2+s14+$0x0], $0xffff;
	_ =	sdelay $0x1  }
0x8b: {  	v12 =	vld [tilespmem:$0x8A0];
	v3 =	vadd.s32 v11, v3  }
0x8c: {  	v3 =	vmul.u32 $0x3, v3  }
0x8d: {  	v13 =	vld [tilespmem:$0xA0]  }
0x8e: {  	v2 =	vadd.s32 v2, v3  }
0x8f: {  	[tilespmem:$0xC90] =	vst v2;
	v2 =	vld [tilespmem:$0x4B0]  }
0x90: {  	v3 =	vmul.u32 $0x2710, v12;
	v1 =	vld.idx.msk [tilespmem:v1+s14+$0x0], $0xffff;
	_ =	sdelay $0x1  }
0x91: {  	v14 =	vld [tilespmem:$0x8B0];
	v3 =	vadd.s32 v13, v3  }
0x92: {  	v3 =	vmul.u32 $0x3, v3  }
0x93: {  	v15 =	vld [tilespmem:$0xB0]  }
0x94: {  	v1 =	vadd.s32 v1, v3  }
0x95: {  	[tilespmem:$0xCA0] =	vst v1;
	v1 =	vld [tilespmem:$0x4C0]  }
0x96: {  	v3 =	vmul.u32 $0x2710, v14;
	v2 =	vld.idx.msk [tilespmem:v2+s14+$0x0], $0xffff;
	_ =	sdelay $0x1  }
0x97: {  	v16 =	vld [tilespmem:$0x8C0];
	v3 =	vadd.s32 v15, v3  }
0x98: {  	v3 =	vmul.u32 $0x3, v3  }
0x99: {  	v17 =	vld [tilespmem:$0xC0]  }
0x9a: {  	v2 =	vadd.s32 v2, v3  }
0x9b: {  	[tilespmem:$0xCB0] =	vst v2;
	v2 =	vld [tilespmem:$0x4D0]  }
0x9c: {  	v3 =	vmul.u32 $0x2710, v16;
	v1 =	vld.idx.msk [tilespmem:v1+s14+$0x0], $0xffff;
	_ =	sdelay $0x1  }
0x9d: {  	v18 =	vld [tilespmem:$0x8D0];
	v3 =	vadd.s32 v17, v3  }
0x9e: {  	v3 =	vmul.u32 $0x3, v3  }
0x9f: {  	v19 =	vld [tilespmem:$0xD0]  }
0xa0: {  	v1 =	vadd.s32 v1, v3  }
0xa1: {  	[tilespmem:$0xCC0] =	vst v1;
	v1 =	vld [tilespmem:$0x4E0]  }
0xa2: {  	v3 =	vmul.u32 $0x2710, v18;
	v2 =	vld.idx.msk [tilespmem:v2+s14+$0x0], $0xffff;
	_ =	sdelay $0x1  }
0xa3: {  	v20 =	vld [tilespmem:$0x8E0];
	v3 =	vadd.s32 v19, v3  }
0xa4: {  	v3 =	vmul.u32 $0x3, v3  }
0xa5: {  	v21 =	vld [tilespmem:$0xE0]  }
0xa6: {  	v2 =	vadd.s32 v2, v3  }
0xa7: {  	[tilespmem:$0xCD0] =	vst v2;
	v2 =	vld [tilespmem:$0x4F0]  }
0xa8: {  	v3 =	vmul.u32 $0x2710, v20;
	v1 =	vld.idx.msk [tilespmem:v1+s14+$0x0], $0xffff;
	_ =	sdelay $0x1  }
0xa9: {  	v22 =	vld [tilespmem:$0x8F0];
	v3 =	vadd.s32 v21, v3  }
0xaa: {  	v3 =	vmul.u32 $0x3, v3  }
0xab: {  	v23 =	vld [tilespmem:$0xF0]  }
0xac: {  	v1 =	vadd.s32 v1, v3  }
0xad: {  	[tilespmem:$0xCE0] =	vst v1;
	v1 =	vld [tilespmem:$0x500]  }
0xae: {  	v3 =	vmul.u32 $0x2710, v22;
	v2 =	vld.idx.msk [tilespmem:v2+s14+$0x0], $0xffff;
	_ =	sdelay $0x1  }
0xaf: {  	v24 =	vld [tilespmem:$0x900];
	v3 =	vadd.s32 v23, v3  }
0xb0: {  	v3 =	vmul.u32 $0x3, v3  }
0xb1: {  	v25 =	vld [tilespmem:$0x100]  }
0xb2: {  	v2 =	vadd.s32 v2, v3  }
0xb3: {  	[tilespmem:$0xCF0] =	vst v2;
	v2 =	vld [tilespmem:$0x510]  }
0xb4: {  	v3 =	vmul.u32 $0x2710, v24;
	v1 =	vld.idx.msk [tilespmem:v1+s14+$0x0], $0xffff;
	_ =	sdelay $0x1  }
0xb5: {  	v26 =	vld [tilespmem:$0x910];
	v3 =	vadd.s32 v25, v3  }
0xb6: {  	v3 =	vmul.u32 $0x3, v3  }
0xb7: {  	v27 =	vld [tilespmem:$0x110]  }
0xb8: {  	v1 =	vadd.s32 v1, v3  }
0xb9: {  	[tilespmem:$0xD00] =	vst v1;
	v1 =	vld [tilespmem:$0x520]  }
0xba: {  	v3 =	vmul.u32 $0x2710, v26;
	v2 =	vld.idx.msk [tilespmem:v2+s14+$0x0], $0xffff;
	_ =	sdelay $0x1  }
0xbb: {  	v28 =	vld [tilespmem:$0x920];
	v3 =	vadd.s32 v27, v3  }
0xbc: {  	v3 =	vmul.u32 $0x3, v3  }
0xbd: {  	v29 =	vld [tilespmem:$0x120]  }
0xbe: {  	v2 =	vadd.s32 v2, v3  }
0xbf: {  	[tilespmem:$0xD10] =	vst v2;
	v2 =	vld [tilespmem:$0x530]  }
0xc0: {  	v3 =	vmul.u32 $0x2710, v28;
	v1 =	vld.idx.msk [tilespmem:v1+s14+$0x0], $0xffff;
	_ =	sdelay $0x1  }
0xc1: {  	v30 =	vld [tilespmem:$0x930];
	v3 =	vadd.s32 v29, v3  }
0xc2: {  	v3 =	vmul.u32 $0x3, v3  }
0xc3: {  	v31 =	vld [tilespmem:$0x130]  }
0xc4: {  	v1 =	vadd.s32 v1, v3  }
0xc5: {  	[tilespmem:$0xD20] =	vst v1;
	v1 =	vld [tilespmem:$0x540]  }
0xc6: {  	v3 =	vmul.u32 $0x2710, v30;
	v2 =	vld.idx.msk [tilespmem:v2+s14+$0x0], $0xffff;
	_ =	sdelay $0x1  }
0xc7: {  	v32 =	vld [tilespmem:$0x940];
	v3 =	vadd.s32 v31, v3  }
0xc8: {  	v3 =	vmul.u32 $0x3, v3  }
0xc9: {  	v33 =	vld [tilespmem:$0x140]  }
0xca: {  	v2 =	vadd.s32 v2, v3  }
0xcb: {  	[tilespmem:$0xD30] =	vst v2;
	v2 =	vld [tilespmem:$0x550]  }
0xcc: {  	v3 =	vmul.u32 $0x2710, v32;
	v1 =	vld.idx.msk [tilespmem:v1+s14+$0x0], $0xffff;
	_ =	sdelay $0x1  }
0xcd: {  	v34 =	vld [tilespmem:$0x950];
	v3 =	vadd.s32 v33, v3  }
0xce: {  	v3 =	vmul.u32 $0x3, v3  }
0xcf: {  	v35 =	vld [tilespmem:$0x150]  }
0xd0: {  	v1 =	vadd.s32 v1, v3  }
0xd1: {  	[tilespmem:$0xD40] =	vst v1;
	v1 =	vld [tilespmem:$0x560]  }
0xd2: {  	v3 =	vmul.u32 $0x2710, v34;
	v2 =	vld.idx.msk [tilespmem:v2+s14+$0x0], $0xffff;
	_ =	sdelay $0x1  }
0xd3: {  	v36 =	vld [tilespmem:$0x960];
	v3 =	vadd.s32 v35, v3  }
0xd4: {  	v3 =	vmul.u32 $0x3, v3  }
0xd5: {  	v37 =	vld [tilespmem:$0x160]  }
0xd6: {  	v2 =	vadd.s32 v2, v3  }
0xd7: {  	[tilespmem:$0xD50] =	vst v2;
	v2 =	vld [tilespmem:$0x570]  }
0xd8: {  	v3 =	vmul.u32 $0x2710, v36;
	v1 =	vld.idx.msk [tilespmem:v1+s14+$0x0], $0xffff;
	_ =	sdelay $0x1  }
0xd9: {  	v38 =	vld [tilespmem:$0x970];
	v3 =	vadd.s32 v37, v3  }
0xda: {  	v3 =	vmul.u32 $0x3, v3  }
0xdb: {  	v39 =	vld [tilespmem:$0x170]  }
0xdc: {  	v1 =	vadd.s32 v1, v3  }
0xdd: {  	[tilespmem:$0xD60] =	vst v1;
	v1 =	vld [tilespmem:$0x580]  }
0xde: {  	v3 =	vmul.u32 $0x2710, v38;
	v2 =	vld.idx.msk [tilespmem:v2+s14+$0x0], $0xffff;
	_ =	sdelay $0x1  }
0xdf: {  	v40 =	vld [tilespmem:$0x980];
	v3 =	vadd.s32 v39, v3  }
0xe0: {  	v3 =	vmul.u32 $0x3, v3  }
0xe1: {  	v41 =	vld [tilespmem:$0x180]  }
0xe2: {  	v2 =	vadd.s32 v2, v3  }
0xe3: {  	[tilespmem:$0xD70] =	vst v2;
	v2 =	vld [tilespmem:$0x590]  }
0xe4: {  	v3 =	vmul.u32 $0x2710, v40;
	v1 =	vld.idx.msk [tilespmem:v1+s14+$0x0], $0xffff;
	_ =	sdelay $0x1  }
0xe5: {  	v42 =	vld [tilespmem:$0x990];
	v3 =	vadd.s32 v41, v3  }
0xe6: {  	v3 =	vmul.u32 $0x3, v3  }
0xe7: {  	v43 =	vld [tilespmem:$0x190]  }
0xe8: {  	v1 =	vadd.s32 v1, v3  }
0xe9: {  	[tilespmem:$0xD80] =	vst v1;
	v1 =	vld [tilespmem:$0x5A0]  }
0xea: {  	v3 =	vmul.u32 $0x2710, v42;
	v2 =	vld.idx.msk [tilespmem:v2+s14+$0x0], $0xffff;
	_ =	sdelay $0x1  }
0xeb: {  	v44 =	vld [tilespmem:$0x9A0];
	v3 =	vadd.s32 v43, v3  }
0xec: {  	v3 =	vmul.u32 $0x3, v3  }
0xed: {  	v45 =	vld [tilespmem:$0x1A0]  }
0xee: {  	v2 =	vadd.s32 v2, v3  }
0xef: {  	[tilespmem:$0xD90] =	vst v2;
	v2 =	vld [tilespmem:$0x5B0]  }
0xf0: {  	v3 =	vmul.u32 $0x2710, v44;
	v1 =	vld.idx.msk [tilespmem:v1+s14+$0x0], $0xffff;
	_ =	sdelay $0x1  }
0xf1: {  	v46 =	vld [tilespmem:$0x9B0];
	v3 =	vadd.s32 v45, v3  }
0xf2: {  	v3 =	vmul.u32 $0x3, v3  }
0xf3: {  	v47 =	vld [tilespmem:$0x1B0]  }
0xf4: {  	v1 =	vadd.s32 v1, v3  }
0xf5: {  	[tilespmem:$0xDA0] =	vst v1;
	v1 =	vld [tilespmem:$0x5C0]  }
0xf6: {  	v3 =	vmul.u32 $0x2710, v46;
	v2 =	vld.idx.msk [tilespmem:v2+s14+$0x0], $0xffff;
	_ =	sdelay $0x1  }
0xf7: {  	v48 =	vld [tilespmem:$0x9C0];
	v3 =	vadd.s32 v47, v3  }
0xf8: {  	v3 =	vmul.u32 $0x3, v3  }
0xf9: {  	v49 =	vld [tilespmem:$0x1C0]  }
0xfa: {  	v2 =	vadd.s32 v2, v3  }
0xfb: {  	[tilespmem:$0xDB0] =	vst v2;
	v2 =	vld [tilespmem:$0x5D0]  }
0xfc: {  	v3 =	vmul.u32 $0x2710, v48;
	v1 =	vld.idx.msk [tilespmem:v1+s14+$0x0], $0xffff;
	_ =	sdelay $0x1  }
0xfd: {  	v50 =	vld [tilespmem:$0x9D0];
	v3 =	vadd.s32 v49, v3  }
0xfe: {  	v3 =	vmul.u32 $0x3, v3  }
0xff: {  	v51 =	vld [tilespmem:$0x1D0]  }
0x100: {  	v1 =	vadd.s32 v1, v3  }
0x101: {  	[tilespmem:$0xDC0] =	vst v1;
	v1 =	vld [tilespmem:$0x5E0]  }
0x102: {  	v3 =	vmul.u32 $0x2710, v50;
	v2 =	vld.idx.msk [tilespmem:v2+s14+$0x0], $0xffff;
	_ =	sdelay $0x1  }
0x103: {  	v52 =	vld [tilespmem:$0x9E0];
	v3 =	vadd.s32 v51, v3  }
0x104: {  	v3 =	vmul.u32 $0x3, v3  }
0x105: {  	v53 =	vld [tilespmem:$0x1E0]  }
0x106: {  	v2 =	vadd.s32 v2, v3  }
0x107: {  	[tilespmem:$0xDD0] =	vst v2;
	v2 =	vld [tilespmem:$0x5F0]  }
0x108: {  	v3 =	vmul.u32 $0x2710, v52;
	v1 =	vld.idx.msk [tilespmem:v1+s14+$0x0], $0xffff;
	_ =	sdelay $0x1  }
0x109: {  	v54 =	vld [tilespmem:$0x9F0];
	v3 =	vadd.s32 v53, v3  }
0x10a: {  	v3 =	vmul.u32 $0x3, v3  }
0x10b: {  	v55 =	vld [tilespmem:$0x1F0]  }
0x10c: {  	v1 =	vadd.s32 v1, v3  }
0x10d: {  	[tilespmem:$0xDE0] =	vst v1;
	v1 =	vld [tilespmem:$0x600]  }
0x10e: {  	v3 =	vmul.u32 $0x2710, v54;
	v2 =	vld.idx.msk [tilespmem:v2+s14+$0x0], $0xffff;
	_ =	sdelay $0x1  }
0x10f: {  	v56 =	vld [tilespmem:$0xA00];
	v3 =	vadd.s32 v55, v3  }
0x110: {  	v3 =	vmul.u32 $0x3, v3  }
0x111: {  	v57 =	vld [tilespmem:$0x200]  }
0x112: {  	v2 =	vadd.s32 v2, v3  }
0x113: {  	[tilespmem:$0xDF0] =	vst v2;
	v2 =	vld [tilespmem:$0x610]  }
0x114: {  	v3 =	vmul.u32 $0x2710, v56;
	v1 =	vld.idx.msk [tilespmem:v1+s14+$0x0], $0xffff;
	_ =	sdelay $0x1  }
0x115: {  	v58 =	vld [tilespmem:$0xA10];
	v3 =	vadd.s32 v57, v3  }
0x116: {  	v3 =	vmul.u32 $0x3, v3  }
0x117: {  	v59 =	vld [tilespmem:$0x210]  }
0x118: {  	v1 =	vadd.s32 v1, v3  }
0x119: {  	[tilespmem:$0xE00] =	vst v1;
	v1 =	vld [tilespmem:$0x620]  }
0x11a: {  	v3 =	vmul.u32 $0x2710, v58;
	v2 =	vld.idx.msk [tilespmem:v2+s14+$0x0], $0xffff;
	_ =	sdelay $0x1  }
0x11b: {  	v60 =	vld [tilespmem:$0xA20];
	v3 =	vadd.s32 v59, v3  }
0x11c: {  	v3 =	vmul.u32 $0x3, v3  }
0x11d: {  	v61 =	vld [tilespmem:$0x220]  }
0x11e: {  	v2 =	vadd.s32 v2, v3  }
0x11f: {  	[tilespmem:$0xE10] =	vst v2;
	v2 =	vld [tilespmem:$0x630]  }
0x120: {  	v3 =	vmul.u32 $0x2710, v60;
	v1 =	vld.idx.msk [tilespmem:v1+s14+$0x0], $0xffff;
	_ =	sdelay $0x1  }
0x121: {  	v62 =	vld [tilespmem:$0xA30];
	v3 =	vadd.s32 v61, v3  }
0x122: {  	v3 =	vmul.u32 $0x3, v3  }
0x123: {  	v63 =	vld [tilespmem:$0x230]  }
0x124: {  	v1 =	vadd.s32 v1, v3  }
0x125: {  	[tilespmem:$0xE20] =	vst v1;
	v1 =	vld [tilespmem:$0x640]  }
0x126: {  	v3 =	vmul.u32 $0x2710, v62;
	v2 =	vld.idx.msk [tilespmem:v2+s14+$0x0], $0xffff;
	_ =	sdelay $0x1  }
0x127: {  	v8 =	vld [tilespmem:$0xA40];
	v3 =	vadd.s32 v63, v3  }
0x128: {  	v3 =	vmul.u32 $0x3, v3  }
0x129: {  	v9 =	vld [tilespmem:$0x240]  }
0x12a: {  	v2 =	vadd.s32 v2, v3  }
0x12b: {  	[tilespmem:$0xE30] =	vst v2;
	v2 =	vld [tilespmem:$0x650]  }
0x12c: {  	v3 =	vmul.u32 $0x2710, v8;
	v1 =	vld.idx.msk [tilespmem:v1+s14+$0x0], $0xffff;
	_ =	sdelay $0x1  }
0x12d: {  	v10 =	vld [tilespmem:$0xA50];
	v3 =	vadd.s32 v9, v3  }
0x12e: {  	v3 =	vmul.u32 $0x3, v3  }
0x12f: {  	v11 =	vld [tilespmem:$0x250]  }
0x130: {  	v1 =	vadd.s32 v1, v3  }
0x131: {  	[tilespmem:$0xE40] =	vst v1;
	v1 =	vld [tilespmem:$0x660]  }
0x132: {  	v3 =	vmul.u32 $0x2710, v10;
	v2 =	vld.idx.msk [tilespmem:v2+s14+$0x0], $0xffff;
	_ =	sdelay $0x1  }
0x133: {  	v12 =	vld [tilespmem:$0xA60];
	v3 =	vadd.s32 v11, v3  }
0x134: {  	v3 =	vmul.u32 $0x3, v3  }
0x135: {  	v13 =	vld [tilespmem:$0x260]  }
0x136: {  	v2 =	vadd.s32 v2, v3  }
0x137: {  	[tilespmem:$0xE50] =	vst v2;
	v2 =	vld [tilespmem:$0x670]  }
0x138: {  	v3 =	vmul.u32 $0x2710, v12;
	v1 =	vld.idx.msk [tilespmem:v1+s14+$0x0], $0xffff;
	_ =	sdelay $0x1  }
0x139: {  	v14 =	vld [tilespmem:$0xA70];
	v3 =	vadd.s32 v13, v3  }
0x13a: {  	v3 =	vmul.u32 $0x3, v3  }
0x13b: {  	v15 =	vld [tilespmem:$0x270]  }
0x13c: {  	v1 =	vadd.s32 v1, v3  }
0x13d: {  	[tilespmem:$0xE60] =	vst v1;
	v1 =	vld [tilespmem:$0x680]  }
0x13e: {  	v3 =	vmul.u32 $0x2710, v14;
	v2 =	vld.idx.msk [tilespmem:v2+s14+$0x0], $0xffff;
	_ =	sdelay $0x1  }
0x13f: {  	v16 =	vld [tilespmem:$0xA80];
	v3 =	vadd.s32 v15, v3  }
0x140: {  	v3 =	vmul.u32 $0x3, v3  }
0x141: {  	v17 =	vld [tilespmem:$0x280]  }
0x142: {  	v2 =	vadd.s32 v2, v3  }
0x143: {  	[tilespmem:$0xE70] =	vst v2;
	v2 =	vld [tilespmem:$0x690]  }
0x144: {  	v3 =	vmul.u32 $0x2710, v16;
	v1 =	vld.idx.msk [tilespmem:v1+s14+$0x0], $0xffff;
	_ =	sdelay $0x1  }
0x145: {  	v18 =	vld [tilespmem:$0xA90];
	v3 =	vadd.s32 v17, v3  }
0x146: {  	v3 =	vmul.u32 $0x3, v3  }
0x147: {  	v19 =	vld [tilespmem:$0x290]  }
0x148: {  	v1 =	vadd.s32 v1, v3  }
0x149: {  	[tilespmem:$0xE80] =	vst v1;
	v1 =	vld [tilespmem:$0x6A0]  }
0x14a: {  	v3 =	vmul.u32 $0x2710, v18;
	v2 =	vld.idx.msk [tilespmem:v2+s14+$0x0], $0xffff;
	_ =	sdelay $0x1  }
0x14b: {  	v20 =	vld [tilespmem:$0xAA0];
	v3 =	vadd.s32 v19, v3  }
0x14c: {  	v3 =	vmul.u32 $0x3, v3  }
0x14d: {  	v21 =	vld [tilespmem:$0x2A0]  }
0x14e: {  	v2 =	vadd.s32 v2, v3  }
0x14f: {  	[tilespmem:$0xE90] =	vst v2;
	v2 =	vld [tilespmem:$0x6B0]  }
0x150: {  	v3 =	vmul.u32 $0x2710, v20;
	v1 =	vld.idx.msk [tilespmem:v1+s14+$0x0], $0xffff;
	_ =	sdelay $0x1  }
0x151: {  	v22 =	vld [tilespmem:$0xAB0];
	v3 =	vadd.s32 v21, v3  }
0x152: {  	v3 =	vmul.u32 $0x3, v3  }
0x153: {  	v23 =	vld [tilespmem:$0x2B0]  }
0x154: {  	v1 =	vadd.s32 v1, v3  }
0x155: {  	[tilespmem:$0xEA0] =	vst v1;
	v1 =	vld [tilespmem:$0x6C0]  }
0x156: {  	v3 =	vmul.u32 $0x2710, v22;
	v2 =	vld.idx.msk [tilespmem:v2+s14+$0x0], $0xffff;
	_ =	sdelay $0x1  }
0x157: {  	v24 =	vld [tilespmem:$0xAC0];
	v3 =	vadd.s32 v23, v3  }
0x158: {  	v3 =	vmul.u32 $0x3, v3  }
0x159: {  	v25 =	vld [tilespmem:$0x2C0]  }
0x15a: {  	v2 =	vadd.s32 v2, v3  }
0x15b: {  	[tilespmem:$0xEB0] =	vst v2;
	v2 =	vld [tilespmem:$0x6D0]  }
0x15c: {  	v3 =	vmul.u32 $0x2710, v24;
	v1 =	vld.idx.msk [tilespmem:v1+s14+$0x0], $0xffff;
	_ =	sdelay $0x1  }
0x15d: {  	v26 =	vld [tilespmem:$0xAD0];
	v3 =	vadd.s32 v25, v3  }
0x15e: {  	v3 =	vmul.u32 $0x3, v3  }
0x15f: {  	v27 =	vld [tilespmem:$0x2D0]  }
0x160: {  	v1 =	vadd.s32 v1, v3  }
0x161: {  	[tilespmem:$0xEC0] =	vst v1;
	v1 =	vld [tilespmem:$0x6E0]  }
0x162: {  	v3 =	vmul.u32 $0x2710, v26;
	v2 =	vld.idx.msk [tilespmem:v2+s14+$0x0], $0xffff;
	_ =	sdelay $0x1  }
0x163: {  	v28 =	vld [tilespmem:$0xAE0];
	v3 =	vadd.s32 v27, v3  }
0x164: {  	v3 =	vmul.u32 $0x3, v3  }
0x165: {  	v29 =	vld [tilespmem:$0x2E0]  }
0x166: {  	v2 =	vadd.s32 v2, v3  }
0x167: {  	[tilespmem:$0xED0] =	vst v2;
	v2 =	vld [tilespmem:$0x6F0]  }
0x168: {  	v3 =	vmul.u32 $0x2710, v28;
	v1 =	vld.idx.msk [tilespmem:v1+s14+$0x0], $0xffff;
	_ =	sdelay $0x1  }
0x169: {  	v30 =	vld [tilespmem:$0xAF0];
	v3 =	vadd.s32 v29, v3  }
0x16a: {  	v3 =	vmul.u32 $0x3, v3  }
0x16b: {  	v31 =	vld [tilespmem:$0x2F0]  }
0x16c: {  	v1 =	vadd.s32 v1, v3  }
0x16d: {  	[tilespmem:$0xEE0] =	vst v1;
	v1 =	vld [tilespmem:$0x700]  }
0x16e: {  	v3 =	vmul.u32 $0x2710, v30;
	v2 =	vld.idx.msk [tilespmem:v2+s14+$0x0], $0xffff;
	_ =	sdelay $0x1  }
0x16f: {  	v32 =	vld [tilespmem:$0xB00];
	v3 =	vadd.s32 v31, v3  }
0x170: {  	v3 =	vmul.u32 $0x3, v3  }
0x171: {  	v33 =	vld [tilespmem:$0x300]  }
0x172: {  	v2 =	vadd.s32 v2, v3  }
0x173: {  	[tilespmem:$0xEF0] =	vst v2;
	v2 =	vld [tilespmem:$0x710]  }
0x174: {  	v3 =	vmul.u32 $0x2710, v32;
	v1 =	vld.idx.msk [tilespmem:v1+s14+$0x0], $0xffff;
	_ =	sdelay $0x1  }
0x175: {  	v34 =	vld [tilespmem:$0xB10];
	v3 =	vadd.s32 v33, v3  }
0x176: {  	v3 =	vmul.u32 $0x3, v3  }
0x177: {  	v35 =	vld [tilespmem:$0x310]  }
0x178: {  	v1 =	vadd.s32 v1, v3  }
0x179: {  	[tilespmem:$0xF00] =	vst v1;
	v1 =	vld [tilespmem:$0x720]  }
0x17a: {  	v3 =	vmul.u32 $0x2710, v34;
	v2 =	vld.idx.msk [tilespmem:v2+s14+$0x0], $0xffff;
	_ =	sdelay $0x1  }
0x17b: {  	v36 =	vld [tilespmem:$0xB20];
	v3 =	vadd.s32 v35, v3  }
0x17c: {  	v3 =	vmul.u32 $0x3, v3  }
0x17d: {  	v37 =	vld [tilespmem:$0x320]  }
0x17e: {  	v2 =	vadd.s32 v2, v3  }
0x17f: {  	[tilespmem:$0xF10] =	vst v2;
	v2 =	vld [tilespmem:$0x730]  }
0x180: {  	v3 =	vmul.u32 $0x2710, v36;
	v1 =	vld.idx.msk [tilespmem:v1+s14+$0x0], $0xffff;
	_ =	sdelay $0x1  }
0x181: {  	v38 =	vld [tilespmem:$0xB30];
	v3 =	vadd.s32 v37, v3  }
0x182: {  	v3 =	vmul.u32 $0x3, v3  }
0x183: {  	v39 =	vld [tilespmem:$0x330]  }
0x184: {  	v1 =	vadd.s32 v1, v3  }
0x185: {  	[tilespmem:$0xF20] =	vst v1;
	v1 =	vld [tilespmem:$0x740]  }
0x186: {  	v3 =	vmul.u32 $0x2710, v38;
	v2 =	vld.idx.msk [tilespmem:v2+s14+$0x0], $0xffff;
	_ =	sdelay $0x1  }
0x187: {  	v40 =	vld [tilespmem:$0xB40];
	v3 =	vadd.s32 v39, v3  }
0x188: {  	v3 =	vmul.u32 $0x3, v3  }
0x189: {  	v41 =	vld [tilespmem:$0x340]  }
0x18a: {  	v2 =	vadd.s32 v2, v3  }
0x18b: {  	[tilespmem:$0xF30] =	vst v2;
	v2 =	vld [tilespmem:$0x750]  }
0x18c: {  	v3 =	vmul.u32 $0x2710, v40;
	v1 =	vld.idx.msk [tilespmem:v1+s14+$0x0], $0xffff;
	_ =	sdelay $0x1  }
0x18d: {  	v42 =	vld [tilespmem:$0xB50];
	v3 =	vadd.s32 v41, v3  }
0x18e: {  	v3 =	vmul.u32 $0x3, v3  }
0x18f: {  	v43 =	vld [tilespmem:$0x350]  }
0x190: {  	v1 =	vadd.s32 v1, v3  }
0x191: {  	[tilespmem:$0xF40] =	vst v1;
	v1 =	vld [tilespmem:$0x760]  }
0x192: {  	v3 =	vmul.u32 $0x2710, v42;
	v2 =	vld.idx.msk [tilespmem:v2+s14+$0x0], $0xffff;
	_ =	sdelay $0x1  }
0x193: {  	v44 =	vld [tilespmem:$0xB60];
	v3 =	vadd.s32 v43, v3  }
0x194: {  	v3 =	vmul.u32 $0x3, v3  }
0x195: {  	v45 =	vld [tilespmem:$0x360]  }
0x196: {  	v2 =	vadd.s32 v2, v3  }
0x197: {  	[tilespmem:$0xF50] =	vst v2;
	v2 =	vld [tilespmem:$0x770]  }
0x198: {  	v3 =	vmul.u32 $0x2710, v44;
	v1 =	vld.idx.msk [tilespmem:v1+s14+$0x0], $0xffff;
	_ =	sdelay $0x1  }
0x199: {  	v46 =	vld [tilespmem:$0xB70];
	v3 =	vadd.s32 v45, v3  }
0x19a: {  	v3 =	vmul.u32 $0x3, v3  }
0x19b: {  	v47 =	vld [tilespmem:$0x370]  }
0x19c: {  	v1 =	vadd.s32 v1, v3  }
0x19d: {  	[tilespmem:$0xF60] =	vst v1;
	v1 =	vld [tilespmem:$0x780]  }
0x19e: {  	v3 =	vmul.u32 $0x2710, v46;
	v2 =	vld.idx.msk [tilespmem:v2+s14+$0x0], $0xffff;
	_ =	sdelay $0x1  }
0x19f: {  	v48 =	vld [tilespmem:$0xB80];
	v3 =	vadd.s32 v47, v3  }
0x1a0: {  	v3 =	vmul.u32 $0x3, v3  }
0x1a1: {  	v49 =	vld [tilespmem:$0x380]  }
0x1a2: {  	v2 =	vadd.s32 v2, v3  }
0x1a3: {  	[tilespmem:$0xF70] =	vst v2;
	v2 =	vld [tilespmem:$0x790]  }
0x1a4: {  	v3 =	vmul.u32 $0x2710, v48;
	v1 =	vld.idx.msk [tilespmem:v1+s14+$0x0], $0xffff;
	_ =	sdelay $0x1  }
0x1a5: {  	v50 =	vld [tilespmem:$0xB90];
	v3 =	vadd.s32 v49, v3  }
0x1a6: {  	v3 =	vmul.u32 $0x3, v3  }
0x1a7: {  	v51 =	vld [tilespmem:$0x390]  }
0x1a8: {  	v1 =	vadd.s32 v1, v3  }
0x1a9: {  	[tilespmem:$0xF80] =	vst v1;
	v1 =	vld [tilespmem:$0x7A0]  }
0x1aa: {  	v3 =	vmul.u32 $0x2710, v50;
	v2 =	vld.idx.msk [tilespmem:v2+s14+$0x0], $0xffff;
	_ =	sdelay $0x1  }
0x1ab: {  	v52 =	vld [tilespmem:$0xBA0];
	v3 =	vadd.s32 v51, v3  }
0x1ac: {  	v3 =	vmul.u32 $0x3, v3  }
0x1ad: {  	v53 =	vld [tilespmem:$0x3A0]  }
0x1ae: {  	v2 =	vadd.s32 v2, v3  }
0x1af: {  	[tilespmem:$0xF90] =	vst v2;
	v2 =	vld [tilespmem:$0x7B0]  }
0x1b0: {  	v3 =	vmul.u32 $0x2710, v52;
	v1 =	vld.idx.msk [tilespmem:v1+s14+$0x0], $0xffff;
	_ =	sdelay $0x1  }
0x1b1: {  	v54 =	vld [tilespmem:$0xBB0];
	v3 =	vadd.s32 v53, v3  }
0x1b2: {  	v3 =	vmul.u32 $0x3, v3  }
0x1b3: {  	v55 =	vld [tilespmem:$0x3B0]  }
0x1b4: {  	v1 =	vadd.s32 v1, v3  }
0x1b5: {  	[tilespmem:$0xFA0] =	vst v1;
	v1 =	vld [tilespmem:$0x7C0]  }
0x1b6: {  	v3 =	vmul.u32 $0x2710, v54;
	v2 =	vld.idx.msk [tilespmem:v2+s14+$0x0], $0xffff;
	_ =	sdelay $0x1  }
0x1b7: {  	v56 =	vld [tilespmem:$0xBC0];
	v3 =	vadd.s32 v55, v3  }
0x1b8: {  	v3 =	vmul.u32 $0x3, v3  }
0x1b9: {  	v57 =	vld [tilespmem:$0x3C0]  }
0x1ba: {  	v2 =	vadd.s32 v2, v3  }
0x1bb: {  	[tilespmem:$0xFB0] =	vst v2;
	v2 =	vld [tilespmem:$0x7D0]  }
0x1bc: {  	v3 =	vmul.u32 $0x2710, v56;
	v1 =	vld.idx.msk [tilespmem:v1+s14+$0x0], $0xffff;
	_ =	sdelay $0x1  }
0x1bd: {  	v58 =	vld [tilespmem:$0xBD0];
	v3 =	vadd.s32 v57, v3  }
0x1be: {  	v3 =	vmul.u32 $0x3, v3  }
0x1bf: {  	v59 =	vld [tilespmem:$0x3D0]  }
0x1c0: {  	v1 =	vadd.s32 v1, v3  }
0x1c1: {  	[tilespmem:$0xFC0] =	vst v1;
	v1 =	vld [tilespmem:$0x7E0]  }
0x1c2: {  	v3 =	vmul.u32 $0x2710, v58;
	v2 =	vld.idx.msk [tilespmem:v2+s14+$0x0], $0xffff;
	_ =	sdelay $0x1  }
0x1c3: {  	v60 =	vld [tilespmem:$0xBE0];
	v3 =	vadd.s32 v59, v3  }
0x1c4: {  	v3 =	vmul.u32 $0x3, v3  }
0x1c5: {  	v61 =	vld [tilespmem:$0x3E0]  }
0x1c6: {  	v2 =	vadd.s32 v2, v3  }
0x1c7: {  	[tilespmem:$0xFD0] =	vst v2;
	v2 =	vld [tilespmem:$0x7F0]  }
0x1c8: {  	v3 =	vmul.u32 $0x2710, v60;
	v1 =	vld.idx.msk [tilespmem:v1+s14+$0x0], $0xffff;
	_ =	sdelay $0x1  }
0x1c9: {  	v62 =	vld [tilespmem:$0xBF0];
	v3 =	vadd.s32 v61, v3  }
0x1ca: {  	v3 =	vmul.u32 $0x3, v3  }
0x1cb: {  	v63 =	vld [tilespmem:$0x3F0]  }
0x1cc: {  	v1 =	vadd.s32 v1, v3  }
0x1cd: {  	[tilespmem:$0xFE0] =	vst v1  }
0x1ce: {  	v1 =	vld.idx.msk [tilespmem:v2+s14+$0x0], $0xffff;
	v2 =	vmul.u32 $0x2710, v62;
	_ =	sdelay $0x1  }
0x1cf: {  	v2 =	vadd.s32 v63, v2  }
0x1d0: {  	v2 =	vmul.u32 $0x3, v2;
	_ =	sdelay $0x1  }
0x1d1: {  	v1 =	vadd.s32 v1, v2  }
0x1d2: {  	[tilespmem:$0xFF0] =	vst v1  }
0x1d3: {  	[tilespmem:s16], [sflag:$0x1] =	stream.indirect.gather [hbm4b:s4+s19], $0x80, s20, s19, $0xb8;
	[tilespmem:$0x1B380] =	vst v63  }
0x1d4: {  	_ =	swait.ge [sflag:s21], $0x4000  }
0x1d5: {  	[sflag:s21] =	ssyncset.done $0x0  }
0x1d6: {  	[sflag:s21] =	ssyncadd.s32 $0xFFFFC000  }
0x1d7: {  	[spmem:s1] =	stream.indirect.scatter.add.f32 [tilespmem:s16], [sflag:$0x2], $0x80, s17, s19, $0xb8;
	[tilespmem:$0x1B380] =	vst v63  }
0x1d8: {  	_ =	swait.ge [sflag:s15], $0x4000  }
0x1d9: {  	[sflag:s15] =	ssyncset.done $0x0  }
0x1da: {  	[sflag:s15] =	ssyncadd.s32 $0xFFFFC000  }
0x1db: {  	[tilespmem:s16], [sflag:$0x1] =	stream.indirect.gather [hbm4b:s4+s19], $0x80, s22, s19, $0xb8;
	[tilespmem:$0x1B380] =	vst v63  }
0x1dc: {  	_ =	swait.ge [sflag:s21], $0x4000  }
0x1dd: {  	[sflag:s21] =	ssyncset.done $0x0  }
0x1de: {  	[sflag:s21] =	ssyncadd.s32 $0xFFFFC000  }
0x1df: {  	[spmem:s1] =	stream.indirect.scatter.add.f32 [tilespmem:s16], [sflag:$0x2], $0x80, s23, s19, $0xb8;
	[tilespmem:$0x1B380] =	vst v63  }
0x1e0: {  	_ =	swait.ge [sflag:s15], $0x4000  }
0x1e1: {  	[sflag:s15] =	ssyncset.done $0x0  }
0x1e2: {  	[sflag:s15] =	ssyncadd.s32 $0xFFFFC000  }
0x1e3: {  	[tilespmem:s16], [sflag:$0x1] =	stream.indirect.gather [hbm4b:s4+s19], $0x80, s24, s19, $0xb8;
	[tilespmem:$0x1B380] =	vst v63  }
0x1e4: {  	_ =	swait.ge [sflag:s21], $0x4000  }
0x1e5: {  	[sflag:s21] =	ssyncset.done $0x0  }
0x1e6: {  	[sflag:s21] =	ssyncadd.s32 $0xFFFFC000  }
0x1e7: {  	[spmem:s1] =	stream.indirect.scatter.add.f32 [tilespmem:s16], [sflag:$0x2], $0x80, s25, s19, $0xb8;
	[tilespmem:$0x1B380] =	vst v63  }
0x1e8: {  	_ =	swait.ge [sflag:s15], $0x4000  }
0x1e9: {  	[sflag:s15] =	ssyncset.done $0x0  }
0x1ea: {  	[sflag:s15] =	ssyncadd.s32 $0xFFFFC000  }
0x1eb: {  	[tilespmem:s16], [sflag:$0x1] =	stream.indirect.gather [hbm4b:s4+s19], $0x80, s26, s19, $0xb8;
	[tilespmem:$0x1B380] =	vst v63  }
0x1ec: {  	_ =	swait.ge [sflag:s21], $0x4000  }
0x1ed: {  	[sflag:s21] =	ssyncset.done $0x0  }
0x1ee: {  	[sflag:s21] =	ssyncadd.s32 $0xFFFFC000  }
0x1ef: {  	[spmem:s1] =	stream.indirect.scatter.add.f32 [tilespmem:s16], [sflag:$0x2], $0x80, s28, s19, $0xb8;
	[tilespmem:$0x1B380] =	vst v63  }
0x1f0: {  	_ =	swait.ge [sflag:s15], $0x4000  }
0x1f1: {  	[sflag:s15] =	ssyncset.done $0x0  }
0x1f2: {  	[sflag:s15] =	ssyncadd.s32 $0xFFFFC000  }
0x1f3: {  	[tilespmem:s16], [sflag:$0x1] =	stream.indirect.gather [hbm4b:s4+s19], $0x80, s29, s19, $0xb8;
	[tilespmem:$0x1B380] =	vst v63  }
0x1f4: {  	_ =	swait.ge [sflag:s21], $0x4000  }
0x1f5: {  	[sflag:s21] =	ssyncset.done $0x0  }
0x1f6: {  	[sflag:s21] =	ssyncadd.s32 $0xFFFFC000  }
0x1f7: {  	[spmem:s1] =	stream.indirect.scatter.add.f32 [tilespmem:s16], [sflag:$0x2], $0x80, s30, s19, $0xb8;
	[tilespmem:$0x1B380] =	vst v63  }
0x1f8: {  	_ =	swait.ge [sflag:s15], $0x4000  }
0x1f9: {  	[sflag:s15] =	ssyncset.done $0x0  }
0x1fa: {  	[sflag:s15] =	ssyncadd.s32 $0xFFFFC000  }
0x1fb: {  	[tilespmem:s16], [sflag:$0x1] =	stream.indirect.gather [hbm4b:s4+s19], $0x80, s31, s19, $0xb8;
	[tilespmem:$0x1B380] =	vst v63  }
0x1fc: {  	_ =	swait.ge [sflag:s21], $0x4000  }
0x1fd: {  	[sflag:s21] =	ssyncset.done $0x0  }
0x1fe: {  	[sflag:s21] =	ssyncadd.s32 $0xFFFFC000  }
0x1ff: {  	[spmem:s1] =	stream.indirect.scatter.add.f32 [tilespmem:s16], [sflag:$0x2], $0x80, s0, s19, $0xb8;
	[tilespmem:$0x1B380] =	vst v63  }
0x200: {  	_ =	swait.ge [sflag:s15], $0x4000  }
0x201: {  	[sflag:s15] =	ssyncset.done $0x0  }
0x202: {  	[sflag:s15] =	ssyncadd.s32 $0xFFFFC000  }
0x203: {  	[tilespmem:s16], [sflag:$0x1] =	stream.indirect.gather [hbm4b:s4+s19], $0x80, s2, s19, $0xb8;
	[tilespmem:$0x1B380] =	vst v63  }
0x204: {  	_ =	swait.ge [sflag:s21], $0x4000  }
0x205: {  	[sflag:s21] =	ssyncset.done $0x0  }
0x206: {  	[sflag:s21] =	ssyncadd.s32 $0xFFFFC000  }
0x207: {  	[spmem:s1] =	stream.indirect.scatter.add.f32 [tilespmem:s16], [sflag:$0x2], $0x80, s5, s19, $0xb8;
	[tilespmem:$0x1B380] =	vst v63  }
0x208: {  	_ =	swait.ge [sflag:s15], $0x4000  }
0x209: {  	[sflag:s15] =	ssyncset.done $0x0  }
0x20a: {  	[sflag:s15] =	ssyncadd.s32 $0xFFFFC000  }
0x20b: {  	[tilespmem:s16], [sflag:$0x1] =	stream.indirect.gather [hbm4b:s4+s19], $0x80, s7, s19, $0xb8;
	[tilespmem:$0x1B380] =	vst v63  }
0x20c: {  	_ =	swait.ge [sflag:s21], $0x4000  }
0x20d: {  	p0 =	sne.s32 s10, $0x480;
	[sflag:s21] =	ssyncset.done $0x0  }
.Ltmp1:
0x20e: {  	[sflag:s21] =	ssyncadd.s32 $0xFFFFC000;
	(pc) =	sbr.rel @p0 .LBB2_4-.Ltmp1, $4  }
0x20f: {  	[spmem:s1] =	stream.indirect.scatter.add.f32 [tilespmem:s16], [sflag:$0x2], $0x80, s8, s19, $0xb8;
	[tilespmem:$0x1B380] =	vst v63  }
0x210: {  	_ =	swait.ge [sflag:s15], $0x4000  }
0x211: {  	[sflag:s15] =	ssyncset.done $0x0  }
0x212: {  	s10 =	sadd.s32 $0x80, s10;
	[sflag:s15] =	ssyncadd.s32 $0xFFFFC000  }
0x213: {  	s10 =	stileid.u32  }
0x214: {  	[bflag:$0x0] =	sbarrier.arrive $0xFFFF;
	s10 =	sshll.u32 s10, $0x6  }
0x215: {  	s11 =	sshrl.u32 s6, $0x3;
	s12 =	rddreg [dreg:$0xb];
	s10 =	sor.u32 $0x1C02, s10  }
0x216: {  	[hbm:s12], [sflag:s10] =	dma.local [spmem:s11], $0x2780  }
0x217: {  	_ =	swait.ge [sflag:s15], $0x2780  }
0x218: {  	s9 =	sadd.s32 $0x1, s9;
	s12 =	rddreg [dreg:$0xc]  }
0x219: {  	p0 =	sne.s32 s9, s12  }
.Ltmp2:
0x21a: {  	_ = 	snop;
	(pc) =	sbr.rel @p0 .LBB2_1-.Ltmp2, $3  }
0x21b: {  	_ =	sdelay $0x1  }
0x21c: {  	[sflag:s15] =	ssyncset.done $0x0  }
0x21d: {  	[sflag:s15] =	ssyncadd.s32 $0xFFFFD880  }
0x21e: {  	_ =	sfence.sel $0x180000  }
0x21f: {  	[bflag:$0x0] =	sbarrier.arrive $0xFFFF  }
0x220: {  	_ =	strace $0x9000004A  }
0x221: {  	s0 =	stileid.u32;
	[bflag:$0x2] =	sbarrier.arrive $0xFFFF  }
0x222: {  	p0 =	sne.s32 s0, $0x0;
	s0 =	rddreg [dreg:$0x3]  }
0x223: {  	s0 =	sadd.s32 @!p0 $0x100000, s0  }
0x224: {  	[sflag:s0] =	ssyncadd.tile.s32 @!p0 $0x1;
	_ =	shalt  }
.Lfunc_end2:
_tile_overlayer_lowered:
.L_overlay_start_2:
0x225: {  	(tag) =	ssettag $0x2  }
0x226: {  	s0 =	rddreg [dreg:$0x0];
	s2 =	stileid.u32  }
0x227: {  	s1 =	rddreg [dreg:$0x1];
	p0 =	sne.s32 s2, $0x0  }
0x228: {  	s3 =	rddreg [dreg:$0x2];
	[bflag:$0x3] =	sbarrier.arrive $0xFFFF;
	s2 =	simm.s32 @!p0 $0x1C02  }
0x229: {  	[timem:s3], [sflag:s2] =	dma.local @!p0 [hbm:s0], s1  }
0x22a: {  	s0 =	simm.s32 @!p0 $0x2  }
0x22b: {  	_ =	swait.ge @!p0 [sflag:s0], s1  }
0x22c: {  	s1 =	ssub.s32 @!p0 $0x0, s1;
	[sflag:s0] =	ssyncset.done @!p0 $0x0  }
0x22d: {  	[sflag:s0] =	ssyncadd.s32 @!p0 s1  }
0x22e: {  	[bflag:$0x3] =	sbarrier.arrive $0xFFFF  }
0x22f: {  	_ =	shalt  }

// kernel: kernel.9.cloned.1.call-start
scs
__scs_entry_jumppad:
0x0: {  	(pc) =	sbr.rel $0x88, $3  }
0x1: {  	(tag) =	ssettag $0x0;
	lr =	simm.s32 $0x1  }
0x2: {  	[smem:$0x3F95] =	sst lr;
	_ =	strace $0xD0000000  }
0x3: {  	_ = 	snop  }
0x4: {  	_ = 	snop  }
0x5: {  	_ = 	snop  }
0x6: {  	_ = 	snop  }
0x7: {  	_ = 	snop  }
__scs_overlays_trampoline_lowered:
0x8: {  	[smem:$0x3FA4] =	sst s0  }
0x9: {  	[smem:$0x3FA5] =	sst s1  }
0xa: {  	[smem:$0x3FA6] =	sst s2  }
0xb: {  	[smem:$0x3FA7] =	sst s3  }
0xc: {  	[smem:$0x3FA8] =	sst s4  }
0xd: {  	[smem:$0x3FA9] =	sst s5  }
0xe: {  	[smem:$0x3FAA] =	sst s6  }
0xf: {  	[smem:$0x3FAB] =	sst s7  }
0x10: {  	[smem:$0x3FAC] =	sst s8  }
0x11: {  	[smem:$0x3FAD] =	sst s9;
	s0 =	simm.s32 @!p0 $0x0  }
0x12: {  	s1 =	sld [smem:$0x3F93];
	s0 =	simm.s32 @p0 $0x1  }
0x13: {  	[smem:$0x3FAE] =	sst s0;
	s0 =	simm.s32 @!p1 $0x0  }
0x14: {  	s2 =	sld [smem:$0x3F92];
	s0 =	simm.s32 @p1 $0x1  }
0x15: {  	[smem:$0x3FAF] =	sst s0;
	s0 =	simm.s32 @!p2 $0x0  }
0x16: {  	s3 =	sld [smem:$0x3FDB];
	s0 =	simm.s32 @p2 $0x1  }
0x17: {  	s4 =	simm.s32 $0x1BF5;
	[smem:$0x3FB1] =	sst s0  }
0x18: {  	s0 =	sld [smem:$0x3F94];
	_ =	swait.ge [sflag:s4], $0x0  }
0x19: {  	s7 =	sld [smem:$0x3F95]  }
0x1a: {  	s8 =	sadd.s32 $0xFFFFE003, lr  }
0x1b: {  	s9 =	sadd.s32 $0xFFFFFEF7, lr;
	s5 =	simm.s32 $0xFFFFFFFF;
	p2 =	slt.u32 s8, $0xFFFFF086  }
0x1c: {  	p1 =	slt.u32 s9, $0xF7A;
	s5 =	simm.s32 @!p2 $0x0  }
0x1d: {  	s5 =	simm.s32 @p1 $0x1;
	p0 =	seq.s32 s7, s2  }
0x1e: {  	s7 =	smul.u32 @!p0 $0xF7A, s2;
	p2 =	seq.s32 @!p0 s5, $0x0  }
0x1f: {  	s9 =	smul.u32 $0xF7A, s1;
	s8 =	simm.s32 @!p0 $0x1BF5;
	p2 =	por !p2, p0  }
0x20: {  	[sflag:s8] =	ssyncset.s32 @!p0 $0xFFFFF086;
	s6 =	sadd.s32 @!p0 s3, s7;
	s7 =	simm.s32 @!p0 $0x108  }
0x21: {  	s3 =	sadd.s32 s3, s9;
	s6 =	sadd.s32 @!p0 $0x88, s6;
	s7 =	simm.s32 @p2 $0x1082  }
0x22: {  	[simem:s7], [sflag:s8] =	dma.local @!p0 [hbm:s6], $0xF7A  }
0x23: {  	s9 =	sor.u32 $0xD0000000, s2;
	s6 =	simm.s32 $0x108;
	_ =	swait.ge @!p0 [sflag:s8], $0x0  }
0x24: {  	s3 =	sadd.s32 $0x88, s3;
	s6 =	simm.s32 @!p1 $0x1082;
	[sflag:s4] =	ssyncset.s32 $0xFFFFF086  }
0x25: {  	[simem:s6], [sflag:s4] =	dma.local [hbm:s3], $0xF7A  }
0x26: {  	[smem:$0x3F95] =	sst s1;
	(tag) =	ssettag s2;
	_ =	strace s9  }
0x27: {  	s1 =	sld [smem:$0x3FA5]  }
0x28: {  	s2 =	sld [smem:$0x3FA6]  }
0x29: {  	s4 =	sld [smem:$0x3FA8]  }
0x2a: {  	p0 =	seq.s32 s5, $0x0;
	s5 =	sld [smem:$0x3FA9]  }
0x2b: {  	s6 =	sld [smem:$0x3FAA]  }
0x2c: {  	s7 =	sld [smem:$0x3FAB]  }
0x2d: {  	s3 =	simm.s32 $0x108;
	s8 =	sld [smem:$0x3FAC]  }
0x2e: {  	s3 =	simm.s32 @!p0 $0x1082;
	s9 =	sld [smem:$0x3FAD]  }
0x2f: {  	lr =	sadd.s32 s0, s3;
	s0 =	sld [smem:$0x3FA4]  }
0x30: {  	s3 =	sld [smem:$0x3FA7]  }
0x31: {  	[smem:$0x3FB0] =	sst s10  }
0x32: {  	s10 =	sld [smem:$0x3FAE];
	_ =	sdelay $0x3  }
0x33: {  	p0 =	seq.s32 s10, $0x1;
	s10 =	sld [smem:$0x3FB0];
	_ =	sdelay $0x3  }
0x34: {  	[smem:$0x3FB0] =	sst s10  }
0x35: {  	s10 =	sld [smem:$0x3FAF];
	_ =	sdelay $0x3  }
0x36: {  	p1 =	seq.s32 s10, $0x1;
	s10 =	sld [smem:$0x3FB0];
	_ =	sdelay $0x3  }
0x37: {  	[smem:$0x3FB0] =	sst s10  }
0x38: {  	s10 =	sld [smem:$0x3FB1]  }
0x39: {  	_ = 	snop;
	(pc) =	sbr.ind lr, $3  }
0x3a: {  	_ = 	snop  }
0x3b: {  	_ = 	snop  }
0x3c: {  	p2 =	seq.s32 s10, $0x1;
	s10 =	sld [smem:$0x3FB0]  }
0x3d: {  	_ =	shalt  }
0x3e: {  	_ =	shalt  }
0x3f: {  	_ =	shalt  }
0x40: {  	_ =	shalt  }
0x41: {  	_ =	shalt  }
0x42: {  	_ =	shalt  }
0x43: {  	_ =	shalt  }
0x44: {  	_ =	shalt  }
0x45: {  	_ =	shalt  }
0x46: {  	_ =	shalt  }
0x47: {  	_ =	shalt  }
0x48: {  	_ =	shalt  }
0x49: {  	_ =	shalt  }
0x4a: {  	_ =	shalt  }
0x4b: {  	_ =	shalt  }
0x4c: {  	_ =	shalt  }
0x4d: {  	_ =	shalt  }
0x4e: {  	_ =	shalt  }
0x4f: {  	_ =	shalt  }
0x50: {  	_ =	shalt  }
0x51: {  	_ =	shalt  }
0x52: {  	_ =	shalt  }
0x53: {  	_ =	shalt  }
0x54: {  	_ =	shalt  }
0x55: {  	_ =	shalt  }
0x56: {  	_ =	shalt  }
0x57: {  	_ =	shalt  }
0x58: {  	_ =	shalt  }
0x59: {  	_ =	shalt  }
0x5a: {  	_ =	shalt  }
0x5b: {  	_ =	shalt  }
0x5c: {  	_ =	shalt  }
0x5d: {  	_ =	shalt  }
0x5e: {  	_ =	shalt  }
0x5f: {  	_ =	shalt  }
0x60: {  	_ =	shalt  }
0x61: {  	_ =	shalt  }
0x62: {  	_ =	shalt  }
0x63: {  	_ =	shalt  }
0x64: {  	_ =	shalt  }
0x65: {  	_ =	shalt  }
0x66: {  	_ =	shalt  }
0x67: {  	_ =	shalt  }
0x68: {  	_ =	shalt  }
0x69: {  	_ =	shalt  }
0x6a: {  	_ =	shalt  }
0x6b: {  	_ =	shalt  }
0x6c: {  	_ =	shalt  }
0x6d: {  	_ =	shalt  }
0x6e: {  	_ =	shalt  }
0x6f: {  	_ =	shalt  }
0x70: {  	_ =	shalt  }
0x71: {  	_ =	shalt  }
0x72: {  	_ =	shalt  }
0x73: {  	_ =	shalt  }
0x74: {  	_ =	shalt  }
0x75: {  	_ =	shalt  }
0x76: {  	_ =	shalt  }
0x77: {  	_ =	shalt  }
0x78: {  	_ =	shalt  }
0x79: {  	_ =	shalt  }
0x7a: {  	_ =	shalt  }
0x7b: {  	_ =	shalt  }
0x7c: {  	_ =	shalt  }
0x7d: {  	_ =	shalt  }
0x7e: {  	_ =	shalt  }
0x7f: {  	_ =	shalt  }
0x80: {  	_ =	shalt  }
0x81: {  	_ =	shalt  }
0x82: {  	_ =	shalt  }
0x83: {  	_ =	shalt  }
0x84: {  	_ =	shalt  }
0x85: {  	_ =	shalt  }
0x86: {  	_ =	shalt  }
0x87: {  	_ =	shalt  }
.Lfunc_end0:
.L_simem_size_0:
called_computation_lowered:
.L_overlay_start_0:
0x88: {  	s2 =	sld [smem:$0x3FD9]  }
0x89: {  	s3 =	sld [smem:$0x3FFE];
	_ =	sdelay $0x1  }
0x8a: {  	s1 =	srdreg.scid  }
0x8b: {  	s0 =	sand.u32 $0x1, s1  }
0x8c: {  	s17 =	sshll.u32 s0, $0xA;
	s2 =	sadd.s32 s3, s2  }
0x8d: {  	s2 =	sadd.s32 s2, s17  }
0x8e: {  	[smem:$0x3FBC] =	sst s2  }
0x8f: {  	_ = 	snop  }
0x90: {  	s2 =	sld [smem:$0x3FD0];
	(tm) =	ssettm $0x1  }
0x91: {  	s18 =	sld [smem:$0x3FFB];
	_ =	sdelay $0x3  }
0x92: {  	_ =	strace s18  }
0x93: {  	s3 =	sld [smem:$0x3FFC];
	_ =	sdelay $0x3  }
0x94: {  	_ =	strace s3  }
0x95: {  	s3 =	sld [smem:$0x3FFD];
	_ =	sdelay $0x3  }
0x96: {  	_ =	strace s3  }
0x97: {  	_ =	strace $0x8FFFFFFF  }
0x98: {  	s19 =	sld [smem:$0x3FDB];
	_ =	sdelay $0x1  }
0x99: {  	s4 =	simm.s32 $_scs_section_size  }
0x9a: {  	s5 =	simm.s32 $_size__tile_overlayer_lowered;
	s6 =	simm.s32 $_tile_overlayer_lowered  }
0x9b: {  	s22 =	simm.s32 $0x1BFF;
	s21 =	sshll.u32 s6, $0x1;
	s3 =	sadd.s32 s4, s19  }
0x9c: {  	s7 =	simm.s32 $0x0;
	s20 =	sshll.u32 s5, $0x1;
	s5 =	sadd.s32 s21, s3  }
0x9d: {  	[timem:s7], [sflag:s22] =	dma.local [hbm:s5], s20  }
0x9e: {  	_ =	swait.ge [sflag:s22], s20  }
0x9f: {  	s4 =	ssub.s32 $0x0, s20;
	[sflag:s22] =	ssyncset.done $0x0  }
0xa0: {  	[sflag:s22] =	ssyncadd.s32 s4;
	_ =	sdelay $0x1  }
0xa1: {  	s23 =	simm.s32 $0x1B8B  }
0xa2: {  	_ =	swait.ge [sflag:s23], $0x1  }
0xa3: {  	[sflag:s23] =	ssyncset.done $0x0  }
0xa4: {  	s25 =	simm.s32 $0x1B8E;
	s24 =	sld [smem:$0x3FFE];
	[sflag:s23] =	ssyncadd.s32 $0xFFFFFFFF  }
0xa5: {  	s26 =	simm.s32 $execute0_lowered;
	[smem:$0x3FD2] =	sst s25  }
0xa6: {  	s5 =	sshll.u32 s26, $0x1;
	_ =	strace $0x80000046;
	[dreg:$0x1] =	wrdreg $0xFFFFFFFF  }
0xa7: {  	s28 =	simm.s32 $_size_execute0_lowered;
	s3 =	sadd.s32 s3, s5;
	[dreg:$0x0] =	wrdreg $0x0  }
0xa8: {  	s5 =	sshll.u32 s28, $0x1;
	[dreg:$0x2] =	wrdreg s3  }
0xa9: {  	[dreg:$0x3] =	wrdreg s5  }
0xaa: {  	[dreg:$0x4] =	wrdreg $0xC0  }
0xab: {  	_ =	task [dreg:s7], $0x5FFFF  }
0xac: {  	[dreg:$0x1] =	wrdreg $0xFFFFFFFF  }
0xad: {  	[dreg:$0x0] =	wrdreg $0x60  }
0xae: {  	[dreg:$0x2] =	wrdreg s24  }
0xaf: {  	[dreg:$0x3] =	wrdreg s2  }
0xb0: {  	[dreg:$0x4] =	wrdreg $0x77800  }
0xb1: {  	[dreg:$0x5] =	wrdreg $0x9  }
0xb2: {  	_ =	task.clear_ibuf [dreg:s7], $0x6FFFF;
	_ =	strace $0x90000046  }
0xb3: {  	s29 =	simm.s32 $0x9;
	_ =	strace $0x80000048  }
0xb4: {  	_ =	swait.ge [sflag:s29], $0x1  }
0xb5: {  	[sflag:s29] =	ssyncadd.s32 $0xFFFFFFFF  }
0xb6: {  	_ =	strace $0x90000048  }
0xb7: {  	_ =	sfence  }
0xb8: {  	s30 =	sld [smem:$0x0];
	_ =	sdelay $0x2  }
0xb9: {  	s31 =	sshll.u32 s1, $0xD;
	s1 =	sshrl.u32 s1, $0x2  }
0xba: {  	s3 =	sand.u32 $0x4000, s31;
	s1 =	sadd.s32 s1, s30  }
0xbb: {  	s0 =	sor.u32 s3, s0;
	s1 =	sshll.u32 s1, $0x11  }
0xbc: {  	s0 =	sor.u32 s1, s0  }
0xbd: {  	s0 =	sadd.s32 $0x8F2B, s0  }
0xbe: {  	[sflag:s0] =	ssyncadd.remote.s32 $0x1  }
0xbf: {  	_ =	sfence.sel $0xFFFF  }
0xc0: {  	[dreg:$0x0] =	wrdreg $0xFFFFFFFF;
	(pc) =	sbr.abs _section_cstart, $3  }
0xc1: {  	[dreg:$0x1] =	wrdreg $0xFFFFFFFF  }
0xc2: {  	_ =	task.clear_ibuf [dreg:s7], $0x2FFFF;
	_ =	strace $0x9FFFFFFF  }
0xc3: {  	(tm) =	ssettm $0x7FFFFFFF  }
tec
execute0_lowered:
.L_overlay_start_1:
0x0: {  	(tag) =	ssettag $0x1  }
0x1: {  	s0 =	rddreg [dreg:$0x0]  }
0x2: {  	s2 =	rddreg [dreg:$0x1];
	s3 =	srdreg.scid  }
0x3: {  	s1 =	rddreg [dreg:$0x2];
	s11 =	stileid.u32  }
0x4: {  	s14 =	simm.s32 $0x1000;
	s15 =	simm.s32 $0x2;
	s16 =	simm.s32 $0x3780  }
0x5: {  	s17 =	simm.s32 $0x400;
	s18 =	simm.s32 $0x800;
	s28 =	simm.s32 $0x580  }
0x6: {  	s29 =	simm.s32 $0xE00;
	s30 =	simm.s32 $0x600;
	s8 =	smul.u32 $0x13C00, s11  }
0x7: {  	s31 =	simm.s32 $0xE80;
	s5 =	sand.u32 $0x1, s3;
	s19 =	smul.u32 $0x4F000, s11  }
0x8: {  	s3 =	simm.s32 $0x0;
	s4 =	sadd.s32 $0x1D7600, s0;
	s11 =	smul.u32 $0x500, s11  }
0x9: {  	s10 =	sadd.s32 $0x16A00, s0;
	s7 =	smul.u32 $0x5000, s5;
	[smem:$0x7FF] =	sst s3  }
0xa: {  	s6 =	smul.u32 $0x13C000, s5;
	s5 =	ssub.s32 $0x2, s5;
	_ =	strace $0x80000047  }
0xb: {  	[dreg:$0x6] =	wrdreg s10;
	s20 =	sshrl.u32 s5, $0x1;
	s9 =	sadd.s32 s7, s0  }
0xc: {  	s6 =	sadd.s32 s8, s6;
	s8 =	sshrl.u32 s19, $0x2;
	s5 =	ssub.s32 s5, s20  }
0xd: {  	s2 =	sadd.s32 s7, s2;
	s19 =	simm.s32 $0x80;
	s20 =	simm.s32 $0xC00  }
0xe: {  	s7 =	simm.s32 $0xF80;
	s6 =	sshrl.u32 s6, $0x3;
	s22 =	sadd.s32 s11, s9  }
0xf: {  	s2 =	sadd.s32 s11, s2;
	s26 =	smax.u32 s5, $0x1;
	s5 =	simm.s32 $0x700  }
0x10: {  	s9 =	simm.s32 $0x0;
	s0 =	sadd.s32 s6, s0;
	[dreg:$0xc] =	wrdreg s26  }
0x11: {  	s6 =	sadd.s32 s8, s1;
	s24 =	sadd.s32 $0x2A00, s22;
	[dreg:$0x5] =	wrdreg s2  }
0x12: {  	s13 =	sadd.s32 $0xCA00, s22;
	s8 =	sadd.s32 $0x4000, s6;
	[dreg:$0x4] =	wrdreg s24  }
0x13: {  	s22 =	simm.s32 $0xC80;
	s21 =	sadd.s32 $0x8000, s6;
	[dreg:$0x7] =	wrdreg s8  }
0x14: {  	s26 =	simm.s32 $0xD80;
	s23 =	sadd.s32 $0xC000, s6;
	[dreg:$0x8] =	wrdreg s21  }
0x15: {  	s2 =	simm.s32 $0xF00;
	s25 =	sadd.s32 $0x10000, s6;
	[dreg:$0x9] =	wrdreg s23  }
0x16: {  	s0 =	sadd.s32 $0x17000, s0;
	s24 =	simm.s32 $0xD00;
	[dreg:$0xa] =	wrdreg s25  }
0x17: {  	[dreg:$0xb] =	wrdreg s0;
	s21 =	simm.s32 $0x1;
	s23 =	simm.s32 $0x480  }
0x18: {  	v0 =	vimm.f32 $0.0e+00;
	s25 =	simm.s32 $0x500;
	s0 =	simm.s32 $0x680;
	s8 =	simm.s32 $0x780  }
.LBB2_1:
0x19: {  	s10 =	rddreg [dreg:$0x6]  }
0x1a: {  	[tilespmem:s14], [sflag:$0x2] =	stream.linear.gather [hbm4b:s10+s3], $0x2780, $0x38;
	[tilespmem:$0x1B380] =	vst v63  }
0x1b: {  	_ =	swait.ge [sflag:s15], $0x2780  }
0x1c: {  	[sflag:s15] =	ssyncset.done $0x0  }
0x1d: {  	s11 =	simm.s32 $0x200;
	s10 =	simm.s32 $0x0;
	[sflag:s15] =	ssyncadd.s32 $0xFFFFD880  }
.LBB2_2:
0x1e: {  	p0 =	sne.s32 s11, $0xFE00;
	[tilespmem:s10+$0x37F0] =	vst v0  }
0x1f: {  	[tilespmem:s10+$0x3780] =	vst v0  }
0x20: {  	[tilespmem:s10+$0x3790] =	vst v0  }
.Ltmp0:
0x21: {  	[tilespmem:s10+$0x37A0] =	vst v0;
	(pc) =	sbr.rel @p0 .LBB2_2-.Ltmp0, $4  }
0x22: {  	[tilespmem:s10+$0x37B0] =	vst v0  }
0x23: {  	[tilespmem:s10+$0x37C0] =	vst v0  }
0x24: {  	[tilespmem:s10+$0x37D0] =	vst v0  }
0x25: {  	[tilespmem:s10+$0x37E0] =	vst v0;
	s10 =	sshra.s32 s11, $0x2;
	s11 =	sadd.s32 $0x200, s11  }
0x26: {  	[tilespmem:s10+$0x37F0] =	vst v0  }
0x27: {  	[tilespmem:s10+$0x3780] =	vst v0  }
0x28: {  	[tilespmem:s10+$0x3790] =	vst v0  }
0x29: {  	[tilespmem:s10+$0x37A0] =	vst v0  }
0x2a: {  	[tilespmem:s10+$0x37B0] =	vst v0  }
0x2b: {  	[tilespmem:s10+$0x37C0] =	vst v0  }
0x2c: {  	[tilespmem:s10+$0x37D0] =	vst v0  }
0x2d: {  	[tilespmem:s10+$0x37E0] =	vst v0  }
0x2e: {  	[spmem:s6] =	stream.linear.scatter [tilespmem:s16], [sflag:$0x2], $0x4000, $0x38;
	[tilespmem:$0x1B380] =	vst v63  }
0x2f: {  	_ =	swait.ge [sflag:s15], $0x4000  }
0x30: {  	[sflag:s15] =	ssyncset.done $0x0  }
0x31: {  	s11 =	rddreg [dreg:$0x7];
	[sflag:s15] =	ssyncadd.s32 $0xFFFFC000  }
0x32: {  	[spmem:s11] =	stream.linear.scatter [tilespmem:s16], [sflag:$0x2], $0x4000, $0x38;
	[tilespmem:$0x1B380] =	vst v63  }
0x33: {  	_ =	swait.ge [sflag:s15], $0x4000  }
0x34: {  	[sflag:s15] =	ssyncset.done $0x0  }
0x35: {  	s12 =	rddreg [dreg:$0x8];
	[sflag:s15] =	ssyncadd.s32 $0xFFFFC000  }
0x36: {  	[spmem:s12] =	stream.linear.scatter [tilespmem:s16], [sflag:$0x2], $0x4000, $0x38;
	[tilespmem:$0x1B380] =	vst v63  }
0x37: {  	_ =	swait.ge [sflag:s15], $0x4000  }
0x38: {  	[sflag:s15] =	ssyncset.done $0x0  }
0x39: {  	s11 =	rddreg [dreg:$0x9];
	[sflag:s15] =	ssyncadd.s32 $0xFFFFC000  }
0x3a: {  	[spmem:s11] =	stream.linear.scatter [tilespmem:s16], [sflag:$0x2], $0x4000, $0x38;
	[tilespmem:$0x1B380] =	vst v63  }
0x3b: {  	_ =	swait.ge [sflag:s15], $0x4000  }
0x3c: {  	[sflag:s15] =	ssyncset.done $0x0  }
0x3d: {  	s12 =	rddreg [dreg:$0xa];
	[sflag:s15] =	ssyncadd.s32 $0xFFFFC000  }
0x3e: {  	[spmem:s12] =	stream.linear.scatter [tilespmem:s16], [sflag:$0x2], $0x3C00, $0x38;
	[tilespmem:$0x1B380] =	vst v63  }
0x3f: {  	_ =	swait.ge [sflag:s15], $0x3C00  }
0x40: {  	[sflag:s15] =	ssyncset.done $0x0  }
0x41: {  	[sflag:s15] =	ssyncadd.s32 $0xFFFFC400  }
0x42: {  	s10 =	simm.s32 $0x0;
	[bflag:$0x0] =	sbarrier.arrive $0xFFFF  }
.LBB2_4:
0x43: {  	s11 =	sadd.s32 s10, s13  }
0x44: {  	[tilespmem:s3], [sflag:$0x2] =	stream.linear.gather [hbm4b:s11+s3], $0x400, $0x38;
	[tilespmem:$0x1B380] =	vst v63  }
0x45: {  	_ =	swait.ge [sflag:s15], $0x400  }
0x46: {  	s12 =	rddreg [dreg:$0x5];
	[sflag:s15] =	ssyncset.done $0x0  }
0x47: {  	[sflag:s15] =	ssyncadd.s32 $0xFFFFFC00;
	s11 =	sadd.s32 s10, s12  }
0x48: {  	[tilespmem:s17], [sflag:$0x2] =	stream.linear.gather [hbm4b:s11+s3], $0x400, $0x38;
	[tilespmem:$0x1B380] =	vst v63  }
0x49: {  	_ =	swait.ge [sflag:s15], $0x400  }
0x4a: {  	s12 =	rddreg [dreg:$0x4];
	[sflag:s15] =	ssyncset.done $0x0  }
0x4b: {  	[sflag:s15] =	ssyncadd.s32 $0xFFFFFC00;
	s11 =	sadd.s32 s10, s12  }
0x4c: {  	[tilespmem:s18], [sflag:$0x2] =	stream.linear.gather [hbm4b:s11+s3], $0x400, $0x38;
	[tilespmem:$0x1B380] =	vst v63  }
0x4d: {  	_ =	swait.ge [sflag:s15], $0x400  }
0x4e: {  	[sflag:s15] =	ssyncset.done $0x0  }
0x4f: {  	[sflag:s15] =	ssyncadd.s32 $0xFFFFFC00  }
0x50: {  	v1 =	vld [tilespmem:$0x400];
	_ =	sdelay $0x2  }
0x51: {  	v2 =	vld [tilespmem:$0x800];
	_ =	sdelay $0x1  }
0x52: {  	v3 =	vld [tilespmem:$0x0];
	_ =	sdelay $0x1  }
0x53: {  	v4 =	vld [tilespmem:$0x410]  }
0x54: {  	v2 =	vmul.u32 $0x2710, v2;
	v1 =	vld.idx.msk [tilespmem:v1+s14+$0x0], $0xffff;
	_ =	sdelay $0x1  }
0x55: {  	v2 =	vadd.s32 v3, v2;
	v3 =	vld [tilespmem:$0x810]  }
0x56: {  	v2 =	vmul.u32 $0x3, v2  }
0x57: {  	v5 =	vld [tilespmem:$0x10]  }
0x58: {  	v1 =	vadd.s32 v1, v2  }
0x59: {  	[tilespmem:$0xC00] =	vst v1;
	v1 =	vld [tilespmem:$0x420]  }
0x5a: {  	v3 =	vmul.u32 $0x2710, v3;
	v2 =	vld.idx.msk [tilespmem:v4+s14+$0x0], $0xffff;
	_ =	sdelay $0x1  }
0x5b: {  	v52 =	vld [tilespmem:$0x820];
	v3 =	vadd.s32 v5, v3  }
0x5c: {  	v3 =	vmul.u32 $0x3, v3  }
0x5d: {  	v53 =	vld [tilespmem:$0x20]  }
0x5e: {  	v2 =	vadd.s32 v2, v3  }
0x5f: {  	[tilespmem:$0xC10] =	vst v2;
	v2 =	vld [tilespmem:$0x430]  }
0x60: {  	v3 =	vmul.u32 $0x2710, v52;
	v1 =	vld.idx.msk [tilespmem:v1+s14+$0x0], $0xffff;
	_ =	sdelay $0x1  }
0x61: {  	v54 =	vld [tilespmem:$0x830];
	v3 =	vadd.s32 v53, v3  }
0x62: {  	v3 =	vmul.u32 $0x3, v3  }
0x63: {  	v55 =	vld [tilespmem:$0x30]  }
0x64: {  	v1 =	vadd.s32 v1, v3  }
0x65: {  	[tilespmem:$0xC20] =	vst v1;
	v1 =	vld [tilespmem:$0x440]  }
0x66: {  	v3 =	vmul.u32 $0x2710, v54;
	v2 =	vld.idx.msk [tilespmem:v2+s14+$0x0], $0xffff;
	_ =	sdelay $0x1  }
0x67: {  	v56 =	vld [tilespmem:$0x840];
	v3 =	vadd.s32 v55, v3  }
0x68: {  	v3 =	vmul.u32 $0x3, v3  }
0x69: {  	v57 =	vld [tilespmem:$0x40]  }
0x6a: {  	v2 =	vadd.s32 v2, v3  }
0x6b: {  	[tilespmem:$0xC30] =	vst v2;
	v2 =	vld [tilespmem:$0x450]  }
0x6c: {  	v3 =	vmul.u32 $0x2710, v56;
	v1 =	vld.idx.msk [tilespmem:v1+s14+$0x0], $0xffff;
	_ =	sdelay $0x1  }
0x6d: {  	v58 =	vld [tilespmem:$0x850];
	v3 =	vadd.s32 v57, v3  }
0x6e: {  	v3 =	vmul.u32 $0x3, v3  }
0x6f: {  	v59 =	vld [tilespmem:$0x50]  }
0x70: {  	v1 =	vadd.s32 v1, v3  }
0x71: {  	[tilespmem:$0xC40] =	vst v1;
	v1 =	vld [tilespmem:$0x460]  }
0x72: {  	v3 =	vmul.u32 $0x2710, v58;
	v2 =	vld.idx.msk [tilespmem:v2+s14+$0x0], $0xffff;
	_ =	sdelay $0x1  }
0x73: {  	v60 =	vld [tilespmem:$0x860];
	v3 =	vadd.s32 v59, v3  }
0x74: {  	v3 =	vmul.u32 $0x3, v3  }
0x75: {  	v61 =	vld [tilespmem:$0x60]  }
0x76: {  	v2 =	vadd.s32 v2, v3  }
0x77: {  	[tilespmem:$0xC50] =	vst v2;
	v2 =	vld [tilespmem:$0x470]  }
0x78: {  	v3 =	vmul.u32 $0x2710, v60;
	v1 =	vld.idx.msk [tilespmem:v1+s14+$0x0], $0xffff;
	_ =	sdelay $0x1  }
0x79: {  	v62 =	vld [tilespmem:$0x870];
	v3 =	vadd.s32 v61, v3  }
0x7a: {  	v3 =	vmul.u32 $0x3, v3  }
0x7b: {  	v63 =	vld [tilespmem:$0x70]  }
0x7c: {  	v1 =	vadd.s32 v1, v3  }
0x7d: {  	[tilespmem:$0xC60] =	vst v1;
	v1 =	vld [tilespmem:$0x480]  }
0x7e: {  	v3 =	vmul.u32 $0x2710, v62;
	v2 =	vld.idx.msk [tilespmem:v2+s14+$0x0], $0xffff;
	_ =	sdelay $0x1  }
0x7f: {  	v8 =	vld [tilespmem:$0x880];
	v3 =	vadd.s32 v63, v3  }
0x80: {  	v3 =	vmul.u32 $0x3, v3  }
0x81: {  	v9 =	vld [tilespmem:$0x80]  }
0x82: {  	v2 =	vadd.s32 v2, v3  }
0x83: {  	[tilespmem:$0xC70] =	vst v2;
	v2 =	vld [tilespmem:$0x490]  }
0x84: {  	v3 =	vmul.u32 $0x2710, v8;
	v1 =	vld.idx.msk [tilespmem:v1+s14+$0x0], $0xffff;
	_ =	sdelay $0x1  }
0x85: {  	v10 =	vld [tilespmem:$0x890];
	v3 =	vadd.s32 v9, v3  }
0x86: {  	v3 =	vmul.u32 $0x3, v3  }
0x87: {  	v11 =	vld [tilespmem:$0x90]  }
0x88: {  	v1 =	vadd.s32 v1, v3  }
0x89: {  	[tilespmem:$0xC80] =	vst v1;
	v1 =	vld [tilespmem:$0x4A0]  }
0x8a: {  	v3 =	vmul.u32 $0x2710, v10;
	v2 =	vld.idx.msk [tilespmem:v2+s14+$0x0], $0xffff;
	_ =	sdelay $0x1  }
0x8b: {  	v12 =	vld [tilespmem:$0x8A0];
	v3 =	vadd.s32 v11, v3  }
0x8c: {  	v3 =	vmul.u32 $0x3, v3  }
0x8d: {  	v13 =	vld [tilespmem:$0xA0]  }
0x8e: {  	v2 =	vadd.s32 v2, v3  }
0x8f: {  	[tilespmem:$0xC90] =	vst v2;
	v2 =	vld [tilespmem:$0x4B0]  }
0x90: {  	v3 =	vmul.u32 $0x2710, v12;
	v1 =	vld.idx.msk [tilespmem:v1+s14+$0x0], $0xffff;
	_ =	sdelay $0x1  }
0x91: {  	v14 =	vld [tilespmem:$0x8B0];
	v3 =	vadd.s32 v13, v3  }
0x92: {  	v3 =	vmul.u32 $0x3, v3  }
0x93: {  	v15 =	vld [tilespmem:$0xB0]  }
0x94: {  	v1 =	vadd.s32 v1, v3  }
0x95: {  	[tilespmem:$0xCA0] =	vst v1;
	v1 =	vld [tilespmem:$0x4C0]  }
0x96: {  	v3 =	vmul.u32 $0x2710, v14;
	v2 =	vld.idx.msk [tilespmem:v2+s14+$0x0], $0xffff;
	_ =	sdelay $0x1  }
0x97: {  	v16 =	vld [tilespmem:$0x8C0];
	v3 =	vadd.s32 v15, v3  }
0x98: {  	v3 =	vmul.u32 $0x3, v3  }
0x99: {  	v17 =	vld [tilespmem:$0xC0]  }
0x9a: {  	v2 =	vadd.s32 v2, v3  }
0x9b: {  	[tilespmem:$0xCB0] =	vst v2;
	v2 =	vld [tilespmem:$0x4D0]  }
0x9c: {  	v3 =	vmul.u32 $0x2710, v16;
	v1 =	vld.idx.msk [tilespmem:v1+s14+$0x0], $0xffff;
	_ =	sdelay $0x1  }
0x9d: {  	v18 =	vld [tilespmem:$0x8D0];
	v3 =	vadd.s32 v17, v3  }
0x9e: {  	v3 =	vmul.u32 $0x3, v3  }
0x9f: {  	v19 =	vld [tilespmem:$0xD0]  }
0xa0: {  	v1 =	vadd.s32 v1, v3  }
0xa1: {  	[tilespmem:$0xCC0] =	vst v1;
	v1 =	vld [tilespmem:$0x4E0]  }
0xa2: {  	v3 =	vmul.u32 $0x2710, v18;
	v2 =	vld.idx.msk [tilespmem:v2+s14+$0x0], $0xffff;
	_ =	sdelay $0x1  }
0xa3: {  	v20 =	vld [tilespmem:$0x8E0];
	v3 =	vadd.s32 v19, v3  }
0xa4: {  	v3 =	vmul.u32 $0x3, v3  }
0xa5: {  	v21 =	vld [tilespmem:$0xE0]  }
0xa6: {  	v2 =	vadd.s32 v2, v3  }
0xa7: {  	[tilespmem:$0xCD0] =	vst v2;
	v2 =	vld [tilespmem:$0x4F0]  }
0xa8: {  	v3 =	vmul.u32 $0x2710, v20;
	v1 =	vld.idx.msk [tilespmem:v1+s14+$0x0], $0xffff;
	_ =	sdelay $0x1  }
0xa9: {  	v22 =	vld [tilespmem:$0x8F0];
	v3 =	vadd.s32 v21, v3  }
0xaa: {  	v3 =	vmul.u32 $0x3, v3  }
0xab: {  	v23 =	vld [tilespmem:$0xF0]  }
0xac: {  	v1 =	vadd.s32 v1, v3  }
0xad: {  	[tilespmem:$0xCE0] =	vst v1;
	v1 =	vld [tilespmem:$0x500]  }
0xae: {  	v3 =	vmul.u32 $0x2710, v22;
	v2 =	vld.idx.msk [tilespmem:v2+s14+$0x0], $0xffff;
	_ =	sdelay $0x1  }
0xaf: {  	v24 =	vld [tilespmem:$0x900];
	v3 =	vadd.s32 v23, v3  }
0xb0: {  	v3 =	vmul.u32 $0x3, v3  }
0xb1: {  	v25 =	vld [tilespmem:$0x100]  }
0xb2: {  	v2 =	vadd.s32 v2, v3  }
0xb3: {  	[tilespmem:$0xCF0] =	vst v2;
	v2 =	vld [tilespmem:$0x510]  }
0xb4: {  	v3 =	vmul.u32 $0x2710, v24;
	v1 =	vld.idx.msk [tilespmem:v1+s14+$0x0], $0xffff;
	_ =	sdelay $0x1  }
0xb5: {  	v26 =	vld [tilespmem:$0x910];
	v3 =	vadd.s32 v25, v3  }
0xb6: {  	v3 =	vmul.u32 $0x3, v3  }
0xb7: {  	v27 =	vld [tilespmem:$0x110]  }
0xb8: {  	v1 =	vadd.s32 v1, v3  }
0xb9: {  	[tilespmem:$0xD00] =	vst v1;
	v1 =	vld [tilespmem:$0x520]  }
0xba: {  	v3 =	vmul.u32 $0x2710, v26;
	v2 =	vld.idx.msk [tilespmem:v2+s14+$0x0], $0xffff;
	_ =	sdelay $0x1  }
0xbb: {  	v28 =	vld [tilespmem:$0x920];
	v3 =	vadd.s32 v27, v3  }
0xbc: {  	v3 =	vmul.u32 $0x3, v3  }
0xbd: {  	v29 =	vld [tilespmem:$0x120]  }
0xbe: {  	v2 =	vadd.s32 v2, v3  }
0xbf: {  	[tilespmem:$0xD10] =	vst v2;
	v2 =	vld [tilespmem:$0x530]  }
0xc0: {  	v3 =	vmul.u32 $0x2710, v28;
	v1 =	vld.idx.msk [tilespmem:v1+s14+$0x0], $0xffff;
	_ =	sdelay $0x1  }
0xc1: {  	v30 =	vld [tilespmem:$0x930];
	v3 =	vadd.s32 v29, v3  }
0xc2: {  	v3 =	vmul.u32 $0x3, v3  }
0xc3: {  	v31 =	vld [tilespmem:$0x130]  }
0xc4: {  	v1 =	vadd.s32 v1, v3  }
0xc5: {  	[tilespmem:$0xD20] =	vst v1;
	v1 =	vld [tilespmem:$0x540]  }
0xc6: {  	v3 =	vmul.u32 $0x2710, v30;
	v2 =	vld.idx.msk [tilespmem:v2+s14+$0x0], $0xffff;
	_ =	sdelay $0x1  }
0xc7: {  	v32 =	vld [tilespmem:$0x940];
	v3 =	vadd.s32 v31, v3  }
0xc8: {  	v3 =	vmul.u32 $0x3, v3  }
0xc9: {  	v33 =	vld [tilespmem:$0x140]  }
0xca: {  	v2 =	vadd.s32 v2, v3  }
0xcb: {  	[tilespmem:$0xD30] =	vst v2;
	v2 =	vld [tilespmem:$0x550]  }
0xcc: {  	v3 =	vmul.u32 $0x2710, v32;
	v1 =	vld.idx.msk [tilespmem:v1+s14+$0x0], $0xffff;
	_ =	sdelay $0x1  }
0xcd: {  	v34 =	vld [tilespmem:$0x950];
	v3 =	vadd.s32 v33, v3  }
0xce: {  	v3 =	vmul.u32 $0x3, v3  }
0xcf: {  	v35 =	vld [tilespmem:$0x150]  }
0xd0: {  	v1 =	vadd.s32 v1, v3  }
0xd1: {  	[tilespmem:$0xD40] =	vst v1;
	v1 =	vld [tilespmem:$0x560]  }
0xd2: {  	v3 =	vmul.u32 $0x2710, v34;
	v2 =	vld.idx.msk [tilespmem:v2+s14+$0x0], $0xffff;
	_ =	sdelay $0x1  }
0xd3: {  	v36 =	vld [tilespmem:$0x960];
	v3 =	vadd.s32 v35, v3  }
0xd4: {  	v3 =	vmul.u32 $0x3, v3  }
0xd5: {  	v37 =	vld [tilespmem:$0x160]  }
0xd6: {  	v2 =	vadd.s32 v2, v3  }
0xd7: {  	[tilespmem:$0xD50] =	vst v2;
	v2 =	vld [tilespmem:$0x570]  }
0xd8: {  	v3 =	vmul.u32 $0x2710, v36;
	v1 =	vld.idx.msk [tilespmem:v1+s14+$0x0], $0xffff;
	_ =	sdelay $0x1  }
0xd9: {  	v38 =	vld [tilespmem:$0x970];
	v3 =	vadd.s32 v37, v3  }
0xda: {  	v3 =	vmul.u32 $0x3, v3  }
0xdb: {  	v39 =	vld [tilespmem:$0x170]  }
0xdc: {  	v1 =	vadd.s32 v1, v3  }
0xdd: {  	[tilespmem:$0xD60] =	vst v1;
	v1 =	vld [tilespmem:$0x580]  }
0xde: {  	v3 =	vmul.u32 $0x2710, v38;
	v2 =	vld.idx.msk [tilespmem:v2+s14+$0x0], $0xffff;
	_ =	sdelay $0x1  }
0xdf: {  	v40 =	vld [tilespmem:$0x980];
	v3 =	vadd.s32 v39, v3  }
0xe0: {  	v3 =	vmul.u32 $0x3, v3  }
0xe1: {  	v41 =	vld [tilespmem:$0x180]  }
0xe2: {  	v2 =	vadd.s32 v2, v3  }
0xe3: {  	[tilespmem:$0xD70] =	vst v2;
	v2 =	vld [tilespmem:$0x590]  }
0xe4: {  	v3 =	vmul.u32 $0x2710, v40;
	v1 =	vld.idx.msk [tilespmem:v1+s14+$0x0], $0xffff;
	_ =	sdelay $0x1  }
0xe5: {  	v42 =	vld [tilespmem:$0x990];
	v3 =	vadd.s32 v41, v3  }
0xe6: {  	v3 =	vmul.u32 $0x3, v3  }
0xe7: {  	v43 =	vld [tilespmem:$0x190]  }
0xe8: {  	v1 =	vadd.s32 v1, v3  }
0xe9: {  	[tilespmem:$0xD80] =	vst v1;
	v1 =	vld [tilespmem:$0x5A0]  }
0xea: {  	v3 =	vmul.u32 $0x2710, v42;
	v2 =	vld.idx.msk [tilespmem:v2+s14+$0x0], $0xffff;
	_ =	sdelay $0x1  }
0xeb: {  	v44 =	vld [tilespmem:$0x9A0];
	v3 =	vadd.s32 v43, v3  }
0xec: {  	v3 =	vmul.u32 $0x3, v3  }
0xed: {  	v45 =	vld [tilespmem:$0x1A0]  }
0xee: {  	v2 =	vadd.s32 v2, v3  }
0xef: {  	[tilespmem:$0xD90] =	vst v2;
	v2 =	vld [tilespmem:$0x5B0]  }
0xf0: {  	v3 =	vmul.u32 $0x2710, v44;
	v1 =	vld.idx.msk [tilespmem:v1+s14+$0x0], $0xffff;
	_ =	sdelay $0x1  }
0xf1: {  	v46 =	vld [tilespmem:$0x9B0];
	v3 =	vadd.s32 v45, v3  }
0xf2: {  	v3 =	vmul.u32 $0x3, v3  }
0xf3: {  	v47 =	vld [tilespmem:$0x1B0]  }
0xf4: {  	v1 =	vadd.s32 v1, v3  }
0xf5: {  	[tilespmem:$0xDA0] =	vst v1;
	v1 =	vld [tilespmem:$0x5C0]  }
0xf6: {  	v3 =	vmul.u32 $0x2710, v46;
	v2 =	vld.idx.msk [tilespmem:v2+s14+$0x0], $0xffff;
	_ =	sdelay $0x1  }
0xf7: {  	v48 =	vld [tilespmem:$0x9C0];
	v3 =	vadd.s32 v47, v3  }
0xf8: {  	v3 =	vmul.u32 $0x3, v3  }
0xf9: {  	v49 =	vld [tilespmem:$0x1C0]  }
0xfa: {  	v2 =	vadd.s32 v2, v3  }
0xfb: {  	[tilespmem:$0xDB0] =	vst v2;
	v2 =	vld [tilespmem:$0x5D0]  }
0xfc: {  	v3 =	vmul.u32 $0x2710, v48;
	v1 =	vld.idx.msk [tilespmem:v1+s14+$0x0], $0xffff;
	_ =	sdelay $0x1  }
0xfd: {  	v50 =	vld [tilespmem:$0x9D0];
	v3 =	vadd.s32 v49, v3  }
0xfe: {  	v3 =	vmul.u32 $0x3, v3  }
0xff: {  	v51 =	vld [tilespmem:$0x1D0]  }
0x100: {  	v1 =	vadd.s32 v1, v3  }
0x101: {  	[tilespmem:$0xDC0] =	vst v1;
	v1 =	vld [tilespmem:$0x5E0]  }
0x102: {  	v3 =	vmul.u32 $0x2710, v50;
	v2 =	vld.idx.msk [tilespmem:v2+s14+$0x0], $0xffff;
	_ =	sdelay $0x1  }
0x103: {  	v52 =	vld [tilespmem:$0x9E0];
	v3 =	vadd.s32 v51, v3  }
0x104: {  	v3 =	vmul.u32 $0x3, v3  }
0x105: {  	v53 =	vld [tilespmem:$0x1E0]  }
0x106: {  	v2 =	vadd.s32 v2, v3  }
0x107: {  	[tilespmem:$0xDD0] =	vst v2;
	v2 =	vld [tilespmem:$0x5F0]  }
0x108: {  	v3 =	vmul.u32 $0x2710, v52;
	v1 =	vld.idx.msk [tilespmem:v1+s14+$0x0], $0xffff;
	_ =	sdelay $0x1  }
0x109: {  	v54 =	vld [tilespmem:$0x9F0];
	v3 =	vadd.s32 v53, v3  }
0x10a: {  	v3 =	vmul.u32 $0x3, v3  }
0x10b: {  	v55 =	vld [tilespmem:$0x1F0]  }
0x10c: {  	v1 =	vadd.s32 v1, v3  }
0x10d: {  	[tilespmem:$0xDE0] =	vst v1;
	v1 =	vld [tilespmem:$0x600]  }
0x10e: {  	v3 =	vmul.u32 $0x2710, v54;
	v2 =	vld.idx.msk [tilespmem:v2+s14+$0x0], $0xffff;
	_ =	sdelay $0x1  }
0x10f: {  	v56 =	vld [tilespmem:$0xA00];
	v3 =	vadd.s32 v55, v3  }
0x110: {  	v3 =	vmul.u32 $0x3, v3  }
0x111: {  	v57 =	vld [tilespmem:$0x200]  }
0x112: {  	v2 =	vadd.s32 v2, v3  }
0x113: {  	[tilespmem:$0xDF0] =	vst v2;
	v2 =	vld [tilespmem:$0x610]  }
0x114: {  	v3 =	vmul.u32 $0x2710, v56;
	v1 =	vld.idx.msk [tilespmem:v1+s14+$0x0], $0xffff;
	_ =	sdelay $0x1  }
0x115: {  	v58 =	vld [tilespmem:$0xA10];
	v3 =	vadd.s32 v57, v3  }
0x116: {  	v3 =	vmul.u32 $0x3, v3  }
0x117: {  	v59 =	vld [tilespmem:$0x210]  }
0x118: {  	v1 =	vadd.s32 v1, v3  }
0x119: {  	[tilespmem:$0xE00] =	vst v1;
	v1 =	vld [tilespmem:$0x620]  }
0x11a: {  	v3 =	vmul.u32 $0x2710, v58;
	v2 =	vld.idx.msk [tilespmem:v2+s14+$0x0], $0xffff;
	_ =	sdelay $0x1  }
0x11b: {  	v60 =	vld [tilespmem:$0xA20];
	v3 =	vadd.s32 v59, v3  }
0x11c: {  	v3 =	vmul.u32 $0x3, v3  }
0x11d: {  	v61 =	vld [tilespmem:$0x220]  }
0x11e: {  	v2 =	vadd.s32 v2, v3  }
0x11f: {  	[tilespmem:$0xE10] =	vst v2;
	v2 =	vld [tilespmem:$0x630]  }
0x120: {  	v3 =	vmul.u32 $0x2710, v60;
	v1 =	vld.idx.msk [tilespmem:v1+s14+$0x0], $0xffff;
	_ =	sdelay $0x1  }
0x121: {  	v62 =	vld [tilespmem:$0xA30];
	v3 =	vadd.s32 v61, v3  }
0x122: {  	v3 =	vmul.u32 $0x3, v3  }
0x123: {  	v63 =	vld [tilespmem:$0x230]  }
0x124: {  	v1 =	vadd.s32 v1, v3  }
0x125: {  	[tilespmem:$0xE20] =	vst v1;
	v1 =	vld [tilespmem:$0x640]  }
0x126: {  	v3 =	vmul.u32 $0x2710, v62;
	v2 =	vld.idx.msk [tilespmem:v2+s14+$0x0], $0xffff;
	_ =	sdelay $0x1  }
0x127: {  	v8 =	vld [tilespmem:$0xA40];
	v3 =	vadd.s32 v63, v3  }
0x128: {  	v3 =	vmul.u32 $0x3, v3  }
0x129: {  	v9 =	vld [tilespmem:$0x240]  }
0x12a: {  	v2 =	vadd.s32 v2, v3  }
0x12b: {  	[tilespmem:$0xE30] =	vst v2;
	v2 =	vld [tilespmem:$0x650]  }
0x12c: {  	v3 =	vmul.u32 $0x2710, v8;
	v1 =	vld.idx.msk [tilespmem:v1+s14+$0x0], $0xffff;
	_ =	sdelay $0x1  }
0x12d: {  	v10 =	vld [tilespmem:$0xA50];
	v3 =	vadd.s32 v9, v3  }
0x12e: {  	v3 =	vmul.u32 $0x3, v3  }
0x12f: {  	v11 =	vld [tilespmem:$0x250]  }
0x130: {  	v1 =	vadd.s32 v1, v3  }
0x131: {  	[tilespmem:$0xE40] =	vst v1;
	v1 =	vld [tilespmem:$0x660]  }
0x132: {  	v3 =	vmul.u32 $0x2710, v10;
	v2 =	vld.idx.msk [tilespmem:v2+s14+$0x0], $0xffff;
	_ =	sdelay $0x1  }
0x133: {  	v12 =	vld [tilespmem:$0xA60];
	v3 =	vadd.s32 v11, v3  }
0x134: {  	v3 =	vmul.u32 $0x3, v3  }
0x135: {  	v13 =	vld [tilespmem:$0x260]  }
0x136: {  	v2 =	vadd.s32 v2, v3  }
0x137: {  	[tilespmem:$0xE50] =	vst v2;
	v2 =	vld [tilespmem:$0x670]  }
0x138: {  	v3 =	vmul.u32 $0x2710, v12;
	v1 =	vld.idx.msk [tilespmem:v1+s14+$0x0], $0xffff;
	_ =	sdelay $0x1  }
0x139: {  	v14 =	vld [tilespmem:$0xA70];
	v3 =	vadd.s32 v13, v3  }
0x13a: {  	v3 =	vmul.u32 $0x3, v3  }
0x13b: {  	v15 =	vld [tilespmem:$0x270]  }
0x13c: {  	v1 =	vadd.s32 v1, v3  }
0x13d: {  	[tilespmem:$0xE60] =	vst v1;
	v1 =	vld [tilespmem:$0x680]  }
0x13e: {  	v3 =	vmul.u32 $0x2710, v14;
	v2 =	vld.idx.msk [tilespmem:v2+s14+$0x0], $0xffff;
	_ =	sdelay $0x1  }
0x13f: {  	v16 =	vld [tilespmem:$0xA80];
	v3 =	vadd.s32 v15, v3  }
0x140: {  	v3 =	vmul.u32 $0x3, v3  }
0x141: {  	v17 =	vld [tilespmem:$0x280]  }
0x142: {  	v2 =	vadd.s32 v2, v3  }
0x143: {  	[tilespmem:$0xE70] =	vst v2;
	v2 =	vld [tilespmem:$0x690]  }
0x144: {  	v3 =	vmul.u32 $0x2710, v16;
	v1 =	vld.idx.msk [tilespmem:v1+s14+$0x0], $0xffff;
	_ =	sdelay $0x1  }
0x145: {  	v18 =	vld [tilespmem:$0xA90];
	v3 =	vadd.s32 v17, v3  }
0x146: {  	v3 =	vmul.u32 $0x3, v3  }
0x147: {  	v19 =	vld [tilespmem:$0x290]  }
0x148: {  	v1 =	vadd.s32 v1, v3  }
0x149: {  	[tilespmem:$0xE80] =	vst v1;
	v1 =	vld [tilespmem:$0x6A0]  }
0x14a: {  	v3 =	vmul.u32 $0x2710, v18;
	v2 =	vld.idx.msk [tilespmem:v2+s14+$0x0], $0xffff;
	_ =	sdelay $0x1  }
0x14b: {  	v20 =	vld [tilespmem:$0xAA0];
	v3 =	vadd.s32 v19, v3  }
0x14c: {  	v3 =	vmul.u32 $0x3, v3  }
0x14d: {  	v21 =	vld [tilespmem:$0x2A0]  }
0x14e: {  	v2 =	vadd.s32 v2, v3  }
0x14f: {  	[tilespmem:$0xE90] =	vst v2;
	v2 =	vld [tilespmem:$0x6B0]  }
0x150: {  	v3 =	vmul.u32 $0x2710, v20;
	v1 =	vld.idx.msk [tilespmem:v1+s14+$0x0], $0xffff;
	_ =	sdelay $0x1  }
0x151: {  	v22 =	vld [tilespmem:$0xAB0];
	v3 =	vadd.s32 v21, v3  }
0x152: {  	v3 =	vmul.u32 $0x3, v3  }
0x153: {  	v23 =	vld [tilespmem:$0x2B0]  }
0x154: {  	v1 =	vadd.s32 v1, v3  }
0x155: {  	[tilespmem:$0xEA0] =	vst v1;
	v1 =	vld [tilespmem:$0x6C0]  }
0x156: {  	v3 =	vmul.u32 $0x2710, v22;
	v2 =	vld.idx.msk [tilespmem:v2+s14+$0x0], $0xffff;
	_ =	sdelay $0x1  }
0x157: {  	v24 =	vld [tilespmem:$0xAC0];
	v3 =	vadd.s32 v23, v3  }
0x158: {  	v3 =	vmul.u32 $0x3, v3  }
0x159: {  	v25 =	vld [tilespmem:$0x2C0]  }
0x15a: {  	v2 =	vadd.s32 v2, v3  }
0x15b: {  	[tilespmem:$0xEB0] =	vst v2;
	v2 =	vld [tilespmem:$0x6D0]  }
0x15c: {  	v3 =	vmul.u32 $0x2710, v24;
	v1 =	vld.idx.msk [tilespmem:v1+s14+$0x0], $0xffff;
	_ =	sdelay $0x1  }
0x15d: {  	v26 =	vld [tilespmem:$0xAD0];
	v3 =	vadd.s32 v25, v3  }
0x15e: {  	v3 =	vmul.u32 $0x3, v3  }
0x15f: {  	v27 =	vld [tilespmem:$0x2D0]  }
0x160: {  	v1 =	vadd.s32 v1, v3  }
0x161: {  	[tilespmem:$0xEC0] =	vst v1;
	v1 =	vld [tilespmem:$0x6E0]  }
0x162: {  	v3 =	vmul.u32 $0x2710, v26;
	v2 =	vld.idx.msk [tilespmem:v2+s14+$0x0], $0xffff;
	_ =	sdelay $0x1  }
0x163: {  	v28 =	vld [tilespmem:$0xAE0];
	v3 =	vadd.s32 v27, v3  }
0x164: {  	v3 =	vmul.u32 $0x3, v3  }
0x165: {  	v29 =	vld [tilespmem:$0x2E0]  }
0x166: {  	v2 =	vadd.s32 v2, v3  }
0x167: {  	[tilespmem:$0xED0] =	vst v2;
	v2 =	vld [tilespmem:$0x6F0]  }
0x168: {  	v3 =	vmul.u32 $0x2710, v28;
	v1 =	vld.idx.msk [tilespmem:v1+s14+$0x0], $0xffff;
	_ =	sdelay $0x1  }
0x169: {  	v30 =	vld [tilespmem:$0xAF0];
	v3 =	vadd.s32 v29, v3  }
0x16a: {  	v3 =	vmul.u32 $0x3, v3  }
0x16b: {  	v31 =	vld [tilespmem:$0x2F0]  }
0x16c: {  	v1 =	vadd.s32 v1, v3  }
0x16d: {  	[tilespmem:$0xEE0] =	vst v1;
	v1 =	vld [tilespmem:$0x700]  }
0x16e: {  	v3 =	vmul.u32 $0x2710, v30;
	v2 =	vld.idx.msk [tilespmem:v2+s14+$0x0], $0xffff;
	_ =	sdelay $0x1  }
0x16f: {  	v32 =	vld [tilespmem:$0xB00];
	v3 =	vadd.s32 v31, v3  }
0x170: {  	v3 =	vmul.u32 $0x3, v3  }
0x171: {  	v33 =	vld [tilespmem:$0x300]  }
0x172: {  	v2 =	vadd.s32 v2, v3  }
0x173: {  	[tilespmem:$0xEF0] =	vst v2;
	v2 =	vld [tilespmem:$0x710]  }
0x174: {  	v3 =	vmul.u32 $0x2710, v32;
	v1 =	vld.idx.msk [tilespmem:v1+s14+$0x0], $0xffff;
	_ =	sdelay $0x1  }
0x175: {  	v34 =	vld [tilespmem:$0xB10];
	v3 =	vadd.s32 v33, v3  }
0x176: {  	v3 =	vmul.u32 $0x3, v3  }
0x177: {  	v35 =	vld [tilespmem:$0x310]  }
0x178: {  	v1 =	vadd.s32 v1, v3  }
0x179: {  	[tilespmem:$0xF00] =	vst v1;
	v1 =	vld [tilespmem:$0x720]  }
0x17a: {  	v3 =	vmul.u32 $0x2710, v34;
	v2 =	vld.idx.msk [tilespmem:v2+s14+$0x0], $0xffff;
	_ =	sdelay $0x1  }
0x17b: {  	v36 =	vld [tilespmem:$0xB20];
	v3 =	vadd.s32 v35, v3  }
0x17c: {  	v3 =	vmul.u32 $0x3, v3  }
0x17d: {  	v37 =	vld [tilespmem:$0x320]  }
0x17e: {  	v2 =	vadd.s32 v2, v3  }
0x17f: {  	[tilespmem:$0xF10] =	vst v2;
	v2 =	vld [tilespmem:$0x730]  }
0x180: {  	v3 =	vmul.u32 $0x2710, v36;
	v1 =	vld.idx.msk [tilespmem:v1+s14+$0x0], $0xffff;
	_ =	sdelay $0x1  }
0x181: {  	v38 =	vld [tilespmem:$0xB30];
	v3 =	vadd.s32 v37, v3  }
0x182: {  	v3 =	vmul.u32 $0x3, v3  }
0x183: {  	v39 =	vld [tilespmem:$0x330]  }
0x184: {  	v1 =	vadd.s32 v1, v3  }
0x185: {  	[tilespmem:$0xF20] =	vst v1;
	v1 =	vld [tilespmem:$0x740]  }
0x186: {  	v3 =	vmul.u32 $0x2710, v38;
	v2 =	vld.idx.msk [tilespmem:v2+s14+$0x0], $0xffff;
	_ =	sdelay $0x1  }
0x187: {  	v40 =	vld [tilespmem:$0xB40];
	v3 =	vadd.s32 v39, v3  }
0x188: {  	v3 =	vmul.u32 $0x3, v3  }
0x189: {  	v41 =	vld [tilespmem:$0x340]  }
0x18a: {  	v2 =	vadd.s32 v2, v3  }
0x18b: {  	[tilespmem:$0xF30] =	vst v2;
	v2 =	vld [tilespmem:$0x750]  }
0x18c: {  	v3 =	vmul.u32 $0x2710, v40;
	v1 =	vld.idx.msk [tilespmem:v1+s14+$0x0], $0xffff;
	_ =	sdelay $0x1  }
0x18d: {  	v42 =	vld [tilespmem:$0xB50];
	v3 =	vadd.s32 v41, v3  }
0x18e: {  	v3 =	vmul.u32 $0x3, v3  }
0x18f: {  	v43 =	vld [tilespmem:$0x350]  }
0x190: {  	v1 =	vadd.s32 v1, v3  }
0x191: {  	[tilespmem:$0xF40] =	vst v1;
	v1 =	vld [tilespmem:$0x760]  }
0x192: {  	v3 =	vmul.u32 $0x2710, v42;
	v2 =	vld.idx.msk [tilespmem:v2+s14+$0x0], $0xffff;
	_ =	sdelay $0x1  }
0x193: {  	v44 =	vld [tilespmem:$0xB60];
	v3 =	vadd.s32 v43, v3  }
0x194: {  	v3 =	vmul.u32 $0x3, v3  }
0x195: {  	v45 =	vld [tilespmem:$0x360]  }
0x196: {  	v2 =	vadd.s32 v2, v3  }
0x197: {  	[tilespmem:$0xF50] =	vst v2;
	v2 =	vld [tilespmem:$0x770]  }
0x198: {  	v3 =	vmul.u32 $0x2710, v44;
	v1 =	vld.idx.msk [tilespmem:v1+s14+$0x0], $0xffff;
	_ =	sdelay $0x1  }
0x199: {  	v46 =	vld [tilespmem:$0xB70];
	v3 =	vadd.s32 v45, v3  }
0x19a: {  	v3 =	vmul.u32 $0x3, v3  }
0x19b: {  	v47 =	vld [tilespmem:$0x370]  }
0x19c: {  	v1 =	vadd.s32 v1, v3  }
0x19d: {  	[tilespmem:$0xF60] =	vst v1;
	v1 =	vld [tilespmem:$0x780]  }
0x19e: {  	v3 =	vmul.u32 $0x2710, v46;
	v2 =	vld.idx.msk [tilespmem:v2+s14+$0x0], $0xffff;
	_ =	sdelay $0x1  }
0x19f: {  	v48 =	vld [tilespmem:$0xB80];
	v3 =	vadd.s32 v47, v3  }
0x1a0: {  	v3 =	vmul.u32 $0x3, v3  }
0x1a1: {  	v49 =	vld [tilespmem:$0x380]  }
0x1a2: {  	v2 =	vadd.s32 v2, v3  }
0x1a3: {  	[tilespmem:$0xF70] =	vst v2;
	v2 =	vld [tilespmem:$0x790]  }
0x1a4: {  	v3 =	vmul.u32 $0x2710, v48;
	v1 =	vld.idx.msk [tilespmem:v1+s14+$0x0], $0xffff;
	_ =	sdelay $0x1  }
0x1a5: {  	v50 =	vld [tilespmem:$0xB90];
	v3 =	vadd.s32 v49, v3  }
0x1a6: {  	v3 =	vmul.u32 $0x3, v3  }
0x1a7: {  	v51 =	vld [tilespmem:$0x390]  }
0x1a8: {  	v1 =	vadd.s32 v1, v3  }
0x1a9: {  	[tilespmem:$0xF80] =	vst v1;
	v1 =	vld [tilespmem:$0x7A0]  }
0x1aa: {  	v3 =	vmul.u32 $0x2710, v50;
	v2 =	vld.idx.msk [tilespmem:v2+s14+$0x0], $0xffff;
	_ =	sdelay $0x1  }
0x1ab: {  	v52 =	vld [tilespmem:$0xBA0];
	v3 =	vadd.s32 v51, v3  }
0x1ac: {  	v3 =	vmul.u32 $0x3, v3  }
0x1ad: {  	v53 =	vld [tilespmem:$0x3A0]  }
0x1ae: {  	v2 =	vadd.s32 v2, v3  }
0x1af: {  	[tilespmem:$0xF90] =	vst v2;
	v2 =	vld [tilespmem:$0x7B0]  }
0x1b0: {  	v3 =	vmul.u32 $0x2710, v52;
	v1 =	vld.idx.msk [tilespmem:v1+s14+$0x0], $0xffff;
	_ =	sdelay $0x1  }
0x1b1: {  	v54 =	vld [tilespmem:$0xBB0];
	v3 =	vadd.s32 v53, v3  }
0x1b2: {  	v3 =	vmul.u32 $0x3, v3  }
0x1b3: {  	v55 =	vld [tilespmem:$0x3B0]  }
0x1b4: {  	v1 =	vadd.s32 v1, v3  }
0x1b5: {  	[tilespmem:$0xFA0] =	vst v1;
	v1 =	vld [tilespmem:$0x7C0]  }
0x1b6: {  	v3 =	vmul.u32 $0x2710, v54;
	v2 =	vld.idx.msk [tilespmem:v2+s14+$0x0], $0xffff;
	_ =	sdelay $0x1  }
0x1b7: {  	v56 =	vld [tilespmem:$0xBC0];
	v3 =	vadd.s32 v55, v3  }
0x1b8: {  	v3 =	vmul.u32 $0x3, v3  }
0x1b9: {  	v57 =	vld [tilespmem:$0x3C0]  }
0x1ba: {  	v2 =	vadd.s32 v2, v3  }
0x1bb: {  	[tilespmem:$0xFB0] =	vst v2;
	v2 =	vld [tilespmem:$0x7D0]  }
0x1bc: {  	v3 =	vmul.u32 $0x2710, v56;
	v1 =	vld.idx.msk [tilespmem:v1+s14+$0x0], $0xffff;
	_ =	sdelay $0x1  }
0x1bd: {  	v58 =	vld [tilespmem:$0xBD0];
	v3 =	vadd.s32 v57, v3  }
0x1be: {  	v3 =	vmul.u32 $0x3, v3  }
0x1bf: {  	v59 =	vld [tilespmem:$0x3D0]  }
0x1c0: {  	v1 =	vadd.s32 v1, v3  }
0x1c1: {  	[tilespmem:$0xFC0] =	vst v1;
	v1 =	vld [tilespmem:$0x7E0]  }
0x1c2: {  	v3 =	vmul.u32 $0x2710, v58;
	v2 =	vld.idx.msk [tilespmem:v2+s14+$0x0], $0xffff;
	_ =	sdelay $0x1  }
0x1c3: {  	v60 =	vld [tilespmem:$0xBE0];
	v3 =	vadd.s32 v59, v3  }
0x1c4: {  	v3 =	vmul.u32 $0x3, v3  }
0x1c5: {  	v61 =	vld [tilespmem:$0x3E0]  }
0x1c6: {  	v2 =	vadd.s32 v2, v3  }
0x1c7: {  	[tilespmem:$0xFD0] =	vst v2;
	v2 =	vld [tilespmem:$0x7F0]  }
0x1c8: {  	v3 =	vmul.u32 $0x2710, v60;
	v1 =	vld.idx.msk [tilespmem:v1+s14+$0x0], $0xffff;
	_ =	sdelay $0x1  }
0x1c9: {  	v62 =	vld [tilespmem:$0xBF0];
	v3 =	vadd.s32 v61, v3  }
0x1ca: {  	v3 =	vmul.u32 $0x3, v3  }
0x1cb: {  	v63 =	vld [tilespmem:$0x3F0]  }
0x1cc: {  	v1 =	vadd.s32 v1, v3  }
0x1cd: {  	[tilespmem:$0xFE0] =	vst v1  }
0x1ce: {  	v1 =	vld.idx.msk [tilespmem:v2+s14+$0x0], $0xffff;
	v2 =	vmul.u32 $0x2710, v62;
	_ =	sdelay $0x1  }
0x1cf: {  	v2 =	vadd.s32 v63, v2  }
0x1d0: {  	v2 =	vmul.u32 $0x3, v2;
	_ =	sdelay $0x1  }
0x1d1: {  	v1 =	vadd.s32 v1, v2  }
0x1d2: {  	[tilespmem:$0xFF0] =	vst v1  }
0x1d3: {  	[tilespmem:s16], [sflag:$0x1] =	stream.indirect.gather [hbm4b:s4+s19], $0x80, s20, s19, $0xb8;
	[tilespmem:$0x1B380] =	vst v63  }
0x1d4: {  	_ =	swait.ge [sflag:s21], $0x4000  }
0x1d5: {  	[sflag:s21] =	ssyncset.done $0x0  }
0x1d6: {  	[sflag:s21] =	ssyncadd.s32 $0xFFFFC000  }
0x1d7: {  	[spmem:s1] =	stream.indirect.scatter.add.f32 [tilespmem:s16], [sflag:$0x2], $0x80, s17, s19, $0xb8;
	[tilespmem:$0x1B380] =	vst v63  }
0x1d8: {  	_ =	swait.ge [sflag:s15], $0x4000  }
0x1d9: {  	[sflag:s15] =	ssyncset.done $0x0  }
0x1da: {  	[sflag:s15] =	ssyncadd.s32 $0xFFFFC000  }
0x1db: {  	[tilespmem:s16], [sflag:$0x1] =	stream.indirect.gather [hbm4b:s4+s19], $0x80, s22, s19, $0xb8;
	[tilespmem:$0x1B380] =	vst v63  }
0x1dc: {  	_ =	swait.ge [sflag:s21], $0x4000  }
0x1dd: {  	[sflag:s21] =	ssyncset.done $0x0  }
0x1de: {  	[sflag:s21] =	ssyncadd.s32 $0xFFFFC000  }
0x1df: {  	[spmem:s1] =	stream.indirect.scatter.add.f32 [tilespmem:s16], [sflag:$0x2], $0x80, s23, s19, $0xb8;
	[tilespmem:$0x1B380] =	vst v63  }
0x1e0: {  	_ =	swait.ge [sflag:s15], $0x4000  }
0x1e1: {  	[sflag:s15] =	ssyncset.done $0x0  }
0x1e2: {  	[sflag:s15] =	ssyncadd.s32 $0xFFFFC000  }
0x1e3: {  	[tilespmem:s16], [sflag:$0x1] =	stream.indirect.gather [hbm4b:s4+s19], $0x80, s24, s19, $0xb8;
	[tilespmem:$0x1B380] =	vst v63  }
0x1e4: {  	_ =	swait.ge [sflag:s21], $0x4000  }
0x1e5: {  	[sflag:s21] =	ssyncset.done $0x0  }
0x1e6: {  	[sflag:s21] =	ssyncadd.s32 $0xFFFFC000  }
0x1e7: {  	[spmem:s1] =	stream.indirect.scatter.add.f32 [tilespmem:s16], [sflag:$0x2], $0x80, s25, s19, $0xb8;
	[tilespmem:$0x1B380] =	vst v63  }
0x1e8: {  	_ =	swait.ge [sflag:s15], $0x4000  }
0x1e9: {  	[sflag:s15] =	ssyncset.done $0x0  }
0x1ea: {  	[sflag:s15] =	ssyncadd.s32 $0xFFFFC000  }
0x1eb: {  	[tilespmem:s16], [sflag:$0x1] =	stream.indirect.gather [hbm4b:s4+s19], $0x80, s26, s19, $0xb8;
	[tilespmem:$0x1B380] =	vst v63  }
0x1ec: {  	_ =	swait.ge [sflag:s21], $0x4000  }
0x1ed: {  	[sflag:s21] =	ssyncset.done $0x0  }
0x1ee: {  	[sflag:s21] =	ssyncadd.s32 $0xFFFFC000  }
0x1ef: {  	[spmem:s1] =	stream.indirect.scatter.add.f32 [tilespmem:s16], [sflag:$0x2], $0x80, s28, s19, $0xb8;
	[tilespmem:$0x1B380] =	vst v63  }
0x1f0: {  	_ =	swait.ge [sflag:s15], $0x4000  }
0x1f1: {  	[sflag:s15] =	ssyncset.done $0x0  }
0x1f2: {  	[sflag:s15] =	ssyncadd.s32 $0xFFFFC000  }
0x1f3: {  	[tilespmem:s16], [sflag:$0x1] =	stream.indirect.gather [hbm4b:s4+s19], $0x80, s29, s19, $0xb8;
	[tilespmem:$0x1B380] =	vst v63  }
0x1f4: {  	_ =	swait.ge [sflag:s21], $0x4000  }
0x1f5: {  	[sflag:s21] =	ssyncset.done $0x0  }
0x1f6: {  	[sflag:s21] =	ssyncadd.s32 $0xFFFFC000  }
0x1f7: {  	[spmem:s1] =	stream.indirect.scatter.add.f32 [tilespmem:s16], [sflag:$0x2], $0x80, s30, s19, $0xb8;
	[tilespmem:$0x1B380] =	vst v63  }
0x1f8: {  	_ =	swait.ge [sflag:s15], $0x4000  }
0x1f9: {  	[sflag:s15] =	ssyncset.done $0x0  }
0x1fa: {  	[sflag:s15] =	ssyncadd.s32 $0xFFFFC000  }
0x1fb: {  	[tilespmem:s16], [sflag:$0x1] =	stream.indirect.gather [hbm4b:s4+s19], $0x80, s31, s19, $0xb8;
	[tilespmem:$0x1B380] =	vst v63  }
0x1fc: {  	_ =	swait.ge [sflag:s21], $0x4000  }
0x1fd: {  	[sflag:s21] =	ssyncset.done $0x0  }
0x1fe: {  	[sflag:s21] =	ssyncadd.s32 $0xFFFFC000  }
0x1ff: {  	[spmem:s1] =	stream.indirect.scatter.add.f32 [tilespmem:s16], [sflag:$0x2], $0x80, s0, s19, $0xb8;
	[tilespmem:$0x1B380] =	vst v63  }
0x200: {  	_ =	swait.ge [sflag:s15], $0x4000  }
0x201: {  	[sflag:s15] =	ssyncset.done $0x0  }
0x202: {  	[sflag:s15] =	ssyncadd.s32 $0xFFFFC000  }
0x203: {  	[tilespmem:s16], [sflag:$0x1] =	stream.indirect.gather [hbm4b:s4+s19], $0x80, s2, s19, $0xb8;
	[tilespmem:$0x1B380] =	vst v63  }
0x204: {  	_ =	swait.ge [sflag:s21], $0x4000  }
0x205: {  	[sflag:s21] =	ssyncset.done $0x0  }
0x206: {  	[sflag:s21] =	ssyncadd.s32 $0xFFFFC000  }
0x207: {  	[spmem:s1] =	stream.indirect.scatter.add.f32 [tilespmem:s16], [sflag:$0x2], $0x80, s5, s19, $0xb8;
	[tilespmem:$0x1B380] =	vst v63  }
0x208: {  	_ =	swait.ge [sflag:s15], $0x4000  }
0x209: {  	[sflag:s15] =	ssyncset.done $0x0  }
0x20a: {  	[sflag:s15] =	ssyncadd.s32 $0xFFFFC000  }
0x20b: {  	[tilespmem:s16], [sflag:$0x1] =	stream.indirect.gather [hbm4b:s4+s19], $0x80, s7, s19, $0xb8;
	[tilespmem:$0x1B380] =	vst v63  }
0x20c: {  	_ =	swait.ge [sflag:s21], $0x4000  }
0x20d: {  	p0 =	sne.s32 s10, $0x480;
	[sflag:s21] =	ssyncset.done $0x0  }
.Ltmp1:
0x20e: {  	[sflag:s21] =	ssyncadd.s32 $0xFFFFC000;
	(pc) =	sbr.rel @p0 .LBB2_4-.Ltmp1, $4  }
0x20f: {  	[spmem:s1] =	stream.indirect.scatter.add.f32 [tilespmem:s16], [sflag:$0x2], $0x80, s8, s19, $0xb8;
	[tilespmem:$0x1B380] =	vst v63  }
0x210: {  	_ =	swait.ge [sflag:s15], $0x4000  }
0x211: {  	[sflag:s15] =	ssyncset.done $0x0  }
0x212: {  	s10 =	sadd.s32 $0x80, s10;
	[sflag:s15] =	ssyncadd.s32 $0xFFFFC000  }
0x213: {  	s10 =	stileid.u32  }
0x214: {  	[bflag:$0x0] =	sbarrier.arrive $0xFFFF;
	s10 =	sshll.u32 s10, $0x6  }
0x215: {  	s11 =	sshrl.u32 s6, $0x3;
	s12 =	rddreg [dreg:$0xb];
	s10 =	sor.u32 $0x1C02, s10  }
0x216: {  	[hbm:s12], [sflag:s10] =	dma.local [spmem:s11], $0x2780  }
0x217: {  	_ =	swait.ge [sflag:s15], $0x2780  }
0x218: {  	s9 =	sadd.s32 $0x1, s9;
	s12 =	rddreg [dreg:$0xc]  }
0x219: {  	p0 =	sne.s32 s9, s12  }
.Ltmp2:
0x21a: {  	_ = 	snop;
	(pc) =	sbr.rel @p0 .LBB2_1-.Ltmp2, $3  }
0x21b: {  	_ =	sdelay $0x1  }
0x21c: {  	[sflag:s15] =	ssyncset.done $0x0  }
0x21d: {  	[sflag:s15] =	ssyncadd.s32 $0xFFFFD880  }
0x21e: {  	_ =	sfence.sel $0x180000  }
0x21f: {  	[bflag:$0x0] =	sbarrier.arrive $0xFFFF  }
0x220: {  	_ =	strace $0x90000047  }
0x221: {  	s0 =	stileid.u32;
	[bflag:$0x2] =	sbarrier.arrive $0xFFFF  }
0x222: {  	p0 =	sne.s32 s0, $0x0;
	s0 =	rddreg [dreg:$0x3]  }
0x223: {  	s0 =	sadd.s32 @!p0 $0x100000, s0  }
0x224: {  	[sflag:s0] =	ssyncadd.tile.s32 @!p0 $0x1;
	_ =	shalt  }
.Lfunc_end2:
_tile_overlayer_lowered:
.L_overlay_start_2:
0x225: {  	(tag) =	ssettag $0x2  }
0x226: {  	s0 =	rddreg [dreg:$0x0];
	s2 =	stileid.u32  }
0x227: {  	s1 =	rddreg [dreg:$0x1];
	p0 =	sne.s32 s2, $0x0  }
0x228: {  	s3 =	rddreg [dreg:$0x2];
	[bflag:$0x3] =	sbarrier.arrive $0xFFFF;
	s2 =	simm.s32 @!p0 $0x1C02  }
0x229: {  	[timem:s3], [sflag:s2] =	dma.local @!p0 [hbm:s0], s1  }
0x22a: {  	s0 =	simm.s32 @!p0 $0x2  }
0x22b: {  	_ =	swait.ge @!p0 [sflag:s0], s1  }
0x22c: {  	s1 =	ssub.s32 @!p0 $0x0, s1;
	[sflag:s0] =	ssyncset.done @!p0 $0x0  }
0x22d: {  	[sflag:s0] =	ssyncadd.s32 @!p0 s1  }
0x22e: {  	[bflag:$0x3] =	sbarrier.arrive $0xFFFF  }
0x22f: {  	_ =	shalt  }

</sc_bundles>
